<compile_context>
chip_gen: v7x
topology: tpu7x:2x2x1
jax: 0.10.2.dev20260603
libtpu: 0.0.44.dev20260713+nightly
codegen_flags: <defaults>
</compile_context>

<pallas_src>
import functools

import jax
import jax.numpy as jnp
from jax import lax
from jax.experimental import pallas as pl
from jax.experimental.pallas import tpu as pltpu
from jax.experimental.pallas import tpu_sc as plsc

_B = 2
_N = 1024
_NUM_BINS = 22
_TDIM = 16
_MAX_DIST = 40.0
_INV_W = (_NUM_BINS - 1) / _MAX_DIST

_NUM_CORES = 2
_NUM_SUBCORES = 16
_LANES = 16
_NW = _NUM_CORES * _NUM_SUBCORES
_ROWS_PER_TILE = (_B * _N) // _NW
_GROUPS = _N // _LANES


def _rsqrt(v, steps=3):
  i = lax.bitcast_convert_type(v, jnp.int32)
  i = 0x5F3759DF - lax.shift_right_arithmetic(i, 1)
  y = lax.bitcast_convert_type(i, jnp.float32)
  for _ in range(steps):
    y = y * (1.5 - 0.5 * v * y * y)
  return y


def _body(x_h, y_h, z_h, c_h, w_h, b_h, g_h, bt_h, out_h,
          xv, yv, zv, cv, wv, bsv, gsv, btv, tab, obuf0, obuf1, sem0, sem1):
  cid = lax.axis_index("c")
  sid = lax.axis_index("s")
  wid = sid * _NUM_CORES + cid
  b = wid // (_NW // _B)
  row0 = (wid * _ROWS_PER_TILE) % _N

  pltpu.sync_copy(x_h.at[b], xv)
  pltpu.sync_copy(y_h.at[b], yv)
  pltpu.sync_copy(z_h.at[b], zv)
  pltpu.sync_copy(c_h.at[b], cv)
  pltpu.sync_copy(w_h, wv)
  pltpu.sync_copy(b_h, bsv)
  pltpu.sync_copy(g_h, gsv)
  pltpu.sync_copy(bt_h, btv)

  iota = lax.iota(jnp.int32, _LANES)
  iota_w = iota * _NUM_BINS

  bias = bsv[...]
  gamma = gsv[...]
  beta = btv[...]
  for k in range(_NUM_BINS):
    col = plsc.load_gather(wv, [iota_w + k])
    x = col + bias
    mean = jnp.sum(x) * (1.0 / _TDIM)
    e = x - mean
    var = jnp.sum(e * e) * (1.0 / _TDIM)
    r = _rsqrt(jnp.full((_LANES,), var + 1e-5, jnp.float32))
    tab[pl.ds(17 * k, _TDIM)] = jnp.maximum(e * r * gamma + beta, 0.0)

  coff = [(c // 8) * 8192 + (c % 8) * 128 for c in range(_TDIM)]

  def compute_row(i, ob):
    isplat = jnp.full((_LANES,), i, jnp.int32)
    xi = plsc.load_gather(xv, [isplat])
    yi = plsc.load_gather(yv, [isplat])
    zi = plsc.load_gather(zv, [isplat])
    ci = plsc.load_gather(cv, [isplat])

    @plsc.parallel_loop(0, _GROUPS, unroll=1)
    def group_step(g):
      jb = g * _LANES
      dx = xv[pl.ds(jb, _LANES)] - xi
      dy = yv[pl.ds(jb, _LANES)] - yi
      dz = zv[pl.ds(jb, _LANES)] - zi
      s = dx * dx + dy * dy + dz * dz + 1e-8
      d = s * _rsqrt(s)
      t = jnp.minimum(d * _INV_W, float(_NUM_BINS))
      ti = t.astype(jnp.int32)
      binv = jnp.where(ti.astype(jnp.float32) < t, ti + 1, ti)
      binv = jnp.minimum(binv, _NUM_BINS - 2)
      cp = jnp.minimum(ci, cv[pl.ds(jb, _LANES)])
      binv = jnp.where(cp > 0.0, binv, _NUM_BINS - 1)
      obase = (g // 8) * 1024 + (g % 8) * _LANES
      tix = binv * 17
      for c in range(_TDIM):
        val = plsc.load_gather(tab, [tix + c if c else tix]) * cp
        ob[pl.ds(obase + coff[c], _LANES)] = val

  bufs = ((obuf0, sem0), (obuf1, sem1))

  def row_pair(kp, _):
    for r, (ob, sem) in enumerate(bufs):
      i = row0 + 2 * kp + r

      @pl.when(kp >= 1)
      def _drain(ob=ob, sem=sem, i=i):
        pltpu.make_async_copy(out_h.at[b, i], ob, sem).wait()

      compute_row(i, ob)
      pltpu.async_copy(ob, out_h.at[b, i], sem)
    return 0

  lax.fori_loop(0, _ROWS_PER_TILE // 2, row_pair, 0)
  for ob, sem in bufs:
    pltpu.make_async_copy(out_h.at[b, row0], ob, sem).wait()


@jax.jit
def _encode(x, y, z, conf, w_flat, bias, gamma, beta):
  mesh = plsc.VectorSubcoreMesh(
      core_axis_name="c", subcore_axis_name="s",
      num_cores=_NUM_CORES, num_subcores=_NUM_SUBCORES)
  f = functools.partial(
      pl.kernel,
      out_type=jax.ShapeDtypeStruct((_B, _N, _N * _TDIM), jnp.float32),
      mesh=mesh,
      compiler_params=pltpu.CompilerParams(
          needs_layout_passes=False, use_tc_tiling_on_sc=False),
      scratch_types=[
          pltpu.VMEM((_N,), jnp.float32),
          pltpu.VMEM((_N,), jnp.float32),
          pltpu.VMEM((_N,), jnp.float32),
          pltpu.VMEM((_N,), jnp.float32),
          pltpu.VMEM((_TDIM * _NUM_BINS,), jnp.float32),
          pltpu.VMEM((_TDIM,), jnp.float32),
          pltpu.VMEM((_TDIM,), jnp.float32),
          pltpu.VMEM((_TDIM,), jnp.float32),
          pltpu.VMEM((_NUM_BINS * 17,), jnp.float32),
          pltpu.VMEM((_N * _TDIM,), jnp.float32),
          pltpu.VMEM((_N * _TDIM,), jnp.float32),
          pltpu.SemaphoreType.DMA,
          pltpu.SemaphoreType.DMA,
      ],
  )(_body)
  return f(x, y, z, conf, w_flat, bias, gamma, beta)


def kernel(template_coords, confidence, W, b, gamma, beta):
  x = template_coords[:, :, 0]
  y = template_coords[:, :, 1]
  z = template_coords[:, :, 2]
  r = _encode(x, y, z, confidence, W.reshape(-1), b, gamma, beta)
  r6 = r.reshape(_B, _N, 2, 8, 8, 128)
  return r6.transpose(0, 1, 3, 5, 2, 4).reshape(_B, _N, _N, _TDIM)

# --- scband reference (transcript-rebuilt; emitter-appended) ---
"""Pipeline reference for scband-template-encoder-49005576847745 (READ-ONLY COPY).

The authoritative reference and input builder live on the scoring server;
editing this copy changes nothing except your own understanding.
"""

import jax, jax.numpy as jnp
import numpy as np

B, N = 2, 1024
NUM_BINS = 22
TDIM = 16
MAX_DIST = 40.0


def setup_inputs(seed: int = 0) -> dict:
    key = jax.random.key(seed)
    k1, k2, k3 = jax.random.split(key, 3)
    template_coords = jax.random.normal(k1, (B, N, 3), dtype=jnp.float32)
    confidence = jax.random.uniform(k2, (B, N), dtype=jnp.float32)
    W = jax.random.normal(k3, (TDIM, NUM_BINS), dtype=jnp.float32) * 0.1
    b = jnp.zeros((TDIM,), dtype=jnp.float32)
    gamma = jnp.ones((TDIM,), dtype=jnp.float32)
    beta = jnp.zeros((TDIM,), dtype=jnp.float32)
    return {"template_coords": template_coords, "confidence": confidence,
            "W": W, "b": b, "gamma": gamma, "beta": beta}


def reference(template_coords, confidence, W, b, gamma, beta):
    num_dist_bins = NUM_BINS - 1
    bin_width = MAX_DIST / num_dist_bins
    bin_edges = jnp.arange(0.0, MAX_DIST, bin_width, dtype=jnp.float32)
    no_template_bin = NUM_BINS - 1

    diff = template_coords[:, :, None, :] - template_coords[:, None, :, :]
    template_dist = jnp.sqrt((diff ** 2).sum(axis=-1) + 1e-08)

    # torch.bucketize(x, edges, right=False) == searchsorted(edges, x, side='left')
    binned = jnp.searchsorted(bin_edges, template_dist, side='left')
    binned = jnp.clip(binned, 0, NUM_BINS - 2)

    has_i = (confidence > 0)[:, :, None]
    has_j = (confidence > 0)[:, None, :]
    has_pair = has_i & has_j
    binned = jnp.where(has_pair, binned, jnp.full_like(binned, no_template_bin))

    one_hot = jax.nn.one_hot(binned, NUM_BINS, dtype=jnp.float32)
    x = one_hot @ W.T + b
    mean = x.mean(axis=-1, keepdims=True)
    var = x.var(axis=-1, keepdims=True)
    x = (x - mean) / jnp.sqrt(var + 1e-5) * gamma + beta
    x = jax.nn.relu(x)

    conf_pair = jnp.minimum(confidence[:, :, None], confidence[:, None, :])
    return x * conf_pair[..., None]

if __name__ == "__main__":
    import jax
    _d = setup_inputs()
    print(jax.jit(kernel)(*tuple(_d.values())))

</pallas_src>

<mosaic_0001>
#map = affine_map<(d0, d1) -> (0, 0)>
#map1 = affine_map<(d0, d1) -> (0)>
#map2 = affine_map<(d0, d1) -> (0, 0, 0)>
module attributes {stable_mosaic.version = 14 : i64} {
  func.func @_body(%arg0: i32, %arg1: i32, %arg2: memref<2x1024xf32, #tpu.memory_space<hbm>>, %arg3: memref<2x1024xf32, #tpu.memory_space<hbm>>, %arg4: memref<2x1024xf32, #tpu.memory_space<hbm>>, %arg5: memref<2x1024xf32, #tpu.memory_space<hbm>>, %arg6: memref<352xf32, #tpu.memory_space<hbm>>, %arg7: memref<16xf32, #tpu.memory_space<hbm>>, %arg8: memref<16xf32, #tpu.memory_space<hbm>>, %arg9: memref<16xf32, #tpu.memory_space<hbm>>, %arg10: memref<2x1024x16384xf32, #tpu.memory_space<hbm>>, %arg11: memref<1024xf32, #tpu.memory_space<vmem>>, %arg12: memref<1024xf32, #tpu.memory_space<vmem>>, %arg13: memref<1024xf32, #tpu.memory_space<vmem>>, %arg14: memref<1024xf32, #tpu.memory_space<vmem>>, %arg15: memref<352xf32, #tpu.memory_space<vmem>>, %arg16: memref<16xf32, #tpu.memory_space<vmem>>, %arg17: memref<16xf32, #tpu.memory_space<vmem>>, %arg18: memref<16xf32, #tpu.memory_space<vmem>>, %arg19: memref<374xf32, #tpu.memory_space<vmem>>, %arg20: memref<16384xf32, #tpu.memory_space<vmem>>, %arg21: memref<16384xf32, #tpu.memory_space<vmem>>, %arg22: memref<!tpu.dma_semaphore, #tpu.memory_space<semaphore_mem>>, %arg23: memref<!tpu.dma_semaphore, #tpu.memory_space<semaphore_mem>>) attributes {dimension_semantics = [#tpu.dimension_semantics<core_parallel>, #tpu.dimension_semantics<subcore_parallel>], iteration_bounds = array<i64: 2, 16>, scalar_prefetch = 0 : i64, scratch_operands = 13 : i64, tpu.core_type = #tpu.core_type<sc_vector_subcore>, window_params = [{transform_indices = #map}, {transform_indices = #map}, {transform_indices = #map}, {transform_indices = #map}, {transform_indices = #map1}, {transform_indices = #map1}, {transform_indices = #map1}, {transform_indices = #map1}, {transform_indices = #map2}]} {
    %mul3A = arith.constant 2 : i32
    %mul3A_0 = arith.muli %arg1, %mul3A : i32
    %add3A = arith.addi %mul3A_0, %arg0 : i32
    %jit3A = arith.constant 16 : i32
    %div3A = arith.divsi %add3A, %jit3A : i32
    %sign3A = arith.constant 0 : i32
    %sign3A_1 = arith.cmpi sgt, %add3A, %sign3A : i32
    %sign3A_2 = arith.extui %sign3A_1 : i1 to i32
    %sign3A_3 = arith.constant 0 : i32
    %sign3A_4 = arith.cmpi slt, %add3A, %sign3A_3 : i32
    %sign3A_5 = arith.extui %sign3A_4 : i1 to i32
    %sign3A_6 = arith.subi %sign3A_2, %sign3A_5 : i32
    %sign3A_7 = arith.constant 0 : i32
    %sign3A_8 = arith.cmpi sgt, %jit3A, %sign3A_7 : i32
    %sign3A_9 = arith.extui %sign3A_8 : i1 to i32
    %sign3A_10 = arith.constant 0 : i32
    %sign3A_11 = arith.cmpi slt, %jit3A, %sign3A_10 : i32
    %sign3A_12 = arith.extui %sign3A_11 : i1 to i32
    %sign3A_13 = arith.subi %sign3A_9, %sign3A_12 : i32
    %ne3A = arith.cmpi ne, %sign3A_6, %sign3A_13 : i32
    %rem3A = arith.remsi %add3A, %jit3A : i32
    %ne3A_14 = arith.constant 0 : i32
    %ne3A_15 = arith.cmpi ne, %rem3A, %ne3A_14 : i32
    %and3A = arith.andi %ne3A, %ne3A_15 : i1
    %sub3A = arith.constant 1 : i32
    %sub3A_16 = arith.subi %div3A, %sub3A : i32
    %select_n3A = arith.select %and3A, %sub3A_16, %div3A : i32
    %mul3A_17 = arith.constant 64 : i32
    %mul3A_18 = arith.muli %add3A, %mul3A_17 : i32
    %jit3A_19 = arith.constant 1024 : i32
    %eq3A = arith.constant 0 : i32
    %eq3A_20 = arith.cmpi eq, %jit3A_19, %eq3A : i32
    %jit3A_21 = arith.constant 1 : i32
    %select_n3A_22 = arith.select %eq3A_20, %jit3A_21, %jit3A_19 : i32
    %rem3A_23 = arith.remsi %mul3A_18, %select_n3A_22 : i32
    %ne3A_24 = arith.constant 0 : i32
    %ne3A_25 = arith.cmpi ne, %rem3A_23, %ne3A_24 : i32
    %lt3A = arith.constant 0 : i32
    %lt3A_26 = arith.cmpi slt, %rem3A_23, %lt3A : i32
    %lt3A_27 = arith.constant 0 : i32
    %lt3A_28 = arith.cmpi slt, %select_n3A_22, %lt3A_27 : i32
    %ne3A_29 = arith.xori %lt3A_26, %lt3A_28 : i1
    %and3A_30 = arith.andi %ne3A_29, %ne3A_25 : i1
    %add3A_31 = arith.addi %rem3A_23, %select_n3A_22 : i32
    %select_n3A_32 = arith.select %and3A_30, %add3A_31, %rem3A_23 : i32
    "tpu.region"() ({
      %run_scoped3A = tpu.sem_alloc : memref<!tpu.dma_semaphore, #tpu.memory_space<semaphore_mem>>
      %dma_start3A = arith.constant 0 : i32
      %dma_start3A_1503 = tpu.memref_slice %arg2[%select_n3A, %dma_start3A] : memref<2x1024xf32, #tpu.memory_space<hbm>> -> memref<1x1024xf32, #tpu.memory_space<hbm>>
      %dma_start3A_1504 = tpu.memref_squeeze %dma_start3A_1503 : memref<1x1024xf32, #tpu.memory_space<hbm>> -> memref<1024xf32, #tpu.memory_space<hbm>>
      %dma_start3A_1505 = arith.constant 0 : i32
      %dma_start3A_1506 = tpu.memref_slice %arg2[%select_n3A, %dma_start3A_1505] : memref<2x1024xf32, #tpu.memory_space<hbm>> -> memref<1x1024xf32, #tpu.memory_space<hbm>>
      %dma_start3A_1507 = tpu.memref_squeeze %dma_start3A_1506 : memref<1x1024xf32, #tpu.memory_space<hbm>> -> memref<1024xf32, #tpu.memory_space<hbm>>
      tpu.enqueue_dma source(%dma_start3A_1507 : memref<1024xf32, #tpu.memory_space<hbm>>) target(%arg11 : memref<1024xf32, #tpu.memory_space<vmem>>) target_semaphore(%run_scoped3A : memref<!tpu.dma_semaphore, #tpu.memory_space<semaphore_mem>>)
      %dma_wait3A_1508 = arith.constant 0 : i32
      %dma_wait3A_1509 = tpu.memref_slice %arg2[%select_n3A, %dma_wait3A_1508] : memref<2x1024xf32, #tpu.memory_space<hbm>> -> memref<1x1024xf32, #tpu.memory_space<hbm>>
      %dma_wait3A_1510 = tpu.memref_squeeze %dma_wait3A_1509 : memref<1x1024xf32, #tpu.memory_space<hbm>> -> memref<1024xf32, #tpu.memory_space<hbm>>
      %dma_wait3A_1511 = arith.constant 0 : i32
      %dma_wait3A_1512 = tpu.memref_slice %arg2[%select_n3A, %dma_wait3A_1511] : memref<2x1024xf32, #tpu.memory_space<hbm>> -> memref<1x1024xf32, #tpu.memory_space<hbm>>
      %dma_wait3A_1513 = tpu.memref_squeeze %dma_wait3A_1512 : memref<1x1024xf32, #tpu.memory_space<hbm>> -> memref<1024xf32, #tpu.memory_space<hbm>>
      tpu.wait_dma2 semaphore(%run_scoped3A : memref<!tpu.dma_semaphore, #tpu.memory_space<semaphore_mem>>) src(%dma_wait3A_1513 : memref<1024xf32, #tpu.memory_space<hbm>>) dst(%arg11 : memref<1024xf32, #tpu.memory_space<vmem>>)
      tpu.yield
    }) : () -> ()
    "tpu.region"() ({
      %run_scoped3A = tpu.sem_alloc : memref<!tpu.dma_semaphore, #tpu.memory_space<semaphore_mem>>
      %dma_start3A = arith.constant 0 : i32
      %dma_start3A_1503 = tpu.memref_slice %arg3[%select_n3A, %dma_start3A] : memref<2x1024xf32, #tpu.memory_space<hbm>> -> memref<1x1024xf32, #tpu.memory_space<hbm>>
      %dma_start3A_1504 = tpu.memref_squeeze %dma_start3A_1503 : memref<1x1024xf32, #tpu.memory_space<hbm>> -> memref<1024xf32, #tpu.memory_space<hbm>>
      %dma_start3A_1505 = arith.constant 0 : i32
      %dma_start3A_1506 = tpu.memref_slice %arg3[%select_n3A, %dma_start3A_1505] : memref<2x1024xf32, #tpu.memory_space<hbm>> -> memref<1x1024xf32, #tpu.memory_space<hbm>>
      %dma_start3A_1507 = tpu.memref_squeeze %dma_start3A_1506 : memref<1x1024xf32, #tpu.memory_space<hbm>> -> memref<1024xf32, #tpu.memory_space<hbm>>
      tpu.enqueue_dma source(%dma_start3A_1507 : memref<1024xf32, #tpu.memory_space<hbm>>) target(%arg12 : memref<1024xf32, #tpu.memory_space<vmem>>) target_semaphore(%run_scoped3A : memref<!tpu.dma_semaphore, #tpu.memory_space<semaphore_mem>>)
      %dma_wait3A_1508 = arith.constant 0 : i32
      %dma_wait3A_1509 = tpu.memref_slice %arg3[%select_n3A, %dma_wait3A_1508] : memref<2x1024xf32, #tpu.memory_space<hbm>> -> memref<1x1024xf32, #tpu.memory_space<hbm>>
      %dma_wait3A_1510 = tpu.memref_squeeze %dma_wait3A_1509 : memref<1x1024xf32, #tpu.memory_space<hbm>> -> memref<1024xf32, #tpu.memory_space<hbm>>
      %dma_wait3A_1511 = arith.constant 0 : i32
      %dma_wait3A_1512 = tpu.memref_slice %arg3[%select_n3A, %dma_wait3A_1511] : memref<2x1024xf32, #tpu.memory_space<hbm>> -> memref<1x1024xf32, #tpu.memory_space<hbm>>
      %dma_wait3A_1513 = tpu.memref_squeeze %dma_wait3A_1512 : memref<1x1024xf32, #tpu.memory_space<hbm>> -> memref<1024xf32, #tpu.memory_space<hbm>>
      tpu.wait_dma2 semaphore(%run_scoped3A : memref<!tpu.dma_semaphore, #tpu.memory_space<semaphore_mem>>) src(%dma_wait3A_1513 : memref<1024xf32, #tpu.memory_space<hbm>>) dst(%arg12 : memref<1024xf32, #tpu.memory_space<vmem>>)
      tpu.yield
    }) : () -> ()
    "tpu.region"() ({
      %run_scoped3A = tpu.sem_alloc : memref<!tpu.dma_semaphore, #tpu.memory_space<semaphore_mem>>
      %dma_start3A = arith.constant 0 : i32
      %dma_start3A_1503 = tpu.memref_slice %arg4[%select_n3A, %dma_start3A] : memref<2x1024xf32, #tpu.memory_space<hbm>> -> memref<1x1024xf32, #tpu.memory_space<hbm>>
      %dma_start3A_1504 = tpu.memref_squeeze %dma_start3A_1503 : memref<1x1024xf32, #tpu.memory_space<hbm>> -> memref<1024xf32, #tpu.memory_space<hbm>>
      %dma_start3A_1505 = arith.constant 0 : i32
      %dma_start3A_1506 = tpu.memref_slice %arg4[%select_n3A, %dma_start3A_1505] : memref<2x1024xf32, #tpu.memory_space<hbm>> -> memref<1x1024xf32, #tpu.memory_space<hbm>>
      %dma_start3A_1507 = tpu.memref_squeeze %dma_start3A_1506 : memref<1x1024xf32, #tpu.memory_space<hbm>> -> memref<1024xf32, #tpu.memory_space<hbm>>
      tpu.enqueue_dma source(%dma_start3A_1507 : memref<1024xf32, #tpu.memory_space<hbm>>) target(%arg13 : memref<1024xf32, #tpu.memory_space<vmem>>) target_semaphore(%run_scoped3A : memref<!tpu.dma_semaphore, #tpu.memory_space<semaphore_mem>>)
      %dma_wait3A_1508 = arith.constant 0 : i32
      %dma_wait3A_1509 = tpu.memref_slice %arg4[%select_n3A, %dma_wait3A_1508] : memref<2x1024xf32, #tpu.memory_space<hbm>> -> memref<1x1024xf32, #tpu.memory_space<hbm>>
      %dma_wait3A_1510 = tpu.memref_squeeze %dma_wait3A_1509 : memref<1x1024xf32, #tpu.memory_space<hbm>> -> memref<1024xf32, #tpu.memory_space<hbm>>
      %dma_wait3A_1511 = arith.constant 0 : i32
      %dma_wait3A_1512 = tpu.memref_slice %arg4[%select_n3A, %dma_wait3A_1511] : memref<2x1024xf32, #tpu.memory_space<hbm>> -> memref<1x1024xf32, #tpu.memory_space<hbm>>
      %dma_wait3A_1513 = tpu.memref_squeeze %dma_wait3A_1512 : memref<1x1024xf32, #tpu.memory_space<hbm>> -> memref<1024xf32, #tpu.memory_space<hbm>>
      tpu.wait_dma2 semaphore(%run_scoped3A : memref<!tpu.dma_semaphore, #tpu.memory_space<semaphore_mem>>) src(%dma_wait3A_1513 : memref<1024xf32, #tpu.memory_space<hbm>>) dst(%arg13 : memref<1024xf32, #tpu.memory_space<vmem>>)
      tpu.yield
    }) : () -> ()
    "tpu.region"() ({
      %run_scoped3A = tpu.sem_alloc : memref<!tpu.dma_semaphore, #tpu.memory_space<semaphore_mem>>
      %dma_start3A = arith.constant 0 : i32
      %dma_start3A_1503 = tpu.memref_slice %arg5[%select_n3A, %dma_start3A] : memref<2x1024xf32, #tpu.memory_space<hbm>> -> memref<1x1024xf32, #tpu.memory_space<hbm>>
      %dma_start3A_1504 = tpu.memref_squeeze %dma_start3A_1503 : memref<1x1024xf32, #tpu.memory_space<hbm>> -> memref<1024xf32, #tpu.memory_space<hbm>>
      %dma_start3A_1505 = arith.constant 0 : i32
      %dma_start3A_1506 = tpu.memref_slice %arg5[%select_n3A, %dma_start3A_1505] : memref<2x1024xf32, #tpu.memory_space<hbm>> -> memref<1x1024xf32, #tpu.memory_space<hbm>>
      %dma_start3A_1507 = tpu.memref_squeeze %dma_start3A_1506 : memref<1x1024xf32, #tpu.memory_space<hbm>> -> memref<1024xf32, #tpu.memory_space<hbm>>
      tpu.enqueue_dma source(%dma_start3A_1507 : memref<1024xf32, #tpu.memory_space<hbm>>) target(%arg14 : memref<1024xf32, #tpu.memory_space<vmem>>) target_semaphore(%run_scoped3A : memref<!tpu.dma_semaphore, #tpu.memory_space<semaphore_mem>>)
      %dma_wait3A_1508 = arith.constant 0 : i32
      %dma_wait3A_1509 = tpu.memref_slice %arg5[%select_n3A, %dma_wait3A_1508] : memref<2x1024xf32, #tpu.memory_space<hbm>> -> memref<1x1024xf32, #tpu.memory_space<hbm>>
      %dma_wait3A_1510 = tpu.memref_squeeze %dma_wait3A_1509 : memref<1x1024xf32, #tpu.memory_space<hbm>> -> memref<1024xf32, #tpu.memory_space<hbm>>
      %dma_wait3A_1511 = arith.constant 0 : i32
      %dma_wait3A_1512 = tpu.memref_slice %arg5[%select_n3A, %dma_wait3A_1511] : memref<2x1024xf32, #tpu.memory_space<hbm>> -> memref<1x1024xf32, #tpu.memory_space<hbm>>
      %dma_wait3A_1513 = tpu.memref_squeeze %dma_wait3A_1512 : memref<1x1024xf32, #tpu.memory_space<hbm>> -> memref<1024xf32, #tpu.memory_space<hbm>>
      tpu.wait_dma2 semaphore(%run_scoped3A : memref<!tpu.dma_semaphore, #tpu.memory_space<semaphore_mem>>) src(%dma_wait3A_1513 : memref<1024xf32, #tpu.memory_space<hbm>>) dst(%arg14 : memref<1024xf32, #tpu.memory_space<vmem>>)
      tpu.yield
    }) : () -> ()
    "tpu.region"() ({
      %run_scoped3A = tpu.sem_alloc : memref<!tpu.dma_semaphore, #tpu.memory_space<semaphore_mem>>
      tpu.enqueue_dma source(%arg6 : memref<352xf32, #tpu.memory_space<hbm>>) target(%arg15 : memref<352xf32, #tpu.memory_space<vmem>>) target_semaphore(%run_scoped3A : memref<!tpu.dma_semaphore, #tpu.memory_space<semaphore_mem>>)
      tpu.wait_dma2 semaphore(%run_scoped3A : memref<!tpu.dma_semaphore, #tpu.memory_space<semaphore_mem>>) src(%arg6 : memref<352xf32, #tpu.memory_space<hbm>>) dst(%arg15 : memref<352xf32, #tpu.memory_space<vmem>>)
      tpu.yield
    }) : () -> ()
    "tpu.region"() ({
      %run_scoped3A = tpu.sem_alloc : memref<!tpu.dma_semaphore, #tpu.memory_space<semaphore_mem>>
      tpu.enqueue_dma source(%arg7 : memref<16xf32, #tpu.memory_space<hbm>>) target(%arg16 : memref<16xf32, #tpu.memory_space<vmem>>) target_semaphore(%run_scoped3A : memref<!tpu.dma_semaphore, #tpu.memory_space<semaphore_mem>>)
      tpu.wait_dma2 semaphore(%run_scoped3A : memref<!tpu.dma_semaphore, #tpu.memory_space<semaphore_mem>>) src(%arg7 : memref<16xf32, #tpu.memory_space<hbm>>) dst(%arg16 : memref<16xf32, #tpu.memory_space<vmem>>)
      tpu.yield
    }) : () -> ()
    "tpu.region"() ({
      %run_scoped3A = tpu.sem_alloc : memref<!tpu.dma_semaphore, #tpu.memory_space<semaphore_mem>>
      tpu.enqueue_dma source(%arg8 : memref<16xf32, #tpu.memory_space<hbm>>) target(%arg17 : memref<16xf32, #tpu.memory_space<vmem>>) target_semaphore(%run_scoped3A : memref<!tpu.dma_semaphore, #tpu.memory_space<semaphore_mem>>)
      tpu.wait_dma2 semaphore(%run_scoped3A : memref<!tpu.dma_semaphore, #tpu.memory_space<semaphore_mem>>) src(%arg8 : memref<16xf32, #tpu.memory_space<hbm>>) dst(%arg17 : memref<16xf32, #tpu.memory_space<vmem>>)
      tpu.yield
    }) : () -> ()
    "tpu.region"() ({
      %run_scoped3A = tpu.sem_alloc : memref<!tpu.dma_semaphore, #tpu.memory_space<semaphore_mem>>
      tpu.enqueue_dma source(%arg9 : memref<16xf32, #tpu.memory_space<hbm>>) target(%arg18 : memref<16xf32, #tpu.memory_space<vmem>>) target_semaphore(%run_scoped3A : memref<!tpu.dma_semaphore, #tpu.memory_space<semaphore_mem>>)
      tpu.wait_dma2 semaphore(%run_scoped3A : memref<!tpu.dma_semaphore, #tpu.memory_space<semaphore_mem>>) src(%arg9 : memref<16xf32, #tpu.memory_space<hbm>>) dst(%arg18 : memref<16xf32, #tpu.memory_space<vmem>>)
      tpu.yield
    }) : () -> ()
    %iota3A = tpu.iota {dimensions = array<i32: 0>} : vector<16xi32>
    %mul3A_33 = arith.constant 22 : i32
    %mul3A_34 = vector.broadcast %mul3A_33 : i32 to vector<16xi32>
    %mul3A_35 = arith.muli %iota3A, %mul3A_34 : vector<16xi32>
    %get3A = arith.constant 0 : index
    %get3A_36 = tpu.vector_load %arg16[%get3A] {strides = array<i32>} : memref<16xf32, #tpu.memory_space<vmem>>, vector<16xf32>,
    %get3A_37 = arith.constant 0 : index
    %get3A_38 = tpu.vector_load %arg17[%get3A_37] {strides = array<i32>} : memref<16xf32, #tpu.memory_space<vmem>>, vector<16xf32>,
    %get3A_39 = arith.constant 0 : index
    %get3A_40 = tpu.vector_load %arg18[%get3A_39] {strides = array<i32>} : memref<16xf32, #tpu.memory_space<vmem>>, vector<16xf32>,
    %add3A_41 = arith.constant 0 : i32
    %add3A_42 = vector.broadcast %add3A_41 : i32 to vector<16xi32>
    %add3A_43 = arith.addi %mul3A_35, %add3A_42 : vector<16xi32>
    %gather3A = tpu.vector_load_idx %arg15[%add3A_43] : memref<352xf32, #tpu.memory_space<vmem>>[vector<16xi32>], vector<16xf32>,
    %add3A_44 = arith.addf %gather3A, %get3A_36 : vector<16xf32>
    %reduce_sum3A = arith.constant true
    %reduce_sum3A_45 = vector.broadcast %reduce_sum3A : i1 to vector<16xi1>
    %reduce_sum3A_46 = tpu.scan <sum>, %add3A_44 masked %reduce_sum3A_45 : vector<16xf32>, vector<16xi1> -> vector<16xf32>
    %reduce_sum3A_47 = vector.extract %reduce_sum3A_46[15] : f32 from vector<16xf32>
    %mul3A_48 = arith.constant 6.250000e-02 : f32
    %mul3A_49 = arith.mulf %reduce_sum3A_47, %mul3A_48 : f32
    %sub3A_50 = vector.broadcast %mul3A_49 : f32 to vector<16xf32>
    %sub3A_51 = arith.subf %add3A_44, %sub3A_50 : vector<16xf32>
    %mul3A_52 = arith.mulf %sub3A_51, %sub3A_51 : vector<16xf32>
    %reduce_sum3A_53 = arith.constant true
    %reduce_sum3A_54 = vector.broadcast %reduce_sum3A_53 : i1 to vector<16xi1>
    %reduce_sum3A_55 = tpu.scan <sum>, %mul3A_52 masked %reduce_sum3A_54 : vector<16xf32>, vector<16xi1> -> vector<16xf32>
    %reduce_sum3A_56 = vector.extract %reduce_sum3A_55[15] : f32 from vector<16xf32>
    %mul3A_57 = arith.constant 6.250000e-02 : f32
    %mul3A_58 = arith.mulf %reduce_sum3A_56, %mul3A_57 : f32
    %add3A_59 = arith.constant 9.99999974E-6 : f32
    %add3A_60 = arith.addf %mul3A_58, %add3A_59 : f32
    %broadcast_in_dim3A = vector.broadcast %add3A_60 : f32 to vector<16xf32>
    %bitcast_convert_type3A = tpu.bitcast %broadcast_in_dim3A : vector<16xf32> -> vector<16xi32>
    %shift_right_arithmetic3A = arith.constant 1 : i32
    %shift_right_arithmetic3A_61 = vector.broadcast %shift_right_arithmetic3A : i32 to vector<16xi32>
    %shift_right_arithmetic3A_62 = arith.shrsi %bitcast_convert_type3A, %shift_right_arithmetic3A_61 : vector<16xi32>
    %sub3A_63 = arith.constant 1597463007 : i32
    %sub3A_64 = vector.broadcast %sub3A_63 : i32 to vector<16xi32>
    %sub3A_65 = arith.subi %sub3A_64, %shift_right_arithmetic3A_62 : vector<16xi32>
    %bitcast_convert_type3A_66 = tpu.bitcast %sub3A_65 : vector<16xi32> -> vector<16xf32>
    %mul3A_67 = arith.constant 5.000000e-01 : f32
    %mul3A_68 = vector.broadcast %mul3A_67 : f32 to vector<16xf32>
    %mul3A_69 = arith.mulf %mul3A_68, %broadcast_in_dim3A : vector<16xf32>
    %mul3A_70 = arith.mulf %mul3A_69, %bitcast_convert_type3A_66 : vector<16xf32>
    %mul3A_71 = arith.mulf %mul3A_70, %bitcast_convert_type3A_66 : vector<16xf32>
    %sub3A_72 = arith.constant 1.500000e+00 : f32
    %sub3A_73 = vector.broadcast %sub3A_72 : f32 to vector<16xf32>
    %sub3A_74 = arith.subf %sub3A_73, %mul3A_71 : vector<16xf32>
    %mul3A_75 = arith.mulf %bitcast_convert_type3A_66, %sub3A_74 : vector<16xf32>
    %mul3A_76 = arith.constant 5.000000e-01 : f32
    %mul3A_77 = vector.broadcast %mul3A_76 : f32 to vector<16xf32>
    %mul3A_78 = arith.mulf %mul3A_77, %broadcast_in_dim3A : vector<16xf32>
    %mul3A_79 = arith.mulf %mul3A_78, %mul3A_75 : vector<16xf32>
    %mul3A_80 = arith.mulf %mul3A_79, %mul3A_75 : vector<16xf32>
    %sub3A_81 = arith.constant 1.500000e+00 : f32
    %sub3A_82 = vector.broadcast %sub3A_81 : f32 to vector<16xf32>
    %sub3A_83 = arith.subf %sub3A_82, %mul3A_80 : vector<16xf32>
    %mul3A_84 = arith.mulf %mul3A_75, %sub3A_83 : vector<16xf32>
    %mul3A_85 = arith.constant 5.000000e-01 : f32
    %mul3A_86 = vector.broadcast %mul3A_85 : f32 to vector<16xf32>
    %mul3A_87 = arith.mulf %mul3A_86, %broadcast_in_dim3A : vector<16xf32>
    %mul3A_88 = arith.mulf %mul3A_87, %mul3A_84 : vector<16xf32>
    %mul3A_89 = arith.mulf %mul3A_88, %mul3A_84 : vector<16xf32>
    %sub3A_90 = arith.constant 1.500000e+00 : f32
    %sub3A_91 = vector.broadcast %sub3A_90 : f32 to vector<16xf32>
    %sub3A_92 = arith.subf %sub3A_91, %mul3A_89 : vector<16xf32>
    %mul3A_93 = arith.mulf %mul3A_84, %sub3A_92 : vector<16xf32>
    %mul3A_94 = arith.mulf %sub3A_51, %mul3A_93 : vector<16xf32>
    %mul3A_95 = arith.mulf %mul3A_94, %get3A_38 : vector<16xf32>
    %add3A_96 = arith.addf %mul3A_95, %get3A_40 : vector<16xf32>
    %max3A = arith.constant 0.000000e+00 : f32
    %max3A_97 = vector.broadcast %max3A : f32 to vector<16xf32>
    %max3A_98 = arith.maximumf %add3A_96, %max3A_97 : vector<16xf32>
    %swap3A = arith.constant 0 : index
    %swap3A_99 = tpu.vector_load %arg19[%swap3A] {strides = array<i32>} : memref<374xf32, #tpu.memory_space<vmem>>, vector<16xf32>,
    tpu.vector_store %arg19[%swap3A], %max3A_98 {strides = array<i32>} : memref<374xf32, #tpu.memory_space<vmem>>, vector<16xf32>,
    %add3A_100 = arith.constant 1 : i32
    %add3A_101 = vector.broadcast %add3A_100 : i32 to vector<16xi32>
    %add3A_102 = arith.addi %mul3A_35, %add3A_101 : vector<16xi32>
    %gather3A_103 = tpu.vector_load_idx %arg15[%add3A_102] : memref<352xf32, #tpu.memory_space<vmem>>[vector<16xi32>], vector<16xf32>,
    %add3A_104 = arith.addf %gather3A_103, %get3A_36 : vector<16xf32>
    %reduce_sum3A_105 = arith.constant true
    %reduce_sum3A_106 = vector.broadcast %reduce_sum3A_105 : i1 to vector<16xi1>
    %reduce_sum3A_107 = tpu.scan <sum>, %add3A_104 masked %reduce_sum3A_106 : vector<16xf32>, vector<16xi1> -> vector<16xf32>
    %reduce_sum3A_108 = vector.extract %reduce_sum3A_107[15] : f32 from vector<16xf32>
    %mul3A_109 = arith.constant 6.250000e-02 : f32
    %mul3A_110 = arith.mulf %reduce_sum3A_108, %mul3A_109 : f32
    %sub3A_111 = vector.broadcast %mul3A_110 : f32 to vector<16xf32>
    %sub3A_112 = arith.subf %add3A_104, %sub3A_111 : vector<16xf32>
    %mul3A_113 = arith.mulf %sub3A_112, %sub3A_112 : vector<16xf32>
    %reduce_sum3A_114 = arith.constant true
    %reduce_sum3A_115 = vector.broadcast %reduce_sum3A_114 : i1 to vector<16xi1>
    %reduce_sum3A_116 = tpu.scan <sum>, %mul3A_113 masked %reduce_sum3A_115 : vector<16xf32>, vector<16xi1> -> vector<16xf32>
    %reduce_sum3A_117 = vector.extract %reduce_sum3A_116[15] : f32 from vector<16xf32>
    %mul3A_118 = arith.constant 6.250000e-02 : f32
    %mul3A_119 = arith.mulf %reduce_sum3A_117, %mul3A_118 : f32
    %add3A_120 = arith.constant 9.99999974E-6 : f32
    %add3A_121 = arith.addf %mul3A_119, %add3A_120 : f32
    %broadcast_in_dim3A_122 = vector.broadcast %add3A_121 : f32 to vector<16xf32>
    %bitcast_convert_type3A_123 = tpu.bitcast %broadcast_in_dim3A_122 : vector<16xf32> -> vector<16xi32>
    %shift_right_arithmetic3A_124 = arith.constant 1 : i32
    %shift_right_arithmetic3A_125 = vector.broadcast %shift_right_arithmetic3A_124 : i32 to vector<16xi32>
    %shift_right_arithmetic3A_126 = arith.shrsi %bitcast_convert_type3A_123, %shift_right_arithmetic3A_125 : vector<16xi32>
    %sub3A_127 = arith.constant 1597463007 : i32
    %sub3A_128 = vector.broadcast %sub3A_127 : i32 to vector<16xi32>
    %sub3A_129 = arith.subi %sub3A_128, %shift_right_arithmetic3A_126 : vector<16xi32>
    %bitcast_convert_type3A_130 = tpu.bitcast %sub3A_129 : vector<16xi32> -> vector<16xf32>
    %mul3A_131 = arith.constant 5.000000e-01 : f32
    %mul3A_132 = vector.broadcast %mul3A_131 : f32 to vector<16xf32>
    %mul3A_133 = arith.mulf %mul3A_132, %broadcast_in_dim3A_122 : vector<16xf32>
    %mul3A_134 = arith.mulf %mul3A_133, %bitcast_convert_type3A_130 : vector<16xf32>
    %mul3A_135 = arith.mulf %mul3A_134, %bitcast_convert_type3A_130 : vector<16xf32>
    %sub3A_136 = arith.constant 1.500000e+00 : f32
    %sub3A_137 = vector.broadcast %sub3A_136 : f32 to vector<16xf32>
    %sub3A_138 = arith.subf %sub3A_137, %mul3A_135 : vector<16xf32>
    %mul3A_139 = arith.mulf %bitcast_convert_type3A_130, %sub3A_138 : vector<16xf32>
    %mul3A_140 = arith.constant 5.000000e-01 : f32
    %mul3A_141 = vector.broadcast %mul3A_140 : f32 to vector<16xf32>
    %mul3A_142 = arith.mulf %mul3A_141, %broadcast_in_dim3A_122 : vector<16xf32>
    %mul3A_143 = arith.mulf %mul3A_142, %mul3A_139 : vector<16xf32>
    %mul3A_144 = arith.mulf %mul3A_143, %mul3A_139 : vector<16xf32>
    %sub3A_145 = arith.constant 1.500000e+00 : f32
    %sub3A_146 = vector.broadcast %sub3A_145 : f32 to vector<16xf32>
    %sub3A_147 = arith.subf %sub3A_146, %mul3A_144 : vector<16xf32>
    %mul3A_148 = arith.mulf %mul3A_139, %sub3A_147 : vector<16xf32>
    %mul3A_149 = arith.constant 5.000000e-01 : f32
    %mul3A_150 = vector.broadcast %mul3A_149 : f32 to vector<16xf32>
    %mul3A_151 = arith.mulf %mul3A_150, %broadcast_in_dim3A_122 : vector<16xf32>
    %mul3A_152 = arith.mulf %mul3A_151, %mul3A_148 : vector<16xf32>
    %mul3A_153 = arith.mulf %mul3A_152, %mul3A_148 : vector<16xf32>
    %sub3A_154 = arith.constant 1.500000e+00 : f32
    %sub3A_155 = vector.broadcast %sub3A_154 : f32 to vector<16xf32>
    %sub3A_156 = arith.subf %sub3A_155, %mul3A_153 : vector<16xf32>
    %mul3A_157 = arith.mulf %mul3A_148, %sub3A_156 : vector<16xf32>
    %mul3A_158 = arith.mulf %sub3A_112, %mul3A_157 : vector<16xf32>
    %mul3A_159 = arith.mulf %mul3A_158, %get3A_38 : vector<16xf32>
    %add3A_160 = arith.addf %mul3A_159, %get3A_40 : vector<16xf32>
    %max3A_161 = arith.constant 0.000000e+00 : f32
    %max3A_162 = vector.broadcast %max3A_161 : f32 to vector<16xf32>
    %max3A_163 = arith.maximumf %add3A_160, %max3A_162 : vector<16xf32>
    %swap3A_164 = arith.constant 17 : index
    %swap3A_165 = tpu.vector_load %arg19[%swap3A_164] {strides = array<i32>} : memref<374xf32, #tpu.memory_space<vmem>>, vector<16xf32>,
    tpu.vector_store %arg19[%swap3A_164], %max3A_163 {strides = array<i32>} : memref<374xf32, #tpu.memory_space<vmem>>, vector<16xf32>,
    %add3A_166 = arith.constant 2 : i32
    %add3A_167 = vector.broadcast %add3A_166 : i32 to vector<16xi32>
    %add3A_168 = arith.addi %mul3A_35, %add3A_167 : vector<16xi32>
    %gather3A_169 = tpu.vector_load_idx %arg15[%add3A_168] : memref<352xf32, #tpu.memory_space<vmem>>[vector<16xi32>], vector<16xf32>,
    %add3A_170 = arith.addf %gather3A_169, %get3A_36 : vector<16xf32>
    %reduce_sum3A_171 = arith.constant true
    %reduce_sum3A_172 = vector.broadcast %reduce_sum3A_171 : i1 to vector<16xi1>
    %reduce_sum3A_173 = tpu.scan <sum>, %add3A_170 masked %reduce_sum3A_172 : vector<16xf32>, vector<16xi1> -> vector<16xf32>
    %reduce_sum3A_174 = vector.extract %reduce_sum3A_173[15] : f32 from vector<16xf32>
    %mul3A_175 = arith.constant 6.250000e-02 : f32
    %mul3A_176 = arith.mulf %reduce_sum3A_174, %mul3A_175 : f32
    %sub3A_177 = vector.broadcast %mul3A_176 : f32 to vector<16xf32>
    %sub3A_178 = arith.subf %add3A_170, %sub3A_177 : vector<16xf32>
    %mul3A_179 = arith.mulf %sub3A_178, %sub3A_178 : vector<16xf32>
    %reduce_sum3A_180 = arith.constant true
    %reduce_sum3A_181 = vector.broadcast %reduce_sum3A_180 : i1 to vector<16xi1>
    %reduce_sum3A_182 = tpu.scan <sum>, %mul3A_179 masked %reduce_sum3A_181 : vector<16xf32>, vector<16xi1> -> vector<16xf32>
    %reduce_sum3A_183 = vector.extract %reduce_sum3A_182[15] : f32 from vector<16xf32>
    %mul3A_184 = arith.constant 6.250000e-02 : f32
    %mul3A_185 = arith.mulf %reduce_sum3A_183, %mul3A_184 : f32
    %add3A_186 = arith.constant 9.99999974E-6 : f32
    %add3A_187 = arith.addf %mul3A_185, %add3A_186 : f32
    %broadcast_in_dim3A_188 = vector.broadcast %add3A_187 : f32 to vector<16xf32>
    %bitcast_convert_type3A_189 = tpu.bitcast %broadcast_in_dim3A_188 : vector<16xf32> -> vector<16xi32>
    %shift_right_arithmetic3A_190 = arith.constant 1 : i32
    %shift_right_arithmetic3A_191 = vector.broadcast %shift_right_arithmetic3A_190 : i32 to vector<16xi32>
    %shift_right_arithmetic3A_192 = arith.shrsi %bitcast_convert_type3A_189, %shift_right_arithmetic3A_191 : vector<16xi32>
    %sub3A_193 = arith.constant 1597463007 : i32
    %sub3A_194 = vector.broadcast %sub3A_193 : i32 to vector<16xi32>
    %sub3A_195 = arith.subi %sub3A_194, %shift_right_arithmetic3A_192 : vector<16xi32>
    %bitcast_convert_type3A_196 = tpu.bitcast %sub3A_195 : vector<16xi32> -> vector<16xf32>
    %mul3A_197 = arith.constant 5.000000e-01 : f32
    %mul3A_198 = vector.broadcast %mul3A_197 : f32 to vector<16xf32>
    %mul3A_199 = arith.mulf %mul3A_198, %broadcast_in_dim3A_188 : vector<16xf32>
    %mul3A_200 = arith.mulf %mul3A_199, %bitcast_convert_type3A_196 : vector<16xf32>
    %mul3A_201 = arith.mulf %mul3A_200, %bitcast_convert_type3A_196 : vector<16xf32>
    %sub3A_202 = arith.constant 1.500000e+00 : f32
    %sub3A_203 = vector.broadcast %sub3A_202 : f32 to vector<16xf32>
    %sub3A_204 = arith.subf %sub3A_203, %mul3A_201 : vector<16xf32>
    %mul3A_205 = arith.mulf %bitcast_convert_type3A_196, %sub3A_204 : vector<16xf32>
    %mul3A_206 = arith.constant 5.000000e-01 : f32
    %mul3A_207 = vector.broadcast %mul3A_206 : f32 to vector<16xf32>
    %mul3A_208 = arith.mulf %mul3A_207, %broadcast_in_dim3A_188 : vector<16xf32>
    %mul3A_209 = arith.mulf %mul3A_208, %mul3A_205 : vector<16xf32>
    %mul3A_210 = arith.mulf %mul3A_209, %mul3A_205 : vector<16xf32>
    %sub3A_211 = arith.constant 1.500000e+00 : f32
    %sub3A_212 = vector.broadcast %sub3A_211 : f32 to vector<16xf32>
    %sub3A_213 = arith.subf %sub3A_212, %mul3A_210 : vector<16xf32>
    %mul3A_214 = arith.mulf %mul3A_205, %sub3A_213 : vector<16xf32>
    %mul3A_215 = arith.constant 5.000000e-01 : f32
    %mul3A_216 = vector.broadcast %mul3A_215 : f32 to vector<16xf32>
    %mul3A_217 = arith.mulf %mul3A_216, %broadcast_in_dim3A_188 : vector<16xf32>
    %mul3A_218 = arith.mulf %mul3A_217, %mul3A_214 : vector<16xf32>
    %mul3A_219 = arith.mulf %mul3A_218, %mul3A_214 : vector<16xf32>
    %sub3A_220 = arith.constant 1.500000e+00 : f32
    %sub3A_221 = vector.broadcast %sub3A_220 : f32 to vector<16xf32>
    %sub3A_222 = arith.subf %sub3A_221, %mul3A_219 : vector<16xf32>
    %mul3A_223 = arith.mulf %mul3A_214, %sub3A_222 : vector<16xf32>
    %mul3A_224 = arith.mulf %sub3A_178, %mul3A_223 : vector<16xf32>
    %mul3A_225 = arith.mulf %mul3A_224, %get3A_38 : vector<16xf32>
    %add3A_226 = arith.addf %mul3A_225, %get3A_40 : vector<16xf32>
    %max3A_227 = arith.constant 0.000000e+00 : f32
    %max3A_228 = vector.broadcast %max3A_227 : f32 to vector<16xf32>
    %max3A_229 = arith.maximumf %add3A_226, %max3A_228 : vector<16xf32>
    %swap3A_230 = arith.constant 34 : index
    %swap3A_231 = tpu.vector_load %arg19[%swap3A_230] {strides = array<i32>} : memref<374xf32, #tpu.memory_space<vmem>>, vector<16xf32>,
    tpu.vector_store %arg19[%swap3A_230], %max3A_229 {strides = array<i32>} : memref<374xf32, #tpu.memory_space<vmem>>, vector<16xf32>,
    %add3A_232 = arith.constant 3 : i32
    %add3A_233 = vector.broadcast %add3A_232 : i32 to vector<16xi32>
    %add3A_234 = arith.addi %mul3A_35, %add3A_233 : vector<16xi32>
    %gather3A_235 = tpu.vector_load_idx %arg15[%add3A_234] : memref<352xf32, #tpu.memory_space<vmem>>[vector<16xi32>], vector<16xf32>,
    %add3A_236 = arith.addf %gather3A_235, %get3A_36 : vector<16xf32>
    %reduce_sum3A_237 = arith.constant true
    %reduce_sum3A_238 = vector.broadcast %reduce_sum3A_237 : i1 to vector<16xi1>
    %reduce_sum3A_239 = tpu.scan <sum>, %add3A_236 masked %reduce_sum3A_238 : vector<16xf32>, vector<16xi1> -> vector<16xf32>
    %reduce_sum3A_240 = vector.extract %reduce_sum3A_239[15] : f32 from vector<16xf32>
    %mul3A_241 = arith.constant 6.250000e-02 : f32
    %mul3A_242 = arith.mulf %reduce_sum3A_240, %mul3A_241 : f32
    %sub3A_243 = vector.broadcast %mul3A_242 : f32 to vector<16xf32>
    %sub3A_244 = arith.subf %add3A_236, %sub3A_243 : vector<16xf32>
    %mul3A_245 = arith.mulf %sub3A_244, %sub3A_244 : vector<16xf32>
    %reduce_sum3A_246 = arith.constant true
    %reduce_sum3A_247 = vector.broadcast %reduce_sum3A_246 : i1 to vector<16xi1>
    %reduce_sum3A_248 = tpu.scan <sum>, %mul3A_245 masked %reduce_sum3A_247 : vector<16xf32>, vector<16xi1> -> vector<16xf32>
    %reduce_sum3A_249 = vector.extract %reduce_sum3A_248[15] : f32 from vector<16xf32>
    %mul3A_250 = arith.constant 6.250000e-02 : f32
    %mul3A_251 = arith.mulf %reduce_sum3A_249, %mul3A_250 : f32
    %add3A_252 = arith.constant 9.99999974E-6 : f32
    %add3A_253 = arith.addf %mul3A_251, %add3A_252 : f32
    %broadcast_in_dim3A_254 = vector.broadcast %add3A_253 : f32 to vector<16xf32>
    %bitcast_convert_type3A_255 = tpu.bitcast %broadcast_in_dim3A_254 : vector<16xf32> -> vector<16xi32>
    %shift_right_arithmetic3A_256 = arith.constant 1 : i32
    %shift_right_arithmetic3A_257 = vector.broadcast %shift_right_arithmetic3A_256 : i32 to vector<16xi32>
    %shift_right_arithmetic3A_258 = arith.shrsi %bitcast_convert_type3A_255, %shift_right_arithmetic3A_257 : vector<16xi32>
    %sub3A_259 = arith.constant 1597463007 : i32
    %sub3A_260 = vector.broadcast %sub3A_259 : i32 to vector<16xi32>
    %sub3A_261 = arith.subi %sub3A_260, %shift_right_arithmetic3A_258 : vector<16xi32>
    %bitcast_convert_type3A_262 = tpu.bitcast %sub3A_261 : vector<16xi32> -> vector<16xf32>
    %mul3A_263 = arith.constant 5.000000e-01 : f32
    %mul3A_264 = vector.broadcast %mul3A_263 : f32 to vector<16xf32>
    %mul3A_265 = arith.mulf %mul3A_264, %broadcast_in_dim3A_254 : vector<16xf32>
    %mul3A_266 = arith.mulf %mul3A_265, %bitcast_convert_type3A_262 : vector<16xf32>
    %mul3A_267 = arith.mulf %mul3A_266, %bitcast_convert_type3A_262 : vector<16xf32>
    %sub3A_268 = arith.constant 1.500000e+00 : f32
    %sub3A_269 = vector.broadcast %sub3A_268 : f32 to vector<16xf32>
    %sub3A_270 = arith.subf %sub3A_269, %mul3A_267 : vector<16xf32>
    %mul3A_271 = arith.mulf %bitcast_convert_type3A_262, %sub3A_270 : vector<16xf32>
    %mul3A_272 = arith.constant 5.000000e-01 : f32
    %mul3A_273 = vector.broadcast %mul3A_272 : f32 to vector<16xf32>
    %mul3A_274 = arith.mulf %mul3A_273, %broadcast_in_dim3A_254 : vector<16xf32>
    %mul3A_275 = arith.mulf %mul3A_274, %mul3A_271 : vector<16xf32>
    %mul3A_276 = arith.mulf %mul3A_275, %mul3A_271 : vector<16xf32>
    %sub3A_277 = arith.constant 1.500000e+00 : f32
    %sub3A_278 = vector.broadcast %sub3A_277 : f32 to vector<16xf32>
    %sub3A_279 = arith.subf %sub3A_278, %mul3A_276 : vector<16xf32>
    %mul3A_280 = arith.mulf %mul3A_271, %sub3A_279 : vector<16xf32>
    %mul3A_281 = arith.constant 5.000000e-01 : f32
    %mul3A_282 = vector.broadcast %mul3A_281 : f32 to vector<16xf32>
    %mul3A_283 = arith.mulf %mul3A_282, %broadcast_in_dim3A_254 : vector<16xf32>
    %mul3A_284 = arith.mulf %mul3A_283, %mul3A_280 : vector<16xf32>
    %mul3A_285 = arith.mulf %mul3A_284, %mul3A_280 : vector<16xf32>
    %sub3A_286 = arith.constant 1.500000e+00 : f32
    %sub3A_287 = vector.broadcast %sub3A_286 : f32 to vector<16xf32>
    %sub3A_288 = arith.subf %sub3A_287, %mul3A_285 : vector<16xf32>
    %mul3A_289 = arith.mulf %mul3A_280, %sub3A_288 : vector<16xf32>
    %mul3A_290 = arith.mulf %sub3A_244, %mul3A_289 : vector<16xf32>
    %mul3A_291 = arith.mulf %mul3A_290, %get3A_38 : vector<16xf32>
    %add3A_292 = arith.addf %mul3A_291, %get3A_40 : vector<16xf32>
    %max3A_293 = arith.constant 0.000000e+00 : f32
    %max3A_294 = vector.broadcast %max3A_293 : f32 to vector<16xf32>
    %max3A_295 = arith.maximumf %add3A_292, %max3A_294 : vector<16xf32>
    %swap3A_296 = arith.constant 51 : index
    %swap3A_297 = tpu.vector_load %arg19[%swap3A_296] {strides = array<i32>} : memref<374xf32, #tpu.memory_space<vmem>>, vector<16xf32>,
    tpu.vector_store %arg19[%swap3A_296], %max3A_295 {strides = array<i32>} : memref<374xf32, #tpu.memory_space<vmem>>, vector<16xf32>,
    %add3A_298 = arith.constant 4 : i32
    %add3A_299 = vector.broadcast %add3A_298 : i32 to vector<16xi32>
    %add3A_300 = arith.addi %mul3A_35, %add3A_299 : vector<16xi32>
    %gather3A_301 = tpu.vector_load_idx %arg15[%add3A_300] : memref<352xf32, #tpu.memory_space<vmem>>[vector<16xi32>], vector<16xf32>,
    %add3A_302 = arith.addf %gather3A_301, %get3A_36 : vector<16xf32>
    %reduce_sum3A_303 = arith.constant true
    %reduce_sum3A_304 = vector.broadcast %reduce_sum3A_303 : i1 to vector<16xi1>
    %reduce_sum3A_305 = tpu.scan <sum>, %add3A_302 masked %reduce_sum3A_304 : vector<16xf32>, vector<16xi1> -> vector<16xf32>
    %reduce_sum3A_306 = vector.extract %reduce_sum3A_305[15] : f32 from vector<16xf32>
    %mul3A_307 = arith.constant 6.250000e-02 : f32
    %mul3A_308 = arith.mulf %reduce_sum3A_306, %mul3A_307 : f32
    %sub3A_309 = vector.broadcast %mul3A_308 : f32 to vector<16xf32>
    %sub3A_310 = arith.subf %add3A_302, %sub3A_309 : vector<16xf32>
    %mul3A_311 = arith.mulf %sub3A_310, %sub3A_310 : vector<16xf32>
    %reduce_sum3A_312 = arith.constant true
    %reduce_sum3A_313 = vector.broadcast %reduce_sum3A_312 : i1 to vector<16xi1>
    %reduce_sum3A_314 = tpu.scan <sum>, %mul3A_311 masked %reduce_sum3A_313 : vector<16xf32>, vector<16xi1> -> vector<16xf32>
    %reduce_sum3A_315 = vector.extract %reduce_sum3A_314[15] : f32 from vector<16xf32>
    %mul3A_316 = arith.constant 6.250000e-02 : f32
    %mul3A_317 = arith.mulf %reduce_sum3A_315, %mul3A_316 : f32
    %add3A_318 = arith.constant 9.99999974E-6 : f32
    %add3A_319 = arith.addf %mul3A_317, %add3A_318 : f32
    %broadcast_in_dim3A_320 = vector.broadcast %add3A_319 : f32 to vector<16xf32>
    %bitcast_convert_type3A_321 = tpu.bitcast %broadcast_in_dim3A_320 : vector<16xf32> -> vector<16xi32>
    %shift_right_arithmetic3A_322 = arith.constant 1 : i32
    %shift_right_arithmetic3A_323 = vector.broadcast %shift_right_arithmetic3A_322 : i32 to vector<16xi32>
    %shift_right_arithmetic3A_324 = arith.shrsi %bitcast_convert_type3A_321, %shift_right_arithmetic3A_323 : vector<16xi32>
    %sub3A_325 = arith.constant 1597463007 : i32
    %sub3A_326 = vector.broadcast %sub3A_325 : i32 to vector<16xi32>
    %sub3A_327 = arith.subi %sub3A_326, %shift_right_arithmetic3A_324 : vector<16xi32>
    %bitcast_convert_type3A_328 = tpu.bitcast %sub3A_327 : vector<16xi32> -> vector<16xf32>
    %mul3A_329 = arith.constant 5.000000e-01 : f32
    %mul3A_330 = vector.broadcast %mul3A_329 : f32 to vector<16xf32>
    %mul3A_331 = arith.mulf %mul3A_330, %broadcast_in_dim3A_320 : vector<16xf32>
    %mul3A_332 = arith.mulf %mul3A_331, %bitcast_convert_type3A_328 : vector<16xf32>
    %mul3A_333 = arith.mulf %mul3A_332, %bitcast_convert_type3A_328 : vector<16xf32>
    %sub3A_334 = arith.constant 1.500000e+00 : f32
    %sub3A_335 = vector.broadcast %sub3A_334 : f32 to vector<16xf32>
    %sub3A_336 = arith.subf %sub3A_335, %mul3A_333 : vector<16xf32>
    %mul3A_337 = arith.mulf %bitcast_convert_type3A_328, %sub3A_336 : vector<16xf32>
    %mul3A_338 = arith.constant 5.000000e-01 : f32
    %mul3A_339 = vector.broadcast %mul3A_338 : f32 to vector<16xf32>
    %mul3A_340 = arith.mulf %mul3A_339, %broadcast_in_dim3A_320 : vector<16xf32>
    %mul3A_341 = arith.mulf %mul3A_340, %mul3A_337 : vector<16xf32>
    %mul3A_342 = arith.mulf %mul3A_341, %mul3A_337 : vector<16xf32>
    %sub3A_343 = arith.constant 1.500000e+00 : f32
    %sub3A_344 = vector.broadcast %sub3A_343 : f32 to vector<16xf32>
    %sub3A_345 = arith.subf %sub3A_344, %mul3A_342 : vector<16xf32>
    %mul3A_346 = arith.mulf %mul3A_337, %sub3A_345 : vector<16xf32>
    %mul3A_347 = arith.constant 5.000000e-01 : f32
    %mul3A_348 = vector.broadcast %mul3A_347 : f32 to vector<16xf32>
    %mul3A_349 = arith.mulf %mul3A_348, %broadcast_in_dim3A_320 : vector<16xf32>
    %mul3A_350 = arith.mulf %mul3A_349, %mul3A_346 : vector<16xf32>
    %mul3A_351 = arith.mulf %mul3A_350, %mul3A_346 : vector<16xf32>
    %sub3A_352 = arith.constant 1.500000e+00 : f32
    %sub3A_353 = vector.broadcast %sub3A_352 : f32 to vector<16xf32>
    %sub3A_354 = arith.subf %sub3A_353, %mul3A_351 : vector<16xf32>
    %mul3A_355 = arith.mulf %mul3A_346, %sub3A_354 : vector<16xf32>
    %mul3A_356 = arith.mulf %sub3A_310, %mul3A_355 : vector<16xf32>
    %mul3A_357 = arith.mulf %mul3A_356, %get3A_38 : vector<16xf32>
    %add3A_358 = arith.addf %mul3A_357, %get3A_40 : vector<16xf32>
    %max3A_359 = arith.constant 0.000000e+00 : f32
    %max3A_360 = vector.broadcast %max3A_359 : f32 to vector<16xf32>
    %max3A_361 = arith.maximumf %add3A_358, %max3A_360 : vector<16xf32>
    %swap3A_362 = arith.constant 68 : index
    %swap3A_363 = tpu.vector_load %arg19[%swap3A_362] {strides = array<i32>} : memref<374xf32, #tpu.memory_space<vmem>>, vector<16xf32>,
    tpu.vector_store %arg19[%swap3A_362], %max3A_361 {strides = array<i32>} : memref<374xf32, #tpu.memory_space<vmem>>, vector<16xf32>,
    %add3A_364 = arith.constant 5 : i32
    %add3A_365 = vector.broadcast %add3A_364 : i32 to vector<16xi32>
    %add3A_366 = arith.addi %mul3A_35, %add3A_365 : vector<16xi32>
    %gather3A_367 = tpu.vector_load_idx %arg15[%add3A_366] : memref<352xf32, #tpu.memory_space<vmem>>[vector<16xi32>], vector<16xf32>,
    %add3A_368 = arith.addf %gather3A_367, %get3A_36 : vector<16xf32>
    %reduce_sum3A_369 = arith.constant true
    %reduce_sum3A_370 = vector.broadcast %reduce_sum3A_369 : i1 to vector<16xi1>
    %reduce_sum3A_371 = tpu.scan <sum>, %add3A_368 masked %reduce_sum3A_370 : vector<16xf32>, vector<16xi1> -> vector<16xf32>
    %reduce_sum3A_372 = vector.extract %reduce_sum3A_371[15] : f32 from vector<16xf32>
    %mul3A_373 = arith.constant 6.250000e-02 : f32
    %mul3A_374 = arith.mulf %reduce_sum3A_372, %mul3A_373 : f32
    %sub3A_375 = vector.broadcast %mul3A_374 : f32 to vector<16xf32>
    %sub3A_376 = arith.subf %add3A_368, %sub3A_375 : vector<16xf32>
    %mul3A_377 = arith.mulf %sub3A_376, %sub3A_376 : vector<16xf32>
    %reduce_sum3A_378 = arith.constant true
    %reduce_sum3A_379 = vector.broadcast %reduce_sum3A_378 : i1 to vector<16xi1>
    %reduce_sum3A_380 = tpu.scan <sum>, %mul3A_377 masked %reduce_sum3A_379 : vector<16xf32>, vector<16xi1> -> vector<16xf32>
    %reduce_sum3A_381 = vector.extract %reduce_sum3A_380[15] : f32 from vector<16xf32>
    %mul3A_382 = arith.constant 6.250000e-02 : f32
    %mul3A_383 = arith.mulf %reduce_sum3A_381, %mul3A_382 : f32
    %add3A_384 = arith.constant 9.99999974E-6 : f32
    %add3A_385 = arith.addf %mul3A_383, %add3A_384 : f32
    %broadcast_in_dim3A_386 = vector.broadcast %add3A_385 : f32 to vector<16xf32>
    %bitcast_convert_type3A_387 = tpu.bitcast %broadcast_in_dim3A_386 : vector<16xf32> -> vector<16xi32>
    %shift_right_arithmetic3A_388 = arith.constant 1 : i32
    %shift_right_arithmetic3A_389 = vector.broadcast %shift_right_arithmetic3A_388 : i32 to vector<16xi32>
    %shift_right_arithmetic3A_390 = arith.shrsi %bitcast_convert_type3A_387, %shift_right_arithmetic3A_389 : vector<16xi32>
    %sub3A_391 = arith.constant 1597463007 : i32
    %sub3A_392 = vector.broadcast %sub3A_391 : i32 to vector<16xi32>
    %sub3A_393 = arith.subi %sub3A_392, %shift_right_arithmetic3A_390 : vector<16xi32>
    %bitcast_convert_type3A_394 = tpu.bitcast %sub3A_393 : vector<16xi32> -> vector<16xf32>
    %mul3A_395 = arith.constant 5.000000e-01 : f32
    %mul3A_396 = vector.broadcast %mul3A_395 : f32 to vector<16xf32>
    %mul3A_397 = arith.mulf %mul3A_396, %broadcast_in_dim3A_386 : vector<16xf32>
    %mul3A_398 = arith.mulf %mul3A_397, %bitcast_convert_type3A_394 : vector<16xf32>
    %mul3A_399 = arith.mulf %mul3A_398, %bitcast_convert_type3A_394 : vector<16xf32>
    %sub3A_400 = arith.constant 1.500000e+00 : f32
    %sub3A_401 = vector.broadcast %sub3A_400 : f32 to vector<16xf32>
    %sub3A_402 = arith.subf %sub3A_401, %mul3A_399 : vector<16xf32>
    %mul3A_403 = arith.mulf %bitcast_convert_type3A_394, %sub3A_402 : vector<16xf32>
    %mul3A_404 = arith.constant 5.000000e-01 : f32
    %mul3A_405 = vector.broadcast %mul3A_404 : f32 to vector<16xf32>
    %mul3A_406 = arith.mulf %mul3A_405, %broadcast_in_dim3A_386 : vector<16xf32>
    %mul3A_407 = arith.mulf %mul3A_406, %mul3A_403 : vector<16xf32>
    %mul3A_408 = arith.mulf %mul3A_407, %mul3A_403 : vector<16xf32>
    %sub3A_409 = arith.constant 1.500000e+00 : f32
    %sub3A_410 = vector.broadcast %sub3A_409 : f32 to vector<16xf32>
    %sub3A_411 = arith.subf %sub3A_410, %mul3A_408 : vector<16xf32>
    %mul3A_412 = arith.mulf %mul3A_403, %sub3A_411 : vector<16xf32>
    %mul3A_413 = arith.constant 5.000000e-01 : f32
    %mul3A_414 = vector.broadcast %mul3A_413 : f32 to vector<16xf32>
    %mul3A_415 = arith.mulf %mul3A_414, %broadcast_in_dim3A_386 : vector<16xf32>
    %mul3A_416 = arith.mulf %mul3A_415, %mul3A_412 : vector<16xf32>
    %mul3A_417 = arith.mulf %mul3A_416, %mul3A_412 : vector<16xf32>
    %sub3A_418 = arith.constant 1.500000e+00 : f32
    %sub3A_419 = vector.broadcast %sub3A_418 : f32 to vector<16xf32>
    %sub3A_420 = arith.subf %sub3A_419, %mul3A_417 : vector<16xf32>
    %mul3A_421 = arith.mulf %mul3A_412, %sub3A_420 : vector<16xf32>
    %mul3A_422 = arith.mulf %sub3A_376, %mul3A_421 : vector<16xf32>
    %mul3A_423 = arith.mulf %mul3A_422, %get3A_38 : vector<16xf32>
    %add3A_424 = arith.addf %mul3A_423, %get3A_40 : vector<16xf32>
    %max3A_425 = arith.constant 0.000000e+00 : f32
    %max3A_426 = vector.broadcast %max3A_425 : f32 to vector<16xf32>
    %max3A_427 = arith.maximumf %add3A_424, %max3A_426 : vector<16xf32>
    %swap3A_428 = arith.constant 85 : index
    %swap3A_429 = tpu.vector_load %arg19[%swap3A_428] {strides = array<i32>} : memref<374xf32, #tpu.memory_space<vmem>>, vector<16xf32>,
    tpu.vector_store %arg19[%swap3A_428], %max3A_427 {strides = array<i32>} : memref<374xf32, #tpu.memory_space<vmem>>, vector<16xf32>,
    %add3A_430 = arith.constant 6 : i32
    %add3A_431 = vector.broadcast %add3A_430 : i32 to vector<16xi32>
    %add3A_432 = arith.addi %mul3A_35, %add3A_431 : vector<16xi32>
    %gather3A_433 = tpu.vector_load_idx %arg15[%add3A_432] : memref<352xf32, #tpu.memory_space<vmem>>[vector<16xi32>], vector<16xf32>,
    %add3A_434 = arith.addf %gather3A_433, %get3A_36 : vector<16xf32>
    %reduce_sum3A_435 = arith.constant true
    %reduce_sum3A_436 = vector.broadcast %reduce_sum3A_435 : i1 to vector<16xi1>
    %reduce_sum3A_437 = tpu.scan <sum>, %add3A_434 masked %reduce_sum3A_436 : vector<16xf32>, vector<16xi1> -> vector<16xf32>
    %reduce_sum3A_438 = vector.extract %reduce_sum3A_437[15] : f32 from vector<16xf32>
    %mul3A_439 = arith.constant 6.250000e-02 : f32
    %mul3A_440 = arith.mulf %reduce_sum3A_438, %mul3A_439 : f32
    %sub3A_441 = vector.broadcast %mul3A_440 : f32 to vector<16xf32>
    %sub3A_442 = arith.subf %add3A_434, %sub3A_441 : vector<16xf32>
    %mul3A_443 = arith.mulf %sub3A_442, %sub3A_442 : vector<16xf32>
    %reduce_sum3A_444 = arith.constant true
    %reduce_sum3A_445 = vector.broadcast %reduce_sum3A_444 : i1 to vector<16xi1>
    %reduce_sum3A_446 = tpu.scan <sum>, %mul3A_443 masked %reduce_sum3A_445 : vector<16xf32>, vector<16xi1> -> vector<16xf32>
    %reduce_sum3A_447 = vector.extract %reduce_sum3A_446[15] : f32 from vector<16xf32>
    %mul3A_448 = arith.constant 6.250000e-02 : f32
    %mul3A_449 = arith.mulf %reduce_sum3A_447, %mul3A_448 : f32
    %add3A_450 = arith.constant 9.99999974E-6 : f32
    %add3A_451 = arith.addf %mul3A_449, %add3A_450 : f32
    %broadcast_in_dim3A_452 = vector.broadcast %add3A_451 : f32 to vector<16xf32>
    %bitcast_convert_type3A_453 = tpu.bitcast %broadcast_in_dim3A_452 : vector<16xf32> -> vector<16xi32>
    %shift_right_arithmetic3A_454 = arith.constant 1 : i32
    %shift_right_arithmetic3A_455 = vector.broadcast %shift_right_arithmetic3A_454 : i32 to vector<16xi32>
    %shift_right_arithmetic3A_456 = arith.shrsi %bitcast_convert_type3A_453, %shift_right_arithmetic3A_455 : vector<16xi32>
    %sub3A_457 = arith.constant 1597463007 : i32
    %sub3A_458 = vector.broadcast %sub3A_457 : i32 to vector<16xi32>
    %sub3A_459 = arith.subi %sub3A_458, %shift_right_arithmetic3A_456 : vector<16xi32>
    %bitcast_convert_type3A_460 = tpu.bitcast %sub3A_459 : vector<16xi32> -> vector<16xf32>
    %mul3A_461 = arith.constant 5.000000e-01 : f32
    %mul3A_462 = vector.broadcast %mul3A_461 : f32 to vector<16xf32>
    %mul3A_463 = arith.mulf %mul3A_462, %broadcast_in_dim3A_452 : vector<16xf32>
    %mul3A_464 = arith.mulf %mul3A_463, %bitcast_convert_type3A_460 : vector<16xf32>
    %mul3A_465 = arith.mulf %mul3A_464, %bitcast_convert_type3A_460 : vector<16xf32>
    %sub3A_466 = arith.constant 1.500000e+00 : f32
    %sub3A_467 = vector.broadcast %sub3A_466 : f32 to vector<16xf32>
    %sub3A_468 = arith.subf %sub3A_467, %mul3A_465 : vector<16xf32>
    %mul3A_469 = arith.mulf %bitcast_convert_type3A_460, %sub3A_468 : vector<16xf32>
    %mul3A_470 = arith.constant 5.000000e-01 : f32
    %mul3A_471 = vector.broadcast %mul3A_470 : f32 to vector<16xf32>
    %mul3A_472 = arith.mulf %mul3A_471, %broadcast_in_dim3A_452 : vector<16xf32>
    %mul3A_473 = arith.mulf %mul3A_472, %mul3A_469 : vector<16xf32>
    %mul3A_474 = arith.mulf %mul3A_473, %mul3A_469 : vector<16xf32>
    %sub3A_475 = arith.constant 1.500000e+00 : f32
    %sub3A_476 = vector.broadcast %sub3A_475 : f32 to vector<16xf32>
    %sub3A_477 = arith.subf %sub3A_476, %mul3A_474 : vector<16xf32>
    %mul3A_478 = arith.mulf %mul3A_469, %sub3A_477 : vector<16xf32>
    %mul3A_479 = arith.constant 5.000000e-01 : f32
    %mul3A_480 = vector.broadcast %mul3A_479 : f32 to vector<16xf32>
    %mul3A_481 = arith.mulf %mul3A_480, %broadcast_in_dim3A_452 : vector<16xf32>
    %mul3A_482 = arith.mulf %mul3A_481, %mul3A_478 : vector<16xf32>
    %mul3A_483 = arith.mulf %mul3A_482, %mul3A_478 : vector<16xf32>
    %sub3A_484 = arith.constant 1.500000e+00 : f32
    %sub3A_485 = vector.broadcast %sub3A_484 : f32 to vector<16xf32>
    %sub3A_486 = arith.subf %sub3A_485, %mul3A_483 : vector<16xf32>
    %mul3A_487 = arith.mulf %mul3A_478, %sub3A_486 : vector<16xf32>
    %mul3A_488 = arith.mulf %sub3A_442, %mul3A_487 : vector<16xf32>
    %mul3A_489 = arith.mulf %mul3A_488, %get3A_38 : vector<16xf32>
    %add3A_490 = arith.addf %mul3A_489, %get3A_40 : vector<16xf32>
    %max3A_491 = arith.constant 0.000000e+00 : f32
    %max3A_492 = vector.broadcast %max3A_491 : f32 to vector<16xf32>
    %max3A_493 = arith.maximumf %add3A_490, %max3A_492 : vector<16xf32>
    %swap3A_494 = arith.constant 102 : index
    %swap3A_495 = tpu.vector_load %arg19[%swap3A_494] {strides = array<i32>} : memref<374xf32, #tpu.memory_space<vmem>>, vector<16xf32>,
    tpu.vector_store %arg19[%swap3A_494], %max3A_493 {strides = array<i32>} : memref<374xf32, #tpu.memory_space<vmem>>, vector<16xf32>,
    %add3A_496 = arith.constant 7 : i32
    %add3A_497 = vector.broadcast %add3A_496 : i32 to vector<16xi32>
    %add3A_498 = arith.addi %mul3A_35, %add3A_497 : vector<16xi32>
    %gather3A_499 = tpu.vector_load_idx %arg15[%add3A_498] : memref<352xf32, #tpu.memory_space<vmem>>[vector<16xi32>], vector<16xf32>,
    %add3A_500 = arith.addf %gather3A_499, %get3A_36 : vector<16xf32>
    %reduce_sum3A_501 = arith.constant true
    %reduce_sum3A_502 = vector.broadcast %reduce_sum3A_501 : i1 to vector<16xi1>
    %reduce_sum3A_503 = tpu.scan <sum>, %add3A_500 masked %reduce_sum3A_502 : vector<16xf32>, vector<16xi1> -> vector<16xf32>
    %reduce_sum3A_504 = vector.extract %reduce_sum3A_503[15] : f32 from vector<16xf32>
    %mul3A_505 = arith.constant 6.250000e-02 : f32
    %mul3A_506 = arith.mulf %reduce_sum3A_504, %mul3A_505 : f32
    %sub3A_507 = vector.broadcast %mul3A_506 : f32 to vector<16xf32>
    %sub3A_508 = arith.subf %add3A_500, %sub3A_507 : vector<16xf32>
    %mul3A_509 = arith.mulf %sub3A_508, %sub3A_508 : vector<16xf32>
    %reduce_sum3A_510 = arith.constant true
    %reduce_sum3A_511 = vector.broadcast %reduce_sum3A_510 : i1 to vector<16xi1>
    %reduce_sum3A_512 = tpu.scan <sum>, %mul3A_509 masked %reduce_sum3A_511 : vector<16xf32>, vector<16xi1> -> vector<16xf32>
    %reduce_sum3A_513 = vector.extract %reduce_sum3A_512[15] : f32 from vector<16xf32>
    %mul3A_514 = arith.constant 6.250000e-02 : f32
    %mul3A_515 = arith.mulf %reduce_sum3A_513, %mul3A_514 : f32
    %add3A_516 = arith.constant 9.99999974E-6 : f32
    %add3A_517 = arith.addf %mul3A_515, %add3A_516 : f32
    %broadcast_in_dim3A_518 = vector.broadcast %add3A_517 : f32 to vector<16xf32>
    %bitcast_convert_type3A_519 = tpu.bitcast %broadcast_in_dim3A_518 : vector<16xf32> -> vector<16xi32>
    %shift_right_arithmetic3A_520 = arith.constant 1 : i32
    %shift_right_arithmetic3A_521 = vector.broadcast %shift_right_arithmetic3A_520 : i32 to vector<16xi32>
    %shift_right_arithmetic3A_522 = arith.shrsi %bitcast_convert_type3A_519, %shift_right_arithmetic3A_521 : vector<16xi32>
    %sub3A_523 = arith.constant 1597463007 : i32
    %sub3A_524 = vector.broadcast %sub3A_523 : i32 to vector<16xi32>
    %sub3A_525 = arith.subi %sub3A_524, %shift_right_arithmetic3A_522 : vector<16xi32>
    %bitcast_convert_type3A_526 = tpu.bitcast %sub3A_525 : vector<16xi32> -> vector<16xf32>
    %mul3A_527 = arith.constant 5.000000e-01 : f32
    %mul3A_528 = vector.broadcast %mul3A_527 : f32 to vector<16xf32>
    %mul3A_529 = arith.mulf %mul3A_528, %broadcast_in_dim3A_518 : vector<16xf32>
    %mul3A_530 = arith.mulf %mul3A_529, %bitcast_convert_type3A_526 : vector<16xf32>
    %mul3A_531 = arith.mulf %mul3A_530, %bitcast_convert_type3A_526 : vector<16xf32>
    %sub3A_532 = arith.constant 1.500000e+00 : f32
    %sub3A_533 = vector.broadcast %sub3A_532 : f32 to vector<16xf32>
    %sub3A_534 = arith.subf %sub3A_533, %mul3A_531 : vector<16xf32>
    %mul3A_535 = arith.mulf %bitcast_convert_type3A_526, %sub3A_534 : vector<16xf32>
    %mul3A_536 = arith.constant 5.000000e-01 : f32
    %mul3A_537 = vector.broadcast %mul3A_536 : f32 to vector<16xf32>
    %mul3A_538 = arith.mulf %mul3A_537, %broadcast_in_dim3A_518 : vector<16xf32>
    %mul3A_539 = arith.mulf %mul3A_538, %mul3A_535 : vector<16xf32>
    %mul3A_540 = arith.mulf %mul3A_539, %mul3A_535 : vector<16xf32>
    %sub3A_541 = arith.constant 1.500000e+00 : f32
    %sub3A_542 = vector.broadcast %sub3A_541 : f32 to vector<16xf32>
    %sub3A_543 = arith.subf %sub3A_542, %mul3A_540 : vector<16xf32>
    %mul3A_544 = arith.mulf %mul3A_535, %sub3A_543 : vector<16xf32>
    %mul3A_545 = arith.constant 5.000000e-01 : f32
    %mul3A_546 = vector.broadcast %mul3A_545 : f32 to vector<16xf32>
    %mul3A_547 = arith.mulf %mul3A_546, %broadcast_in_dim3A_518 : vector<16xf32>
    %mul3A_548 = arith.mulf %mul3A_547, %mul3A_544 : vector<16xf32>
    %mul3A_549 = arith.mulf %mul3A_548, %mul3A_544 : vector<16xf32>
    %sub3A_550 = arith.constant 1.500000e+00 : f32
    %sub3A_551 = vector.broadcast %sub3A_550 : f32 to vector<16xf32>
    %sub3A_552 = arith.subf %sub3A_551, %mul3A_549 : vector<16xf32>
    %mul3A_553 = arith.mulf %mul3A_544, %sub3A_552 : vector<16xf32>
    %mul3A_554 = arith.mulf %sub3A_508, %mul3A_553 : vector<16xf32>
    %mul3A_555 = arith.mulf %mul3A_554, %get3A_38 : vector<16xf32>
    %add3A_556 = arith.addf %mul3A_555, %get3A_40 : vector<16xf32>
    %max3A_557 = arith.constant 0.000000e+00 : f32
    %max3A_558 = vector.broadcast %max3A_557 : f32 to vector<16xf32>
    %max3A_559 = arith.maximumf %add3A_556, %max3A_558 : vector<16xf32>
    %swap3A_560 = arith.constant 119 : index
    %swap3A_561 = tpu.vector_load %arg19[%swap3A_560] {strides = array<i32>} : memref<374xf32, #tpu.memory_space<vmem>>, vector<16xf32>,
    tpu.vector_store %arg19[%swap3A_560], %max3A_559 {strides = array<i32>} : memref<374xf32, #tpu.memory_space<vmem>>, vector<16xf32>,
    %add3A_562 = arith.constant 8 : i32
    %add3A_563 = vector.broadcast %add3A_562 : i32 to vector<16xi32>
    %add3A_564 = arith.addi %mul3A_35, %add3A_563 : vector<16xi32>
    %gather3A_565 = tpu.vector_load_idx %arg15[%add3A_564] : memref<352xf32, #tpu.memory_space<vmem>>[vector<16xi32>], vector<16xf32>,
    %add3A_566 = arith.addf %gather3A_565, %get3A_36 : vector<16xf32>
    %reduce_sum3A_567 = arith.constant true
    %reduce_sum3A_568 = vector.broadcast %reduce_sum3A_567 : i1 to vector<16xi1>
    %reduce_sum3A_569 = tpu.scan <sum>, %add3A_566 masked %reduce_sum3A_568 : vector<16xf32>, vector<16xi1> -> vector<16xf32>
    %reduce_sum3A_570 = vector.extract %reduce_sum3A_569[15] : f32 from vector<16xf32>
    %mul3A_571 = arith.constant 6.250000e-02 : f32
    %mul3A_572 = arith.mulf %reduce_sum3A_570, %mul3A_571 : f32
    %sub3A_573 = vector.broadcast %mul3A_572 : f32 to vector<16xf32>
    %sub3A_574 = arith.subf %add3A_566, %sub3A_573 : vector<16xf32>
    %mul3A_575 = arith.mulf %sub3A_574, %sub3A_574 : vector<16xf32>
    %reduce_sum3A_576 = arith.constant true
    %reduce_sum3A_577 = vector.broadcast %reduce_sum3A_576 : i1 to vector<16xi1>
    %reduce_sum3A_578 = tpu.scan <sum>, %mul3A_575 masked %reduce_sum3A_577 : vector<16xf32>, vector<16xi1> -> vector<16xf32>
    %reduce_sum3A_579 = vector.extract %reduce_sum3A_578[15] : f32 from vector<16xf32>
    %mul3A_580 = arith.constant 6.250000e-02 : f32
    %mul3A_581 = arith.mulf %reduce_sum3A_579, %mul3A_580 : f32
    %add3A_582 = arith.constant 9.99999974E-6 : f32
    %add3A_583 = arith.addf %mul3A_581, %add3A_582 : f32
    %broadcast_in_dim3A_584 = vector.broadcast %add3A_583 : f32 to vector<16xf32>
    %bitcast_convert_type3A_585 = tpu.bitcast %broadcast_in_dim3A_584 : vector<16xf32> -> vector<16xi32>
    %shift_right_arithmetic3A_586 = arith.constant 1 : i32
    %shift_right_arithmetic3A_587 = vector.broadcast %shift_right_arithmetic3A_586 : i32 to vector<16xi32>
    %shift_right_arithmetic3A_588 = arith.shrsi %bitcast_convert_type3A_585, %shift_right_arithmetic3A_587 : vector<16xi32>
    %sub3A_589 = arith.constant 1597463007 : i32
    %sub3A_590 = vector.broadcast %sub3A_589 : i32 to vector<16xi32>
    %sub3A_591 = arith.subi %sub3A_590, %shift_right_arithmetic3A_588 : vector<16xi32>
    %bitcast_convert_type3A_592 = tpu.bitcast %sub3A_591 : vector<16xi32> -> vector<16xf32>
    %mul3A_593 = arith.constant 5.000000e-01 : f32
    %mul3A_594 = vector.broadcast %mul3A_593 : f32 to vector<16xf32>
    %mul3A_595 = arith.mulf %mul3A_594, %broadcast_in_dim3A_584 : vector<16xf32>
    %mul3A_596 = arith.mulf %mul3A_595, %bitcast_convert_type3A_592 : vector<16xf32>
    %mul3A_597 = arith.mulf %mul3A_596, %bitcast_convert_type3A_592 : vector<16xf32>
    %sub3A_598 = arith.constant 1.500000e+00 : f32
    %sub3A_599 = vector.broadcast %sub3A_598 : f32 to vector<16xf32>
    %sub3A_600 = arith.subf %sub3A_599, %mul3A_597 : vector<16xf32>
    %mul3A_601 = arith.mulf %bitcast_convert_type3A_592, %sub3A_600 : vector<16xf32>
    %mul3A_602 = arith.constant 5.000000e-01 : f32
    %mul3A_603 = vector.broadcast %mul3A_602 : f32 to vector<16xf32>
    %mul3A_604 = arith.mulf %mul3A_603, %broadcast_in_dim3A_584 : vector<16xf32>
    %mul3A_605 = arith.mulf %mul3A_604, %mul3A_601 : vector<16xf32>
    %mul3A_606 = arith.mulf %mul3A_605, %mul3A_601 : vector<16xf32>
    %sub3A_607 = arith.constant 1.500000e+00 : f32
    %sub3A_608 = vector.broadcast %sub3A_607 : f32 to vector<16xf32>
    %sub3A_609 = arith.subf %sub3A_608, %mul3A_606 : vector<16xf32>
    %mul3A_610 = arith.mulf %mul3A_601, %sub3A_609 : vector<16xf32>
    %mul3A_611 = arith.constant 5.000000e-01 : f32
    %mul3A_612 = vector.broadcast %mul3A_611 : f32 to vector<16xf32>
    %mul3A_613 = arith.mulf %mul3A_612, %broadcast_in_dim3A_584 : vector<16xf32>
    %mul3A_614 = arith.mulf %mul3A_613, %mul3A_610 : vector<16xf32>
    %mul3A_615 = arith.mulf %mul3A_614, %mul3A_610 : vector<16xf32>
    %sub3A_616 = arith.constant 1.500000e+00 : f32
    %sub3A_617 = vector.broadcast %sub3A_616 : f32 to vector<16xf32>
    %sub3A_618 = arith.subf %sub3A_617, %mul3A_615 : vector<16xf32>
    %mul3A_619 = arith.mulf %mul3A_610, %sub3A_618 : vector<16xf32>
    %mul3A_620 = arith.mulf %sub3A_574, %mul3A_619 : vector<16xf32>
    %mul3A_621 = arith.mulf %mul3A_620, %get3A_38 : vector<16xf32>
    %add3A_622 = arith.addf %mul3A_621, %get3A_40 : vector<16xf32>
    %max3A_623 = arith.constant 0.000000e+00 : f32
    %max3A_624 = vector.broadcast %max3A_623 : f32 to vector<16xf32>
    %max3A_625 = arith.maximumf %add3A_622, %max3A_624 : vector<16xf32>
    %swap3A_626 = arith.constant 136 : index
    %swap3A_627 = tpu.vector_load %arg19[%swap3A_626] {strides = array<i32>} : memref<374xf32, #tpu.memory_space<vmem>>, vector<16xf32>,
    tpu.vector_store %arg19[%swap3A_626], %max3A_625 {strides = array<i32>} : memref<374xf32, #tpu.memory_space<vmem>>, vector<16xf32>,
    %add3A_628 = arith.constant 9 : i32
    %add3A_629 = vector.broadcast %add3A_628 : i32 to vector<16xi32>
    %add3A_630 = arith.addi %mul3A_35, %add3A_629 : vector<16xi32>
    %gather3A_631 = tpu.vector_load_idx %arg15[%add3A_630] : memref<352xf32, #tpu.memory_space<vmem>>[vector<16xi32>], vector<16xf32>,
    %add3A_632 = arith.addf %gather3A_631, %get3A_36 : vector<16xf32>
    %reduce_sum3A_633 = arith.constant true
    %reduce_sum3A_634 = vector.broadcast %reduce_sum3A_633 : i1 to vector<16xi1>
    %reduce_sum3A_635 = tpu.scan <sum>, %add3A_632 masked %reduce_sum3A_634 : vector<16xf32>, vector<16xi1> -> vector<16xf32>
    %reduce_sum3A_636 = vector.extract %reduce_sum3A_635[15] : f32 from vector<16xf32>
    %mul3A_637 = arith.constant 6.250000e-02 : f32
    %mul3A_638 = arith.mulf %reduce_sum3A_636, %mul3A_637 : f32
    %sub3A_639 = vector.broadcast %mul3A_638 : f32 to vector<16xf32>
    %sub3A_640 = arith.subf %add3A_632, %sub3A_639 : vector<16xf32>
    %mul3A_641 = arith.mulf %sub3A_640, %sub3A_640 : vector<16xf32>
    %reduce_sum3A_642 = arith.constant true
    %reduce_sum3A_643 = vector.broadcast %reduce_sum3A_642 : i1 to vector<16xi1>
    %reduce_sum3A_644 = tpu.scan <sum>, %mul3A_641 masked %reduce_sum3A_643 : vector<16xf32>, vector<16xi1> -> vector<16xf32>
    %reduce_sum3A_645 = vector.extract %reduce_sum3A_644[15] : f32 from vector<16xf32>
    %mul3A_646 = arith.constant 6.250000e-02 : f32
    %mul3A_647 = arith.mulf %reduce_sum3A_645, %mul3A_646 : f32
    %add3A_648 = arith.constant 9.99999974E-6 : f32
    %add3A_649 = arith.addf %mul3A_647, %add3A_648 : f32
    %broadcast_in_dim3A_650 = vector.broadcast %add3A_649 : f32 to vector<16xf32>
    %bitcast_convert_type3A_651 = tpu.bitcast %broadcast_in_dim3A_650 : vector<16xf32> -> vector<16xi32>
    %shift_right_arithmetic3A_652 = arith.constant 1 : i32
    %shift_right_arithmetic3A_653 = vector.broadcast %shift_right_arithmetic3A_652 : i32 to vector<16xi32>
    %shift_right_arithmetic3A_654 = arith.shrsi %bitcast_convert_type3A_651, %shift_right_arithmetic3A_653 : vector<16xi32>
    %sub3A_655 = arith.constant 1597463007 : i32
    %sub3A_656 = vector.broadcast %sub3A_655 : i32 to vector<16xi32>
    %sub3A_657 = arith.subi %sub3A_656, %shift_right_arithmetic3A_654 : vector<16xi32>
    %bitcast_convert_type3A_658 = tpu.bitcast %sub3A_657 : vector<16xi32> -> vector<16xf32>
    %mul3A_659 = arith.constant 5.000000e-01 : f32
    %mul3A_660 = vector.broadcast %mul3A_659 : f32 to vector<16xf32>
    %mul3A_661 = arith.mulf %mul3A_660, %broadcast_in_dim3A_650 : vector<16xf32>
    %mul3A_662 = arith.mulf %mul3A_661, %bitcast_convert_type3A_658 : vector<16xf32>
    %mul3A_663 = arith.mulf %mul3A_662, %bitcast_convert_type3A_658 : vector<16xf32>
    %sub3A_664 = arith.constant 1.500000e+00 : f32
    %sub3A_665 = vector.broadcast %sub3A_664 : f32 to vector<16xf32>
    %sub3A_666 = arith.subf %sub3A_665, %mul3A_663 : vector<16xf32>
    %mul3A_667 = arith.mulf %bitcast_convert_type3A_658, %sub3A_666 : vector<16xf32>
    %mul3A_668 = arith.constant 5.000000e-01 : f32
    %mul3A_669 = vector.broadcast %mul3A_668 : f32 to vector<16xf32>
    %mul3A_670 = arith.mulf %mul3A_669, %broadcast_in_dim3A_650 : vector<16xf32>
    %mul3A_671 = arith.mulf %mul3A_670, %mul3A_667 : vector<16xf32>
    %mul3A_672 = arith.mulf %mul3A_671, %mul3A_667 : vector<16xf32>
    %sub3A_673 = arith.constant 1.500000e+00 : f32
    %sub3A_674 = vector.broadcast %sub3A_673 : f32 to vector<16xf32>
    %sub3A_675 = arith.subf %sub3A_674, %mul3A_672 : vector<16xf32>
    %mul3A_676 = arith.mulf %mul3A_667, %sub3A_675 : vector<16xf32>
    %mul3A_677 = arith.constant 5.000000e-01 : f32
    %mul3A_678 = vector.broadcast %mul3A_677 : f32 to vector<16xf32>
    %mul3A_679 = arith.mulf %mul3A_678, %broadcast_in_dim3A_650 : vector<16xf32>
    %mul3A_680 = arith.mulf %mul3A_679, %mul3A_676 : vector<16xf32>
    %mul3A_681 = arith.mulf %mul3A_680, %mul3A_676 : vector<16xf32>
    %sub3A_682 = arith.constant 1.500000e+00 : f32
    %sub3A_683 = vector.broadcast %sub3A_682 : f32 to vector<16xf32>
    %sub3A_684 = arith.subf %sub3A_683, %mul3A_681 : vector<16xf32>
    %mul3A_685 = arith.mulf %mul3A_676, %sub3A_684 : vector<16xf32>
    %mul3A_686 = arith.mulf %sub3A_640, %mul3A_685 : vector<16xf32>
    %mul3A_687 = arith.mulf %mul3A_686, %get3A_38 : vector<16xf32>
    %add3A_688 = arith.addf %mul3A_687, %get3A_40 : vector<16xf32>
    %max3A_689 = arith.constant 0.000000e+00 : f32
    %max3A_690 = vector.broadcast %max3A_689 : f32 to vector<16xf32>
    %max3A_691 = arith.maximumf %add3A_688, %max3A_690 : vector<16xf32>
    %swap3A_692 = arith.constant 153 : index
    %swap3A_693 = tpu.vector_load %arg19[%swap3A_692] {strides = array<i32>} : memref<374xf32, #tpu.memory_space<vmem>>, vector<16xf32>,
    tpu.vector_store %arg19[%swap3A_692], %max3A_691 {strides = array<i32>} : memref<374xf32, #tpu.memory_space<vmem>>, vector<16xf32>,
    %add3A_694 = arith.constant 10 : i32
    %add3A_695 = vector.broadcast %add3A_694 : i32 to vector<16xi32>
    %add3A_696 = arith.addi %mul3A_35, %add3A_695 : vector<16xi32>
    %gather3A_697 = tpu.vector_load_idx %arg15[%add3A_696] : memref<352xf32, #tpu.memory_space<vmem>>[vector<16xi32>], vector<16xf32>,
    %add3A_698 = arith.addf %gather3A_697, %get3A_36 : vector<16xf32>
    %reduce_sum3A_699 = arith.constant true
    %reduce_sum3A_700 = vector.broadcast %reduce_sum3A_699 : i1 to vector<16xi1>
    %reduce_sum3A_701 = tpu.scan <sum>, %add3A_698 masked %reduce_sum3A_700 : vector<16xf32>, vector<16xi1> -> vector<16xf32>
    %reduce_sum3A_702 = vector.extract %reduce_sum3A_701[15] : f32 from vector<16xf32>
    %mul3A_703 = arith.constant 6.250000e-02 : f32
    %mul3A_704 = arith.mulf %reduce_sum3A_702, %mul3A_703 : f32
    %sub3A_705 = vector.broadcast %mul3A_704 : f32 to vector<16xf32>
    %sub3A_706 = arith.subf %add3A_698, %sub3A_705 : vector<16xf32>
    %mul3A_707 = arith.mulf %sub3A_706, %sub3A_706 : vector<16xf32>
    %reduce_sum3A_708 = arith.constant true
    %reduce_sum3A_709 = vector.broadcast %reduce_sum3A_708 : i1 to vector<16xi1>
    %reduce_sum3A_710 = tpu.scan <sum>, %mul3A_707 masked %reduce_sum3A_709 : vector<16xf32>, vector<16xi1> -> vector<16xf32>
    %reduce_sum3A_711 = vector.extract %reduce_sum3A_710[15] : f32 from vector<16xf32>
    %mul3A_712 = arith.constant 6.250000e-02 : f32
    %mul3A_713 = arith.mulf %reduce_sum3A_711, %mul3A_712 : f32
    %add3A_714 = arith.constant 9.99999974E-6 : f32
    %add3A_715 = arith.addf %mul3A_713, %add3A_714 : f32
    %broadcast_in_dim3A_716 = vector.broadcast %add3A_715 : f32 to vector<16xf32>
    %bitcast_convert_type3A_717 = tpu.bitcast %broadcast_in_dim3A_716 : vector<16xf32> -> vector<16xi32>
    %shift_right_arithmetic3A_718 = arith.constant 1 : i32
    %shift_right_arithmetic3A_719 = vector.broadcast %shift_right_arithmetic3A_718 : i32 to vector<16xi32>
    %shift_right_arithmetic3A_720 = arith.shrsi %bitcast_convert_type3A_717, %shift_right_arithmetic3A_719 : vector<16xi32>
    %sub3A_721 = arith.constant 1597463007 : i32
    %sub3A_722 = vector.broadcast %sub3A_721 : i32 to vector<16xi32>
    %sub3A_723 = arith.subi %sub3A_722, %shift_right_arithmetic3A_720 : vector<16xi32>
    %bitcast_convert_type3A_724 = tpu.bitcast %sub3A_723 : vector<16xi32> -> vector<16xf32>
    %mul3A_725 = arith.constant 5.000000e-01 : f32
    %mul3A_726 = vector.broadcast %mul3A_725 : f32 to vector<16xf32>
    %mul3A_727 = arith.mulf %mul3A_726, %broadcast_in_dim3A_716 : vector<16xf32>
    %mul3A_728 = arith.mulf %mul3A_727, %bitcast_convert_type3A_724 : vector<16xf32>
    %mul3A_729 = arith.mulf %mul3A_728, %bitcast_convert_type3A_724 : vector<16xf32>
    %sub3A_730 = arith.constant 1.500000e+00 : f32
    %sub3A_731 = vector.broadcast %sub3A_730 : f32 to vector<16xf32>
    %sub3A_732 = arith.subf %sub3A_731, %mul3A_729 : vector<16xf32>
    %mul3A_733 = arith.mulf %bitcast_convert_type3A_724, %sub3A_732 : vector<16xf32>
    %mul3A_734 = arith.constant 5.000000e-01 : f32
    %mul3A_735 = vector.broadcast %mul3A_734 : f32 to vector<16xf32>
    %mul3A_736 = arith.mulf %mul3A_735, %broadcast_in_dim3A_716 : vector<16xf32>
    %mul3A_737 = arith.mulf %mul3A_736, %mul3A_733 : vector<16xf32>
    %mul3A_738 = arith.mulf %mul3A_737, %mul3A_733 : vector<16xf32>
    %sub3A_739 = arith.constant 1.500000e+00 : f32
    %sub3A_740 = vector.broadcast %sub3A_739 : f32 to vector<16xf32>
    %sub3A_741 = arith.subf %sub3A_740, %mul3A_738 : vector<16xf32>
    %mul3A_742 = arith.mulf %mul3A_733, %sub3A_741 : vector<16xf32>
    %mul3A_743 = arith.constant 5.000000e-01 : f32
    %mul3A_744 = vector.broadcast %mul3A_743 : f32 to vector<16xf32>
    %mul3A_745 = arith.mulf %mul3A_744, %broadcast_in_dim3A_716 : vector<16xf32>
    %mul3A_746 = arith.mulf %mul3A_745, %mul3A_742 : vector<16xf32>
    %mul3A_747 = arith.mulf %mul3A_746, %mul3A_742 : vector<16xf32>
    %sub3A_748 = arith.constant 1.500000e+00 : f32
    %sub3A_749 = vector.broadcast %sub3A_748 : f32 to vector<16xf32>
    %sub3A_750 = arith.subf %sub3A_749, %mul3A_747 : vector<16xf32>
    %mul3A_751 = arith.mulf %mul3A_742, %sub3A_750 : vector<16xf32>
    %mul3A_752 = arith.mulf %sub3A_706, %mul3A_751 : vector<16xf32>
    %mul3A_753 = arith.mulf %mul3A_752, %get3A_38 : vector<16xf32>
    %add3A_754 = arith.addf %mul3A_753, %get3A_40 : vector<16xf32>
    %max3A_755 = arith.constant 0.000000e+00 : f32
    %max3A_756 = vector.broadcast %max3A_755 : f32 to vector<16xf32>
    %max3A_757 = arith.maximumf %add3A_754, %max3A_756 : vector<16xf32>
    %swap3A_758 = arith.constant 170 : index
    %swap3A_759 = tpu.vector_load %arg19[%swap3A_758] {strides = array<i32>} : memref<374xf32, #tpu.memory_space<vmem>>, vector<16xf32>,
    tpu.vector_store %arg19[%swap3A_758], %max3A_757 {strides = array<i32>} : memref<374xf32, #tpu.memory_space<vmem>>, vector<16xf32>,
    %add3A_760 = arith.constant 11 : i32
    %add3A_761 = vector.broadcast %add3A_760 : i32 to vector<16xi32>
    %add3A_762 = arith.addi %mul3A_35, %add3A_761 : vector<16xi32>
    %gather3A_763 = tpu.vector_load_idx %arg15[%add3A_762] : memref<352xf32, #tpu.memory_space<vmem>>[vector<16xi32>], vector<16xf32>,
    %add3A_764 = arith.addf %gather3A_763, %get3A_36 : vector<16xf32>
    %reduce_sum3A_765 = arith.constant true
    %reduce_sum3A_766 = vector.broadcast %reduce_sum3A_765 : i1 to vector<16xi1>
    %reduce_sum3A_767 = tpu.scan <sum>, %add3A_764 masked %reduce_sum3A_766 : vector<16xf32>, vector<16xi1> -> vector<16xf32>
    %reduce_sum3A_768 = vector.extract %reduce_sum3A_767[15] : f32 from vector<16xf32>
    %mul3A_769 = arith.constant 6.250000e-02 : f32
    %mul3A_770 = arith.mulf %reduce_sum3A_768, %mul3A_769 : f32
    %sub3A_771 = vector.broadcast %mul3A_770 : f32 to vector<16xf32>
    %sub3A_772 = arith.subf %add3A_764, %sub3A_771 : vector<16xf32>
    %mul3A_773 = arith.mulf %sub3A_772, %sub3A_772 : vector<16xf32>
    %reduce_sum3A_774 = arith.constant true
    %reduce_sum3A_775 = vector.broadcast %reduce_sum3A_774 : i1 to vector<16xi1>
    %reduce_sum3A_776 = tpu.scan <sum>, %mul3A_773 masked %reduce_sum3A_775 : vector<16xf32>, vector<16xi1> -> vector<16xf32>
    %reduce_sum3A_777 = vector.extract %reduce_sum3A_776[15] : f32 from vector<16xf32>
    %mul3A_778 = arith.constant 6.250000e-02 : f32
    %mul3A_779 = arith.mulf %reduce_sum3A_777, %mul3A_778 : f32
    %add3A_780 = arith.constant 9.99999974E-6 : f32
    %add3A_781 = arith.addf %mul3A_779, %add3A_780 : f32
    %broadcast_in_dim3A_782 = vector.broadcast %add3A_781 : f32 to vector<16xf32>
    %bitcast_convert_type3A_783 = tpu.bitcast %broadcast_in_dim3A_782 : vector<16xf32> -> vector<16xi32>
    %shift_right_arithmetic3A_784 = arith.constant 1 : i32
    %shift_right_arithmetic3A_785 = vector.broadcast %shift_right_arithmetic3A_784 : i32 to vector<16xi32>
    %shift_right_arithmetic3A_786 = arith.shrsi %bitcast_convert_type3A_783, %shift_right_arithmetic3A_785 : vector<16xi32>
    %sub3A_787 = arith.constant 1597463007 : i32
    %sub3A_788 = vector.broadcast %sub3A_787 : i32 to vector<16xi32>
    %sub3A_789 = arith.subi %sub3A_788, %shift_right_arithmetic3A_786 : vector<16xi32>
    %bitcast_convert_type3A_790 = tpu.bitcast %sub3A_789 : vector<16xi32> -> vector<16xf32>
    %mul3A_791 = arith.constant 5.000000e-01 : f32
    %mul3A_792 = vector.broadcast %mul3A_791 : f32 to vector<16xf32>
    %mul3A_793 = arith.mulf %mul3A_792, %broadcast_in_dim3A_782 : vector<16xf32>
    %mul3A_794 = arith.mulf %mul3A_793, %bitcast_convert_type3A_790 : vector<16xf32>
    %mul3A_795 = arith.mulf %mul3A_794, %bitcast_convert_type3A_790 : vector<16xf32>
    %sub3A_796 = arith.constant 1.500000e+00 : f32
    %sub3A_797 = vector.broadcast %sub3A_796 : f32 to vector<16xf32>
    %sub3A_798 = arith.subf %sub3A_797, %mul3A_795 : vector<16xf32>
    %mul3A_799 = arith.mulf %bitcast_convert_type3A_790, %sub3A_798 : vector<16xf32>
    %mul3A_800 = arith.constant 5.000000e-01 : f32
    %mul3A_801 = vector.broadcast %mul3A_800 : f32 to vector<16xf32>
    %mul3A_802 = arith.mulf %mul3A_801, %broadcast_in_dim3A_782 : vector<16xf32>
    %mul3A_803 = arith.mulf %mul3A_802, %mul3A_799 : vector<16xf32>
    %mul3A_804 = arith.mulf %mul3A_803, %mul3A_799 : vector<16xf32>
    %sub3A_805 = arith.constant 1.500000e+00 : f32
    %sub3A_806 = vector.broadcast %sub3A_805 : f32 to vector<16xf32>
    %sub3A_807 = arith.subf %sub3A_806, %mul3A_804 : vector<16xf32>
    %mul3A_808 = arith.mulf %mul3A_799, %sub3A_807 : vector<16xf32>
    %mul3A_809 = arith.constant 5.000000e-01 : f32
    %mul3A_810 = vector.broadcast %mul3A_809 : f32 to vector<16xf32>
    %mul3A_811 = arith.mulf %mul3A_810, %broadcast_in_dim3A_782 : vector<16xf32>
    %mul3A_812 = arith.mulf %mul3A_811, %mul3A_808 : vector<16xf32>
    %mul3A_813 = arith.mulf %mul3A_812, %mul3A_808 : vector<16xf32>
    %sub3A_814 = arith.constant 1.500000e+00 : f32
    %sub3A_815 = vector.broadcast %sub3A_814 : f32 to vector<16xf32>
    %sub3A_816 = arith.subf %sub3A_815, %mul3A_813 : vector<16xf32>
    %mul3A_817 = arith.mulf %mul3A_808, %sub3A_816 : vector<16xf32>
    %mul3A_818 = arith.mulf %sub3A_772, %mul3A_817 : vector<16xf32>
    %mul3A_819 = arith.mulf %mul3A_818, %get3A_38 : vector<16xf32>
    %add3A_820 = arith.addf %mul3A_819, %get3A_40 : vector<16xf32>
    %max3A_821 = arith.constant 0.000000e+00 : f32
    %max3A_822 = vector.broadcast %max3A_821 : f32 to vector<16xf32>
    %max3A_823 = arith.maximumf %add3A_820, %max3A_822 : vector<16xf32>
    %swap3A_824 = arith.constant 187 : index
    %swap3A_825 = tpu.vector_load %arg19[%swap3A_824] {strides = array<i32>} : memref<374xf32, #tpu.memory_space<vmem>>, vector<16xf32>,
    tpu.vector_store %arg19[%swap3A_824], %max3A_823 {strides = array<i32>} : memref<374xf32, #tpu.memory_space<vmem>>, vector<16xf32>,
    %add3A_826 = arith.constant 12 : i32
    %add3A_827 = vector.broadcast %add3A_826 : i32 to vector<16xi32>
    %add3A_828 = arith.addi %mul3A_35, %add3A_827 : vector<16xi32>
    %gather3A_829 = tpu.vector_load_idx %arg15[%add3A_828] : memref<352xf32, #tpu.memory_space<vmem>>[vector<16xi32>], vector<16xf32>,
    %add3A_830 = arith.addf %gather3A_829, %get3A_36 : vector<16xf32>
    %reduce_sum3A_831 = arith.constant true
    %reduce_sum3A_832 = vector.broadcast %reduce_sum3A_831 : i1 to vector<16xi1>
    %reduce_sum3A_833 = tpu.scan <sum>, %add3A_830 masked %reduce_sum3A_832 : vector<16xf32>, vector<16xi1> -> vector<16xf32>
    %reduce_sum3A_834 = vector.extract %reduce_sum3A_833[15] : f32 from vector<16xf32>
    %mul3A_835 = arith.constant 6.250000e-02 : f32
    %mul3A_836 = arith.mulf %reduce_sum3A_834, %mul3A_835 : f32
    %sub3A_837 = vector.broadcast %mul3A_836 : f32 to vector<16xf32>
    %sub3A_838 = arith.subf %add3A_830, %sub3A_837 : vector<16xf32>
    %mul3A_839 = arith.mulf %sub3A_838, %sub3A_838 : vector<16xf32>
    %reduce_sum3A_840 = arith.constant true
    %reduce_sum3A_841 = vector.broadcast %reduce_sum3A_840 : i1 to vector<16xi1>
    %reduce_sum3A_842 = tpu.scan <sum>, %mul3A_839 masked %reduce_sum3A_841 : vector<16xf32>, vector<16xi1> -> vector<16xf32>
    %reduce_sum3A_843 = vector.extract %reduce_sum3A_842[15] : f32 from vector<16xf32>
    %mul3A_844 = arith.constant 6.250000e-02 : f32
    %mul3A_845 = arith.mulf %reduce_sum3A_843, %mul3A_844 : f32
    %add3A_846 = arith.constant 9.99999974E-6 : f32
    %add3A_847 = arith.addf %mul3A_845, %add3A_846 : f32
    %broadcast_in_dim3A_848 = vector.broadcast %add3A_847 : f32 to vector<16xf32>
    %bitcast_convert_type3A_849 = tpu.bitcast %broadcast_in_dim3A_848 : vector<16xf32> -> vector<16xi32>
    %shift_right_arithmetic3A_850 = arith.constant 1 : i32
    %shift_right_arithmetic3A_851 = vector.broadcast %shift_right_arithmetic3A_850 : i32 to vector<16xi32>
    %shift_right_arithmetic3A_852 = arith.shrsi %bitcast_convert_type3A_849, %shift_right_arithmetic3A_851 : vector<16xi32>
    %sub3A_853 = arith.constant 1597463007 : i32
    %sub3A_854 = vector.broadcast %sub3A_853 : i32 to vector<16xi32>
    %sub3A_855 = arith.subi %sub3A_854, %shift_right_arithmetic3A_852 : vector<16xi32>
    %bitcast_convert_type3A_856 = tpu.bitcast %sub3A_855 : vector<16xi32> -> vector<16xf32>
    %mul3A_857 = arith.constant 5.000000e-01 : f32
    %mul3A_858 = vector.broadcast %mul3A_857 : f32 to vector<16xf32>
    %mul3A_859 = arith.mulf %mul3A_858, %broadcast_in_dim3A_848 : vector<16xf32>
    %mul3A_860 = arith.mulf %mul3A_859, %bitcast_convert_type3A_856 : vector<16xf32>
    %mul3A_861 = arith.mulf %mul3A_860, %bitcast_convert_type3A_856 : vector<16xf32>
    %sub3A_862 = arith.constant 1.500000e+00 : f32
    %sub3A_863 = vector.broadcast %sub3A_862 : f32 to vector<16xf32>
    %sub3A_864 = arith.subf %sub3A_863, %mul3A_861 : vector<16xf32>
    %mul3A_865 = arith.mulf %bitcast_convert_type3A_856, %sub3A_864 : vector<16xf32>
    %mul3A_866 = arith.constant 5.000000e-01 : f32
    %mul3A_867 = vector.broadcast %mul3A_866 : f32 to vector<16xf32>
    %mul3A_868 = arith.mulf %mul3A_867, %broadcast_in_dim3A_848 : vector<16xf32>
    %mul3A_869 = arith.mulf %mul3A_868, %mul3A_865 : vector<16xf32>
    %mul3A_870 = arith.mulf %mul3A_869, %mul3A_865 : vector<16xf32>
    %sub3A_871 = arith.constant 1.500000e+00 : f32
    %sub3A_872 = vector.broadcast %sub3A_871 : f32 to vector<16xf32>
    %sub3A_873 = arith.subf %sub3A_872, %mul3A_870 : vector<16xf32>
    %mul3A_874 = arith.mulf %mul3A_865, %sub3A_873 : vector<16xf32>
    %mul3A_875 = arith.constant 5.000000e-01 : f32
    %mul3A_876 = vector.broadcast %mul3A_875 : f32 to vector<16xf32>
    %mul3A_877 = arith.mulf %mul3A_876, %broadcast_in_dim3A_848 : vector<16xf32>
    %mul3A_878 = arith.mulf %mul3A_877, %mul3A_874 : vector<16xf32>
    %mul3A_879 = arith.mulf %mul3A_878, %mul3A_874 : vector<16xf32>
    %sub3A_880 = arith.constant 1.500000e+00 : f32
    %sub3A_881 = vector.broadcast %sub3A_880 : f32 to vector<16xf32>
    %sub3A_882 = arith.subf %sub3A_881, %mul3A_879 : vector<16xf32>
    %mul3A_883 = arith.mulf %mul3A_874, %sub3A_882 : vector<16xf32>
    %mul3A_884 = arith.mulf %sub3A_838, %mul3A_883 : vector<16xf32>
    %mul3A_885 = arith.mulf %mul3A_884, %get3A_38 : vector<16xf32>
    %add3A_886 = arith.addf %mul3A_885, %get3A_40 : vector<16xf32>
    %max3A_887 = arith.constant 0.000000e+00 : f32
    %max3A_888 = vector.broadcast %max3A_887 : f32 to vector<16xf32>
    %max3A_889 = arith.maximumf %add3A_886, %max3A_888 : vector<16xf32>
    %swap3A_890 = arith.constant 204 : index
    %swap3A_891 = tpu.vector_load %arg19[%swap3A_890] {strides = array<i32>} : memref<374xf32, #tpu.memory_space<vmem>>, vector<16xf32>,
    tpu.vector_store %arg19[%swap3A_890], %max3A_889 {strides = array<i32>} : memref<374xf32, #tpu.memory_space<vmem>>, vector<16xf32>,
    %add3A_892 = arith.constant 13 : i32
    %add3A_893 = vector.broadcast %add3A_892 : i32 to vector<16xi32>
    %add3A_894 = arith.addi %mul3A_35, %add3A_893 : vector<16xi32>
    %gather3A_895 = tpu.vector_load_idx %arg15[%add3A_894] : memref<352xf32, #tpu.memory_space<vmem>>[vector<16xi32>], vector<16xf32>,
    %add3A_896 = arith.addf %gather3A_895, %get3A_36 : vector<16xf32>
    %reduce_sum3A_897 = arith.constant true
    %reduce_sum3A_898 = vector.broadcast %reduce_sum3A_897 : i1 to vector<16xi1>
    %reduce_sum3A_899 = tpu.scan <sum>, %add3A_896 masked %reduce_sum3A_898 : vector<16xf32>, vector<16xi1> -> vector<16xf32>
    %reduce_sum3A_900 = vector.extract %reduce_sum3A_899[15] : f32 from vector<16xf32>
    %mul3A_901 = arith.constant 6.250000e-02 : f32
    %mul3A_902 = arith.mulf %reduce_sum3A_900, %mul3A_901 : f32
    %sub3A_903 = vector.broadcast %mul3A_902 : f32 to vector<16xf32>
    %sub3A_904 = arith.subf %add3A_896, %sub3A_903 : vector<16xf32>
    %mul3A_905 = arith.mulf %sub3A_904, %sub3A_904 : vector<16xf32>
    %reduce_sum3A_906 = arith.constant true
    %reduce_sum3A_907 = vector.broadcast %reduce_sum3A_906 : i1 to vector<16xi1>
    %reduce_sum3A_908 = tpu.scan <sum>, %mul3A_905 masked %reduce_sum3A_907 : vector<16xf32>, vector<16xi1> -> vector<16xf32>
    %reduce_sum3A_909 = vector.extract %reduce_sum3A_908[15] : f32 from vector<16xf32>
    %mul3A_910 = arith.constant 6.250000e-02 : f32
    %mul3A_911 = arith.mulf %reduce_sum3A_909, %mul3A_910 : f32
    %add3A_912 = arith.constant 9.99999974E-6 : f32
    %add3A_913 = arith.addf %mul3A_911, %add3A_912 : f32
    %broadcast_in_dim3A_914 = vector.broadcast %add3A_913 : f32 to vector<16xf32>
    %bitcast_convert_type3A_915 = tpu.bitcast %broadcast_in_dim3A_914 : vector<16xf32> -> vector<16xi32>
    %shift_right_arithmetic3A_916 = arith.constant 1 : i32
    %shift_right_arithmetic3A_917 = vector.broadcast %shift_right_arithmetic3A_916 : i32 to vector<16xi32>
    %shift_right_arithmetic3A_918 = arith.shrsi %bitcast_convert_type3A_915, %shift_right_arithmetic3A_917 : vector<16xi32>
    %sub3A_919 = arith.constant 1597463007 : i32
    %sub3A_920 = vector.broadcast %sub3A_919 : i32 to vector<16xi32>
    %sub3A_921 = arith.subi %sub3A_920, %shift_right_arithmetic3A_918 : vector<16xi32>
    %bitcast_convert_type3A_922 = tpu.bitcast %sub3A_921 : vector<16xi32> -> vector<16xf32>
    %mul3A_923 = arith.constant 5.000000e-01 : f32
    %mul3A_924 = vector.broadcast %mul3A_923 : f32 to vector<16xf32>
    %mul3A_925 = arith.mulf %mul3A_924, %broadcast_in_dim3A_914 : vector<16xf32>
    %mul3A_926 = arith.mulf %mul3A_925, %bitcast_convert_type3A_922 : vector<16xf32>
    %mul3A_927 = arith.mulf %mul3A_926, %bitcast_convert_type3A_922 : vector<16xf32>
    %sub3A_928 = arith.constant 1.500000e+00 : f32
    %sub3A_929 = vector.broadcast %sub3A_928 : f32 to vector<16xf32>
    %sub3A_930 = arith.subf %sub3A_929, %mul3A_927 : vector<16xf32>
    %mul3A_931 = arith.mulf %bitcast_convert_type3A_922, %sub3A_930 : vector<16xf32>
    %mul3A_932 = arith.constant 5.000000e-01 : f32
    %mul3A_933 = vector.broadcast %mul3A_932 : f32 to vector<16xf32>
    %mul3A_934 = arith.mulf %mul3A_933, %broadcast_in_dim3A_914 : vector<16xf32>
    %mul3A_935 = arith.mulf %mul3A_934, %mul3A_931 : vector<16xf32>
    %mul3A_936 = arith.mulf %mul3A_935, %mul3A_931 : vector<16xf32>
    %sub3A_937 = arith.constant 1.500000e+00 : f32
    %sub3A_938 = vector.broadcast %sub3A_937 : f32 to vector<16xf32>
    %sub3A_939 = arith.subf %sub3A_938, %mul3A_936 : vector<16xf32>
    %mul3A_940 = arith.mulf %mul3A_931, %sub3A_939 : vector<16xf32>
    %mul3A_941 = arith.constant 5.000000e-01 : f32
    %mul3A_942 = vector.broadcast %mul3A_941 : f32 to vector<16xf32>
    %mul3A_943 = arith.mulf %mul3A_942, %broadcast_in_dim3A_914 : vector<16xf32>
    %mul3A_944 = arith.mulf %mul3A_943, %mul3A_940 : vector<16xf32>
    %mul3A_945 = arith.mulf %mul3A_944, %mul3A_940 : vector<16xf32>
    %sub3A_946 = arith.constant 1.500000e+00 : f32
    %sub3A_947 = vector.broadcast %sub3A_946 : f32 to vector<16xf32>
    %sub3A_948 = arith.subf %sub3A_947, %mul3A_945 : vector<16xf32>
    %mul3A_949 = arith.mulf %mul3A_940, %sub3A_948 : vector<16xf32>
    %mul3A_950 = arith.mulf %sub3A_904, %mul3A_949 : vector<16xf32>
    %mul3A_951 = arith.mulf %mul3A_950, %get3A_38 : vector<16xf32>
    %add3A_952 = arith.addf %mul3A_951, %get3A_40 : vector<16xf32>
    %max3A_953 = arith.constant 0.000000e+00 : f32
    %max3A_954 = vector.broadcast %max3A_953 : f32 to vector<16xf32>
    %max3A_955 = arith.maximumf %add3A_952, %max3A_954 : vector<16xf32>
    %swap3A_956 = arith.constant 221 : index
    %swap3A_957 = tpu.vector_load %arg19[%swap3A_956] {strides = array<i32>} : memref<374xf32, #tpu.memory_space<vmem>>, vector<16xf32>,
    tpu.vector_store %arg19[%swap3A_956], %max3A_955 {strides = array<i32>} : memref<374xf32, #tpu.memory_space<vmem>>, vector<16xf32>,
    %add3A_958 = arith.constant 14 : i32
    %add3A_959 = vector.broadcast %add3A_958 : i32 to vector<16xi32>
    %add3A_960 = arith.addi %mul3A_35, %add3A_959 : vector<16xi32>
    %gather3A_961 = tpu.vector_load_idx %arg15[%add3A_960] : memref<352xf32, #tpu.memory_space<vmem>>[vector<16xi32>], vector<16xf32>,
    %add3A_962 = arith.addf %gather3A_961, %get3A_36 : vector<16xf32>
    %reduce_sum3A_963 = arith.constant true
    %reduce_sum3A_964 = vector.broadcast %reduce_sum3A_963 : i1 to vector<16xi1>
    %reduce_sum3A_965 = tpu.scan <sum>, %add3A_962 masked %reduce_sum3A_964 : vector<16xf32>, vector<16xi1> -> vector<16xf32>
    %reduce_sum3A_966 = vector.extract %reduce_sum3A_965[15] : f32 from vector<16xf32>
    %mul3A_967 = arith.constant 6.250000e-02 : f32
    %mul3A_968 = arith.mulf %reduce_sum3A_966, %mul3A_967 : f32
    %sub3A_969 = vector.broadcast %mul3A_968 : f32 to vector<16xf32>
    %sub3A_970 = arith.subf %add3A_962, %sub3A_969 : vector<16xf32>
    %mul3A_971 = arith.mulf %sub3A_970, %sub3A_970 : vector<16xf32>
    %reduce_sum3A_972 = arith.constant true
    %reduce_sum3A_973 = vector.broadcast %reduce_sum3A_972 : i1 to vector<16xi1>
    %reduce_sum3A_974 = tpu.scan <sum>, %mul3A_971 masked %reduce_sum3A_973 : vector<16xf32>, vector<16xi1> -> vector<16xf32>
    %reduce_sum3A_975 = vector.extract %reduce_sum3A_974[15] : f32 from vector<16xf32>
    %mul3A_976 = arith.constant 6.250000e-02 : f32
    %mul3A_977 = arith.mulf %reduce_sum3A_975, %mul3A_976 : f32
    %add3A_978 = arith.constant 9.99999974E-6 : f32
    %add3A_979 = arith.addf %mul3A_977, %add3A_978 : f32
    %broadcast_in_dim3A_980 = vector.broadcast %add3A_979 : f32 to vector<16xf32>
    %bitcast_convert_type3A_981 = tpu.bitcast %broadcast_in_dim3A_980 : vector<16xf32> -> vector<16xi32>
    %shift_right_arithmetic3A_982 = arith.constant 1 : i32
    %shift_right_arithmetic3A_983 = vector.broadcast %shift_right_arithmetic3A_982 : i32 to vector<16xi32>
    %shift_right_arithmetic3A_984 = arith.shrsi %bitcast_convert_type3A_981, %shift_right_arithmetic3A_983 : vector<16xi32>
    %sub3A_985 = arith.constant 1597463007 : i32
    %sub3A_986 = vector.broadcast %sub3A_985 : i32 to vector<16xi32>
    %sub3A_987 = arith.subi %sub3A_986, %shift_right_arithmetic3A_984 : vector<16xi32>
    %bitcast_convert_type3A_988 = tpu.bitcast %sub3A_987 : vector<16xi32> -> vector<16xf32>
    %mul3A_989 = arith.constant 5.000000e-01 : f32
    %mul3A_990 = vector.broadcast %mul3A_989 : f32 to vector<16xf32>
    %mul3A_991 = arith.mulf %mul3A_990, %broadcast_in_dim3A_980 : vector<16xf32>
    %mul3A_992 = arith.mulf %mul3A_991, %bitcast_convert_type3A_988 : vector<16xf32>
    %mul3A_993 = arith.mulf %mul3A_992, %bitcast_convert_type3A_988 : vector<16xf32>
    %sub3A_994 = arith.constant 1.500000e+00 : f32
    %sub3A_995 = vector.broadcast %sub3A_994 : f32 to vector<16xf32>
    %sub3A_996 = arith.subf %sub3A_995, %mul3A_993 : vector<16xf32>
    %mul3A_997 = arith.mulf %bitcast_convert_type3A_988, %sub3A_996 : vector<16xf32>
    %mul3A_998 = arith.constant 5.000000e-01 : f32
    %mul3A_999 = vector.broadcast %mul3A_998 : f32 to vector<16xf32>
    %mul3A_1000 = arith.mulf %mul3A_999, %broadcast_in_dim3A_980 : vector<16xf32>
    %mul3A_1001 = arith.mulf %mul3A_1000, %mul3A_997 : vector<16xf32>
    %mul3A_1002 = arith.mulf %mul3A_1001, %mul3A_997 : vector<16xf32>
    %sub3A_1003 = arith.constant 1.500000e+00 : f32
    %sub3A_1004 = vector.broadcast %sub3A_1003 : f32 to vector<16xf32>
    %sub3A_1005 = arith.subf %sub3A_1004, %mul3A_1002 : vector<16xf32>
    %mul3A_1006 = arith.mulf %mul3A_997, %sub3A_1005 : vector<16xf32>
    %mul3A_1007 = arith.constant 5.000000e-01 : f32
    %mul3A_1008 = vector.broadcast %mul3A_1007 : f32 to vector<16xf32>
    %mul3A_1009 = arith.mulf %mul3A_1008, %broadcast_in_dim3A_980 : vector<16xf32>
    %mul3A_1010 = arith.mulf %mul3A_1009, %mul3A_1006 : vector<16xf32>
    %mul3A_1011 = arith.mulf %mul3A_1010, %mul3A_1006 : vector<16xf32>
    %sub3A_1012 = arith.constant 1.500000e+00 : f32
    %sub3A_1013 = vector.broadcast %sub3A_1012 : f32 to vector<16xf32>
    %sub3A_1014 = arith.subf %sub3A_1013, %mul3A_1011 : vector<16xf32>
    %mul3A_1015 = arith.mulf %mul3A_1006, %sub3A_1014 : vector<16xf32>
    %mul3A_1016 = arith.mulf %sub3A_970, %mul3A_1015 : vector<16xf32>
    %mul3A_1017 = arith.mulf %mul3A_1016, %get3A_38 : vector<16xf32>
    %add3A_1018 = arith.addf %mul3A_1017, %get3A_40 : vector<16xf32>
    %max3A_1019 = arith.constant 0.000000e+00 : f32
    %max3A_1020 = vector.broadcast %max3A_1019 : f32 to vector<16xf32>
    %max3A_1021 = arith.maximumf %add3A_1018, %max3A_1020 : vector<16xf32>
    %swap3A_1022 = arith.constant 238 : index
    %swap3A_1023 = tpu.vector_load %arg19[%swap3A_1022] {strides = array<i32>} : memref<374xf32, #tpu.memory_space<vmem>>, vector<16xf32>,
    tpu.vector_store %arg19[%swap3A_1022], %max3A_1021 {strides = array<i32>} : memref<374xf32, #tpu.memory_space<vmem>>, vector<16xf32>,
    %add3A_1024 = arith.constant 15 : i32
    %add3A_1025 = vector.broadcast %add3A_1024 : i32 to vector<16xi32>
    %add3A_1026 = arith.addi %mul3A_35, %add3A_1025 : vector<16xi32>
    %gather3A_1027 = tpu.vector_load_idx %arg15[%add3A_1026] : memref<352xf32, #tpu.memory_space<vmem>>[vector<16xi32>], vector<16xf32>,
    %add3A_1028 = arith.addf %gather3A_1027, %get3A_36 : vector<16xf32>
    %reduce_sum3A_1029 = arith.constant true
    %reduce_sum3A_1030 = vector.broadcast %reduce_sum3A_1029 : i1 to vector<16xi1>
    %reduce_sum3A_1031 = tpu.scan <sum>, %add3A_1028 masked %reduce_sum3A_1030 : vector<16xf32>, vector<16xi1> -> vector<16xf32>
    %reduce_sum3A_1032 = vector.extract %reduce_sum3A_1031[15] : f32 from vector<16xf32>
    %mul3A_1033 = arith.constant 6.250000e-02 : f32
    %mul3A_1034 = arith.mulf %reduce_sum3A_1032, %mul3A_1033 : f32
    %sub3A_1035 = vector.broadcast %mul3A_1034 : f32 to vector<16xf32>
    %sub3A_1036 = arith.subf %add3A_1028, %sub3A_1035 : vector<16xf32>
    %mul3A_1037 = arith.mulf %sub3A_1036, %sub3A_1036 : vector<16xf32>
    %reduce_sum3A_1038 = arith.constant true
    %reduce_sum3A_1039 = vector.broadcast %reduce_sum3A_1038 : i1 to vector<16xi1>
    %reduce_sum3A_1040 = tpu.scan <sum>, %mul3A_1037 masked %reduce_sum3A_1039 : vector<16xf32>, vector<16xi1> -> vector<16xf32>
    %reduce_sum3A_1041 = vector.extract %reduce_sum3A_1040[15] : f32 from vector<16xf32>
    %mul3A_1042 = arith.constant 6.250000e-02 : f32
    %mul3A_1043 = arith.mulf %reduce_sum3A_1041, %mul3A_1042 : f32
    %add3A_1044 = arith.constant 9.99999974E-6 : f32
    %add3A_1045 = arith.addf %mul3A_1043, %add3A_1044 : f32
    %broadcast_in_dim3A_1046 = vector.broadcast %add3A_1045 : f32 to vector<16xf32>
    %bitcast_convert_type3A_1047 = tpu.bitcast %broadcast_in_dim3A_1046 : vector<16xf32> -> vector<16xi32>
    %shift_right_arithmetic3A_1048 = arith.constant 1 : i32
    %shift_right_arithmetic3A_1049 = vector.broadcast %shift_right_arithmetic3A_1048 : i32 to vector<16xi32>
    %shift_right_arithmetic3A_1050 = arith.shrsi %bitcast_convert_type3A_1047, %shift_right_arithmetic3A_1049 : vector<16xi32>
    %sub3A_1051 = arith.constant 1597463007 : i32
    %sub3A_1052 = vector.broadcast %sub3A_1051 : i32 to vector<16xi32>
    %sub3A_1053 = arith.subi %sub3A_1052, %shift_right_arithmetic3A_1050 : vector<16xi32>
    %bitcast_convert_type3A_1054 = tpu.bitcast %sub3A_1053 : vector<16xi32> -> vector<16xf32>
    %mul3A_1055 = arith.constant 5.000000e-01 : f32
    %mul3A_1056 = vector.broadcast %mul3A_1055 : f32 to vector<16xf32>
    %mul3A_1057 = arith.mulf %mul3A_1056, %broadcast_in_dim3A_1046 : vector<16xf32>
    %mul3A_1058 = arith.mulf %mul3A_1057, %bitcast_convert_type3A_1054 : vector<16xf32>
    %mul3A_1059 = arith.mulf %mul3A_1058, %bitcast_convert_type3A_1054 : vector<16xf32>
    %sub3A_1060 = arith.constant 1.500000e+00 : f32
    %sub3A_1061 = vector.broadcast %sub3A_1060 : f32 to vector<16xf32>
    %sub3A_1062 = arith.subf %sub3A_1061, %mul3A_1059 : vector<16xf32>
    %mul3A_1063 = arith.mulf %bitcast_convert_type3A_1054, %sub3A_1062 : vector<16xf32>
    %mul3A_1064 = arith.constant 5.000000e-01 : f32
    %mul3A_1065 = vector.broadcast %mul3A_1064 : f32 to vector<16xf32>
    %mul3A_1066 = arith.mulf %mul3A_1065, %broadcast_in_dim3A_1046 : vector<16xf32>
    %mul3A_1067 = arith.mulf %mul3A_1066, %mul3A_1063 : vector<16xf32>
    %mul3A_1068 = arith.mulf %mul3A_1067, %mul3A_1063 : vector<16xf32>
    %sub3A_1069 = arith.constant 1.500000e+00 : f32
    %sub3A_1070 = vector.broadcast %sub3A_1069 : f32 to vector<16xf32>
    %sub3A_1071 = arith.subf %sub3A_1070, %mul3A_1068 : vector<16xf32>
    %mul3A_1072 = arith.mulf %mul3A_1063, %sub3A_1071 : vector<16xf32>
    %mul3A_1073 = arith.constant 5.000000e-01 : f32
    %mul3A_1074 = vector.broadcast %mul3A_1073 : f32 to vector<16xf32>
    %mul3A_1075 = arith.mulf %mul3A_1074, %broadcast_in_dim3A_1046 : vector<16xf32>
    %mul3A_1076 = arith.mulf %mul3A_1075, %mul3A_1072 : vector<16xf32>
    %mul3A_1077 = arith.mulf %mul3A_1076, %mul3A_1072 : vector<16xf32>
    %sub3A_1078 = arith.constant 1.500000e+00 : f32
    %sub3A_1079 = vector.broadcast %sub3A_1078 : f32 to vector<16xf32>
    %sub3A_1080 = arith.subf %sub3A_1079, %mul3A_1077 : vector<16xf32>
    %mul3A_1081 = arith.mulf %mul3A_1072, %sub3A_1080 : vector<16xf32>
    %mul3A_1082 = arith.mulf %sub3A_1036, %mul3A_1081 : vector<16xf32>
    %mul3A_1083 = arith.mulf %mul3A_1082, %get3A_38 : vector<16xf32>
    %add3A_1084 = arith.addf %mul3A_1083, %get3A_40 : vector<16xf32>
    %max3A_1085 = arith.constant 0.000000e+00 : f32
    %max3A_1086 = vector.broadcast %max3A_1085 : f32 to vector<16xf32>
    %max3A_1087 = arith.maximumf %add3A_1084, %max3A_1086 : vector<16xf32>
    %swap3A_1088 = arith.constant 255 : index
    %swap3A_1089 = tpu.vector_load %arg19[%swap3A_1088] {strides = array<i32>} : memref<374xf32, #tpu.memory_space<vmem>>, vector<16xf32>,
    tpu.vector_store %arg19[%swap3A_1088], %max3A_1087 {strides = array<i32>} : memref<374xf32, #tpu.memory_space<vmem>>, vector<16xf32>,
    %add3A_1090 = arith.constant 16 : i32
    %add3A_1091 = vector.broadcast %add3A_1090 : i32 to vector<16xi32>
    %add3A_1092 = arith.addi %mul3A_35, %add3A_1091 : vector<16xi32>
    %gather3A_1093 = tpu.vector_load_idx %arg15[%add3A_1092] : memref<352xf32, #tpu.memory_space<vmem>>[vector<16xi32>], vector<16xf32>,
    %add3A_1094 = arith.addf %gather3A_1093, %get3A_36 : vector<16xf32>
    %reduce_sum3A_1095 = arith.constant true
    %reduce_sum3A_1096 = vector.broadcast %reduce_sum3A_1095 : i1 to vector<16xi1>
    %reduce_sum3A_1097 = tpu.scan <sum>, %add3A_1094 masked %reduce_sum3A_1096 : vector<16xf32>, vector<16xi1> -> vector<16xf32>
    %reduce_sum3A_1098 = vector.extract %reduce_sum3A_1097[15] : f32 from vector<16xf32>
    %mul3A_1099 = arith.constant 6.250000e-02 : f32
    %mul3A_1100 = arith.mulf %reduce_sum3A_1098, %mul3A_1099 : f32
    %sub3A_1101 = vector.broadcast %mul3A_1100 : f32 to vector<16xf32>
    %sub3A_1102 = arith.subf %add3A_1094, %sub3A_1101 : vector<16xf32>
    %mul3A_1103 = arith.mulf %sub3A_1102, %sub3A_1102 : vector<16xf32>
    %reduce_sum3A_1104 = arith.constant true
    %reduce_sum3A_1105 = vector.broadcast %reduce_sum3A_1104 : i1 to vector<16xi1>
    %reduce_sum3A_1106 = tpu.scan <sum>, %mul3A_1103 masked %reduce_sum3A_1105 : vector<16xf32>, vector<16xi1> -> vector<16xf32>
    %reduce_sum3A_1107 = vector.extract %reduce_sum3A_1106[15] : f32 from vector<16xf32>
    %mul3A_1108 = arith.constant 6.250000e-02 : f32
    %mul3A_1109 = arith.mulf %reduce_sum3A_1107, %mul3A_1108 : f32
    %add3A_1110 = arith.constant 9.99999974E-6 : f32
    %add3A_1111 = arith.addf %mul3A_1109, %add3A_1110 : f32
    %broadcast_in_dim3A_1112 = vector.broadcast %add3A_1111 : f32 to vector<16xf32>
    %bitcast_convert_type3A_1113 = tpu.bitcast %broadcast_in_dim3A_1112 : vector<16xf32> -> vector<16xi32>
    %shift_right_arithmetic3A_1114 = arith.constant 1 : i32
    %shift_right_arithmetic3A_1115 = vector.broadcast %shift_right_arithmetic3A_1114 : i32 to vector<16xi32>
    %shift_right_arithmetic3A_1116 = arith.shrsi %bitcast_convert_type3A_1113, %shift_right_arithmetic3A_1115 : vector<16xi32>
    %sub3A_1117 = arith.constant 1597463007 : i32
    %sub3A_1118 = vector.broadcast %sub3A_1117 : i32 to vector<16xi32>
    %sub3A_1119 = arith.subi %sub3A_1118, %shift_right_arithmetic3A_1116 : vector<16xi32>
    %bitcast_convert_type3A_1120 = tpu.bitcast %sub3A_1119 : vector<16xi32> -> vector<16xf32>
    %mul3A_1121 = arith.constant 5.000000e-01 : f32
    %mul3A_1122 = vector.broadcast %mul3A_1121 : f32 to vector<16xf32>
    %mul3A_1123 = arith.mulf %mul3A_1122, %broadcast_in_dim3A_1112 : vector<16xf32>
    %mul3A_1124 = arith.mulf %mul3A_1123, %bitcast_convert_type3A_1120 : vector<16xf32>
    %mul3A_1125 = arith.mulf %mul3A_1124, %bitcast_convert_type3A_1120 : vector<16xf32>
    %sub3A_1126 = arith.constant 1.500000e+00 : f32
    %sub3A_1127 = vector.broadcast %sub3A_1126 : f32 to vector<16xf32>
    %sub3A_1128 = arith.subf %sub3A_1127, %mul3A_1125 : vector<16xf32>
    %mul3A_1129 = arith.mulf %bitcast_convert_type3A_1120, %sub3A_1128 : vector<16xf32>
    %mul3A_1130 = arith.constant 5.000000e-01 : f32
    %mul3A_1131 = vector.broadcast %mul3A_1130 : f32 to vector<16xf32>
    %mul3A_1132 = arith.mulf %mul3A_1131, %broadcast_in_dim3A_1112 : vector<16xf32>
    %mul3A_1133 = arith.mulf %mul3A_1132, %mul3A_1129 : vector<16xf32>
    %mul3A_1134 = arith.mulf %mul3A_1133, %mul3A_1129 : vector<16xf32>
    %sub3A_1135 = arith.constant 1.500000e+00 : f32
    %sub3A_1136 = vector.broadcast %sub3A_1135 : f32 to vector<16xf32>
    %sub3A_1137 = arith.subf %sub3A_1136, %mul3A_1134 : vector<16xf32>
    %mul3A_1138 = arith.mulf %mul3A_1129, %sub3A_1137 : vector<16xf32>
    %mul3A_1139 = arith.constant 5.000000e-01 : f32
    %mul3A_1140 = vector.broadcast %mul3A_1139 : f32 to vector<16xf32>
    %mul3A_1141 = arith.mulf %mul3A_1140, %broadcast_in_dim3A_1112 : vector<16xf32>
    %mul3A_1142 = arith.mulf %mul3A_1141, %mul3A_1138 : vector<16xf32>
    %mul3A_1143 = arith.mulf %mul3A_1142, %mul3A_1138 : vector<16xf32>
    %sub3A_1144 = arith.constant 1.500000e+00 : f32
    %sub3A_1145 = vector.broadcast %sub3A_1144 : f32 to vector<16xf32>
    %sub3A_1146 = arith.subf %sub3A_1145, %mul3A_1143 : vector<16xf32>
    %mul3A_1147 = arith.mulf %mul3A_1138, %sub3A_1146 : vector<16xf32>
    %mul3A_1148 = arith.mulf %sub3A_1102, %mul3A_1147 : vector<16xf32>
    %mul3A_1149 = arith.mulf %mul3A_1148, %get3A_38 : vector<16xf32>
    %add3A_1150 = arith.addf %mul3A_1149, %get3A_40 : vector<16xf32>
    %max3A_1151 = arith.constant 0.000000e+00 : f32
    %max3A_1152 = vector.broadcast %max3A_1151 : f32 to vector<16xf32>
    %max3A_1153 = arith.maximumf %add3A_1150, %max3A_1152 : vector<16xf32>
    %swap3A_1154 = arith.constant 272 : index
    %swap3A_1155 = tpu.vector_load %arg19[%swap3A_1154] {strides = array<i32>} : memref<374xf32, #tpu.memory_space<vmem>>, vector<16xf32>,
    tpu.vector_store %arg19[%swap3A_1154], %max3A_1153 {strides = array<i32>} : memref<374xf32, #tpu.memory_space<vmem>>, vector<16xf32>,
    %add3A_1156 = arith.constant 17 : i32
    %add3A_1157 = vector.broadcast %add3A_1156 : i32 to vector<16xi32>
    %add3A_1158 = arith.addi %mul3A_35, %add3A_1157 : vector<16xi32>
    %gather3A_1159 = tpu.vector_load_idx %arg15[%add3A_1158] : memref<352xf32, #tpu.memory_space<vmem>>[vector<16xi32>], vector<16xf32>,
    %add3A_1160 = arith.addf %gather3A_1159, %get3A_36 : vector<16xf32>
    %reduce_sum3A_1161 = arith.constant true
    %reduce_sum3A_1162 = vector.broadcast %reduce_sum3A_1161 : i1 to vector<16xi1>
    %reduce_sum3A_1163 = tpu.scan <sum>, %add3A_1160 masked %reduce_sum3A_1162 : vector<16xf32>, vector<16xi1> -> vector<16xf32>
    %reduce_sum3A_1164 = vector.extract %reduce_sum3A_1163[15] : f32 from vector<16xf32>
    %mul3A_1165 = arith.constant 6.250000e-02 : f32
    %mul3A_1166 = arith.mulf %reduce_sum3A_1164, %mul3A_1165 : f32
    %sub3A_1167 = vector.broadcast %mul3A_1166 : f32 to vector<16xf32>
    %sub3A_1168 = arith.subf %add3A_1160, %sub3A_1167 : vector<16xf32>
    %mul3A_1169 = arith.mulf %sub3A_1168, %sub3A_1168 : vector<16xf32>
    %reduce_sum3A_1170 = arith.constant true
    %reduce_sum3A_1171 = vector.broadcast %reduce_sum3A_1170 : i1 to vector<16xi1>
    %reduce_sum3A_1172 = tpu.scan <sum>, %mul3A_1169 masked %reduce_sum3A_1171 : vector<16xf32>, vector<16xi1> -> vector<16xf32>
    %reduce_sum3A_1173 = vector.extract %reduce_sum3A_1172[15] : f32 from vector<16xf32>
    %mul3A_1174 = arith.constant 6.250000e-02 : f32
    %mul3A_1175 = arith.mulf %reduce_sum3A_1173, %mul3A_1174 : f32
    %add3A_1176 = arith.constant 9.99999974E-6 : f32
    %add3A_1177 = arith.addf %mul3A_1175, %add3A_1176 : f32
    %broadcast_in_dim3A_1178 = vector.broadcast %add3A_1177 : f32 to vector<16xf32>
    %bitcast_convert_type3A_1179 = tpu.bitcast %broadcast_in_dim3A_1178 : vector<16xf32> -> vector<16xi32>
    %shift_right_arithmetic3A_1180 = arith.constant 1 : i32
    %shift_right_arithmetic3A_1181 = vector.broadcast %shift_right_arithmetic3A_1180 : i32 to vector<16xi32>
    %shift_right_arithmetic3A_1182 = arith.shrsi %bitcast_convert_type3A_1179, %shift_right_arithmetic3A_1181 : vector<16xi32>
    %sub3A_1183 = arith.constant 1597463007 : i32
    %sub3A_1184 = vector.broadcast %sub3A_1183 : i32 to vector<16xi32>
    %sub3A_1185 = arith.subi %sub3A_1184, %shift_right_arithmetic3A_1182 : vector<16xi32>
    %bitcast_convert_type3A_1186 = tpu.bitcast %sub3A_1185 : vector<16xi32> -> vector<16xf32>
    %mul3A_1187 = arith.constant 5.000000e-01 : f32
    %mul3A_1188 = vector.broadcast %mul3A_1187 : f32 to vector<16xf32>
    %mul3A_1189 = arith.mulf %mul3A_1188, %broadcast_in_dim3A_1178 : vector<16xf32>
    %mul3A_1190 = arith.mulf %mul3A_1189, %bitcast_convert_type3A_1186 : vector<16xf32>
    %mul3A_1191 = arith.mulf %mul3A_1190, %bitcast_convert_type3A_1186 : vector<16xf32>
    %sub3A_1192 = arith.constant 1.500000e+00 : f32
    %sub3A_1193 = vector.broadcast %sub3A_1192 : f32 to vector<16xf32>
    %sub3A_1194 = arith.subf %sub3A_1193, %mul3A_1191 : vector<16xf32>
    %mul3A_1195 = arith.mulf %bitcast_convert_type3A_1186, %sub3A_1194 : vector<16xf32>
    %mul3A_1196 = arith.constant 5.000000e-01 : f32
    %mul3A_1197 = vector.broadcast %mul3A_1196 : f32 to vector<16xf32>
    %mul3A_1198 = arith.mulf %mul3A_1197, %broadcast_in_dim3A_1178 : vector<16xf32>
    %mul3A_1199 = arith.mulf %mul3A_1198, %mul3A_1195 : vector<16xf32>
    %mul3A_1200 = arith.mulf %mul3A_1199, %mul3A_1195 : vector<16xf32>
    %sub3A_1201 = arith.constant 1.500000e+00 : f32
    %sub3A_1202 = vector.broadcast %sub3A_1201 : f32 to vector<16xf32>
    %sub3A_1203 = arith.subf %sub3A_1202, %mul3A_1200 : vector<16xf32>
    %mul3A_1204 = arith.mulf %mul3A_1195, %sub3A_1203 : vector<16xf32>
    %mul3A_1205 = arith.constant 5.000000e-01 : f32
    %mul3A_1206 = vector.broadcast %mul3A_1205 : f32 to vector<16xf32>
    %mul3A_1207 = arith.mulf %mul3A_1206, %broadcast_in_dim3A_1178 : vector<16xf32>
    %mul3A_1208 = arith.mulf %mul3A_1207, %mul3A_1204 : vector<16xf32>
    %mul3A_1209 = arith.mulf %mul3A_1208, %mul3A_1204 : vector<16xf32>
    %sub3A_1210 = arith.constant 1.500000e+00 : f32
    %sub3A_1211 = vector.broadcast %sub3A_1210 : f32 to vector<16xf32>
    %sub3A_1212 = arith.subf %sub3A_1211, %mul3A_1209 : vector<16xf32>
    %mul3A_1213 = arith.mulf %mul3A_1204, %sub3A_1212 : vector<16xf32>
    %mul3A_1214 = arith.mulf %sub3A_1168, %mul3A_1213 : vector<16xf32>
    %mul3A_1215 = arith.mulf %mul3A_1214, %get3A_38 : vector<16xf32>
    %add3A_1216 = arith.addf %mul3A_1215, %get3A_40 : vector<16xf32>
    %max3A_1217 = arith.constant 0.000000e+00 : f32
    %max3A_1218 = vector.broadcast %max3A_1217 : f32 to vector<16xf32>
    %max3A_1219 = arith.maximumf %add3A_1216, %max3A_1218 : vector<16xf32>
    %swap3A_1220 = arith.constant 289 : index
    %swap3A_1221 = tpu.vector_load %arg19[%swap3A_1220] {strides = array<i32>} : memref<374xf32, #tpu.memory_space<vmem>>, vector<16xf32>,
    tpu.vector_store %arg19[%swap3A_1220], %max3A_1219 {strides = array<i32>} : memref<374xf32, #tpu.memory_space<vmem>>, vector<16xf32>,
    %add3A_1222 = arith.constant 18 : i32
    %add3A_1223 = vector.broadcast %add3A_1222 : i32 to vector<16xi32>
    %add3A_1224 = arith.addi %mul3A_35, %add3A_1223 : vector<16xi32>
    %gather3A_1225 = tpu.vector_load_idx %arg15[%add3A_1224] : memref<352xf32, #tpu.memory_space<vmem>>[vector<16xi32>], vector<16xf32>,
    %add3A_1226 = arith.addf %gather3A_1225, %get3A_36 : vector<16xf32>
    %reduce_sum3A_1227 = arith.constant true
    %reduce_sum3A_1228 = vector.broadcast %reduce_sum3A_1227 : i1 to vector<16xi1>
    %reduce_sum3A_1229 = tpu.scan <sum>, %add3A_1226 masked %reduce_sum3A_1228 : vector<16xf32>, vector<16xi1> -> vector<16xf32>
    %reduce_sum3A_1230 = vector.extract %reduce_sum3A_1229[15] : f32 from vector<16xf32>
    %mul3A_1231 = arith.constant 6.250000e-02 : f32
    %mul3A_1232 = arith.mulf %reduce_sum3A_1230, %mul3A_1231 : f32
    %sub3A_1233 = vector.broadcast %mul3A_1232 : f32 to vector<16xf32>
    %sub3A_1234 = arith.subf %add3A_1226, %sub3A_1233 : vector<16xf32>
    %mul3A_1235 = arith.mulf %sub3A_1234, %sub3A_1234 : vector<16xf32>
    %reduce_sum3A_1236 = arith.constant true
    %reduce_sum3A_1237 = vector.broadcast %reduce_sum3A_1236 : i1 to vector<16xi1>
    %reduce_sum3A_1238 = tpu.scan <sum>, %mul3A_1235 masked %reduce_sum3A_1237 : vector<16xf32>, vector<16xi1> -> vector<16xf32>
    %reduce_sum3A_1239 = vector.extract %reduce_sum3A_1238[15] : f32 from vector<16xf32>
    %mul3A_1240 = arith.constant 6.250000e-02 : f32
    %mul3A_1241 = arith.mulf %reduce_sum3A_1239, %mul3A_1240 : f32
    %add3A_1242 = arith.constant 9.99999974E-6 : f32
    %add3A_1243 = arith.addf %mul3A_1241, %add3A_1242 : f32
    %broadcast_in_dim3A_1244 = vector.broadcast %add3A_1243 : f32 to vector<16xf32>
    %bitcast_convert_type3A_1245 = tpu.bitcast %broadcast_in_dim3A_1244 : vector<16xf32> -> vector<16xi32>
    %shift_right_arithmetic3A_1246 = arith.constant 1 : i32
    %shift_right_arithmetic3A_1247 = vector.broadcast %shift_right_arithmetic3A_1246 : i32 to vector<16xi32>
    %shift_right_arithmetic3A_1248 = arith.shrsi %bitcast_convert_type3A_1245, %shift_right_arithmetic3A_1247 : vector<16xi32>
    %sub3A_1249 = arith.constant 1597463007 : i32
    %sub3A_1250 = vector.broadcast %sub3A_1249 : i32 to vector<16xi32>
    %sub3A_1251 = arith.subi %sub3A_1250, %shift_right_arithmetic3A_1248 : vector<16xi32>
    %bitcast_convert_type3A_1252 = tpu.bitcast %sub3A_1251 : vector<16xi32> -> vector<16xf32>
    %mul3A_1253 = arith.constant 5.000000e-01 : f32
    %mul3A_1254 = vector.broadcast %mul3A_1253 : f32 to vector<16xf32>
    %mul3A_1255 = arith.mulf %mul3A_1254, %broadcast_in_dim3A_1244 : vector<16xf32>
    %mul3A_1256 = arith.mulf %mul3A_1255, %bitcast_convert_type3A_1252 : vector<16xf32>
    %mul3A_1257 = arith.mulf %mul3A_1256, %bitcast_convert_type3A_1252 : vector<16xf32>
    %sub3A_1258 = arith.constant 1.500000e+00 : f32
    %sub3A_1259 = vector.broadcast %sub3A_1258 : f32 to vector<16xf32>
    %sub3A_1260 = arith.subf %sub3A_1259, %mul3A_1257 : vector<16xf32>
    %mul3A_1261 = arith.mulf %bitcast_convert_type3A_1252, %sub3A_1260 : vector<16xf32>
    %mul3A_1262 = arith.constant 5.000000e-01 : f32
    %mul3A_1263 = vector.broadcast %mul3A_1262 : f32 to vector<16xf32>
    %mul3A_1264 = arith.mulf %mul3A_1263, %broadcast_in_dim3A_1244 : vector<16xf32>
    %mul3A_1265 = arith.mulf %mul3A_1264, %mul3A_1261 : vector<16xf32>
    %mul3A_1266 = arith.mulf %mul3A_1265, %mul3A_1261 : vector<16xf32>
    %sub3A_1267 = arith.constant 1.500000e+00 : f32
    %sub3A_1268 = vector.broadcast %sub3A_1267 : f32 to vector<16xf32>
    %sub3A_1269 = arith.subf %sub3A_1268, %mul3A_1266 : vector<16xf32>
    %mul3A_1270 = arith.mulf %mul3A_1261, %sub3A_1269 : vector<16xf32>
    %mul3A_1271 = arith.constant 5.000000e-01 : f32
    %mul3A_1272 = vector.broadcast %mul3A_1271 : f32 to vector<16xf32>
    %mul3A_1273 = arith.mulf %mul3A_1272, %broadcast_in_dim3A_1244 : vector<16xf32>
    %mul3A_1274 = arith.mulf %mul3A_1273, %mul3A_1270 : vector<16xf32>
    %mul3A_1275 = arith.mulf %mul3A_1274, %mul3A_1270 : vector<16xf32>
    %sub3A_1276 = arith.constant 1.500000e+00 : f32
    %sub3A_1277 = vector.broadcast %sub3A_1276 : f32 to vector<16xf32>
    %sub3A_1278 = arith.subf %sub3A_1277, %mul3A_1275 : vector<16xf32>
    %mul3A_1279 = arith.mulf %mul3A_1270, %sub3A_1278 : vector<16xf32>
    %mul3A_1280 = arith.mulf %sub3A_1234, %mul3A_1279 : vector<16xf32>
    %mul3A_1281 = arith.mulf %mul3A_1280, %get3A_38 : vector<16xf32>
    %add3A_1282 = arith.addf %mul3A_1281, %get3A_40 : vector<16xf32>
    %max3A_1283 = arith.constant 0.000000e+00 : f32
    %max3A_1284 = vector.broadcast %max3A_1283 : f32 to vector<16xf32>
    %max3A_1285 = arith.maximumf %add3A_1282, %max3A_1284 : vector<16xf32>
    %swap3A_1286 = arith.constant 306 : index
    %swap3A_1287 = tpu.vector_load %arg19[%swap3A_1286] {strides = array<i32>} : memref<374xf32, #tpu.memory_space<vmem>>, vector<16xf32>,
    tpu.vector_store %arg19[%swap3A_1286], %max3A_1285 {strides = array<i32>} : memref<374xf32, #tpu.memory_space<vmem>>, vector<16xf32>,
    %add3A_1288 = arith.constant 19 : i32
    %add3A_1289 = vector.broadcast %add3A_1288 : i32 to vector<16xi32>
    %add3A_1290 = arith.addi %mul3A_35, %add3A_1289 : vector<16xi32>
    %gather3A_1291 = tpu.vector_load_idx %arg15[%add3A_1290] : memref<352xf32, #tpu.memory_space<vmem>>[vector<16xi32>], vector<16xf32>,
    %add3A_1292 = arith.addf %gather3A_1291, %get3A_36 : vector<16xf32>
    %reduce_sum3A_1293 = arith.constant true
    %reduce_sum3A_1294 = vector.broadcast %reduce_sum3A_1293 : i1 to vector<16xi1>
    %reduce_sum3A_1295 = tpu.scan <sum>, %add3A_1292 masked %reduce_sum3A_1294 : vector<16xf32>, vector<16xi1> -> vector<16xf32>
    %reduce_sum3A_1296 = vector.extract %reduce_sum3A_1295[15] : f32 from vector<16xf32>
    %mul3A_1297 = arith.constant 6.250000e-02 : f32
    %mul3A_1298 = arith.mulf %reduce_sum3A_1296, %mul3A_1297 : f32
    %sub3A_1299 = vector.broadcast %mul3A_1298 : f32 to vector<16xf32>
    %sub3A_1300 = arith.subf %add3A_1292, %sub3A_1299 : vector<16xf32>
    %mul3A_1301 = arith.mulf %sub3A_1300, %sub3A_1300 : vector<16xf32>
    %reduce_sum3A_1302 = arith.constant true
    %reduce_sum3A_1303 = vector.broadcast %reduce_sum3A_1302 : i1 to vector<16xi1>
    %reduce_sum3A_1304 = tpu.scan <sum>, %mul3A_1301 masked %reduce_sum3A_1303 : vector<16xf32>, vector<16xi1> -> vector<16xf32>
    %reduce_sum3A_1305 = vector.extract %reduce_sum3A_1304[15] : f32 from vector<16xf32>
    %mul3A_1306 = arith.constant 6.250000e-02 : f32
    %mul3A_1307 = arith.mulf %reduce_sum3A_1305, %mul3A_1306 : f32
    %add3A_1308 = arith.constant 9.99999974E-6 : f32
    %add3A_1309 = arith.addf %mul3A_1307, %add3A_1308 : f32
    %broadcast_in_dim3A_1310 = vector.broadcast %add3A_1309 : f32 to vector<16xf32>
    %bitcast_convert_type3A_1311 = tpu.bitcast %broadcast_in_dim3A_1310 : vector<16xf32> -> vector<16xi32>
    %shift_right_arithmetic3A_1312 = arith.constant 1 : i32
    %shift_right_arithmetic3A_1313 = vector.broadcast %shift_right_arithmetic3A_1312 : i32 to vector<16xi32>
    %shift_right_arithmetic3A_1314 = arith.shrsi %bitcast_convert_type3A_1311, %shift_right_arithmetic3A_1313 : vector<16xi32>
    %sub3A_1315 = arith.constant 1597463007 : i32
    %sub3A_1316 = vector.broadcast %sub3A_1315 : i32 to vector<16xi32>
    %sub3A_1317 = arith.subi %sub3A_1316, %shift_right_arithmetic3A_1314 : vector<16xi32>
    %bitcast_convert_type3A_1318 = tpu.bitcast %sub3A_1317 : vector<16xi32> -> vector<16xf32>
    %mul3A_1319 = arith.constant 5.000000e-01 : f32
    %mul3A_1320 = vector.broadcast %mul3A_1319 : f32 to vector<16xf32>
    %mul3A_1321 = arith.mulf %mul3A_1320, %broadcast_in_dim3A_1310 : vector<16xf32>
    %mul3A_1322 = arith.mulf %mul3A_1321, %bitcast_convert_type3A_1318 : vector<16xf32>
    %mul3A_1323 = arith.mulf %mul3A_1322, %bitcast_convert_type3A_1318 : vector<16xf32>
    %sub3A_1324 = arith.constant 1.500000e+00 : f32
    %sub3A_1325 = vector.broadcast %sub3A_1324 : f32 to vector<16xf32>
    %sub3A_1326 = arith.subf %sub3A_1325, %mul3A_1323 : vector<16xf32>
    %mul3A_1327 = arith.mulf %bitcast_convert_type3A_1318, %sub3A_1326 : vector<16xf32>
    %mul3A_1328 = arith.constant 5.000000e-01 : f32
    %mul3A_1329 = vector.broadcast %mul3A_1328 : f32 to vector<16xf32>
    %mul3A_1330 = arith.mulf %mul3A_1329, %broadcast_in_dim3A_1310 : vector<16xf32>
    %mul3A_1331 = arith.mulf %mul3A_1330, %mul3A_1327 : vector<16xf32>
    %mul3A_1332 = arith.mulf %mul3A_1331, %mul3A_1327 : vector<16xf32>
    %sub3A_1333 = arith.constant 1.500000e+00 : f32
    %sub3A_1334 = vector.broadcast %sub3A_1333 : f32 to vector<16xf32>
    %sub3A_1335 = arith.subf %sub3A_1334, %mul3A_1332 : vector<16xf32>
    %mul3A_1336 = arith.mulf %mul3A_1327, %sub3A_1335 : vector<16xf32>
    %mul3A_1337 = arith.constant 5.000000e-01 : f32
    %mul3A_1338 = vector.broadcast %mul3A_1337 : f32 to vector<16xf32>
    %mul3A_1339 = arith.mulf %mul3A_1338, %broadcast_in_dim3A_1310 : vector<16xf32>
    %mul3A_1340 = arith.mulf %mul3A_1339, %mul3A_1336 : vector<16xf32>
    %mul3A_1341 = arith.mulf %mul3A_1340, %mul3A_1336 : vector<16xf32>
    %sub3A_1342 = arith.constant 1.500000e+00 : f32
    %sub3A_1343 = vector.broadcast %sub3A_1342 : f32 to vector<16xf32>
    %sub3A_1344 = arith.subf %sub3A_1343, %mul3A_1341 : vector<16xf32>
    %mul3A_1345 = arith.mulf %mul3A_1336, %sub3A_1344 : vector<16xf32>
    %mul3A_1346 = arith.mulf %sub3A_1300, %mul3A_1345 : vector<16xf32>
    %mul3A_1347 = arith.mulf %mul3A_1346, %get3A_38 : vector<16xf32>
    %add3A_1348 = arith.addf %mul3A_1347, %get3A_40 : vector<16xf32>
    %max3A_1349 = arith.constant 0.000000e+00 : f32
    %max3A_1350 = vector.broadcast %max3A_1349 : f32 to vector<16xf32>
    %max3A_1351 = arith.maximumf %add3A_1348, %max3A_1350 : vector<16xf32>
    %swap3A_1352 = arith.constant 323 : index
    %swap3A_1353 = tpu.vector_load %arg19[%swap3A_1352] {strides = array<i32>} : memref<374xf32, #tpu.memory_space<vmem>>, vector<16xf32>,
    tpu.vector_store %arg19[%swap3A_1352], %max3A_1351 {strides = array<i32>} : memref<374xf32, #tpu.memory_space<vmem>>, vector<16xf32>,
    %add3A_1354 = arith.constant 20 : i32
    %add3A_1355 = vector.broadcast %add3A_1354 : i32 to vector<16xi32>
    %add3A_1356 = arith.addi %mul3A_35, %add3A_1355 : vector<16xi32>
    %gather3A_1357 = tpu.vector_load_idx %arg15[%add3A_1356] : memref<352xf32, #tpu.memory_space<vmem>>[vector<16xi32>], vector<16xf32>,
    %add3A_1358 = arith.addf %gather3A_1357, %get3A_36 : vector<16xf32>
    %reduce_sum3A_1359 = arith.constant true
    %reduce_sum3A_1360 = vector.broadcast %reduce_sum3A_1359 : i1 to vector<16xi1>
    %reduce_sum3A_1361 = tpu.scan <sum>, %add3A_1358 masked %reduce_sum3A_1360 : vector<16xf32>, vector<16xi1> -> vector<16xf32>
    %reduce_sum3A_1362 = vector.extract %reduce_sum3A_1361[15] : f32 from vector<16xf32>
    %mul3A_1363 = arith.constant 6.250000e-02 : f32
    %mul3A_1364 = arith.mulf %reduce_sum3A_1362, %mul3A_1363 : f32
    %sub3A_1365 = vector.broadcast %mul3A_1364 : f32 to vector<16xf32>
    %sub3A_1366 = arith.subf %add3A_1358, %sub3A_1365 : vector<16xf32>
    %mul3A_1367 = arith.mulf %sub3A_1366, %sub3A_1366 : vector<16xf32>
    %reduce_sum3A_1368 = arith.constant true
    %reduce_sum3A_1369 = vector.broadcast %reduce_sum3A_1368 : i1 to vector<16xi1>
    %reduce_sum3A_1370 = tpu.scan <sum>, %mul3A_1367 masked %reduce_sum3A_1369 : vector<16xf32>, vector<16xi1> -> vector<16xf32>
    %reduce_sum3A_1371 = vector.extract %reduce_sum3A_1370[15] : f32 from vector<16xf32>
    %mul3A_1372 = arith.constant 6.250000e-02 : f32
    %mul3A_1373 = arith.mulf %reduce_sum3A_1371, %mul3A_1372 : f32
    %add3A_1374 = arith.constant 9.99999974E-6 : f32
    %add3A_1375 = arith.addf %mul3A_1373, %add3A_1374 : f32
    %broadcast_in_dim3A_1376 = vector.broadcast %add3A_1375 : f32 to vector<16xf32>
    %bitcast_convert_type3A_1377 = tpu.bitcast %broadcast_in_dim3A_1376 : vector<16xf32> -> vector<16xi32>
    %shift_right_arithmetic3A_1378 = arith.constant 1 : i32
    %shift_right_arithmetic3A_1379 = vector.broadcast %shift_right_arithmetic3A_1378 : i32 to vector<16xi32>
    %shift_right_arithmetic3A_1380 = arith.shrsi %bitcast_convert_type3A_1377, %shift_right_arithmetic3A_1379 : vector<16xi32>
    %sub3A_1381 = arith.constant 1597463007 : i32
    %sub3A_1382 = vector.broadcast %sub3A_1381 : i32 to vector<16xi32>
    %sub3A_1383 = arith.subi %sub3A_1382, %shift_right_arithmetic3A_1380 : vector<16xi32>
    %bitcast_convert_type3A_1384 = tpu.bitcast %sub3A_1383 : vector<16xi32> -> vector<16xf32>
    %mul3A_1385 = arith.constant 5.000000e-01 : f32
    %mul3A_1386 = vector.broadcast %mul3A_1385 : f32 to vector<16xf32>
    %mul3A_1387 = arith.mulf %mul3A_1386, %broadcast_in_dim3A_1376 : vector<16xf32>
    %mul3A_1388 = arith.mulf %mul3A_1387, %bitcast_convert_type3A_1384 : vector<16xf32>
    %mul3A_1389 = arith.mulf %mul3A_1388, %bitcast_convert_type3A_1384 : vector<16xf32>
    %sub3A_1390 = arith.constant 1.500000e+00 : f32
    %sub3A_1391 = vector.broadcast %sub3A_1390 : f32 to vector<16xf32>
    %sub3A_1392 = arith.subf %sub3A_1391, %mul3A_1389 : vector<16xf32>
    %mul3A_1393 = arith.mulf %bitcast_convert_type3A_1384, %sub3A_1392 : vector<16xf32>
    %mul3A_1394 = arith.constant 5.000000e-01 : f32
    %mul3A_1395 = vector.broadcast %mul3A_1394 : f32 to vector<16xf32>
    %mul3A_1396 = arith.mulf %mul3A_1395, %broadcast_in_dim3A_1376 : vector<16xf32>
    %mul3A_1397 = arith.mulf %mul3A_1396, %mul3A_1393 : vector<16xf32>
    %mul3A_1398 = arith.mulf %mul3A_1397, %mul3A_1393 : vector<16xf32>
    %sub3A_1399 = arith.constant 1.500000e+00 : f32
    %sub3A_1400 = vector.broadcast %sub3A_1399 : f32 to vector<16xf32>
    %sub3A_1401 = arith.subf %sub3A_1400, %mul3A_1398 : vector<16xf32>
    %mul3A_1402 = arith.mulf %mul3A_1393, %sub3A_1401 : vector<16xf32>
    %mul3A_1403 = arith.constant 5.000000e-01 : f32
    %mul3A_1404 = vector.broadcast %mul3A_1403 : f32 to vector<16xf32>
    %mul3A_1405 = arith.mulf %mul3A_1404, %broadcast_in_dim3A_1376 : vector<16xf32>
    %mul3A_1406 = arith.mulf %mul3A_1405, %mul3A_1402 : vector<16xf32>
    %mul3A_1407 = arith.mulf %mul3A_1406, %mul3A_1402 : vector<16xf32>
    %sub3A_1408 = arith.constant 1.500000e+00 : f32
    %sub3A_1409 = vector.broadcast %sub3A_1408 : f32 to vector<16xf32>
    %sub3A_1410 = arith.subf %sub3A_1409, %mul3A_1407 : vector<16xf32>
    %mul3A_1411 = arith.mulf %mul3A_1402, %sub3A_1410 : vector<16xf32>
    %mul3A_1412 = arith.mulf %sub3A_1366, %mul3A_1411 : vector<16xf32>
    %mul3A_1413 = arith.mulf %mul3A_1412, %get3A_38 : vector<16xf32>
    %add3A_1414 = arith.addf %mul3A_1413, %get3A_40 : vector<16xf32>
    %max3A_1415 = arith.constant 0.000000e+00 : f32
    %max3A_1416 = vector.broadcast %max3A_1415 : f32 to vector<16xf32>
    %max3A_1417 = arith.maximumf %add3A_1414, %max3A_1416 : vector<16xf32>
    %swap3A_1418 = arith.constant 340 : index
    %swap3A_1419 = tpu.vector_load %arg19[%swap3A_1418] {strides = array<i32>} : memref<374xf32, #tpu.memory_space<vmem>>, vector<16xf32>,
    tpu.vector_store %arg19[%swap3A_1418], %max3A_1417 {strides = array<i32>} : memref<374xf32, #tpu.memory_space<vmem>>, vector<16xf32>,
    %add3A_1420 = arith.constant 21 : i32
    %add3A_1421 = vector.broadcast %add3A_1420 : i32 to vector<16xi32>
    %add3A_1422 = arith.addi %mul3A_35, %add3A_1421 : vector<16xi32>
    %gather3A_1423 = tpu.vector_load_idx %arg15[%add3A_1422] : memref<352xf32, #tpu.memory_space<vmem>>[vector<16xi32>], vector<16xf32>,
    %add3A_1424 = arith.addf %gather3A_1423, %get3A_36 : vector<16xf32>
    %reduce_sum3A_1425 = arith.constant true
    %reduce_sum3A_1426 = vector.broadcast %reduce_sum3A_1425 : i1 to vector<16xi1>
    %reduce_sum3A_1427 = tpu.scan <sum>, %add3A_1424 masked %reduce_sum3A_1426 : vector<16xf32>, vector<16xi1> -> vector<16xf32>
    %reduce_sum3A_1428 = vector.extract %reduce_sum3A_1427[15] : f32 from vector<16xf32>
    %mul3A_1429 = arith.constant 6.250000e-02 : f32
    %mul3A_1430 = arith.mulf %reduce_sum3A_1428, %mul3A_1429 : f32
    %sub3A_1431 = vector.broadcast %mul3A_1430 : f32 to vector<16xf32>
    %sub3A_1432 = arith.subf %add3A_1424, %sub3A_1431 : vector<16xf32>
    %mul3A_1433 = arith.mulf %sub3A_1432, %sub3A_1432 : vector<16xf32>
    %reduce_sum3A_1434 = arith.constant true
    %reduce_sum3A_1435 = vector.broadcast %reduce_sum3A_1434 : i1 to vector<16xi1>
    %reduce_sum3A_1436 = tpu.scan <sum>, %mul3A_1433 masked %reduce_sum3A_1435 : vector<16xf32>, vector<16xi1> -> vector<16xf32>
    %reduce_sum3A_1437 = vector.extract %reduce_sum3A_1436[15] : f32 from vector<16xf32>
    %mul3A_1438 = arith.constant 6.250000e-02 : f32
    %mul3A_1439 = arith.mulf %reduce_sum3A_1437, %mul3A_1438 : f32
    %add3A_1440 = arith.constant 9.99999974E-6 : f32
    %add3A_1441 = arith.addf %mul3A_1439, %add3A_1440 : f32
    %broadcast_in_dim3A_1442 = vector.broadcast %add3A_1441 : f32 to vector<16xf32>
    %bitcast_convert_type3A_1443 = tpu.bitcast %broadcast_in_dim3A_1442 : vector<16xf32> -> vector<16xi32>
    %shift_right_arithmetic3A_1444 = arith.constant 1 : i32
    %shift_right_arithmetic3A_1445 = vector.broadcast %shift_right_arithmetic3A_1444 : i32 to vector<16xi32>
    %shift_right_arithmetic3A_1446 = arith.shrsi %bitcast_convert_type3A_1443, %shift_right_arithmetic3A_1445 : vector<16xi32>
    %sub3A_1447 = arith.constant 1597463007 : i32
    %sub3A_1448 = vector.broadcast %sub3A_1447 : i32 to vector<16xi32>
    %sub3A_1449 = arith.subi %sub3A_1448, %shift_right_arithmetic3A_1446 : vector<16xi32>
    %bitcast_convert_type3A_1450 = tpu.bitcast %sub3A_1449 : vector<16xi32> -> vector<16xf32>
    %mul3A_1451 = arith.constant 5.000000e-01 : f32
    %mul3A_1452 = vector.broadcast %mul3A_1451 : f32 to vector<16xf32>
    %mul3A_1453 = arith.mulf %mul3A_1452, %broadcast_in_dim3A_1442 : vector<16xf32>
    %mul3A_1454 = arith.mulf %mul3A_1453, %bitcast_convert_type3A_1450 : vector<16xf32>
    %mul3A_1455 = arith.mulf %mul3A_1454, %bitcast_convert_type3A_1450 : vector<16xf32>
    %sub3A_1456 = arith.constant 1.500000e+00 : f32
    %sub3A_1457 = vector.broadcast %sub3A_1456 : f32 to vector<16xf32>
    %sub3A_1458 = arith.subf %sub3A_1457, %mul3A_1455 : vector<16xf32>
    %mul3A_1459 = arith.mulf %bitcast_convert_type3A_1450, %sub3A_1458 : vector<16xf32>
    %mul3A_1460 = arith.constant 5.000000e-01 : f32
    %mul3A_1461 = vector.broadcast %mul3A_1460 : f32 to vector<16xf32>
    %mul3A_1462 = arith.mulf %mul3A_1461, %broadcast_in_dim3A_1442 : vector<16xf32>
    %mul3A_1463 = arith.mulf %mul3A_1462, %mul3A_1459 : vector<16xf32>
    %mul3A_1464 = arith.mulf %mul3A_1463, %mul3A_1459 : vector<16xf32>
    %sub3A_1465 = arith.constant 1.500000e+00 : f32
    %sub3A_1466 = vector.broadcast %sub3A_1465 : f32 to vector<16xf32>
    %sub3A_1467 = arith.subf %sub3A_1466, %mul3A_1464 : vector<16xf32>
    %mul3A_1468 = arith.mulf %mul3A_1459, %sub3A_1467 : vector<16xf32>
    %mul3A_1469 = arith.constant 5.000000e-01 : f32
    %mul3A_1470 = vector.broadcast %mul3A_1469 : f32 to vector<16xf32>
    %mul3A_1471 = arith.mulf %mul3A_1470, %broadcast_in_dim3A_1442 : vector<16xf32>
    %mul3A_1472 = arith.mulf %mul3A_1471, %mul3A_1468 : vector<16xf32>
    %mul3A_1473 = arith.mulf %mul3A_1472, %mul3A_1468 : vector<16xf32>
    %sub3A_1474 = arith.constant 1.500000e+00 : f32
    %sub3A_1475 = vector.broadcast %sub3A_1474 : f32 to vector<16xf32>
    %sub3A_1476 = arith.subf %sub3A_1475, %mul3A_1473 : vector<16xf32>
    %mul3A_1477 = arith.mulf %mul3A_1468, %sub3A_1476 : vector<16xf32>
    %mul3A_1478 = arith.mulf %sub3A_1432, %mul3A_1477 : vector<16xf32>
    %mul3A_1479 = arith.mulf %mul3A_1478, %get3A_38 : vector<16xf32>
    %add3A_1480 = arith.addf %mul3A_1479, %get3A_40 : vector<16xf32>
    %max3A_1481 = arith.constant 0.000000e+00 : f32
    %max3A_1482 = vector.broadcast %max3A_1481 : f32 to vector<16xf32>
    %max3A_1483 = arith.maximumf %add3A_1480, %max3A_1482 : vector<16xf32>
    %swap3A_1484 = arith.constant 357 : index
    %swap3A_1485 = tpu.vector_load %arg19[%swap3A_1484] {strides = array<i32>} : memref<374xf32, #tpu.memory_space<vmem>>, vector<16xf32>,
    tpu.vector_store %arg19[%swap3A_1484], %max3A_1483 {strides = array<i32>} : memref<374xf32, #tpu.memory_space<vmem>>, vector<16xf32>,
    %scan3A = arith.constant 0 : i32
    %scan3A_1486 = arith.constant 0 : i32
    %scan3A_1487 = arith.constant 32 : i32
    %scan3A_1488 = arith.addi %scan3A_1486, %scan3A_1487 : i32
    %scan3A_1489 = arith.constant 1 : i32
    %scan3A_1490 = scf.for %scan3A_1503 = %scan3A_1486 to %scan3A_1488 step %scan3A_1489 iter_args(%scan3A_1504 = %scan3A) -> (i32)  : i32 {
      %mul3A_1505 = arith.constant 2 : i32
      %mul3A_1506 = arith.muli %mul3A_1505, %scan3A_1503 : i32
      %add3A_1507 = arith.addi %select_n3A_32, %mul3A_1506 : i32
      %add3A_1508 = arith.constant 0 : i32
      %add3A_1509 = arith.addi %add3A_1507, %add3A_1508 : i32
      %ge3A = arith.constant 1 : i32
      %ge3A_1510 = arith.cmpi sge, %scan3A_1503, %ge3A : i32
      %convert_element_type3A = arith.extui %ge3A_1510 : i1 to i32
      %cond3A = arith.constant 0 : i32
      %cond3A_1511 = arith.cmpi ne, %convert_element_type3A, %cond3A : i32
      scf.if %cond3A_1511 {
        %dma_wait3A_1549 = arith.constant 0 : i32
        %dma_wait3A_1550 = tpu.memref_slice %arg10[%select_n3A, %add3A_1509, %dma_wait3A_1549] : memref<2x1024x16384xf32, #tpu.memory_space<hbm>> -> memref<1x1x16384xf32, #tpu.memory_space<hbm>>
        %dma_wait3A_1551 = tpu.memref_squeeze %dma_wait3A_1550 : memref<1x1x16384xf32, #tpu.memory_space<hbm>> -> memref<16384xf32, #tpu.memory_space<hbm>>
        %dma_wait3A_1552 = arith.constant 0 : i32
        %dma_wait3A_1553 = tpu.memref_slice %arg10[%select_n3A, %add3A_1509, %dma_wait3A_1552] : memref<2x1024x16384xf32, #tpu.memory_space<hbm>> -> memref<1x1x16384xf32, #tpu.memory_space<hbm>>
        %dma_wait3A_1554 = tpu.memref_squeeze %dma_wait3A_1553 : memref<1x1x16384xf32, #tpu.memory_space<hbm>> -> memref<16384xf32, #tpu.memory_space<hbm>>
        tpu.wait_dma2 semaphore(%arg22 : memref<!tpu.dma_semaphore, #tpu.memory_space<semaphore_mem>>) src(%dma_wait3A_1554 : memref<16384xf32, #tpu.memory_space<hbm>>) dst(%arg20 : memref<16384xf32, #tpu.memory_space<vmem>>)
      } else {
      }
      %broadcast_in_dim3A_1512 = vector.broadcast %add3A_1509 : i32 to vector<16xi32>
      %gather3A_1513 = tpu.vector_load_idx %arg11[%broadcast_in_dim3A_1512] : memref<1024xf32, #tpu.memory_space<vmem>>[vector<16xi32>], vector<16xf32>,
      %gather3A_1514 = tpu.vector_load_idx %arg12[%broadcast_in_dim3A_1512] : memref<1024xf32, #tpu.memory_space<vmem>>[vector<16xi32>], vector<16xf32>,
      %gather3A_1515 = tpu.vector_load_idx %arg13[%broadcast_in_dim3A_1512] : memref<1024xf32, #tpu.memory_space<vmem>>[vector<16xi32>], vector<16xf32>,
      %gather3A_1516 = tpu.vector_load_idx %arg14[%broadcast_in_dim3A_1512] : memref<1024xf32, #tpu.memory_space<vmem>>[vector<16xi32>], vector<16xf32>,
      %parallel_loop3A = arith.constant 0 : i32
      %parallel_loop3A_1517 = arith.constant 64 : i32
      %parallel_loop3A_1518 = arith.constant 1 : i32
      scf.for %parallel_loop3A_1549 = %parallel_loop3A to %parallel_loop3A_1517 step %parallel_loop3A_1518  : i32 {
        %parallel_loop3A_1550 = arith.constant 16 : i32
        %parallel_loop3A_1551 = arith.muli %parallel_loop3A_1549, %parallel_loop3A_1550 : i32
        %parallel_loop3A_1552 = arith.index_cast %parallel_loop3A_1551 : i32 to index
        %parallel_loop3A_1553 = tpu.vector_load %arg11[%parallel_loop3A_1552] {strides = array<i32>} : memref<1024xf32, #tpu.memory_space<vmem>>, vector<16xf32>,
        %parallel_loop3A_1554 = arith.subf %parallel_loop3A_1553, %gather3A_1513 : vector<16xf32>
        %parallel_loop3A_1555 = arith.index_cast %parallel_loop3A_1551 : i32 to index
        %parallel_loop3A_1556 = tpu.vector_load %arg12[%parallel_loop3A_1555] {strides = array<i32>} : memref<1024xf32, #tpu.memory_space<vmem>>, vector<16xf32>,
        %parallel_loop3A_1557 = arith.subf %parallel_loop3A_1556, %gather3A_1514 : vector<16xf32>
        %parallel_loop3A_1558 = arith.index_cast %parallel_loop3A_1551 : i32 to index
        %parallel_loop3A_1559 = tpu.vector_load %arg13[%parallel_loop3A_1558] {strides = array<i32>} : memref<1024xf32, #tpu.memory_space<vmem>>, vector<16xf32>,
        %parallel_loop3A_1560 = arith.subf %parallel_loop3A_1559, %gather3A_1515 : vector<16xf32>
        %parallel_loop3A_1561 = arith.mulf %parallel_loop3A_1554, %parallel_loop3A_1554 : vector<16xf32>
        %parallel_loop3A_1562 = arith.mulf %parallel_loop3A_1557, %parallel_loop3A_1557 : vector<16xf32>
        %parallel_loop3A_1563 = arith.addf %parallel_loop3A_1561, %parallel_loop3A_1562 : vector<16xf32>
        %parallel_loop3A_1564 = arith.mulf %parallel_loop3A_1560, %parallel_loop3A_1560 : vector<16xf32>
        %parallel_loop3A_1565 = arith.addf %parallel_loop3A_1563, %parallel_loop3A_1564 : vector<16xf32>
        %parallel_loop3A_1566 = arith.constant 9.99999993E-9 : f32
        %parallel_loop3A_1567 = vector.broadcast %parallel_loop3A_1566 : f32 to vector<16xf32>
        %parallel_loop3A_1568 = arith.addf %parallel_loop3A_1565, %parallel_loop3A_1567 : vector<16xf32>
        %parallel_loop3A_1569 = tpu.bitcast %parallel_loop3A_1568 : vector<16xf32> -> vector<16xi32>
        %parallel_loop3A_1570 = arith.constant 1 : i32
        %parallel_loop3A_1571 = vector.broadcast %parallel_loop3A_1570 : i32 to vector<16xi32>
        %parallel_loop3A_1572 = arith.shrsi %parallel_loop3A_1569, %parallel_loop3A_1571 : vector<16xi32>
        %parallel_loop3A_1573 = arith.constant 1597463007 : i32
        %parallel_loop3A_1574 = vector.broadcast %parallel_loop3A_1573 : i32 to vector<16xi32>
        %parallel_loop3A_1575 = arith.subi %parallel_loop3A_1574, %parallel_loop3A_1572 : vector<16xi32>
        %parallel_loop3A_1576 = tpu.bitcast %parallel_loop3A_1575 : vector<16xi32> -> vector<16xf32>
        %parallel_loop3A_1577 = arith.constant 5.000000e-01 : f32
        %parallel_loop3A_1578 = vector.broadcast %parallel_loop3A_1577 : f32 to vector<16xf32>
        %parallel_loop3A_1579 = arith.mulf %parallel_loop3A_1578, %parallel_loop3A_1568 : vector<16xf32>
        %parallel_loop3A_1580 = arith.mulf %parallel_loop3A_1579, %parallel_loop3A_1576 : vector<16xf32>
        %parallel_loop3A_1581 = arith.mulf %parallel_loop3A_1580, %parallel_loop3A_1576 : vector<16xf32>
        %parallel_loop3A_1582 = arith.constant 1.500000e+00 : f32
        %parallel_loop3A_1583 = vector.broadcast %parallel_loop3A_1582 : f32 to vector<16xf32>
        %parallel_loop3A_1584 = arith.subf %parallel_loop3A_1583, %parallel_loop3A_1581 : vector<16xf32>
        %parallel_loop3A_1585 = arith.mulf %parallel_loop3A_1576, %parallel_loop3A_1584 : vector<16xf32>
        %parallel_loop3A_1586 = arith.constant 5.000000e-01 : f32
        %parallel_loop3A_1587 = vector.broadcast %parallel_loop3A_1586 : f32 to vector<16xf32>
        %parallel_loop3A_1588 = arith.mulf %parallel_loop3A_1587, %parallel_loop3A_1568 : vector<16xf32>
        %parallel_loop3A_1589 = arith.mulf %parallel_loop3A_1588, %parallel_loop3A_1585 : vector<16xf32>
        %parallel_loop3A_1590 = arith.mulf %parallel_loop3A_1589, %parallel_loop3A_1585 : vector<16xf32>
        %parallel_loop3A_1591 = arith.constant 1.500000e+00 : f32
        %parallel_loop3A_1592 = vector.broadcast %parallel_loop3A_1591 : f32 to vector<16xf32>
        %parallel_loop3A_1593 = arith.subf %parallel_loop3A_1592, %parallel_loop3A_1590 : vector<16xf32>
        %parallel_loop3A_1594 = arith.mulf %parallel_loop3A_1585, %parallel_loop3A_1593 : vector<16xf32>
        %parallel_loop3A_1595 = arith.constant 5.000000e-01 : f32
        %parallel_loop3A_1596 = vector.broadcast %parallel_loop3A_1595 : f32 to vector<16xf32>
        %parallel_loop3A_1597 = arith.mulf %parallel_loop3A_1596, %parallel_loop3A_1568 : vector<16xf32>
        %parallel_loop3A_1598 = arith.mulf %parallel_loop3A_1597, %parallel_loop3A_1594 : vector<16xf32>
        %parallel_loop3A_1599 = arith.mulf %parallel_loop3A_1598, %parallel_loop3A_1594 : vector<16xf32>
        %parallel_loop3A_1600 = arith.constant 1.500000e+00 : f32
        %parallel_loop3A_1601 = vector.broadcast %parallel_loop3A_1600 : f32 to vector<16xf32>
        %parallel_loop3A_1602 = arith.subf %parallel_loop3A_1601, %parallel_loop3A_1599 : vector<16xf32>
        %parallel_loop3A_1603 = arith.mulf %parallel_loop3A_1594, %parallel_loop3A_1602 : vector<16xf32>
        %parallel_loop3A_1604 = arith.mulf %parallel_loop3A_1568, %parallel_loop3A_1603 : vector<16xf32>
        %parallel_loop3A_1605 = arith.constant 5.250000e-01 : f32
        %parallel_loop3A_1606 = vector.broadcast %parallel_loop3A_1605 : f32 to vector<16xf32>
        %parallel_loop3A_1607 = arith.mulf %parallel_loop3A_1604, %parallel_loop3A_1606 : vector<16xf32>
        %parallel_loop3A_1608 = arith.constant 2.200000e+01 : f32
        %parallel_loop3A_1609 = vector.broadcast %parallel_loop3A_1608 : f32 to vector<16xf32>
        %parallel_loop3A_1610 = arith.minimumf %parallel_loop3A_1607, %parallel_loop3A_1609 : vector<16xf32>
        %parallel_loop3A_1611 = arith.fptosi %parallel_loop3A_1610 : vector<16xf32> to vector<16xi32>
        %parallel_loop3A_1612 = arith.sitofp %parallel_loop3A_1611 : vector<16xi32> to vector<16xf32>
        %parallel_loop3A_1613 = arith.cmpf olt, %parallel_loop3A_1612, %parallel_loop3A_1610 : vector<16xf32>
        %parallel_loop3A_1614 = arith.constant 1 : i32
        %parallel_loop3A_1615 = vector.broadcast %parallel_loop3A_1614 : i32 to vector<16xi32>
        %parallel_loop3A_1616 = arith.addi %parallel_loop3A_1611, %parallel_loop3A_1615 : vector<16xi32>
        %parallel_loop3A_1617 = arith.select %parallel_loop3A_1613, %parallel_loop3A_1616, %parallel_loop3A_1611 : vector<16xi1>, vector<16xi32>
        %parallel_loop3A_1618 = arith.constant 20 : i32
        %parallel_loop3A_1619 = vector.broadcast %parallel_loop3A_1618 : i32 to vector<16xi32>
        %parallel_loop3A_1620 = arith.minsi %parallel_loop3A_1617, %parallel_loop3A_1619 : vector<16xi32>
        %parallel_loop3A_1621 = arith.index_cast %parallel_loop3A_1551 : i32 to index
        %parallel_loop3A_1622 = tpu.vector_load %arg14[%parallel_loop3A_1621] {strides = array<i32>} : memref<1024xf32, #tpu.memory_space<vmem>>, vector<16xf32>,
        %parallel_loop3A_1623 = arith.minimumf %gather3A_1516, %parallel_loop3A_1622 : vector<16xf32>
        %parallel_loop3A_1624 = arith.constant 0.000000e+00 : f32
        %parallel_loop3A_1625 = vector.broadcast %parallel_loop3A_1624 : f32 to vector<16xf32>
        %parallel_loop3A_1626 = arith.cmpf ogt, %parallel_loop3A_1623, %parallel_loop3A_1625 : vector<16xf32>
        %parallel_loop3A_1627 = arith.constant 21 : i32
        %parallel_loop3A_1628 = vector.broadcast %parallel_loop3A_1627 : i32 to vector<16xi32>
        %parallel_loop3A_1629 = arith.select %parallel_loop3A_1626, %parallel_loop3A_1620, %parallel_loop3A_1628 : vector<16xi1>, vector<16xi32>
        %parallel_loop3A_1630 = arith.constant 8 : i32
        %parallel_loop3A_1631 = arith.divsi %parallel_loop3A_1549, %parallel_loop3A_1630 : i32
        %parallel_loop3A_1632 = arith.constant 0 : i32
        %parallel_loop3A_1633 = arith.cmpi sgt, %parallel_loop3A_1549, %parallel_loop3A_1632 : i32
        %parallel_loop3A_1634 = arith.extui %parallel_loop3A_1633 : i1 to i32
        %parallel_loop3A_1635 = arith.constant 0 : i32
        %parallel_loop3A_1636 = arith.cmpi slt, %parallel_loop3A_1549, %parallel_loop3A_1635 : i32
        %parallel_loop3A_1637 = arith.extui %parallel_loop3A_1636 : i1 to i32
        %parallel_loop3A_1638 = arith.subi %parallel_loop3A_1634, %parallel_loop3A_1637 : i32
        %parallel_loop3A_1639 = arith.constant 0 : i32
        %parallel_loop3A_1640 = arith.cmpi sgt, %parallel_loop3A_1630, %parallel_loop3A_1639 : i32
        %parallel_loop3A_1641 = arith.extui %parallel_loop3A_1640 : i1 to i32
        %parallel_loop3A_1642 = arith.constant 0 : i32
        %parallel_loop3A_1643 = arith.cmpi slt, %parallel_loop3A_1630, %parallel_loop3A_1642 : i32
        %parallel_loop3A_1644 = arith.extui %parallel_loop3A_1643 : i1 to i32
        %parallel_loop3A_1645 = arith.subi %parallel_loop3A_1641, %parallel_loop3A_1644 : i32
        %parallel_loop3A_1646 = arith.cmpi ne, %parallel_loop3A_1638, %parallel_loop3A_1645 : i32
        %parallel_loop3A_1647 = arith.remsi %parallel_loop3A_1549, %parallel_loop3A_1630 : i32
        %parallel_loop3A_1648 = arith.constant 0 : i32
        %parallel_loop3A_1649 = arith.cmpi ne, %parallel_loop3A_1647, %parallel_loop3A_1648 : i32
        %parallel_loop3A_1650 = arith.andi %parallel_loop3A_1646, %parallel_loop3A_1649 : i1
        %parallel_loop3A_1651 = arith.constant 1 : i32
        %parallel_loop3A_1652 = arith.subi %parallel_loop3A_1631, %parallel_loop3A_1651 : i32
        %parallel_loop3A_1653 = arith.select %parallel_loop3A_1650, %parallel_loop3A_1652, %parallel_loop3A_1631 : i32
        %parallel_loop3A_1654 = arith.constant 1024 : i32
        %parallel_loop3A_1655 = arith.muli %parallel_loop3A_1653, %parallel_loop3A_1654 : i32
        %parallel_loop3A_1656 = arith.constant 8 : i32
        %parallel_loop3A_1657 = arith.constant 0 : i32
        %parallel_loop3A_1658 = arith.cmpi eq, %parallel_loop3A_1656, %parallel_loop3A_1657 : i32
        %parallel_loop3A_1659 = arith.constant 1 : i32
        %parallel_loop3A_1660 = arith.select %parallel_loop3A_1658, %parallel_loop3A_1659, %parallel_loop3A_1656 : i32
        %parallel_loop3A_1661 = arith.remsi %parallel_loop3A_1549, %parallel_loop3A_1660 : i32
        %parallel_loop3A_1662 = arith.constant 0 : i32
        %parallel_loop3A_1663 = arith.cmpi ne, %parallel_loop3A_1661, %parallel_loop3A_1662 : i32
        %parallel_loop3A_1664 = arith.constant 0 : i32
        %parallel_loop3A_1665 = arith.cmpi slt, %parallel_loop3A_1661, %parallel_loop3A_1664 : i32
        %parallel_loop3A_1666 = arith.constant 0 : i32
        %parallel_loop3A_1667 = arith.cmpi slt, %parallel_loop3A_1660, %parallel_loop3A_1666 : i32
        %parallel_loop3A_1668 = arith.xori %parallel_loop3A_1665, %parallel_loop3A_1667 : i1
        %parallel_loop3A_1669 = arith.andi %parallel_loop3A_1668, %parallel_loop3A_1663 : i1
        %parallel_loop3A_1670 = arith.addi %parallel_loop3A_1661, %parallel_loop3A_1660 : i32
        %parallel_loop3A_1671 = arith.select %parallel_loop3A_1669, %parallel_loop3A_1670, %parallel_loop3A_1661 : i32
        %parallel_loop3A_1672 = arith.constant 16 : i32
        %parallel_loop3A_1673 = arith.muli %parallel_loop3A_1671, %parallel_loop3A_1672 : i32
        %parallel_loop3A_1674 = arith.addi %parallel_loop3A_1655, %parallel_loop3A_1673 : i32
        %parallel_loop3A_1675 = arith.constant 17 : i32
        %parallel_loop3A_1676 = vector.broadcast %parallel_loop3A_1675 : i32 to vector<16xi32>
        %parallel_loop3A_1677 = arith.muli %parallel_loop3A_1629, %parallel_loop3A_1676 : vector<16xi32>
        %parallel_loop3A_1678 = tpu.vector_load_idx %arg19[%parallel_loop3A_1677] : memref<374xf32, #tpu.memory_space<vmem>>[vector<16xi32>], vector<16xf32>,
        %parallel_loop3A_1679 = arith.mulf %parallel_loop3A_1678, %parallel_loop3A_1623 : vector<16xf32>
        %parallel_loop3A_1680 = arith.constant 0 : i32
        %parallel_loop3A_1681 = arith.addi %parallel_loop3A_1674, %parallel_loop3A_1680 : i32
        %parallel_loop3A_1682 = arith.index_cast %parallel_loop3A_1681 : i32 to index
        %parallel_loop3A_1683 = tpu.vector_load %arg20[%parallel_loop3A_1682] {strides = array<i32>} : memref<16384xf32, #tpu.memory_space<vmem>>, vector<16xf32>,
        tpu.vector_store %arg20[%parallel_loop3A_1682], %parallel_loop3A_1679 {strides = array<i32>} : memref<16384xf32, #tpu.memory_space<vmem>>, vector<16xf32>,
        %parallel_loop3A_1684 = arith.constant 1 : i32
        %parallel_loop3A_1685 = vector.broadcast %parallel_loop3A_1684 : i32 to vector<16xi32>
        %parallel_loop3A_1686 = arith.addi %parallel_loop3A_1677, %parallel_loop3A_1685 : vector<16xi32>
        %parallel_loop3A_1687 = tpu.vector_load_idx %arg19[%parallel_loop3A_1686] : memref<374xf32, #tpu.memory_space<vmem>>[vector<16xi32>], vector<16xf32>,
        %parallel_loop3A_1688 = arith.mulf %parallel_loop3A_1687, %parallel_loop3A_1623 : vector<16xf32>
        %parallel_loop3A_1689 = arith.constant 128 : i32
        %parallel_loop3A_1690 = arith.addi %parallel_loop3A_1674, %parallel_loop3A_1689 : i32
        %parallel_loop3A_1691 = arith.index_cast %parallel_loop3A_1690 : i32 to index
        %parallel_loop3A_1692 = tpu.vector_load %arg20[%parallel_loop3A_1691] {strides = array<i32>} : memref<16384xf32, #tpu.memory_space<vmem>>, vector<16xf32>,
        tpu.vector_store %arg20[%parallel_loop3A_1691], %parallel_loop3A_1688 {strides = array<i32>} : memref<16384xf32, #tpu.memory_space<vmem>>, vector<16xf32>,
        %parallel_loop3A_1693 = arith.constant 2 : i32
        %parallel_loop3A_1694 = vector.broadcast %parallel_loop3A_1693 : i32 to vector<16xi32>
        %parallel_loop3A_1695 = arith.addi %parallel_loop3A_1677, %parallel_loop3A_1694 : vector<16xi32>
        %parallel_loop3A_1696 = tpu.vector_load_idx %arg19[%parallel_loop3A_1695] : memref<374xf32, #tpu.memory_space<vmem>>[vector<16xi32>], vector<16xf32>,
        %parallel_loop3A_1697 = arith.mulf %parallel_loop3A_1696, %parallel_loop3A_1623 : vector<16xf32>
        %parallel_loop3A_1698 = arith.constant 256 : i32
        %parallel_loop3A_1699 = arith.addi %parallel_loop3A_1674, %parallel_loop3A_1698 : i32
        %parallel_loop3A_1700 = arith.index_cast %parallel_loop3A_1699 : i32 to index
        %parallel_loop3A_1701 = tpu.vector_load %arg20[%parallel_loop3A_1700] {strides = array<i32>} : memref<16384xf32, #tpu.memory_space<vmem>>, vector<16xf32>,
        tpu.vector_store %arg20[%parallel_loop3A_1700], %parallel_loop3A_1697 {strides = array<i32>} : memref<16384xf32, #tpu.memory_space<vmem>>, vector<16xf32>,
        %parallel_loop3A_1702 = arith.constant 3 : i32
        %parallel_loop3A_1703 = vector.broadcast %parallel_loop3A_1702 : i32 to vector<16xi32>
        %parallel_loop3A_1704 = arith.addi %parallel_loop3A_1677, %parallel_loop3A_1703 : vector<16xi32>
        %parallel_loop3A_1705 = tpu.vector_load_idx %arg19[%parallel_loop3A_1704] : memref<374xf32, #tpu.memory_space<vmem>>[vector<16xi32>], vector<16xf32>,
        %parallel_loop3A_1706 = arith.mulf %parallel_loop3A_1705, %parallel_loop3A_1623 : vector<16xf32>
        %parallel_loop3A_1707 = arith.constant 384 : i32
        %parallel_loop3A_1708 = arith.addi %parallel_loop3A_1674, %parallel_loop3A_1707 : i32
        %parallel_loop3A_1709 = arith.index_cast %parallel_loop3A_1708 : i32 to index
        %parallel_loop3A_1710 = tpu.vector_load %arg20[%parallel_loop3A_1709] {strides = array<i32>} : memref<16384xf32, #tpu.memory_space<vmem>>, vector<16xf32>,
        tpu.vector_store %arg20[%parallel_loop3A_1709], %parallel_loop3A_1706 {strides = array<i32>} : memref<16384xf32, #tpu.memory_space<vmem>>, vector<16xf32>,
        %parallel_loop3A_1711 = arith.constant 4 : i32
        %parallel_loop3A_1712 = vector.broadcast %parallel_loop3A_1711 : i32 to vector<16xi32>
        %parallel_loop3A_1713 = arith.addi %parallel_loop3A_1677, %parallel_loop3A_1712 : vector<16xi32>
        %parallel_loop3A_1714 = tpu.vector_load_idx %arg19[%parallel_loop3A_1713] : memref<374xf32, #tpu.memory_space<vmem>>[vector<16xi32>], vector<16xf32>,
        %parallel_loop3A_1715 = arith.mulf %parallel_loop3A_1714, %parallel_loop3A_1623 : vector<16xf32>
        %parallel_loop3A_1716 = arith.constant 512 : i32
        %parallel_loop3A_1717 = arith.addi %parallel_loop3A_1674, %parallel_loop3A_1716 : i32
        %parallel_loop3A_1718 = arith.index_cast %parallel_loop3A_1717 : i32 to index
        %parallel_loop3A_1719 = tpu.vector_load %arg20[%parallel_loop3A_1718] {strides = array<i32>} : memref<16384xf32, #tpu.memory_space<vmem>>, vector<16xf32>,
        tpu.vector_store %arg20[%parallel_loop3A_1718], %parallel_loop3A_1715 {strides = array<i32>} : memref<16384xf32, #tpu.memory_space<vmem>>, vector<16xf32>,
        %parallel_loop3A_1720 = arith.constant 5 : i32
        %parallel_loop3A_1721 = vector.broadcast %parallel_loop3A_1720 : i32 to vector<16xi32>
        %parallel_loop3A_1722 = arith.addi %parallel_loop3A_1677, %parallel_loop3A_1721 : vector<16xi32>
        %parallel_loop3A_1723 = tpu.vector_load_idx %arg19[%parallel_loop3A_1722] : memref<374xf32, #tpu.memory_space<vmem>>[vector<16xi32>], vector<16xf32>,
        %parallel_loop3A_1724 = arith.mulf %parallel_loop3A_1723, %parallel_loop3A_1623 : vector<16xf32>
        %parallel_loop3A_1725 = arith.constant 640 : i32
        %parallel_loop3A_1726 = arith.addi %parallel_loop3A_1674, %parallel_loop3A_1725 : i32
        %parallel_loop3A_1727 = arith.index_cast %parallel_loop3A_1726 : i32 to index
        %parallel_loop3A_1728 = tpu.vector_load %arg20[%parallel_loop3A_1727] {strides = array<i32>} : memref<16384xf32, #tpu.memory_space<vmem>>, vector<16xf32>,
        tpu.vector_store %arg20[%parallel_loop3A_1727], %parallel_loop3A_1724 {strides = array<i32>} : memref<16384xf32, #tpu.memory_space<vmem>>, vector<16xf32>,
        %parallel_loop3A_1729 = arith.constant 6 : i32
        %parallel_loop3A_1730 = vector.broadcast %parallel_loop3A_1729 : i32 to vector<16xi32>
        %parallel_loop3A_1731 = arith.addi %parallel_loop3A_1677, %parallel_loop3A_1730 : vector<16xi32>
        %parallel_loop3A_1732 = tpu.vector_load_idx %arg19[%parallel_loop3A_1731] : memref<374xf32, #tpu.memory_space<vmem>>[vector<16xi32>], vector<16xf32>,
        %parallel_loop3A_1733 = arith.mulf %parallel_loop3A_1732, %parallel_loop3A_1623 : vector<16xf32>
        %parallel_loop3A_1734 = arith.constant 768 : i32
        %parallel_loop3A_1735 = arith.addi %parallel_loop3A_1674, %parallel_loop3A_1734 : i32
        %parallel_loop3A_1736 = arith.index_cast %parallel_loop3A_1735 : i32 to index
        %parallel_loop3A_1737 = tpu.vector_load %arg20[%parallel_loop3A_1736] {strides = array<i32>} : memref<16384xf32, #tpu.memory_space<vmem>>, vector<16xf32>,
        tpu.vector_store %arg20[%parallel_loop3A_1736], %parallel_loop3A_1733 {strides = array<i32>} : memref<16384xf32, #tpu.memory_space<vmem>>, vector<16xf32>,
        %parallel_loop3A_1738 = arith.constant 7 : i32
        %parallel_loop3A_1739 = vector.broadcast %parallel_loop3A_1738 : i32 to vector<16xi32>
        %parallel_loop3A_1740 = arith.addi %parallel_loop3A_1677, %parallel_loop3A_1739 : vector<16xi32>
        %parallel_loop3A_1741 = tpu.vector_load_idx %arg19[%parallel_loop3A_1740] : memref<374xf32, #tpu.memory_space<vmem>>[vector<16xi32>], vector<16xf32>,
        %parallel_loop3A_1742 = arith.mulf %parallel_loop3A_1741, %parallel_loop3A_1623 : vector<16xf32>
        %parallel_loop3A_1743 = arith.constant 896 : i32
        %parallel_loop3A_1744 = arith.addi %parallel_loop3A_1674, %parallel_loop3A_1743 : i32
        %parallel_loop3A_1745 = arith.index_cast %parallel_loop3A_1744 : i32 to index
        %parallel_loop3A_1746 = tpu.vector_load %arg20[%parallel_loop3A_1745] {strides = array<i32>} : memref<16384xf32, #tpu.memory_space<vmem>>, vector<16xf32>,
        tpu.vector_store %arg20[%parallel_loop3A_1745], %parallel_loop3A_1742 {strides = array<i32>} : memref<16384xf32, #tpu.memory_space<vmem>>, vector<16xf32>,
        %parallel_loop3A_1747 = arith.constant 8 : i32
        %parallel_loop3A_1748 = vector.broadcast %parallel_loop3A_1747 : i32 to vector<16xi32>
        %parallel_loop3A_1749 = arith.addi %parallel_loop3A_1677, %parallel_loop3A_1748 : vector<16xi32>
        %parallel_loop3A_1750 = tpu.vector_load_idx %arg19[%parallel_loop3A_1749] : memref<374xf32, #tpu.memory_space<vmem>>[vector<16xi32>], vector<16xf32>,
        %parallel_loop3A_1751 = arith.mulf %parallel_loop3A_1750, %parallel_loop3A_1623 : vector<16xf32>
        %parallel_loop3A_1752 = arith.constant 8192 : i32
        %parallel_loop3A_1753 = arith.addi %parallel_loop3A_1674, %parallel_loop3A_1752 : i32
        %parallel_loop3A_1754 = arith.index_cast %parallel_loop3A_1753 : i32 to index
        %parallel_loop3A_1755 = tpu.vector_load %arg20[%parallel_loop3A_1754] {strides = array<i32>} : memref<16384xf32, #tpu.memory_space<vmem>>, vector<16xf32>,
        tpu.vector_store %arg20[%parallel_loop3A_1754], %parallel_loop3A_1751 {strides = array<i32>} : memref<16384xf32, #tpu.memory_space<vmem>>, vector<16xf32>,
        %parallel_loop3A_1756 = arith.constant 9 : i32
        %parallel_loop3A_1757 = vector.broadcast %parallel_loop3A_1756 : i32 to vector<16xi32>
        %parallel_loop3A_1758 = arith.addi %parallel_loop3A_1677, %parallel_loop3A_1757 : vector<16xi32>
        %parallel_loop3A_1759 = tpu.vector_load_idx %arg19[%parallel_loop3A_1758] : memref<374xf32, #tpu.memory_space<vmem>>[vector<16xi32>], vector<16xf32>,
        %parallel_loop3A_1760 = arith.mulf %parallel_loop3A_1759, %parallel_loop3A_1623 : vector<16xf32>
        %parallel_loop3A_1761 = arith.constant 8320 : i32
        %parallel_loop3A_1762 = arith.addi %parallel_loop3A_1674, %parallel_loop3A_1761 : i32
        %parallel_loop3A_1763 = arith.index_cast %parallel_loop3A_1762 : i32 to index
        %parallel_loop3A_1764 = tpu.vector_load %arg20[%parallel_loop3A_1763] {strides = array<i32>} : memref<16384xf32, #tpu.memory_space<vmem>>, vector<16xf32>,
        tpu.vector_store %arg20[%parallel_loop3A_1763], %parallel_loop3A_1760 {strides = array<i32>} : memref<16384xf32, #tpu.memory_space<vmem>>, vector<16xf32>,
        %parallel_loop3A_1765 = arith.constant 10 : i32
        %parallel_loop3A_1766 = vector.broadcast %parallel_loop3A_1765 : i32 to vector<16xi32>
        %parallel_loop3A_1767 = arith.addi %parallel_loop3A_1677, %parallel_loop3A_1766 : vector<16xi32>
        %parallel_loop3A_1768 = tpu.vector_load_idx %arg19[%parallel_loop3A_1767] : memref<374xf32, #tpu.memory_space<vmem>>[vector<16xi32>], vector<16xf32>,
        %parallel_loop3A_1769 = arith.mulf %parallel_loop3A_1768, %parallel_loop3A_1623 : vector<16xf32>
        %parallel_loop3A_1770 = arith.constant 8448 : i32
        %parallel_loop3A_1771 = arith.addi %parallel_loop3A_1674, %parallel_loop3A_1770 : i32
        %parallel_loop3A_1772 = arith.index_cast %parallel_loop3A_1771 : i32 to index
        %parallel_loop3A_1773 = tpu.vector_load %arg20[%parallel_loop3A_1772] {strides = array<i32>} : memref<16384xf32, #tpu.memory_space<vmem>>, vector<16xf32>,
        tpu.vector_store %arg20[%parallel_loop3A_1772], %parallel_loop3A_1769 {strides = array<i32>} : memref<16384xf32, #tpu.memory_space<vmem>>, vector<16xf32>,
        %parallel_loop3A_1774 = arith.constant 11 : i32
        %parallel_loop3A_1775 = vector.broadcast %parallel_loop3A_1774 : i32 to vector<16xi32>
        %parallel_loop3A_1776 = arith.addi %parallel_loop3A_1677, %parallel_loop3A_1775 : vector<16xi32>
        %parallel_loop3A_1777 = tpu.vector_load_idx %arg19[%parallel_loop3A_1776] : memref<374xf32, #tpu.memory_space<vmem>>[vector<16xi32>], vector<16xf32>,
        %parallel_loop3A_1778 = arith.mulf %parallel_loop3A_1777, %parallel_loop3A_1623 : vector<16xf32>
        %parallel_loop3A_1779 = arith.constant 8576 : i32
        %parallel_loop3A_1780 = arith.addi %parallel_loop3A_1674, %parallel_loop3A_1779 : i32
        %parallel_loop3A_1781 = arith.index_cast %parallel_loop3A_1780 : i32 to index
        %parallel_loop3A_1782 = tpu.vector_load %arg20[%parallel_loop3A_1781] {strides = array<i32>} : memref<16384xf32, #tpu.memory_space<vmem>>, vector<16xf32>,
        tpu.vector_store %arg20[%parallel_loop3A_1781], %parallel_loop3A_1778 {strides = array<i32>} : memref<16384xf32, #tpu.memory_space<vmem>>, vector<16xf32>,
        %parallel_loop3A_1783 = arith.constant 12 : i32
        %parallel_loop3A_1784 = vector.broadcast %parallel_loop3A_1783 : i32 to vector<16xi32>
        %parallel_loop3A_1785 = arith.addi %parallel_loop3A_1677, %parallel_loop3A_1784 : vector<16xi32>
        %parallel_loop3A_1786 = tpu.vector_load_idx %arg19[%parallel_loop3A_1785] : memref<374xf32, #tpu.memory_space<vmem>>[vector<16xi32>], vector<16xf32>,
        %parallel_loop3A_1787 = arith.mulf %parallel_loop3A_1786, %parallel_loop3A_1623 : vector<16xf32>
        %parallel_loop3A_1788 = arith.constant 8704 : i32
        %parallel_loop3A_1789 = arith.addi %parallel_loop3A_1674, %parallel_loop3A_1788 : i32
        %parallel_loop3A_1790 = arith.index_cast %parallel_loop3A_1789 : i32 to index
        %parallel_loop3A_1791 = tpu.vector_load %arg20[%parallel_loop3A_1790] {strides = array<i32>} : memref<16384xf32, #tpu.memory_space<vmem>>, vector<16xf32>,
        tpu.vector_store %arg20[%parallel_loop3A_1790], %parallel_loop3A_1787 {strides = array<i32>} : memref<16384xf32, #tpu.memory_space<vmem>>, vector<16xf32>,
        %parallel_loop3A_1792 = arith.constant 13 : i32
        %parallel_loop3A_1793 = vector.broadcast %parallel_loop3A_1792 : i32 to vector<16xi32>
        %parallel_loop3A_1794 = arith.addi %parallel_loop3A_1677, %parallel_loop3A_1793 : vector<16xi32>
        %parallel_loop3A_1795 = tpu.vector_load_idx %arg19[%parallel_loop3A_1794] : memref<374xf32, #tpu.memory_space<vmem>>[vector<16xi32>], vector<16xf32>,
        %parallel_loop3A_1796 = arith.mulf %parallel_loop3A_1795, %parallel_loop3A_1623 : vector<16xf32>
        %parallel_loop3A_1797 = arith.constant 8832 : i32
        %parallel_loop3A_1798 = arith.addi %parallel_loop3A_1674, %parallel_loop3A_1797 : i32
        %parallel_loop3A_1799 = arith.index_cast %parallel_loop3A_1798 : i32 to index
        %parallel_loop3A_1800 = tpu.vector_load %arg20[%parallel_loop3A_1799] {strides = array<i32>} : memref<16384xf32, #tpu.memory_space<vmem>>, vector<16xf32>,
        tpu.vector_store %arg20[%parallel_loop3A_1799], %parallel_loop3A_1796 {strides = array<i32>} : memref<16384xf32, #tpu.memory_space<vmem>>, vector<16xf32>,
        %parallel_loop3A_1801 = arith.constant 14 : i32
        %parallel_loop3A_1802 = vector.broadcast %parallel_loop3A_1801 : i32 to vector<16xi32>
        %parallel_loop3A_1803 = arith.addi %parallel_loop3A_1677, %parallel_loop3A_1802 : vector<16xi32>
        %parallel_loop3A_1804 = tpu.vector_load_idx %arg19[%parallel_loop3A_1803] : memref<374xf32, #tpu.memory_space<vmem>>[vector<16xi32>], vector<16xf32>,
        %parallel_loop3A_1805 = arith.mulf %parallel_loop3A_1804, %parallel_loop3A_1623 : vector<16xf32>
        %parallel_loop3A_1806 = arith.constant 8960 : i32
        %parallel_loop3A_1807 = arith.addi %parallel_loop3A_1674, %parallel_loop3A_1806 : i32
        %parallel_loop3A_1808 = arith.index_cast %parallel_loop3A_1807 : i32 to index
        %parallel_loop3A_1809 = tpu.vector_load %arg20[%parallel_loop3A_1808] {strides = array<i32>} : memref<16384xf32, #tpu.memory_space<vmem>>, vector<16xf32>,
        tpu.vector_store %arg20[%parallel_loop3A_1808], %parallel_loop3A_1805 {strides = array<i32>} : memref<16384xf32, #tpu.memory_space<vmem>>, vector<16xf32>,
        %parallel_loop3A_1810 = arith.constant 15 : i32
        %parallel_loop3A_1811 = vector.broadcast %parallel_loop3A_1810 : i32 to vector<16xi32>
        %parallel_loop3A_1812 = arith.addi %parallel_loop3A_1677, %parallel_loop3A_1811 : vector<16xi32>
        %parallel_loop3A_1813 = tpu.vector_load_idx %arg19[%parallel_loop3A_1812] : memref<374xf32, #tpu.memory_space<vmem>>[vector<16xi32>], vector<16xf32>,
        %parallel_loop3A_1814 = arith.mulf %parallel_loop3A_1813, %parallel_loop3A_1623 : vector<16xf32>
        %parallel_loop3A_1815 = arith.constant 9088 : i32
        %parallel_loop3A_1816 = arith.addi %parallel_loop3A_1674, %parallel_loop3A_1815 : i32
        %parallel_loop3A_1817 = arith.index_cast %parallel_loop3A_1816 : i32 to index
        %parallel_loop3A_1818 = tpu.vector_load %arg20[%parallel_loop3A_1817] {strides = array<i32>} : memref<16384xf32, #tpu.memory_space<vmem>>, vector<16xf32>,
        tpu.vector_store %arg20[%parallel_loop3A_1817], %parallel_loop3A_1814 {strides = array<i32>} : memref<16384xf32, #tpu.memory_space<vmem>>, vector<16xf32>,
      } {sc.loop_unroll_factor = 1 : i64, sc.parallel_access}
      %dma_start3A = arith.constant 0 : i32
      %dma_start3A_1519 = tpu.memref_slice %arg10[%select_n3A, %add3A_1509, %dma_start3A] : memref<2x1024x16384xf32, #tpu.memory_space<hbm>> -> memref<1x1x16384xf32, #tpu.memory_space<hbm>>
      %dma_start3A_1520 = tpu.memref_squeeze %dma_start3A_1519 : memref<1x1x16384xf32, #tpu.memory_space<hbm>> -> memref<16384xf32, #tpu.memory_space<hbm>>
      %dma_start3A_1521 = arith.constant 0 : i32
      %dma_start3A_1522 = tpu.memref_slice %arg10[%select_n3A, %add3A_1509, %dma_start3A_1521] : memref<2x1024x16384xf32, #tpu.memory_space<hbm>> -> memref<1x1x16384xf32, #tpu.memory_space<hbm>>
      %dma_start3A_1523 = tpu.memref_squeeze %dma_start3A_1522 : memref<1x1x16384xf32, #tpu.memory_space<hbm>> -> memref<16384xf32, #tpu.memory_space<hbm>>
      tpu.enqueue_dma source(%arg20 : memref<16384xf32, #tpu.memory_space<vmem>>) target(%dma_start3A_1523 : memref<16384xf32, #tpu.memory_space<hbm>>) target_semaphore(%arg22 : memref<!tpu.dma_semaphore, #tpu.memory_space<semaphore_mem>>)
      %mul3A_1524 = arith.constant 2 : i32
      %mul3A_1525 = arith.muli %mul3A_1524, %scan3A_1503 : i32
      %add3A_1526 = arith.addi %select_n3A_32, %mul3A_1525 : i32
      %add3A_1527 = arith.constant 1 : i32
      %add3A_1528 = arith.addi %add3A_1526, %add3A_1527 : i32
      %ge3A_1529 = arith.constant 1 : i32
      %ge3A_1530 = arith.cmpi sge, %scan3A_1503, %ge3A_1529 : i32
      %convert_element_type3A_1531 = arith.extui %ge3A_1530 : i1 to i32
      %cond3A_1532 = arith.constant 0 : i32
      %cond3A_1533 = arith.cmpi ne, %convert_element_type3A_1531, %cond3A_1532 : i32
      scf.if %cond3A_1533 {
        %dma_wait3A_1549 = arith.constant 0 : i32
        %dma_wait3A_1550 = tpu.memref_slice %arg10[%select_n3A, %add3A_1528, %dma_wait3A_1549] : memref<2x1024x16384xf32, #tpu.memory_space<hbm>> -> memref<1x1x16384xf32, #tpu.memory_space<hbm>>
        %dma_wait3A_1551 = tpu.memref_squeeze %dma_wait3A_1550 : memref<1x1x16384xf32, #tpu.memory_space<hbm>> -> memref<16384xf32, #tpu.memory_space<hbm>>
        %dma_wait3A_1552 = arith.constant 0 : i32
        %dma_wait3A_1553 = tpu.memref_slice %arg10[%select_n3A, %add3A_1528, %dma_wait3A_1552] : memref<2x1024x16384xf32, #tpu.memory_space<hbm>> -> memref<1x1x16384xf32, #tpu.memory_space<hbm>>
        %dma_wait3A_1554 = tpu.memref_squeeze %dma_wait3A_1553 : memref<1x1x16384xf32, #tpu.memory_space<hbm>> -> memref<16384xf32, #tpu.memory_space<hbm>>
        tpu.wait_dma2 semaphore(%arg23 : memref<!tpu.dma_semaphore, #tpu.memory_space<semaphore_mem>>) src(%dma_wait3A_1554 : memref<16384xf32, #tpu.memory_space<hbm>>) dst(%arg21 : memref<16384xf32, #tpu.memory_space<vmem>>)
      } else {
      }
      %broadcast_in_dim3A_1534 = vector.broadcast %add3A_1528 : i32 to vector<16xi32>
      %gather3A_1535 = tpu.vector_load_idx %arg11[%broadcast_in_dim3A_1534] : memref<1024xf32, #tpu.memory_space<vmem>>[vector<16xi32>], vector<16xf32>,
      %gather3A_1536 = tpu.vector_load_idx %arg12[%broadcast_in_dim3A_1534] : memref<1024xf32, #tpu.memory_space<vmem>>[vector<16xi32>], vector<16xf32>,
      %gather3A_1537 = tpu.vector_load_idx %arg13[%broadcast_in_dim3A_1534] : memref<1024xf32, #tpu.memory_space<vmem>>[vector<16xi32>], vector<16xf32>,
      %gather3A_1538 = tpu.vector_load_idx %arg14[%broadcast_in_dim3A_1534] : memref<1024xf32, #tpu.memory_space<vmem>>[vector<16xi32>], vector<16xf32>,
      %parallel_loop3A_1539 = arith.constant 0 : i32
      %parallel_loop3A_1540 = arith.constant 64 : i32
      %parallel_loop3A_1541 = arith.constant 1 : i32
      scf.for %parallel_loop3A_1549 = %parallel_loop3A_1539 to %parallel_loop3A_1540 step %parallel_loop3A_1541  : i32 {
        %parallel_loop3A_1550 = arith.constant 16 : i32
        %parallel_loop3A_1551 = arith.muli %parallel_loop3A_1549, %parallel_loop3A_1550 : i32
        %parallel_loop3A_1552 = arith.index_cast %parallel_loop3A_1551 : i32 to index
        %parallel_loop3A_1553 = tpu.vector_load %arg11[%parallel_loop3A_1552] {strides = array<i32>} : memref<1024xf32, #tpu.memory_space<vmem>>, vector<16xf32>,
        %parallel_loop3A_1554 = arith.subf %parallel_loop3A_1553, %gather3A_1535 : vector<16xf32>
        %parallel_loop3A_1555 = arith.index_cast %parallel_loop3A_1551 : i32 to index
        %parallel_loop3A_1556 = tpu.vector_load %arg12[%parallel_loop3A_1555] {strides = array<i32>} : memref<1024xf32, #tpu.memory_space<vmem>>, vector<16xf32>,
        %parallel_loop3A_1557 = arith.subf %parallel_loop3A_1556, %gather3A_1536 : vector<16xf32>
        %parallel_loop3A_1558 = arith.index_cast %parallel_loop3A_1551 : i32 to index
        %parallel_loop3A_1559 = tpu.vector_load %arg13[%parallel_loop3A_1558] {strides = array<i32>} : memref<1024xf32, #tpu.memory_space<vmem>>, vector<16xf32>,
        %parallel_loop3A_1560 = arith.subf %parallel_loop3A_1559, %gather3A_1537 : vector<16xf32>
        %parallel_loop3A_1561 = arith.mulf %parallel_loop3A_1554, %parallel_loop3A_1554 : vector<16xf32>
        %parallel_loop3A_1562 = arith.mulf %parallel_loop3A_1557, %parallel_loop3A_1557 : vector<16xf32>
        %parallel_loop3A_1563 = arith.addf %parallel_loop3A_1561, %parallel_loop3A_1562 : vector<16xf32>
        %parallel_loop3A_1564 = arith.mulf %parallel_loop3A_1560, %parallel_loop3A_1560 : vector<16xf32>
        %parallel_loop3A_1565 = arith.addf %parallel_loop3A_1563, %parallel_loop3A_1564 : vector<16xf32>
        %parallel_loop3A_1566 = arith.constant 9.99999993E-9 : f32
        %parallel_loop3A_1567 = vector.broadcast %parallel_loop3A_1566 : f32 to vector<16xf32>
        %parallel_loop3A_1568 = arith.addf %parallel_loop3A_1565, %parallel_loop3A_1567 : vector<16xf32>
        %parallel_loop3A_1569 = tpu.bitcast %parallel_loop3A_1568 : vector<16xf32> -> vector<16xi32>
        %parallel_loop3A_1570 = arith.constant 1 : i32
        %parallel_loop3A_1571 = vector.broadcast %parallel_loop3A_1570 : i32 to vector<16xi32>
        %parallel_loop3A_1572 = arith.shrsi %parallel_loop3A_1569, %parallel_loop3A_1571 : vector<16xi32>
        %parallel_loop3A_1573 = arith.constant 1597463007 : i32
        %parallel_loop3A_1574 = vector.broadcast %parallel_loop3A_1573 : i32 to vector<16xi32>
        %parallel_loop3A_1575 = arith.subi %parallel_loop3A_1574, %parallel_loop3A_1572 : vector<16xi32>
        %parallel_loop3A_1576 = tpu.bitcast %parallel_loop3A_1575 : vector<16xi32> -> vector<16xf32>
        %parallel_loop3A_1577 = arith.constant 5.000000e-01 : f32
        %parallel_loop3A_1578 = vector.broadcast %parallel_loop3A_1577 : f32 to vector<16xf32>
        %parallel_loop3A_1579 = arith.mulf %parallel_loop3A_1578, %parallel_loop3A_1568 : vector<16xf32>
        %parallel_loop3A_1580 = arith.mulf %parallel_loop3A_1579, %parallel_loop3A_1576 : vector<16xf32>
        %parallel_loop3A_1581 = arith.mulf %parallel_loop3A_1580, %parallel_loop3A_1576 : vector<16xf32>
        %parallel_loop3A_1582 = arith.constant 1.500000e+00 : f32
        %parallel_loop3A_1583 = vector.broadcast %parallel_loop3A_1582 : f32 to vector<16xf32>
        %parallel_loop3A_1584 = arith.subf %parallel_loop3A_1583, %parallel_loop3A_1581 : vector<16xf32>
        %parallel_loop3A_1585 = arith.mulf %parallel_loop3A_1576, %parallel_loop3A_1584 : vector<16xf32>
        %parallel_loop3A_1586 = arith.constant 5.000000e-01 : f32
        %parallel_loop3A_1587 = vector.broadcast %parallel_loop3A_1586 : f32 to vector<16xf32>
        %parallel_loop3A_1588 = arith.mulf %parallel_loop3A_1587, %parallel_loop3A_1568 : vector<16xf32>
        %parallel_loop3A_1589 = arith.mulf %parallel_loop3A_1588, %parallel_loop3A_1585 : vector<16xf32>
        %parallel_loop3A_1590 = arith.mulf %parallel_loop3A_1589, %parallel_loop3A_1585 : vector<16xf32>
        %parallel_loop3A_1591 = arith.constant 1.500000e+00 : f32
        %parallel_loop3A_1592 = vector.broadcast %parallel_loop3A_1591 : f32 to vector<16xf32>
        %parallel_loop3A_1593 = arith.subf %parallel_loop3A_1592, %parallel_loop3A_1590 : vector<16xf32>
        %parallel_loop3A_1594 = arith.mulf %parallel_loop3A_1585, %parallel_loop3A_1593 : vector<16xf32>
        %parallel_loop3A_1595 = arith.constant 5.000000e-01 : f32
        %parallel_loop3A_1596 = vector.broadcast %parallel_loop3A_1595 : f32 to vector<16xf32>
        %parallel_loop3A_1597 = arith.mulf %parallel_loop3A_1596, %parallel_loop3A_1568 : vector<16xf32>
        %parallel_loop3A_1598 = arith.mulf %parallel_loop3A_1597, %parallel_loop3A_1594 : vector<16xf32>
        %parallel_loop3A_1599 = arith.mulf %parallel_loop3A_1598, %parallel_loop3A_1594 : vector<16xf32>
        %parallel_loop3A_1600 = arith.constant 1.500000e+00 : f32
        %parallel_loop3A_1601 = vector.broadcast %parallel_loop3A_1600 : f32 to vector<16xf32>
        %parallel_loop3A_1602 = arith.subf %parallel_loop3A_1601, %parallel_loop3A_1599 : vector<16xf32>
        %parallel_loop3A_1603 = arith.mulf %parallel_loop3A_1594, %parallel_loop3A_1602 : vector<16xf32>
        %parallel_loop3A_1604 = arith.mulf %parallel_loop3A_1568, %parallel_loop3A_1603 : vector<16xf32>
        %parallel_loop3A_1605 = arith.constant 5.250000e-01 : f32
        %parallel_loop3A_1606 = vector.broadcast %parallel_loop3A_1605 : f32 to vector<16xf32>
        %parallel_loop3A_1607 = arith.mulf %parallel_loop3A_1604, %parallel_loop3A_1606 : vector<16xf32>
        %parallel_loop3A_1608 = arith.constant 2.200000e+01 : f32
        %parallel_loop3A_1609 = vector.broadcast %parallel_loop3A_1608 : f32 to vector<16xf32>
        %parallel_loop3A_1610 = arith.minimumf %parallel_loop3A_1607, %parallel_loop3A_1609 : vector<16xf32>
        %parallel_loop3A_1611 = arith.fptosi %parallel_loop3A_1610 : vector<16xf32> to vector<16xi32>
        %parallel_loop3A_1612 = arith.sitofp %parallel_loop3A_1611 : vector<16xi32> to vector<16xf32>
        %parallel_loop3A_1613 = arith.cmpf olt, %parallel_loop3A_1612, %parallel_loop3A_1610 : vector<16xf32>
        %parallel_loop3A_1614 = arith.constant 1 : i32
        %parallel_loop3A_1615 = vector.broadcast %parallel_loop3A_1614 : i32 to vector<16xi32>
        %parallel_loop3A_1616 = arith.addi %parallel_loop3A_1611, %parallel_loop3A_1615 : vector<16xi32>
        %parallel_loop3A_1617 = arith.select %parallel_loop3A_1613, %parallel_loop3A_1616, %parallel_loop3A_1611 : vector<16xi1>, vector<16xi32>
        %parallel_loop3A_1618 = arith.constant 20 : i32
        %parallel_loop3A_1619 = vector.broadcast %parallel_loop3A_1618 : i32 to vector<16xi32>
        %parallel_loop3A_1620 = arith.minsi %parallel_loop3A_1617, %parallel_loop3A_1619 : vector<16xi32>
        %parallel_loop3A_1621 = arith.index_cast %parallel_loop3A_1551 : i32 to index
        %parallel_loop3A_1622 = tpu.vector_load %arg14[%parallel_loop3A_1621] {strides = array<i32>} : memref<1024xf32, #tpu.memory_space<vmem>>, vector<16xf32>,
        %parallel_loop3A_1623 = arith.minimumf %gather3A_1538, %parallel_loop3A_1622 : vector<16xf32>
        %parallel_loop3A_1624 = arith.constant 0.000000e+00 : f32
        %parallel_loop3A_1625 = vector.broadcast %parallel_loop3A_1624 : f32 to vector<16xf32>
        %parallel_loop3A_1626 = arith.cmpf ogt, %parallel_loop3A_1623, %parallel_loop3A_1625 : vector<16xf32>
        %parallel_loop3A_1627 = arith.constant 21 : i32
        %parallel_loop3A_1628 = vector.broadcast %parallel_loop3A_1627 : i32 to vector<16xi32>
        %parallel_loop3A_1629 = arith.select %parallel_loop3A_1626, %parallel_loop3A_1620, %parallel_loop3A_1628 : vector<16xi1>, vector<16xi32>
        %parallel_loop3A_1630 = arith.constant 8 : i32
        %parallel_loop3A_1631 = arith.divsi %parallel_loop3A_1549, %parallel_loop3A_1630 : i32
        %parallel_loop3A_1632 = arith.constant 0 : i32
        %parallel_loop3A_1633 = arith.cmpi sgt, %parallel_loop3A_1549, %parallel_loop3A_1632 : i32
        %parallel_loop3A_1634 = arith.extui %parallel_loop3A_1633 : i1 to i32
        %parallel_loop3A_1635 = arith.constant 0 : i32
        %parallel_loop3A_1636 = arith.cmpi slt, %parallel_loop3A_1549, %parallel_loop3A_1635 : i32
        %parallel_loop3A_1637 = arith.extui %parallel_loop3A_1636 : i1 to i32
        %parallel_loop3A_1638 = arith.subi %parallel_loop3A_1634, %parallel_loop3A_1637 : i32
        %parallel_loop3A_1639 = arith.constant 0 : i32
        %parallel_loop3A_1640 = arith.cmpi sgt, %parallel_loop3A_1630, %parallel_loop3A_1639 : i32
        %parallel_loop3A_1641 = arith.extui %parallel_loop3A_1640 : i1 to i32
        %parallel_loop3A_1642 = arith.constant 0 : i32
        %parallel_loop3A_1643 = arith.cmpi slt, %parallel_loop3A_1630, %parallel_loop3A_1642 : i32
        %parallel_loop3A_1644 = arith.extui %parallel_loop3A_1643 : i1 to i32
        %parallel_loop3A_1645 = arith.subi %parallel_loop3A_1641, %parallel_loop3A_1644 : i32
        %parallel_loop3A_1646 = arith.cmpi ne, %parallel_loop3A_1638, %parallel_loop3A_1645 : i32
        %parallel_loop3A_1647 = arith.remsi %parallel_loop3A_1549, %parallel_loop3A_1630 : i32
        %parallel_loop3A_1648 = arith.constant 0 : i32
        %parallel_loop3A_1649 = arith.cmpi ne, %parallel_loop3A_1647, %parallel_loop3A_1648 : i32
        %parallel_loop3A_1650 = arith.andi %parallel_loop3A_1646, %parallel_loop3A_1649 : i1
        %parallel_loop3A_1651 = arith.constant 1 : i32
        %parallel_loop3A_1652 = arith.subi %parallel_loop3A_1631, %parallel_loop3A_1651 : i32
        %parallel_loop3A_1653 = arith.select %parallel_loop3A_1650, %parallel_loop3A_1652, %parallel_loop3A_1631 : i32
        %parallel_loop3A_1654 = arith.constant 1024 : i32
        %parallel_loop3A_1655 = arith.muli %parallel_loop3A_1653, %parallel_loop3A_1654 : i32
        %parallel_loop3A_1656 = arith.constant 8 : i32
        %parallel_loop3A_1657 = arith.constant 0 : i32
        %parallel_loop3A_1658 = arith.cmpi eq, %parallel_loop3A_1656, %parallel_loop3A_1657 : i32
        %parallel_loop3A_1659 = arith.constant 1 : i32
        %parallel_loop3A_1660 = arith.select %parallel_loop3A_1658, %parallel_loop3A_1659, %parallel_loop3A_1656 : i32
        %parallel_loop3A_1661 = arith.remsi %parallel_loop3A_1549, %parallel_loop3A_1660 : i32
        %parallel_loop3A_1662 = arith.constant 0 : i32
        %parallel_loop3A_1663 = arith.cmpi ne, %parallel_loop3A_1661, %parallel_loop3A_1662 : i32
        %parallel_loop3A_1664 = arith.constant 0 : i32
        %parallel_loop3A_1665 = arith.cmpi slt, %parallel_loop3A_1661, %parallel_loop3A_1664 : i32
        %parallel_loop3A_1666 = arith.constant 0 : i32
        %parallel_loop3A_1667 = arith.cmpi slt, %parallel_loop3A_1660, %parallel_loop3A_1666 : i32
        %parallel_loop3A_1668 = arith.xori %parallel_loop3A_1665, %parallel_loop3A_1667 : i1
        %parallel_loop3A_1669 = arith.andi %parallel_loop3A_1668, %parallel_loop3A_1663 : i1
        %parallel_loop3A_1670 = arith.addi %parallel_loop3A_1661, %parallel_loop3A_1660 : i32
        %parallel_loop3A_1671 = arith.select %parallel_loop3A_1669, %parallel_loop3A_1670, %parallel_loop3A_1661 : i32
        %parallel_loop3A_1672 = arith.constant 16 : i32
        %parallel_loop3A_1673 = arith.muli %parallel_loop3A_1671, %parallel_loop3A_1672 : i32
        %parallel_loop3A_1674 = arith.addi %parallel_loop3A_1655, %parallel_loop3A_1673 : i32
        %parallel_loop3A_1675 = arith.constant 17 : i32
        %parallel_loop3A_1676 = vector.broadcast %parallel_loop3A_1675 : i32 to vector<16xi32>
        %parallel_loop3A_1677 = arith.muli %parallel_loop3A_1629, %parallel_loop3A_1676 : vector<16xi32>
        %parallel_loop3A_1678 = tpu.vector_load_idx %arg19[%parallel_loop3A_1677] : memref<374xf32, #tpu.memory_space<vmem>>[vector<16xi32>], vector<16xf32>,
        %parallel_loop3A_1679 = arith.mulf %parallel_loop3A_1678, %parallel_loop3A_1623 : vector<16xf32>
        %parallel_loop3A_1680 = arith.constant 0 : i32
        %parallel_loop3A_1681 = arith.addi %parallel_loop3A_1674, %parallel_loop3A_1680 : i32
        %parallel_loop3A_1682 = arith.index_cast %parallel_loop3A_1681 : i32 to index
        %parallel_loop3A_1683 = tpu.vector_load %arg21[%parallel_loop3A_1682] {strides = array<i32>} : memref<16384xf32, #tpu.memory_space<vmem>>, vector<16xf32>,
        tpu.vector_store %arg21[%parallel_loop3A_1682], %parallel_loop3A_1679 {strides = array<i32>} : memref<16384xf32, #tpu.memory_space<vmem>>, vector<16xf32>,
        %parallel_loop3A_1684 = arith.constant 1 : i32
        %parallel_loop3A_1685 = vector.broadcast %parallel_loop3A_1684 : i32 to vector<16xi32>
        %parallel_loop3A_1686 = arith.addi %parallel_loop3A_1677, %parallel_loop3A_1685 : vector<16xi32>
        %parallel_loop3A_1687 = tpu.vector_load_idx %arg19[%parallel_loop3A_1686] : memref<374xf32, #tpu.memory_space<vmem>>[vector<16xi32>], vector<16xf32>,
        %parallel_loop3A_1688 = arith.mulf %parallel_loop3A_1687, %parallel_loop3A_1623 : vector<16xf32>
        %parallel_loop3A_1689 = arith.constant 128 : i32
        %parallel_loop3A_1690 = arith.addi %parallel_loop3A_1674, %parallel_loop3A_1689 : i32
        %parallel_loop3A_1691 = arith.index_cast %parallel_loop3A_1690 : i32 to index
        %parallel_loop3A_1692 = tpu.vector_load %arg21[%parallel_loop3A_1691] {strides = array<i32>} : memref<16384xf32, #tpu.memory_space<vmem>>, vector<16xf32>,
        tpu.vector_store %arg21[%parallel_loop3A_1691], %parallel_loop3A_1688 {strides = array<i32>} : memref<16384xf32, #tpu.memory_space<vmem>>, vector<16xf32>,
        %parallel_loop3A_1693 = arith.constant 2 : i32
        %parallel_loop3A_1694 = vector.broadcast %parallel_loop3A_1693 : i32 to vector<16xi32>
        %parallel_loop3A_1695 = arith.addi %parallel_loop3A_1677, %parallel_loop3A_1694 : vector<16xi32>
        %parallel_loop3A_1696 = tpu.vector_load_idx %arg19[%parallel_loop3A_1695] : memref<374xf32, #tpu.memory_space<vmem>>[vector<16xi32>], vector<16xf32>,
        %parallel_loop3A_1697 = arith.mulf %parallel_loop3A_1696, %parallel_loop3A_1623 : vector<16xf32>
        %parallel_loop3A_1698 = arith.constant 256 : i32
        %parallel_loop3A_1699 = arith.addi %parallel_loop3A_1674, %parallel_loop3A_1698 : i32
        %parallel_loop3A_1700 = arith.index_cast %parallel_loop3A_1699 : i32 to index
        %parallel_loop3A_1701 = tpu.vector_load %arg21[%parallel_loop3A_1700] {strides = array<i32>} : memref<16384xf32, #tpu.memory_space<vmem>>, vector<16xf32>,
        tpu.vector_store %arg21[%parallel_loop3A_1700], %parallel_loop3A_1697 {strides = array<i32>} : memref<16384xf32, #tpu.memory_space<vmem>>, vector<16xf32>,
        %parallel_loop3A_1702 = arith.constant 3 : i32
        %parallel_loop3A_1703 = vector.broadcast %parallel_loop3A_1702 : i32 to vector<16xi32>
        %parallel_loop3A_1704 = arith.addi %parallel_loop3A_1677, %parallel_loop3A_1703 : vector<16xi32>
        %parallel_loop3A_1705 = tpu.vector_load_idx %arg19[%parallel_loop3A_1704] : memref<374xf32, #tpu.memory_space<vmem>>[vector<16xi32>], vector<16xf32>,
        %parallel_loop3A_1706 = arith.mulf %parallel_loop3A_1705, %parallel_loop3A_1623 : vector<16xf32>
        %parallel_loop3A_1707 = arith.constant 384 : i32
        %parallel_loop3A_1708 = arith.addi %parallel_loop3A_1674, %parallel_loop3A_1707 : i32
        %parallel_loop3A_1709 = arith.index_cast %parallel_loop3A_1708 : i32 to index
        %parallel_loop3A_1710 = tpu.vector_load %arg21[%parallel_loop3A_1709] {strides = array<i32>} : memref<16384xf32, #tpu.memory_space<vmem>>, vector<16xf32>,
        tpu.vector_store %arg21[%parallel_loop3A_1709], %parallel_loop3A_1706 {strides = array<i32>} : memref<16384xf32, #tpu.memory_space<vmem>>, vector<16xf32>,
        %parallel_loop3A_1711 = arith.constant 4 : i32
        %parallel_loop3A_1712 = vector.broadcast %parallel_loop3A_1711 : i32 to vector<16xi32>
        %parallel_loop3A_1713 = arith.addi %parallel_loop3A_1677, %parallel_loop3A_1712 : vector<16xi32>
        %parallel_loop3A_1714 = tpu.vector_load_idx %arg19[%parallel_loop3A_1713] : memref<374xf32, #tpu.memory_space<vmem>>[vector<16xi32>], vector<16xf32>,
        %parallel_loop3A_1715 = arith.mulf %parallel_loop3A_1714, %parallel_loop3A_1623 : vector<16xf32>
        %parallel_loop3A_1716 = arith.constant 512 : i32
        %parallel_loop3A_1717 = arith.addi %parallel_loop3A_1674, %parallel_loop3A_1716 : i32
        %parallel_loop3A_1718 = arith.index_cast %parallel_loop3A_1717 : i32 to index
        %parallel_loop3A_1719 = tpu.vector_load %arg21[%parallel_loop3A_1718] {strides = array<i32>} : memref<16384xf32, #tpu.memory_space<vmem>>, vector<16xf32>,
        tpu.vector_store %arg21[%parallel_loop3A_1718], %parallel_loop3A_1715 {strides = array<i32>} : memref<16384xf32, #tpu.memory_space<vmem>>, vector<16xf32>,
        %parallel_loop3A_1720 = arith.constant 5 : i32
        %parallel_loop3A_1721 = vector.broadcast %parallel_loop3A_1720 : i32 to vector<16xi32>
        %parallel_loop3A_1722 = arith.addi %parallel_loop3A_1677, %parallel_loop3A_1721 : vector<16xi32>
        %parallel_loop3A_1723 = tpu.vector_load_idx %arg19[%parallel_loop3A_1722] : memref<374xf32, #tpu.memory_space<vmem>>[vector<16xi32>], vector<16xf32>,
        %parallel_loop3A_1724 = arith.mulf %parallel_loop3A_1723, %parallel_loop3A_1623 : vector<16xf32>
        %parallel_loop3A_1725 = arith.constant 640 : i32
        %parallel_loop3A_1726 = arith.addi %parallel_loop3A_1674, %parallel_loop3A_1725 : i32
        %parallel_loop3A_1727 = arith.index_cast %parallel_loop3A_1726 : i32 to index
        %parallel_loop3A_1728 = tpu.vector_load %arg21[%parallel_loop3A_1727] {strides = array<i32>} : memref<16384xf32, #tpu.memory_space<vmem>>, vector<16xf32>,
        tpu.vector_store %arg21[%parallel_loop3A_1727], %parallel_loop3A_1724 {strides = array<i32>} : memref<16384xf32, #tpu.memory_space<vmem>>, vector<16xf32>,
        %parallel_loop3A_1729 = arith.constant 6 : i32
        %parallel_loop3A_1730 = vector.broadcast %parallel_loop3A_1729 : i32 to vector<16xi32>
        %parallel_loop3A_1731 = arith.addi %parallel_loop3A_1677, %parallel_loop3A_1730 : vector<16xi32>
        %parallel_loop3A_1732 = tpu.vector_load_idx %arg19[%parallel_loop3A_1731] : memref<374xf32, #tpu.memory_space<vmem>>[vector<16xi32>], vector<16xf32>,
        %parallel_loop3A_1733 = arith.mulf %parallel_loop3A_1732, %parallel_loop3A_1623 : vector<16xf32>
        %parallel_loop3A_1734 = arith.constant 768 : i32
        %parallel_loop3A_1735 = arith.addi %parallel_loop3A_1674, %parallel_loop3A_1734 : i32
        %parallel_loop3A_1736 = arith.index_cast %parallel_loop3A_1735 : i32 to index
        %parallel_loop3A_1737 = tpu.vector_load %arg21[%parallel_loop3A_1736] {strides = array<i32>} : memref<16384xf32, #tpu.memory_space<vmem>>, vector<16xf32>,
        tpu.vector_store %arg21[%parallel_loop3A_1736], %parallel_loop3A_1733 {strides = array<i32>} : memref<16384xf32, #tpu.memory_space<vmem>>, vector<16xf32>,
        %parallel_loop3A_1738 = arith.constant 7 : i32
        %parallel_loop3A_1739 = vector.broadcast %parallel_loop3A_1738 : i32 to vector<16xi32>
        %parallel_loop3A_1740 = arith.addi %parallel_loop3A_1677, %parallel_loop3A_1739 : vector<16xi32>
        %parallel_loop3A_1741 = tpu.vector_load_idx %arg19[%parallel_loop3A_1740] : memref<374xf32, #tpu.memory_space<vmem>>[vector<16xi32>], vector<16xf32>,
        %parallel_loop3A_1742 = arith.mulf %parallel_loop3A_1741, %parallel_loop3A_1623 : vector<16xf32>
        %parallel_loop3A_1743 = arith.constant 896 : i32
        %parallel_loop3A_1744 = arith.addi %parallel_loop3A_1674, %parallel_loop3A_1743 : i32
        %parallel_loop3A_1745 = arith.index_cast %parallel_loop3A_1744 : i32 to index
        %parallel_loop3A_1746 = tpu.vector_load %arg21[%parallel_loop3A_1745] {strides = array<i32>} : memref<16384xf32, #tpu.memory_space<vmem>>, vector<16xf32>,
        tpu.vector_store %arg21[%parallel_loop3A_1745], %parallel_loop3A_1742 {strides = array<i32>} : memref<16384xf32, #tpu.memory_space<vmem>>, vector<16xf32>,
        %parallel_loop3A_1747 = arith.constant 8 : i32
        %parallel_loop3A_1748 = vector.broadcast %parallel_loop3A_1747 : i32 to vector<16xi32>
        %parallel_loop3A_1749 = arith.addi %parallel_loop3A_1677, %parallel_loop3A_1748 : vector<16xi32>
        %parallel_loop3A_1750 = tpu.vector_load_idx %arg19[%parallel_loop3A_1749] : memref<374xf32, #tpu.memory_space<vmem>>[vector<16xi32>], vector<16xf32>,
        %parallel_loop3A_1751 = arith.mulf %parallel_loop3A_1750, %parallel_loop3A_1623 : vector<16xf32>
        %parallel_loop3A_1752 = arith.constant 8192 : i32
        %parallel_loop3A_1753 = arith.addi %parallel_loop3A_1674, %parallel_loop3A_1752 : i32
        %parallel_loop3A_1754 = arith.index_cast %parallel_loop3A_1753 : i32 to index
        %parallel_loop3A_1755 = tpu.vector_load %arg21[%parallel_loop3A_1754] {strides = array<i32>} : memref<16384xf32, #tpu.memory_space<vmem>>, vector<16xf32>,
        tpu.vector_store %arg21[%parallel_loop3A_1754], %parallel_loop3A_1751 {strides = array<i32>} : memref<16384xf32, #tpu.memory_space<vmem>>, vector<16xf32>,
        %parallel_loop3A_1756 = arith.constant 9 : i32
        %parallel_loop3A_1757 = vector.broadcast %parallel_loop3A_1756 : i32 to vector<16xi32>
        %parallel_loop3A_1758 = arith.addi %parallel_loop3A_1677, %parallel_loop3A_1757 : vector<16xi32>
        %parallel_loop3A_1759 = tpu.vector_load_idx %arg19[%parallel_loop3A_1758] : memref<374xf32, #tpu.memory_space<vmem>>[vector<16xi32>], vector<16xf32>,
        %parallel_loop3A_1760 = arith.mulf %parallel_loop3A_1759, %parallel_loop3A_1623 : vector<16xf32>
        %parallel_loop3A_1761 = arith.constant 8320 : i32
        %parallel_loop3A_1762 = arith.addi %parallel_loop3A_1674, %parallel_loop3A_1761 : i32
        %parallel_loop3A_1763 = arith.index_cast %parallel_loop3A_1762 : i32 to index
        %parallel_loop3A_1764 = tpu.vector_load %arg21[%parallel_loop3A_1763] {strides = array<i32>} : memref<16384xf32, #tpu.memory_space<vmem>>, vector<16xf32>,
        tpu.vector_store %arg21[%parallel_loop3A_1763], %parallel_loop3A_1760 {strides = array<i32>} : memref<16384xf32, #tpu.memory_space<vmem>>, vector<16xf32>,
        %parallel_loop3A_1765 = arith.constant 10 : i32
        %parallel_loop3A_1766 = vector.broadcast %parallel_loop3A_1765 : i32 to vector<16xi32>
        %parallel_loop3A_1767 = arith.addi %parallel_loop3A_1677, %parallel_loop3A_1766 : vector<16xi32>
        %parallel_loop3A_1768 = tpu.vector_load_idx %arg19[%parallel_loop3A_1767] : memref<374xf32, #tpu.memory_space<vmem>>[vector<16xi32>], vector<16xf32>,
        %parallel_loop3A_1769 = arith.mulf %parallel_loop3A_1768, %parallel_loop3A_1623 : vector<16xf32>
        %parallel_loop3A_1770 = arith.constant 8448 : i32
        %parallel_loop3A_1771 = arith.addi %parallel_loop3A_1674, %parallel_loop3A_1770 : i32
        %parallel_loop3A_1772 = arith.index_cast %parallel_loop3A_1771 : i32 to index
        %parallel_loop3A_1773 = tpu.vector_load %arg21[%parallel_loop3A_1772] {strides = array<i32>} : memref<16384xf32, #tpu.memory_space<vmem>>, vector<16xf32>,
        tpu.vector_store %arg21[%parallel_loop3A_1772], %parallel_loop3A_1769 {strides = array<i32>} : memref<16384xf32, #tpu.memory_space<vmem>>, vector<16xf32>,
        %parallel_loop3A_1774 = arith.constant 11 : i32
        %parallel_loop3A_1775 = vector.broadcast %parallel_loop3A_1774 : i32 to vector<16xi32>
        %parallel_loop3A_1776 = arith.addi %parallel_loop3A_1677, %parallel_loop3A_1775 : vector<16xi32>
        %parallel_loop3A_1777 = tpu.vector_load_idx %arg19[%parallel_loop3A_1776] : memref<374xf32, #tpu.memory_space<vmem>>[vector<16xi32>], vector<16xf32>,
        %parallel_loop3A_1778 = arith.mulf %parallel_loop3A_1777, %parallel_loop3A_1623 : vector<16xf32>
        %parallel_loop3A_1779 = arith.constant 8576 : i32
        %parallel_loop3A_1780 = arith.addi %parallel_loop3A_1674, %parallel_loop3A_1779 : i32
        %parallel_loop3A_1781 = arith.index_cast %parallel_loop3A_1780 : i32 to index
        %parallel_loop3A_1782 = tpu.vector_load %arg21[%parallel_loop3A_1781] {strides = array<i32>} : memref<16384xf32, #tpu.memory_space<vmem>>, vector<16xf32>,
        tpu.vector_store %arg21[%parallel_loop3A_1781], %parallel_loop3A_1778 {strides = array<i32>} : memref<16384xf32, #tpu.memory_space<vmem>>, vector<16xf32>,
        %parallel_loop3A_1783 = arith.constant 12 : i32
        %parallel_loop3A_1784 = vector.broadcast %parallel_loop3A_1783 : i32 to vector<16xi32>
        %parallel_loop3A_1785 = arith.addi %parallel_loop3A_1677, %parallel_loop3A_1784 : vector<16xi32>
        %parallel_loop3A_1786 = tpu.vector_load_idx %arg19[%parallel_loop3A_1785] : memref<374xf32, #tpu.memory_space<vmem>>[vector<16xi32>], vector<16xf32>,
        %parallel_loop3A_1787 = arith.mulf %parallel_loop3A_1786, %parallel_loop3A_1623 : vector<16xf32>
        %parallel_loop3A_1788 = arith.constant 8704 : i32
        %parallel_loop3A_1789 = arith.addi %parallel_loop3A_1674, %parallel_loop3A_1788 : i32
        %parallel_loop3A_1790 = arith.index_cast %parallel_loop3A_1789 : i32 to index
        %parallel_loop3A_1791 = tpu.vector_load %arg21[%parallel_loop3A_1790] {strides = array<i32>} : memref<16384xf32, #tpu.memory_space<vmem>>, vector<16xf32>,
        tpu.vector_store %arg21[%parallel_loop3A_1790], %parallel_loop3A_1787 {strides = array<i32>} : memref<16384xf32, #tpu.memory_space<vmem>>, vector<16xf32>,
        %parallel_loop3A_1792 = arith.constant 13 : i32
        %parallel_loop3A_1793 = vector.broadcast %parallel_loop3A_1792 : i32 to vector<16xi32>
        %parallel_loop3A_1794 = arith.addi %parallel_loop3A_1677, %parallel_loop3A_1793 : vector<16xi32>
        %parallel_loop3A_1795 = tpu.vector_load_idx %arg19[%parallel_loop3A_1794] : memref<374xf32, #tpu.memory_space<vmem>>[vector<16xi32>], vector<16xf32>,
        %parallel_loop3A_1796 = arith.mulf %parallel_loop3A_1795, %parallel_loop3A_1623 : vector<16xf32>
        %parallel_loop3A_1797 = arith.constant 8832 : i32
        %parallel_loop3A_1798 = arith.addi %parallel_loop3A_1674, %parallel_loop3A_1797 : i32
        %parallel_loop3A_1799 = arith.index_cast %parallel_loop3A_1798 : i32 to index
        %parallel_loop3A_1800 = tpu.vector_load %arg21[%parallel_loop3A_1799] {strides = array<i32>} : memref<16384xf32, #tpu.memory_space<vmem>>, vector<16xf32>,
        tpu.vector_store %arg21[%parallel_loop3A_1799], %parallel_loop3A_1796 {strides = array<i32>} : memref<16384xf32, #tpu.memory_space<vmem>>, vector<16xf32>,
        %parallel_loop3A_1801 = arith.constant 14 : i32
        %parallel_loop3A_1802 = vector.broadcast %parallel_loop3A_1801 : i32 to vector<16xi32>
        %parallel_loop3A_1803 = arith.addi %parallel_loop3A_1677, %parallel_loop3A_1802 : vector<16xi32>
        %parallel_loop3A_1804 = tpu.vector_load_idx %arg19[%parallel_loop3A_1803] : memref<374xf32, #tpu.memory_space<vmem>>[vector<16xi32>], vector<16xf32>,
        %parallel_loop3A_1805 = arith.mulf %parallel_loop3A_1804, %parallel_loop3A_1623 : vector<16xf32>
        %parallel_loop3A_1806 = arith.constant 8960 : i32
        %parallel_loop3A_1807 = arith.addi %parallel_loop3A_1674, %parallel_loop3A_1806 : i32
        %parallel_loop3A_1808 = arith.index_cast %parallel_loop3A_1807 : i32 to index
        %parallel_loop3A_1809 = tpu.vector_load %arg21[%parallel_loop3A_1808] {strides = array<i32>} : memref<16384xf32, #tpu.memory_space<vmem>>, vector<16xf32>,
        tpu.vector_store %arg21[%parallel_loop3A_1808], %parallel_loop3A_1805 {strides = array<i32>} : memref<16384xf32, #tpu.memory_space<vmem>>, vector<16xf32>,
        %parallel_loop3A_1810 = arith.constant 15 : i32
        %parallel_loop3A_1811 = vector.broadcast %parallel_loop3A_1810 : i32 to vector<16xi32>
        %parallel_loop3A_1812 = arith.addi %parallel_loop3A_1677, %parallel_loop3A_1811 : vector<16xi32>
        %parallel_loop3A_1813 = tpu.vector_load_idx %arg19[%parallel_loop3A_1812] : memref<374xf32, #tpu.memory_space<vmem>>[vector<16xi32>], vector<16xf32>,
        %parallel_loop3A_1814 = arith.mulf %parallel_loop3A_1813, %parallel_loop3A_1623 : vector<16xf32>
        %parallel_loop3A_1815 = arith.constant 9088 : i32
        %parallel_loop3A_1816 = arith.addi %parallel_loop3A_1674, %parallel_loop3A_1815 : i32
        %parallel_loop3A_1817 = arith.index_cast %parallel_loop3A_1816 : i32 to index
        %parallel_loop3A_1818 = tpu.vector_load %arg21[%parallel_loop3A_1817] {strides = array<i32>} : memref<16384xf32, #tpu.memory_space<vmem>>, vector<16xf32>,
        tpu.vector_store %arg21[%parallel_loop3A_1817], %parallel_loop3A_1814 {strides = array<i32>} : memref<16384xf32, #tpu.memory_space<vmem>>, vector<16xf32>,
      } {sc.loop_unroll_factor = 1 : i64, sc.parallel_access}
      %dma_start3A_1542 = arith.constant 0 : i32
      %dma_start3A_1543 = tpu.memref_slice %arg10[%select_n3A, %add3A_1528, %dma_start3A_1542] : memref<2x1024x16384xf32, #tpu.memory_space<hbm>> -> memref<1x1x16384xf32, #tpu.memory_space<hbm>>
      %dma_start3A_1544 = tpu.memref_squeeze %dma_start3A_1543 : memref<1x1x16384xf32, #tpu.memory_space<hbm>> -> memref<16384xf32, #tpu.memory_space<hbm>>
      %dma_start3A_1545 = arith.constant 0 : i32
      %dma_start3A_1546 = tpu.memref_slice %arg10[%select_n3A, %add3A_1528, %dma_start3A_1545] : memref<2x1024x16384xf32, #tpu.memory_space<hbm>> -> memref<1x1x16384xf32, #tpu.memory_space<hbm>>
      %dma_start3A_1547 = tpu.memref_squeeze %dma_start3A_1546 : memref<1x1x16384xf32, #tpu.memory_space<hbm>> -> memref<16384xf32, #tpu.memory_space<hbm>>
      tpu.enqueue_dma source(%arg21 : memref<16384xf32, #tpu.memory_space<vmem>>) target(%dma_start3A_1547 : memref<16384xf32, #tpu.memory_space<hbm>>) target_semaphore(%arg23 : memref<!tpu.dma_semaphore, #tpu.memory_space<semaphore_mem>>)
      %scan3A_1548 = arith.constant 0 : i32
      scf.yield %scan3A_1548 : i32
    }
    %scan3A_1491 = arith.constant 32 : i32
    %dma_wait3A = arith.constant 0 : i32
    %dma_wait3A_1492 = tpu.memref_slice %arg10[%select_n3A, %select_n3A_32, %dma_wait3A] : memref<2x1024x16384xf32, #tpu.memory_space<hbm>> -> memref<1x1x16384xf32, #tpu.memory_space<hbm>>
    %dma_wait3A_1493 = tpu.memref_squeeze %dma_wait3A_1492 : memref<1x1x16384xf32, #tpu.memory_space<hbm>> -> memref<16384xf32, #tpu.memory_space<hbm>>
    %dma_wait3A_1494 = arith.constant 0 : i32
    %dma_wait3A_1495 = tpu.memref_slice %arg10[%select_n3A, %select_n3A_32, %dma_wait3A_1494] : memref<2x1024x16384xf32, #tpu.memory_space<hbm>> -> memref<1x1x16384xf32, #tpu.memory_space<hbm>>
    %dma_wait3A_1496 = tpu.memref_squeeze %dma_wait3A_1495 : memref<1x1x16384xf32, #tpu.memory_space<hbm>> -> memref<16384xf32, #tpu.memory_space<hbm>>
    tpu.wait_dma2 semaphore(%arg22 : memref<!tpu.dma_semaphore, #tpu.memory_space<semaphore_mem>>) src(%dma_wait3A_1496 : memref<16384xf32, #tpu.memory_space<hbm>>) dst(%arg20 : memref<16384xf32, #tpu.memory_space<vmem>>)
    %dma_wait3A_1497 = arith.constant 0 : i32
    %dma_wait3A_1498 = tpu.memref_slice %arg10[%select_n3A, %select_n3A_32, %dma_wait3A_1497] : memref<2x1024x16384xf32, #tpu.memory_space<hbm>> -> memref<1x1x16384xf32, #tpu.memory_space<hbm>>
    %dma_wait3A_1499 = tpu.memref_squeeze %dma_wait3A_1498 : memref<1x1x16384xf32, #tpu.memory_space<hbm>> -> memref<16384xf32, #tpu.memory_space<hbm>>
    %dma_wait3A_1500 = arith.constant 0 : i32
    %dma_wait3A_1501 = tpu.memref_slice %arg10[%select_n3A, %select_n3A_32, %dma_wait3A_1500] : memref<2x1024x16384xf32, #tpu.memory_space<hbm>> -> memref<1x1x16384xf32, #tpu.memory_space<hbm>>
    %dma_wait3A_1502 = tpu.memref_squeeze %dma_wait3A_1501 : memref<1x1x16384xf32, #tpu.memory_space<hbm>> -> memref<16384xf32, #tpu.memory_space<hbm>>
    tpu.wait_dma2 semaphore(%arg23 : memref<!tpu.dma_semaphore, #tpu.memory_space<semaphore_mem>>) src(%dma_wait3A_1502 : memref<16384xf32, #tpu.memory_space<hbm>>) dst(%arg21 : memref<16384xf32, #tpu.memory_space<vmem>>)
    return
  }
}

</mosaic_0001>

<sc_bundles>
// kernel: _encode.3.cloned.1.call-start
scs
__scs_entry_jumppad:
0x0: {  	(pc) =	sbr.rel $0x88, $3  }
0x1: {  	(tag) =	ssettag $0x0;
	lr =	simm.s32 $0x1  }
0x2: {  	[smem:$0x3F99] =	sst lr;
	_ =	strace $0xD0000000  }
0x3: {  	_ = 	snop  }
0x4: {  	_ = 	snop  }
0x5: {  	_ = 	snop  }
0x6: {  	_ = 	snop  }
0x7: {  	_ = 	snop  }
__scs_overlays_trampoline_lowered:
0x8: {  	[smem:$0x3FA8] =	sst s0  }
0x9: {  	[smem:$0x3FA9] =	sst s1  }
0xa: {  	[smem:$0x3FAA] =	sst s2  }
0xb: {  	[smem:$0x3FAB] =	sst s3  }
0xc: {  	[smem:$0x3FAC] =	sst s4  }
0xd: {  	[smem:$0x3FAD] =	sst s5  }
0xe: {  	[smem:$0x3FAE] =	sst s6  }
0xf: {  	[smem:$0x3FAF] =	sst s7  }
0x10: {  	[smem:$0x3FB0] =	sst s8  }
0x11: {  	[smem:$0x3FB1] =	sst s9;
	s0 =	simm.s32 @!p0 $0x0  }
0x12: {  	s1 =	sld [smem:$0x3F97];
	s0 =	simm.s32 @p0 $0x1  }
0x13: {  	[smem:$0x3FB2] =	sst s0;
	s0 =	simm.s32 @!p1 $0x0  }
0x14: {  	s2 =	sld [smem:$0x3F96];
	s0 =	simm.s32 @p1 $0x1  }
0x15: {  	[smem:$0x3FB3] =	sst s0;
	s0 =	simm.s32 @!p2 $0x0  }
0x16: {  	s3 =	sld [smem:$0x3FDB];
	s0 =	simm.s32 @p2 $0x1  }
0x17: {  	s4 =	simm.s32 $0x1BF5;
	[smem:$0x3FB5] =	sst s0  }
0x18: {  	s0 =	sld [smem:$0x3F98];
	_ =	swait.ge [sflag:s4], $0x0  }
0x19: {  	s7 =	sld [smem:$0x3F99]  }
0x1a: {  	s8 =	sadd.s32 $0xFFFFE003, lr  }
0x1b: {  	s9 =	sadd.s32 $0xFFFFFEF7, lr;
	s5 =	simm.s32 $0xFFFFFFFF;
	p2 =	slt.u32 s8, $0xFFFFF086  }
0x1c: {  	p1 =	slt.u32 s9, $0xF7A;
	s5 =	simm.s32 @!p2 $0x0  }
0x1d: {  	s5 =	simm.s32 @p1 $0x1;
	p0 =	seq.s32 s7, s2  }
0x1e: {  	s7 =	smul.u32 @!p0 $0xF7A, s2;
	p2 =	seq.s32 @!p0 s5, $0x0  }
0x1f: {  	s9 =	smul.u32 $0xF7A, s1;
	s8 =	simm.s32 @!p0 $0x1BF5;
	p2 =	por !p2, p0  }
0x20: {  	[sflag:s8] =	ssyncset.s32 @!p0 $0xFFFFF086;
	s6 =	sadd.s32 @!p0 s3, s7;
	s7 =	simm.s32 @!p0 $0x108  }
0x21: {  	s3 =	sadd.s32 s3, s9;
	s6 =	sadd.s32 @!p0 $0x88, s6;
	s7 =	simm.s32 @p2 $0x1082  }
0x22: {  	[simem:s7], [sflag:s8] =	dma.local @!p0 [hbm:s6], $0xF7A  }
0x23: {  	s9 =	sor.u32 $0xD0000000, s2;
	s6 =	simm.s32 $0x108;
	_ =	swait.ge @!p0 [sflag:s8], $0x0  }
0x24: {  	s3 =	sadd.s32 $0x88, s3;
	s6 =	simm.s32 @!p1 $0x1082;
	[sflag:s4] =	ssyncset.s32 $0xFFFFF086  }
0x25: {  	[simem:s6], [sflag:s4] =	dma.local [hbm:s3], $0xF7A  }
0x26: {  	[smem:$0x3F99] =	sst s1;
	(tag) =	ssettag s2;
	_ =	strace s9  }
0x27: {  	s1 =	sld [smem:$0x3FA9]  }
0x28: {  	s2 =	sld [smem:$0x3FAA]  }
0x29: {  	s4 =	sld [smem:$0x3FAC]  }
0x2a: {  	p0 =	seq.s32 s5, $0x0;
	s5 =	sld [smem:$0x3FAD]  }
0x2b: {  	s6 =	sld [smem:$0x3FAE]  }
0x2c: {  	s7 =	sld [smem:$0x3FAF]  }
0x2d: {  	s3 =	simm.s32 $0x108;
	s8 =	sld [smem:$0x3FB0]  }
0x2e: {  	s3 =	simm.s32 @!p0 $0x1082;
	s9 =	sld [smem:$0x3FB1]  }
0x2f: {  	lr =	sadd.s32 s0, s3;
	s0 =	sld [smem:$0x3FA8]  }
0x30: {  	s3 =	sld [smem:$0x3FAB]  }
0x31: {  	[smem:$0x3FB4] =	sst s10  }
0x32: {  	s10 =	sld [smem:$0x3FB2];
	_ =	sdelay $0x3  }
0x33: {  	p0 =	seq.s32 s10, $0x1;
	s10 =	sld [smem:$0x3FB4];
	_ =	sdelay $0x3  }
0x34: {  	[smem:$0x3FB4] =	sst s10  }
0x35: {  	s10 =	sld [smem:$0x3FB3];
	_ =	sdelay $0x3  }
0x36: {  	p1 =	seq.s32 s10, $0x1;
	s10 =	sld [smem:$0x3FB4];
	_ =	sdelay $0x3  }
0x37: {  	[smem:$0x3FB4] =	sst s10  }
0x38: {  	s10 =	sld [smem:$0x3FB5]  }
0x39: {  	_ = 	snop;
	(pc) =	sbr.ind lr, $3  }
0x3a: {  	_ = 	snop  }
0x3b: {  	_ = 	snop  }
0x3c: {  	p2 =	seq.s32 s10, $0x1;
	s10 =	sld [smem:$0x3FB4]  }
0x3d: {  	_ =	shalt  }
0x3e: {  	_ =	shalt  }
0x3f: {  	_ =	shalt  }
0x40: {  	_ =	shalt  }
0x41: {  	_ =	shalt  }
0x42: {  	_ =	shalt  }
0x43: {  	_ =	shalt  }
0x44: {  	_ =	shalt  }
0x45: {  	_ =	shalt  }
0x46: {  	_ =	shalt  }
0x47: {  	_ =	shalt  }
0x48: {  	_ =	shalt  }
0x49: {  	_ =	shalt  }
0x4a: {  	_ =	shalt  }
0x4b: {  	_ =	shalt  }
0x4c: {  	_ =	shalt  }
0x4d: {  	_ =	shalt  }
0x4e: {  	_ =	shalt  }
0x4f: {  	_ =	shalt  }
0x50: {  	_ =	shalt  }
0x51: {  	_ =	shalt  }
0x52: {  	_ =	shalt  }
0x53: {  	_ =	shalt  }
0x54: {  	_ =	shalt  }
0x55: {  	_ =	shalt  }
0x56: {  	_ =	shalt  }
0x57: {  	_ =	shalt  }
0x58: {  	_ =	shalt  }
0x59: {  	_ =	shalt  }
0x5a: {  	_ =	shalt  }
0x5b: {  	_ =	shalt  }
0x5c: {  	_ =	shalt  }
0x5d: {  	_ =	shalt  }
0x5e: {  	_ =	shalt  }
0x5f: {  	_ =	shalt  }
0x60: {  	_ =	shalt  }
0x61: {  	_ =	shalt  }
0x62: {  	_ =	shalt  }
0x63: {  	_ =	shalt  }
0x64: {  	_ =	shalt  }
0x65: {  	_ =	shalt  }
0x66: {  	_ =	shalt  }
0x67: {  	_ =	shalt  }
0x68: {  	_ =	shalt  }
0x69: {  	_ =	shalt  }
0x6a: {  	_ =	shalt  }
0x6b: {  	_ =	shalt  }
0x6c: {  	_ =	shalt  }
0x6d: {  	_ =	shalt  }
0x6e: {  	_ =	shalt  }
0x6f: {  	_ =	shalt  }
0x70: {  	_ =	shalt  }
0x71: {  	_ =	shalt  }
0x72: {  	_ =	shalt  }
0x73: {  	_ =	shalt  }
0x74: {  	_ =	shalt  }
0x75: {  	_ =	shalt  }
0x76: {  	_ =	shalt  }
0x77: {  	_ =	shalt  }
0x78: {  	_ =	shalt  }
0x79: {  	_ =	shalt  }
0x7a: {  	_ =	shalt  }
0x7b: {  	_ =	shalt  }
0x7c: {  	_ =	shalt  }
0x7d: {  	_ =	shalt  }
0x7e: {  	_ =	shalt  }
0x7f: {  	_ =	shalt  }
0x80: {  	_ =	shalt  }
0x81: {  	_ =	shalt  }
0x82: {  	_ =	shalt  }
0x83: {  	_ =	shalt  }
0x84: {  	_ =	shalt  }
0x85: {  	_ =	shalt  }
0x86: {  	_ =	shalt  }
0x87: {  	_ =	shalt  }
.Lfunc_end0:
.L_simem_size_0:
called_computation_lowered:
.L_overlay_start_0:
0x88: {  	s2 =	sld [smem:$0x3FD9]  }
0x89: {  	s3 =	sld [smem:$0x3FFE];
	_ =	sdelay $0x1  }
0x8a: {  	s1 =	srdreg.scid  }
0x8b: {  	s0 =	sand.u32 $0x1, s1  }
0x8c: {  	s17 =	sshll.u32 s0, $0xA;
	s2 =	sadd.s32 s3, s2  }
0x8d: {  	s2 =	sadd.s32 s2, s17  }
0x8e: {  	[smem:$0x3FC0] =	sst s2  }
0x8f: {  	_ = 	snop  }
0x90: {  	s2 =	sld [smem:$0x3FC5]  }
0x91: {  	s18 =	sld [smem:$0x3FC4]  }
0x92: {  	s4 =	sld [smem:$0x3FC3]  }
0x93: {  	s5 =	sld [smem:$0x3FC2]  }
0x94: {  	s6 =	sld [smem:$0x3FD0];
	(tm) =	ssettm $0x1  }
0x95: {  	s7 =	sld [smem:$0x3FFB];
	_ =	sdelay $0x3  }
0x96: {  	_ =	strace s7  }
0x97: {  	s7 =	sld [smem:$0x3FFC];
	_ =	sdelay $0x3  }
0x98: {  	_ =	strace s7  }
0x99: {  	s7 =	sld [smem:$0x3FFD];
	_ =	sdelay $0x3  }
0x9a: {  	_ =	strace s7  }
0x9b: {  	_ =	strace $0x8FFFFFFF  }
0x9c: {  	s19 =	sld [smem:$0x3FDB];
	_ =	sdelay $0x1  }
0x9d: {  	s8 =	simm.s32 $_scs_section_size  }
0x9e: {  	s9 =	simm.s32 $_size__tile_overlayer_lowered;
	s10 =	simm.s32 $_tile_overlayer_lowered  }
0x9f: {  	s22 =	simm.s32 $0x1BFF;
	s21 =	sshll.u32 s10, $0x1;
	s7 =	sadd.s32 s8, s19  }
0xa0: {  	s11 =	simm.s32 $0x0;
	s20 =	sshll.u32 s9, $0x1;
	s9 =	sadd.s32 s21, s7  }
0xa1: {  	[timem:s11], [sflag:s22] =	dma.local [hbm:s9], s20  }
0xa2: {  	_ =	swait.ge [sflag:s22], s20  }
0xa3: {  	s8 =	ssub.s32 $0x0, s20;
	[sflag:s22] =	ssyncset.done $0x0  }
0xa4: {  	[sflag:s22] =	ssyncadd.s32 s8;
	_ =	sdelay $0x1  }
0xa5: {  	s23 =	simm.s32 $0x1B8B  }
0xa6: {  	_ =	swait.ge [sflag:s23], $0x1  }
0xa7: {  	[sflag:s23] =	ssyncset.done $0x0  }
0xa8: {  	s25 =	simm.s32 $0x1B8E;
	s24 =	sld [smem:$0x3FFE];
	[sflag:s23] =	ssyncadd.s32 $0xFFFFFFFF  }
0xa9: {  	s26 =	simm.s32 $execute0_lowered;
	[smem:$0x3FD2] =	sst s25  }
0xaa: {  	s9 =	sshll.u32 s26, $0x1;
	_ =	strace $0x80000046;
	[dreg:$0x1] =	wrdreg $0xFFFFFFFF  }
0xab: {  	s28 =	simm.s32 $_size_execute0_lowered;
	s7 =	sadd.s32 s7, s9;
	[dreg:$0x0] =	wrdreg $0x0  }
0xac: {  	s9 =	sshll.u32 s28, $0x1;
	[dreg:$0x2] =	wrdreg s7  }
0xad: {  	[dreg:$0x3] =	wrdreg s9  }
0xae: {  	[dreg:$0x4] =	wrdreg $0xC0  }
0xaf: {  	_ =	task [dreg:s11], $0x5FFFF  }
0xb0: {  	[dreg:$0x1] =	wrdreg $0xFFFFFFFF  }
0xb1: {  	[dreg:$0x0] =	wrdreg $0x60  }
0xb2: {  	[dreg:$0x2] =	wrdreg s6  }
0xb3: {  	[dreg:$0x3] =	wrdreg s24  }
0xb4: {  	[dreg:$0x4] =	wrdreg s2  }
0xb5: {  	[dreg:$0x5] =	wrdreg s18  }
0xb6: {  	[dreg:$0x6] =	wrdreg s4  }
0xb7: {  	[dreg:$0x7] =	wrdreg s5  }
0xb8: {  	[dreg:$0x8] =	wrdreg $0x9  }
0xb9: {  	_ =	task.clear_ibuf [dreg:s11], $0x9FFFF;
	_ =	strace $0x90000046  }
0xba: {  	s29 =	simm.s32 $0x9;
	_ =	strace $0x80000048  }
0xbb: {  	_ =	swait.ge [sflag:s29], $0x1  }
0xbc: {  	[sflag:s29] =	ssyncadd.s32 $0xFFFFFFFF  }
0xbd: {  	_ =	strace $0x90000048  }
0xbe: {  	_ =	sfence  }
0xbf: {  	s30 =	sld [smem:$0x0];
	_ =	sdelay $0x2  }
0xc0: {  	s31 =	sshll.u32 s1, $0xD;
	s1 =	sshrl.u32 s1, $0x2  }
0xc1: {  	s3 =	sand.u32 $0x4000, s31;
	s1 =	sadd.s32 s1, s30  }
0xc2: {  	s0 =	sor.u32 s3, s0;
	s1 =	sshll.u32 s1, $0x11  }
0xc3: {  	s0 =	sor.u32 s1, s0  }
0xc4: {  	s0 =	sadd.s32 $0x8F2B, s0  }
0xc5: {  	[sflag:s0] =	ssyncadd.remote.s32 $0x1  }
0xc6: {  	_ =	sfence.sel $0xFFFF  }
0xc7: {  	[dreg:$0x0] =	wrdreg $0xFFFFFFFF;
	(pc) =	sbr.abs _section_cstart, $3  }
0xc8: {  	[dreg:$0x1] =	wrdreg $0xFFFFFFFF  }
0xc9: {  	_ =	task.clear_ibuf [dreg:s11], $0x2FFFF;
	_ =	strace $0x9FFFFFFF  }
0xca: {  	(tm) =	ssettm $0x7FFFFFFF  }
0xcb: {  	_ =	shalt  }
tec
execute0_lowered:
.L_overlay_start_1:
0x0: {  	(tag) =	ssettag $0x1  }
0x1: {  	s0 =	rddreg [dreg:$0x0]  }
0x2: {  	s1 =	rddreg [dreg:$0x1];
	s9 =	stileid.u32  }
0x3: {  	s6 =	simm.s32 $0x0;
	s3 =	srdreg.scid;
	s15 =	simm.s32 $0x3  }
0x4: {  	v0 =	vlaneseq.u32;
	s19 =	simm.s32 $0x1000;
	s23 =	simm.s32 $0x1190;
	s24 =	simm.s32 $0x1308  }
0x5: {  	s28 =	simm.s32 $0x2;
	s29 =	simm.s32 $0x0;
	s2 =	sshrl.u32 s9, $0x3;
	v0 =	vmul.u32 $0x16, v0  }
0x6: {  	v22 =	vimm.s32 $0x0;
	[smem:$0x7FF] =	sst s6;
	s3 =	sand.u32 $0x1, s3;
	s7 =	sadd.s32 $0xA00, s1  }
0x7: {  	s9 =	sshll.u32 s9, $0x7;
	s4 =	sshll.u32 s2, $0x7;
	_ =	strace $0x80000047;
	v1 =	vor.u32 $0x1, v0;
	v2 =	vadd.s32 $0x2, v0;
	v3 =	vadd.s32 $0x3, v0  }
0x8: {  	s8 =	ssub.s32 $0x2, s3;
	s3 =	sshll.u32 s3, $0x6;
	s26 =	sand.u32 $0x380, s9;
	v4 =	vadd.s32 $0x4, v0;
	v5 =	vadd.s32 $0x5, v0;
	v6 =	vadd.s32 $0x6, v0  }
0x9: {  	s13 =	sshll.u32 s2, $0x18;
	s5 =	sadd.s32 s4, s1;
	s25 =	sshrl.u32 s8, $0x1;
	v7 =	vadd.s32 $0x7, v0;
	v8 =	vadd.s32 $0x8, v0;
	v9 =	vadd.s32 $0x9, v0  }
0xa: {  	s0 =	sadd.s32 s0, s4;
	v10 =	vadd.s32 $0xA, v0;
	v11 =	vadd.s32 $0xB, v0;
	v12 =	vadd.s32 $0xC, v0;
	s1 =	ssub.s32 s8, s25;
	s8 =	sor.u32 s3, s26  }
0xb: {  	v13 =	vadd.s32 $0xD, v0;
	v14 =	vadd.s32 $0xE, v0;
	v15 =	vadd.s32 $0xF, v0;
	[dreg:$0x7] =	wrdreg s0;
	s30 =	sadd.s32 $0x400, s5;
	s31 =	sadd.s32 $0x600, s5  }
0xc: {  	v16 =	vadd.s32 $0x10, v0;
	v17 =	vadd.s32 $0x11, v0;
	v18 =	vadd.s32 $0x12, v0;
	s12 =	sadd.s32 $0x800, s5;
	s25 =	simm.s32 $0x5308;
	[dreg:$0x8] =	wrdreg s30  }
0xd: {  	v19 =	vadd.s32 $0x13, v0;
	v20 =	vadd.s32 $0x14, v0;
	v21 =	vadd.s32 $0x15, v0;
	s26 =	simm.s32 $0x1;
	[dreg:$0x9] =	wrdreg s31;
	s14 =	smax.u32 s1, $0x1  }
.LBB2_1:
0xe: {  	s0 =	rddreg [dreg:$0x7]  }
0xf: {  	[tilespmem:s6], [sflag:$0x3] =	stream.linear.gather [hbm4b:s0+s6], $0x400, $0x38;
	[tilespmem:$0x9308] =	vst v63  }
0x10: {  	_ =	swait.ge [sflag:s15], $0x400  }
0x11: {  	[sflag:s15] =	ssyncset.done $0x0  }
0x12: {  	s1 =	simm.s32 $0x400;
	s5 =	rddreg [dreg:$0x8];
	[sflag:s15] =	ssyncadd.s32 $0xFFFFFC00  }
0x13: {  	[tilespmem:s1], [sflag:$0x3] =	stream.linear.gather [hbm4b:s5+s6], $0x400, $0x38;
	[tilespmem:$0x9308] =	vst v63  }
0x14: {  	_ =	swait.ge [sflag:s15], $0x400  }
0x15: {  	[sflag:s15] =	ssyncset.done $0x0  }
0x16: {  	s10 =	simm.s32 $0x800;
	s9 =	rddreg [dreg:$0x9];
	[sflag:s15] =	ssyncadd.s32 $0xFFFFFC00  }
0x17: {  	[tilespmem:s10], [sflag:$0x3] =	stream.linear.gather [hbm4b:s9+s6], $0x400, $0x38;
	[tilespmem:$0x9308] =	vst v63  }
0x18: {  	_ =	swait.ge [sflag:s15], $0x400  }
0x19: {  	[sflag:s15] =	ssyncset.done $0x0  }
0x1a: {  	s11 =	simm.s32 $0xC00;
	[sflag:s15] =	ssyncadd.s32 $0xFFFFFC00  }
0x1b: {  	[tilespmem:s11], [sflag:$0x3] =	stream.linear.gather [hbm4b:s12+s6], $0x400, $0x38;
	[tilespmem:$0x9308] =	vst v63  }
0x1c: {  	_ =	swait.ge [sflag:s15], $0x400  }
0x1d: {  	[sflag:s15] =	ssyncset.done $0x0  }
0x1e: {  	[sflag:s15] =	ssyncadd.s32 $0xFFFFFC00  }
0x1f: {  	s16 =	rddreg [dreg:$0x2]  }
0x20: {  	[tilespmem:s19], [sflag:$0x3] =	stream.linear.gather [hbm4b:s16+s6], $0x160, $0x38;
	[tilespmem:$0x9308] =	vst v63  }
0x21: {  	_ =	swait.ge [sflag:s15], $0x160  }
0x22: {  	[sflag:s15] =	ssyncset.done $0x0  }
0x23: {  	[sflag:s15] =	ssyncadd.s32 $0xFFFFFEA0  }
0x24: {  	s18 =	simm.s32 $0x1160;
	s17 =	rddreg [dreg:$0x3]  }
0x25: {  	[tilespmem:s18], [sflag:$0x3] =	stream.linear.gather [hbm4b:s17+s6], $0x10, $0x38;
	[tilespmem:$0x9308] =	vst v63  }
0x26: {  	_ =	swait.ge [sflag:s15], $0x10  }
0x27: {  	[sflag:s15] =	ssyncset.done $0x0  }
0x28: {  	[sflag:s15] =	ssyncadd.s32 $0xFFFFFFF0  }
0x29: {  	s21 =	simm.s32 $0x1170;
	s20 =	rddreg [dreg:$0x4]  }
0x2a: {  	[tilespmem:s21], [sflag:$0x3] =	stream.linear.gather [hbm4b:s20+s6], $0x10, $0x38;
	[tilespmem:$0x9308] =	vst v63  }
0x2b: {  	_ =	swait.ge [sflag:s15], $0x10  }
0x2c: {  	[sflag:s15] =	ssyncset.done $0x0  }
0x2d: {  	[sflag:s15] =	ssyncadd.s32 $0xFFFFFFF0  }
0x2e: {  	s31 =	simm.s32 $0x1180;
	s22 =	rddreg [dreg:$0x5]  }
0x2f: {  	[tilespmem:s31], [sflag:$0x3] =	stream.linear.gather [hbm4b:s22+s6], $0x10, $0x38;
	[tilespmem:$0x9308] =	vst v63  }
0x30: {  	_ =	swait.ge [sflag:s15], $0x10  }
0x31: {  	[sflag:s15] =	ssyncset.done $0x0  }
0x32: {  	[sflag:s15] =	ssyncadd.s32 $0xFFFFFFF0  }
0x33: {  	v23 =	vld [tilespmem:$0x1160]  }
0x34: {  	v24 =	vld.idx.msk [tilespmem:v0+s19+$0x0], $0xffff;
	_ =	sdelay $0x4  }
0x35: {  	v24 =	vadd.f32 v24, v23;
	_ =	sdelay $0x1  }
0x36: {  	(xrf2) =	vadd.scan.msk.f32 $0xffff, v24;
	_ =	sdelay $0x9  }
0x37: {  	v25, _, _ =	vpop (xrf2)  }
0x38: {  	(v2sf) =	vpush v25, $0xF;
	_ =	sdelay $0xe  }
0x39: {  	s2 =	spop (v2sf)  }
0x3a: {  	s0 =	smul.f32 $6.250000000e-02, s2;
	_ =	sdelay $0x1  }
0x3b: {  	v54 =	vmov s0  }
0x3c: {  	v26 =	vsub.f32 v24, v54;
	_ =	sdelay $0x1  }
0x3d: {  	v24 =	vmul.f32 v26, v26;
	_ =	sdelay $0x1  }
0x3e: {  	(xrf2) =	vadd.scan.msk.f32 $0xffff, v24;
	_ =	sdelay $0x9  }
0x3f: {  	v24, _, _ =	vpop (xrf2)  }
0x40: {  	(v2sf) =	vpush v24, $0xF;
	_ =	sdelay $0xe  }
0x41: {  	s3 =	spop (v2sf)  }
0x42: {  	s0 =	smul.f32 $6.250000000e-02, s3;
	_ =	sdelay $0x1  }
0x43: {  	s0 =	sadd.f32 $9.999999740e-06, s0;
	_ =	sdelay $0x1  }
0x44: {  	v55 =	vmov s0  }
0x45: {  	v56 =	vshra.s32 v55, $0x1;
	v24 =	vmul.f32 $5.000000000e-01, v55  }
0x46: {  	v25 =	vsub.s32 $0x5F3759DF, v56  }
0x47: {  	v27 =	vmul.f32 v25, v24;
	_ =	sdelay $0x1  }
0x48: {  	v27 =	vmul.f32 v25, v27;
	_ =	sdelay $0x1  }
0x49: {  	v27 =	vsub.f32 $1.500000000e+00, v27;
	_ =	sdelay $0x1  }
0x4a: {  	v25 =	vmul.f32 v25, v27;
	_ =	sdelay $0x1  }
0x4b: {  	v27 =	vmul.f32 v25, v24;
	_ =	sdelay $0x1  }
0x4c: {  	v27 =	vmul.f32 v27, v25;
	_ =	sdelay $0x1  }
0x4d: {  	v27 =	vsub.f32 $1.500000000e+00, v27;
	_ =	sdelay $0x1  }
0x4e: {  	v25 =	vmul.f32 v27, v25;
	_ =	sdelay $0x1  }
0x4f: {  	v24 =	vmul.f32 v25, v24;
	_ =	sdelay $0x1  }
0x50: {  	v24 =	vmul.f32 v24, v25;
	_ =	sdelay $0x1  }
0x51: {  	v57 =	vsub.f32 $1.500000000e+00, v24  }
0x52: {  	v24 =	vld [tilespmem:$0x1170]  }
0x53: {  	v27 =	vmul.f32 v57, v25  }
0x54: {  	v25 =	vld [tilespmem:$0x1180]  }
0x55: {  	v26 =	vmul.f32 v27, v26;
	_ =	sdelay $0x1  }
0x56: {  	v26 =	vmul.f32 v26, v24;
	_ =	sdelay $0x1  }
0x57: {  	v26 =	vadd.f32 v26, v25;
	_ =	sdelay $0x1  }
0x58: {  	v26 =	vmax.f32 v26, $0.0e+00  }
0x59: {  	[tilespmem:$0x1190] =	vst v26  }
0x5a: {  	v26 =	vld.idx.msk [tilespmem:v1+s19+$0x0], $0xffff;
	_ =	sdelay $0x4  }
0x5b: {  	v26 =	vadd.f32 v26, v23;
	_ =	sdelay $0x1  }
0x5c: {  	(xrf2) =	vadd.scan.msk.f32 $0xffff, v26;
	_ =	sdelay $0x9  }
0x5d: {  	v58, _, _ =	vpop (xrf2)  }
0x5e: {  	(v2sf) =	vpush v58, $0xF;
	_ =	sdelay $0xe  }
0x5f: {  	s4 =	spop (v2sf)  }
0x60: {  	s0 =	smul.f32 $6.250000000e-02, s4;
	_ =	sdelay $0x1  }
0x61: {  	v59 =	vmov s0  }
0x62: {  	v26 =	vsub.f32 v26, v59;
	_ =	sdelay $0x1  }
0x63: {  	v27 =	vmul.f32 v26, v26;
	_ =	sdelay $0x1  }
0x64: {  	(xrf2) =	vadd.scan.msk.f32 $0xffff, v27;
	_ =	sdelay $0x9  }
0x65: {  	v27, _, _ =	vpop (xrf2)  }
0x66: {  	(v2sf) =	vpush v27, $0xF;
	_ =	sdelay $0xe  }
0x67: {  	s5 =	spop (v2sf)  }
0x68: {  	s0 =	smul.f32 $6.250000000e-02, s5;
	_ =	sdelay $0x1  }
0x69: {  	s0 =	sadd.f32 $9.999999740e-06, s0;
	_ =	sdelay $0x1  }
0x6a: {  	v60 =	vmov s0  }
0x6b: {  	v28 =	vshra.s32 v60, $0x1;
	v27 =	vmul.f32 $5.000000000e-01, v60  }
0x6c: {  	v28 =	vsub.s32 $0x5F3759DF, v28  }
0x6d: {  	v29 =	vmul.f32 v28, v27;
	_ =	sdelay $0x1  }
0x6e: {  	v29 =	vmul.f32 v28, v29;
	_ =	sdelay $0x1  }
0x6f: {  	v29 =	vsub.f32 $1.500000000e+00, v29;
	_ =	sdelay $0x1  }
0x70: {  	v28 =	vmul.f32 v28, v29;
	_ =	sdelay $0x1  }
0x71: {  	v29 =	vmul.f32 v28, v27;
	_ =	sdelay $0x1  }
0x72: {  	v29 =	vmul.f32 v29, v28;
	_ =	sdelay $0x1  }
0x73: {  	v29 =	vsub.f32 $1.500000000e+00, v29;
	_ =	sdelay $0x1  }
0x74: {  	v28 =	vmul.f32 v29, v28;
	_ =	sdelay $0x1  }
0x75: {  	v27 =	vmul.f32 v28, v27;
	_ =	sdelay $0x1  }
0x76: {  	v27 =	vmul.f32 v27, v28;
	_ =	sdelay $0x1  }
0x77: {  	v27 =	vsub.f32 $1.500000000e+00, v27;
	_ =	sdelay $0x1  }
0x78: {  	v27 =	vmul.f32 v27, v28;
	_ =	sdelay $0x1  }
0x79: {  	v26 =	vmul.f32 v27, v26;
	_ =	sdelay $0x1  }
0x7a: {  	v26 =	vmul.f32 v26, v24;
	_ =	sdelay $0x1  }
0x7b: {  	v26 =	vadd.f32 v26, v25;
	_ =	sdelay $0x1  }
0x7c: {  	v26 =	vmax.f32 v26, $0.0e+00  }
0x7d: {  	[tilespmem:$0x11A1] =	vst v26  }
0x7e: {  	v26 =	vld.idx.msk [tilespmem:v2+s19+$0x0], $0xffff;
	_ =	sdelay $0x4  }
0x7f: {  	v26 =	vadd.f32 v26, v23;
	_ =	sdelay $0x1  }
0x80: {  	(xrf2) =	vadd.scan.msk.f32 $0xffff, v26;
	_ =	sdelay $0x9  }
0x81: {  	v61, _, _ =	vpop (xrf2)  }
0x82: {  	(v2sf) =	vpush v61, $0xF;
	_ =	sdelay $0xe  }
0x83: {  	s9 =	spop (v2sf)  }
0x84: {  	s0 =	smul.f32 $6.250000000e-02, s9;
	_ =	sdelay $0x1  }
0x85: {  	v62 =	vmov s0  }
0x86: {  	v26 =	vsub.f32 v26, v62;
	_ =	sdelay $0x1  }
0x87: {  	v27 =	vmul.f32 v26, v26;
	_ =	sdelay $0x1  }
0x88: {  	(xrf2) =	vadd.scan.msk.f32 $0xffff, v27;
	_ =	sdelay $0x9  }
0x89: {  	v27, _, _ =	vpop (xrf2)  }
0x8a: {  	(v2sf) =	vpush v27, $0xF;
	_ =	sdelay $0xe  }
0x8b: {  	s10 =	spop (v2sf)  }
0x8c: {  	s0 =	smul.f32 $6.250000000e-02, s10;
	_ =	sdelay $0x1  }
0x8d: {  	s0 =	sadd.f32 $9.999999740e-06, s0;
	_ =	sdelay $0x1  }
0x8e: {  	v63 =	vmov s0  }
0x8f: {  	v32 =	vshra.s32 v63, $0x1;
	v27 =	vmul.f32 $5.000000000e-01, v63  }
0x90: {  	v28 =	vsub.s32 $0x5F3759DF, v32  }
0x91: {  	v33 =	vmul.f32 v28, v27;
	_ =	sdelay $0x1  }
0x92: {  	v29 =	vmul.f32 v28, v33;
	_ =	sdelay $0x1  }
0x93: {  	v29 =	vsub.f32 $1.500000000e+00, v29;
	_ =	sdelay $0x1  }
0x94: {  	v28 =	vmul.f32 v28, v29;
	_ =	sdelay $0x1  }
0x95: {  	v29 =	vmul.f32 v28, v27;
	_ =	sdelay $0x1  }
0x96: {  	v29 =	vmul.f32 v29, v28;
	_ =	sdelay $0x1  }
0x97: {  	v29 =	vsub.f32 $1.500000000e+00, v29;
	_ =	sdelay $0x1  }
0x98: {  	v28 =	vmul.f32 v29, v28;
	_ =	sdelay $0x1  }
0x99: {  	v27 =	vmul.f32 v28, v27;
	_ =	sdelay $0x1  }
0x9a: {  	v27 =	vmul.f32 v27, v28;
	_ =	sdelay $0x1  }
0x9b: {  	v27 =	vsub.f32 $1.500000000e+00, v27;
	_ =	sdelay $0x1  }
0x9c: {  	v27 =	vmul.f32 v27, v28;
	_ =	sdelay $0x1  }
0x9d: {  	v26 =	vmul.f32 v27, v26;
	_ =	sdelay $0x1  }
0x9e: {  	v26 =	vmul.f32 v26, v24;
	_ =	sdelay $0x1  }
0x9f: {  	v26 =	vadd.f32 v26, v25;
	_ =	sdelay $0x1  }
0xa0: {  	v26 =	vmax.f32 v26, $0.0e+00  }
0xa1: {  	[tilespmem:$0x11B2] =	vst v26  }
0xa2: {  	v26 =	vld.idx.msk [tilespmem:v3+s19+$0x0], $0xffff;
	_ =	sdelay $0x4  }
0xa3: {  	v26 =	vadd.f32 v26, v23;
	_ =	sdelay $0x1  }
0xa4: {  	(xrf2) =	vadd.scan.msk.f32 $0xffff, v26;
	_ =	sdelay $0x9  }
0xa5: {  	v34, _, _ =	vpop (xrf2)  }
0xa6: {  	(v2sf) =	vpush v34, $0xF;
	_ =	sdelay $0xe  }
0xa7: {  	s11 =	spop (v2sf)  }
0xa8: {  	s0 =	smul.f32 $6.250000000e-02, s11;
	_ =	sdelay $0x1  }
0xa9: {  	v35 =	vmov s0  }
0xaa: {  	v26 =	vsub.f32 v26, v35;
	_ =	sdelay $0x1  }
0xab: {  	v27 =	vmul.f32 v26, v26;
	_ =	sdelay $0x1  }
0xac: {  	(xrf2) =	vadd.scan.msk.f32 $0xffff, v27;
	_ =	sdelay $0x9  }
0xad: {  	v27, _, _ =	vpop (xrf2)  }
0xae: {  	(v2sf) =	vpush v27, $0xF;
	_ =	sdelay $0xe  }
0xaf: {  	s16 =	spop (v2sf)  }
0xb0: {  	s0 =	smul.f32 $6.250000000e-02, s16;
	_ =	sdelay $0x1  }
0xb1: {  	s0 =	sadd.f32 $9.999999740e-06, s0;
	_ =	sdelay $0x1  }
0xb2: {  	v36 =	vmov s0  }
0xb3: {  	v37 =	vshra.s32 v36, $0x1;
	v27 =	vmul.f32 $5.000000000e-01, v36  }
0xb4: {  	v28 =	vsub.s32 $0x5F3759DF, v37  }
0xb5: {  	v38 =	vmul.f32 v28, v27;
	_ =	sdelay $0x1  }
0xb6: {  	v29 =	vmul.f32 v28, v38;
	_ =	sdelay $0x1  }
0xb7: {  	v29 =	vsub.f32 $1.500000000e+00, v29;
	_ =	sdelay $0x1  }
0xb8: {  	v28 =	vmul.f32 v28, v29;
	_ =	sdelay $0x1  }
0xb9: {  	v29 =	vmul.f32 v28, v27;
	_ =	sdelay $0x1  }
0xba: {  	v29 =	vmul.f32 v29, v28;
	_ =	sdelay $0x1  }
0xbb: {  	v29 =	vsub.f32 $1.500000000e+00, v29;
	_ =	sdelay $0x1  }
0xbc: {  	v28 =	vmul.f32 v29, v28;
	_ =	sdelay $0x1  }
0xbd: {  	v27 =	vmul.f32 v28, v27;
	_ =	sdelay $0x1  }
0xbe: {  	v27 =	vmul.f32 v27, v28;
	_ =	sdelay $0x1  }
0xbf: {  	v27 =	vsub.f32 $1.500000000e+00, v27;
	_ =	sdelay $0x1  }
0xc0: {  	v27 =	vmul.f32 v27, v28;
	_ =	sdelay $0x1  }
0xc1: {  	v26 =	vmul.f32 v27, v26;
	_ =	sdelay $0x1  }
0xc2: {  	v26 =	vmul.f32 v26, v24;
	_ =	sdelay $0x1  }
0xc3: {  	v26 =	vadd.f32 v26, v25;
	_ =	sdelay $0x1  }
0xc4: {  	v26 =	vmax.f32 v26, $0.0e+00  }
0xc5: {  	[tilespmem:$0x11C3] =	vst v26  }
0xc6: {  	v26 =	vld.idx.msk [tilespmem:v4+s19+$0x0], $0xffff;
	_ =	sdelay $0x4  }
0xc7: {  	v26 =	vadd.f32 v26, v23;
	_ =	sdelay $0x1  }
0xc8: {  	(xrf2) =	vadd.scan.msk.f32 $0xffff, v26;
	_ =	sdelay $0x9  }
0xc9: {  	v39, _, _ =	vpop (xrf2)  }
0xca: {  	(v2sf) =	vpush v39, $0xF;
	_ =	sdelay $0xe  }
0xcb: {  	s17 =	spop (v2sf)  }
0xcc: {  	s0 =	smul.f32 $6.250000000e-02, s17;
	_ =	sdelay $0x1  }
0xcd: {  	v40 =	vmov s0  }
0xce: {  	v26 =	vsub.f32 v26, v40;
	_ =	sdelay $0x1  }
0xcf: {  	v27 =	vmul.f32 v26, v26;
	_ =	sdelay $0x1  }
0xd0: {  	(xrf2) =	vadd.scan.msk.f32 $0xffff, v27;
	_ =	sdelay $0x9  }
0xd1: {  	v27, _, _ =	vpop (xrf2)  }
0xd2: {  	(v2sf) =	vpush v27, $0xF;
	_ =	sdelay $0xe  }
0xd3: {  	s18 =	spop (v2sf)  }
0xd4: {  	s0 =	smul.f32 $6.250000000e-02, s18;
	_ =	sdelay $0x1  }
0xd5: {  	s0 =	sadd.f32 $9.999999740e-06, s0;
	_ =	sdelay $0x1  }
0xd6: {  	v41 =	vmov s0  }
0xd7: {  	v42 =	vshra.s32 v41, $0x1;
	v27 =	vmul.f32 $5.000000000e-01, v41  }
0xd8: {  	v28 =	vsub.s32 $0x5F3759DF, v42  }
0xd9: {  	v43 =	vmul.f32 v28, v27;
	_ =	sdelay $0x1  }
0xda: {  	v29 =	vmul.f32 v28, v43;
	_ =	sdelay $0x1  }
0xdb: {  	v29 =	vsub.f32 $1.500000000e+00, v29;
	_ =	sdelay $0x1  }
0xdc: {  	v28 =	vmul.f32 v28, v29;
	_ =	sdelay $0x1  }
0xdd: {  	v29 =	vmul.f32 v28, v27;
	_ =	sdelay $0x1  }
0xde: {  	v29 =	vmul.f32 v29, v28;
	_ =	sdelay $0x1  }
0xdf: {  	v29 =	vsub.f32 $1.500000000e+00, v29;
	_ =	sdelay $0x1  }
0xe0: {  	v28 =	vmul.f32 v29, v28;
	_ =	sdelay $0x1  }
0xe1: {  	v27 =	vmul.f32 v28, v27;
	_ =	sdelay $0x1  }
0xe2: {  	v27 =	vmul.f32 v27, v28;
	_ =	sdelay $0x1  }
0xe3: {  	v27 =	vsub.f32 $1.500000000e+00, v27;
	_ =	sdelay $0x1  }
0xe4: {  	v27 =	vmul.f32 v27, v28;
	_ =	sdelay $0x1  }
0xe5: {  	v26 =	vmul.f32 v27, v26;
	_ =	sdelay $0x1  }
0xe6: {  	v26 =	vmul.f32 v26, v24;
	_ =	sdelay $0x1  }
0xe7: {  	v26 =	vadd.f32 v26, v25;
	_ =	sdelay $0x1  }
0xe8: {  	v26 =	vmax.f32 v26, $0.0e+00  }
0xe9: {  	[tilespmem:$0x11D4] =	vst v26  }
0xea: {  	v26 =	vld.idx.msk [tilespmem:v5+s19+$0x0], $0xffff;
	_ =	sdelay $0x4  }
0xeb: {  	v26 =	vadd.f32 v26, v23;
	_ =	sdelay $0x1  }
0xec: {  	(xrf2) =	vadd.scan.msk.f32 $0xffff, v26;
	_ =	sdelay $0x9  }
0xed: {  	v44, _, _ =	vpop (xrf2)  }
0xee: {  	(v2sf) =	vpush v44, $0xF;
	_ =	sdelay $0xe  }
0xef: {  	s20 =	spop (v2sf)  }
0xf0: {  	s0 =	smul.f32 $6.250000000e-02, s20;
	_ =	sdelay $0x1  }
0xf1: {  	v45 =	vmov s0  }
0xf2: {  	v26 =	vsub.f32 v26, v45;
	_ =	sdelay $0x1  }
0xf3: {  	v27 =	vmul.f32 v26, v26;
	_ =	sdelay $0x1  }
0xf4: {  	(xrf2) =	vadd.scan.msk.f32 $0xffff, v27;
	_ =	sdelay $0x9  }
0xf5: {  	v27, _, _ =	vpop (xrf2)  }
0xf6: {  	(v2sf) =	vpush v27, $0xF;
	_ =	sdelay $0xe  }
0xf7: {  	s21 =	spop (v2sf)  }
0xf8: {  	s0 =	smul.f32 $6.250000000e-02, s21;
	_ =	sdelay $0x1  }
0xf9: {  	s0 =	sadd.f32 $9.999999740e-06, s0;
	_ =	sdelay $0x1  }
0xfa: {  	v46 =	vmov s0  }
0xfb: {  	v47 =	vshra.s32 v46, $0x1;
	v27 =	vmul.f32 $5.000000000e-01, v46  }
0xfc: {  	v28 =	vsub.s32 $0x5F3759DF, v47  }
0xfd: {  	v48 =	vmul.f32 v28, v27;
	_ =	sdelay $0x1  }
0xfe: {  	v29 =	vmul.f32 v28, v48;
	_ =	sdelay $0x1  }
0xff: {  	v29 =	vsub.f32 $1.500000000e+00, v29;
	_ =	sdelay $0x1  }
0x100: {  	v28 =	vmul.f32 v28, v29;
	_ =	sdelay $0x1  }
0x101: {  	v29 =	vmul.f32 v28, v27;
	_ =	sdelay $0x1  }
0x102: {  	v29 =	vmul.f32 v29, v28;
	_ =	sdelay $0x1  }
0x103: {  	v29 =	vsub.f32 $1.500000000e+00, v29;
	_ =	sdelay $0x1  }
0x104: {  	v28 =	vmul.f32 v29, v28;
	_ =	sdelay $0x1  }
0x105: {  	v27 =	vmul.f32 v28, v27;
	_ =	sdelay $0x1  }
0x106: {  	v27 =	vmul.f32 v27, v28;
	_ =	sdelay $0x1  }
0x107: {  	v27 =	vsub.f32 $1.500000000e+00, v27;
	_ =	sdelay $0x1  }
0x108: {  	v27 =	vmul.f32 v27, v28;
	_ =	sdelay $0x1  }
0x109: {  	v26 =	vmul.f32 v27, v26;
	_ =	sdelay $0x1  }
0x10a: {  	v26 =	vmul.f32 v26, v24;
	_ =	sdelay $0x1  }
0x10b: {  	v26 =	vadd.f32 v26, v25;
	_ =	sdelay $0x1  }
0x10c: {  	v26 =	vmax.f32 v26, $0.0e+00  }
0x10d: {  	[tilespmem:$0x11E5] =	vst v26  }
0x10e: {  	v26 =	vld.idx.msk [tilespmem:v6+s19+$0x0], $0xffff;
	_ =	sdelay $0x4  }
0x10f: {  	v26 =	vadd.f32 v26, v23;
	_ =	sdelay $0x1  }
0x110: {  	(xrf2) =	vadd.scan.msk.f32 $0xffff, v26;
	_ =	sdelay $0x9  }
0x111: {  	v49, _, _ =	vpop (xrf2)  }
0x112: {  	(v2sf) =	vpush v49, $0xF;
	_ =	sdelay $0xe  }
0x113: {  	s22 =	spop (v2sf)  }
0x114: {  	s0 =	smul.f32 $6.250000000e-02, s22;
	_ =	sdelay $0x1  }
0x115: {  	v50 =	vmov s0  }
0x116: {  	v26 =	vsub.f32 v26, v50;
	_ =	sdelay $0x1  }
0x117: {  	v27 =	vmul.f32 v26, v26;
	_ =	sdelay $0x1  }
0x118: {  	(xrf2) =	vadd.scan.msk.f32 $0xffff, v27;
	_ =	sdelay $0x9  }
0x119: {  	v27, _, _ =	vpop (xrf2)  }
0x11a: {  	(v2sf) =	vpush v27, $0xF;
	_ =	sdelay $0xe  }
0x11b: {  	s31 =	spop (v2sf)  }
0x11c: {  	s0 =	smul.f32 $6.250000000e-02, s31;
	_ =	sdelay $0x1  }
0x11d: {  	s0 =	sadd.f32 $9.999999740e-06, s0;
	_ =	sdelay $0x1  }
0x11e: {  	v51 =	vmov s0  }
0x11f: {  	v52 =	vshra.s32 v51, $0x1;
	v27 =	vmul.f32 $5.000000000e-01, v51  }
0x120: {  	v28 =	vsub.s32 $0x5F3759DF, v52  }
0x121: {  	v53 =	vmul.f32 v28, v27;
	_ =	sdelay $0x1  }
0x122: {  	v29 =	vmul.f32 v28, v53;
	_ =	sdelay $0x1  }
0x123: {  	v29 =	vsub.f32 $1.500000000e+00, v29;
	_ =	sdelay $0x1  }
0x124: {  	v28 =	vmul.f32 v28, v29;
	_ =	sdelay $0x1  }
0x125: {  	v29 =	vmul.f32 v28, v27;
	_ =	sdelay $0x1  }
0x126: {  	v29 =	vmul.f32 v29, v28;
	_ =	sdelay $0x1  }
0x127: {  	v29 =	vsub.f32 $1.500000000e+00, v29;
	_ =	sdelay $0x1  }
0x128: {  	v28 =	vmul.f32 v29, v28;
	_ =	sdelay $0x1  }
0x129: {  	v27 =	vmul.f32 v28, v27;
	_ =	sdelay $0x1  }
0x12a: {  	v27 =	vmul.f32 v27, v28;
	_ =	sdelay $0x1  }
0x12b: {  	v27 =	vsub.f32 $1.500000000e+00, v27;
	_ =	sdelay $0x1  }
0x12c: {  	v27 =	vmul.f32 v27, v28;
	_ =	sdelay $0x1  }
0x12d: {  	v26 =	vmul.f32 v27, v26;
	_ =	sdelay $0x1  }
0x12e: {  	v26 =	vmul.f32 v26, v24;
	_ =	sdelay $0x1  }
0x12f: {  	v26 =	vadd.f32 v26, v25;
	_ =	sdelay $0x1  }
0x130: {  	v26 =	vmax.f32 v26, $0.0e+00  }
0x131: {  	[tilespmem:$0x11F6] =	vst v26  }
0x132: {  	v26 =	vld.idx.msk [tilespmem:v7+s19+$0x0], $0xffff;
	_ =	sdelay $0x4  }
0x133: {  	v26 =	vadd.f32 v26, v23;
	_ =	sdelay $0x1  }
0x134: {  	(xrf2) =	vadd.scan.msk.f32 $0xffff, v26;
	_ =	sdelay $0x9  }
0x135: {  	v54, _, _ =	vpop (xrf2)  }
0x136: {  	(v2sf) =	vpush v54, $0xF;
	_ =	sdelay $0xe  }
0x137: {  	s1 =	spop (v2sf)  }
0x138: {  	s0 =	smul.f32 $6.250000000e-02, s1;
	_ =	sdelay $0x1  }
0x139: {  	v55 =	vmov s0  }
0x13a: {  	v26 =	vsub.f32 v26, v55;
	_ =	sdelay $0x1  }
0x13b: {  	v27 =	vmul.f32 v26, v26;
	_ =	sdelay $0x1  }
0x13c: {  	(xrf2) =	vadd.scan.msk.f32 $0xffff, v27;
	_ =	sdelay $0x9  }
0x13d: {  	v27, _, _ =	vpop (xrf2)  }
0x13e: {  	(v2sf) =	vpush v27, $0xF;
	_ =	sdelay $0xe  }
0x13f: {  	s2 =	spop (v2sf)  }
0x140: {  	s0 =	smul.f32 $6.250000000e-02, s2;
	_ =	sdelay $0x1  }
0x141: {  	s0 =	sadd.f32 $9.999999740e-06, s0;
	_ =	sdelay $0x1  }
0x142: {  	v56 =	vmov s0  }
0x143: {  	v57 =	vshra.s32 v56, $0x1;
	v27 =	vmul.f32 $5.000000000e-01, v56  }
0x144: {  	v28 =	vsub.s32 $0x5F3759DF, v57  }
0x145: {  	v58 =	vmul.f32 v28, v27;
	_ =	sdelay $0x1  }
0x146: {  	v29 =	vmul.f32 v28, v58;
	_ =	sdelay $0x1  }
0x147: {  	v29 =	vsub.f32 $1.500000000e+00, v29;
	_ =	sdelay $0x1  }
0x148: {  	v28 =	vmul.f32 v28, v29;
	_ =	sdelay $0x1  }
0x149: {  	v29 =	vmul.f32 v28, v27;
	_ =	sdelay $0x1  }
0x14a: {  	v29 =	vmul.f32 v29, v28;
	_ =	sdelay $0x1  }
0x14b: {  	v29 =	vsub.f32 $1.500000000e+00, v29;
	_ =	sdelay $0x1  }
0x14c: {  	v28 =	vmul.f32 v29, v28;
	_ =	sdelay $0x1  }
0x14d: {  	v27 =	vmul.f32 v28, v27;
	_ =	sdelay $0x1  }
0x14e: {  	v27 =	vmul.f32 v27, v28;
	_ =	sdelay $0x1  }
0x14f: {  	v27 =	vsub.f32 $1.500000000e+00, v27;
	_ =	sdelay $0x1  }
0x150: {  	v27 =	vmul.f32 v27, v28;
	_ =	sdelay $0x1  }
0x151: {  	v26 =	vmul.f32 v27, v26;
	_ =	sdelay $0x1  }
0x152: {  	v26 =	vmul.f32 v26, v24;
	_ =	sdelay $0x1  }
0x153: {  	v26 =	vadd.f32 v26, v25;
	_ =	sdelay $0x1  }
0x154: {  	v26 =	vmax.f32 v26, $0.0e+00  }
0x155: {  	[tilespmem:$0x1207] =	vst v26  }
0x156: {  	v26 =	vld.idx.msk [tilespmem:v8+s19+$0x0], $0xffff;
	_ =	sdelay $0x4  }
0x157: {  	v26 =	vadd.f32 v26, v23;
	_ =	sdelay $0x1  }
0x158: {  	(xrf2) =	vadd.scan.msk.f32 $0xffff, v26;
	_ =	sdelay $0x9  }
0x159: {  	v59, _, _ =	vpop (xrf2)  }
0x15a: {  	(v2sf) =	vpush v59, $0xF;
	_ =	sdelay $0xe  }
0x15b: {  	s3 =	spop (v2sf)  }
0x15c: {  	s0 =	smul.f32 $6.250000000e-02, s3;
	_ =	sdelay $0x1  }
0x15d: {  	v60 =	vmov s0  }
0x15e: {  	v26 =	vsub.f32 v26, v60;
	_ =	sdelay $0x1  }
0x15f: {  	v27 =	vmul.f32 v26, v26;
	_ =	sdelay $0x1  }
0x160: {  	(xrf2) =	vadd.scan.msk.f32 $0xffff, v27;
	_ =	sdelay $0x9  }
0x161: {  	v27, _, _ =	vpop (xrf2)  }
0x162: {  	(v2sf) =	vpush v27, $0xF;
	_ =	sdelay $0xe  }
0x163: {  	s4 =	spop (v2sf)  }
0x164: {  	s0 =	smul.f32 $6.250000000e-02, s4;
	_ =	sdelay $0x1  }
0x165: {  	s0 =	sadd.f32 $9.999999740e-06, s0;
	_ =	sdelay $0x1  }
0x166: {  	v61 =	vmov s0  }
0x167: {  	v62 =	vshra.s32 v61, $0x1;
	v27 =	vmul.f32 $5.000000000e-01, v61  }
0x168: {  	v28 =	vsub.s32 $0x5F3759DF, v62  }
0x169: {  	v63 =	vmul.f32 v28, v27;
	_ =	sdelay $0x1  }
0x16a: {  	v29 =	vmul.f32 v28, v63;
	_ =	sdelay $0x1  }
0x16b: {  	v29 =	vsub.f32 $1.500000000e+00, v29;
	_ =	sdelay $0x1  }
0x16c: {  	v28 =	vmul.f32 v28, v29;
	_ =	sdelay $0x1  }
0x16d: {  	v29 =	vmul.f32 v28, v27;
	_ =	sdelay $0x1  }
0x16e: {  	v29 =	vmul.f32 v29, v28;
	_ =	sdelay $0x1  }
0x16f: {  	v29 =	vsub.f32 $1.500000000e+00, v29;
	_ =	sdelay $0x1  }
0x170: {  	v28 =	vmul.f32 v29, v28;
	_ =	sdelay $0x1  }
0x171: {  	v27 =	vmul.f32 v28, v27;
	_ =	sdelay $0x1  }
0x172: {  	v27 =	vmul.f32 v27, v28;
	_ =	sdelay $0x1  }
0x173: {  	v27 =	vsub.f32 $1.500000000e+00, v27;
	_ =	sdelay $0x1  }
0x174: {  	v27 =	vmul.f32 v27, v28;
	_ =	sdelay $0x1  }
0x175: {  	v26 =	vmul.f32 v27, v26;
	_ =	sdelay $0x1  }
0x176: {  	v26 =	vmul.f32 v26, v24;
	_ =	sdelay $0x1  }
0x177: {  	v26 =	vadd.f32 v26, v25;
	_ =	sdelay $0x1  }
0x178: {  	v26 =	vmax.f32 v26, $0.0e+00  }
0x179: {  	[tilespmem:$0x1218] =	vst v26  }
0x17a: {  	v26 =	vld.idx.msk [tilespmem:v9+s19+$0x0], $0xffff;
	_ =	sdelay $0x4  }
0x17b: {  	v26 =	vadd.f32 v26, v23;
	_ =	sdelay $0x1  }
0x17c: {  	(xrf2) =	vadd.scan.msk.f32 $0xffff, v26;
	_ =	sdelay $0x9  }
0x17d: {  	v31, _, _ =	vpop (xrf2)  }
0x17e: {  	(v2sf) =	vpush v31, $0xF;
	_ =	sdelay $0xe  }
0x17f: {  	s5 =	spop (v2sf)  }
0x180: {  	s0 =	smul.f32 $6.250000000e-02, s5;
	_ =	sdelay $0x1  }
0x181: {  	v32 =	vmov s0  }
0x182: {  	v26 =	vsub.f32 v26, v32;
	_ =	sdelay $0x1  }
0x183: {  	v27 =	vmul.f32 v26, v26;
	_ =	sdelay $0x1  }
0x184: {  	(xrf2) =	vadd.scan.msk.f32 $0xffff, v27;
	_ =	sdelay $0x9  }
0x185: {  	v27, _, _ =	vpop (xrf2)  }
0x186: {  	(v2sf) =	vpush v27, $0xF;
	_ =	sdelay $0xe  }
0x187: {  	s9 =	spop (v2sf)  }
0x188: {  	s0 =	smul.f32 $6.250000000e-02, s9;
	_ =	sdelay $0x1  }
0x189: {  	s0 =	sadd.f32 $9.999999740e-06, s0;
	_ =	sdelay $0x1  }
0x18a: {  	v33 =	vmov s0  }
0x18b: {  	v34 =	vshra.s32 v33, $0x1;
	v27 =	vmul.f32 $5.000000000e-01, v33  }
0x18c: {  	v28 =	vsub.s32 $0x5F3759DF, v34  }
0x18d: {  	v35 =	vmul.f32 v28, v27;
	_ =	sdelay $0x1  }
0x18e: {  	v29 =	vmul.f32 v28, v35;
	_ =	sdelay $0x1  }
0x18f: {  	v29 =	vsub.f32 $1.500000000e+00, v29;
	_ =	sdelay $0x1  }
0x190: {  	v28 =	vmul.f32 v28, v29;
	_ =	sdelay $0x1  }
0x191: {  	v29 =	vmul.f32 v28, v27;
	_ =	sdelay $0x1  }
0x192: {  	v29 =	vmul.f32 v29, v28;
	_ =	sdelay $0x1  }
0x193: {  	v29 =	vsub.f32 $1.500000000e+00, v29;
	_ =	sdelay $0x1  }
0x194: {  	v28 =	vmul.f32 v29, v28;
	_ =	sdelay $0x1  }
0x195: {  	v27 =	vmul.f32 v28, v27;
	_ =	sdelay $0x1  }
0x196: {  	v27 =	vmul.f32 v27, v28;
	_ =	sdelay $0x1  }
0x197: {  	v27 =	vsub.f32 $1.500000000e+00, v27;
	_ =	sdelay $0x1  }
0x198: {  	v27 =	vmul.f32 v27, v28;
	_ =	sdelay $0x1  }
0x199: {  	v26 =	vmul.f32 v27, v26;
	_ =	sdelay $0x1  }
0x19a: {  	v26 =	vmul.f32 v26, v24;
	_ =	sdelay $0x1  }
0x19b: {  	v26 =	vadd.f32 v26, v25;
	_ =	sdelay $0x1  }
0x19c: {  	v26 =	vmax.f32 v26, $0.0e+00  }
0x19d: {  	[tilespmem:$0x1229] =	vst v26  }
0x19e: {  	v26 =	vld.idx.msk [tilespmem:v10+s19+$0x0], $0xffff;
	_ =	sdelay $0x4  }
0x19f: {  	v26 =	vadd.f32 v26, v23;
	_ =	sdelay $0x1  }
0x1a0: {  	(xrf2) =	vadd.scan.msk.f32 $0xffff, v26;
	_ =	sdelay $0x9  }
0x1a1: {  	v36, _, _ =	vpop (xrf2)  }
0x1a2: {  	(v2sf) =	vpush v36, $0xF;
	_ =	sdelay $0xe  }
0x1a3: {  	s10 =	spop (v2sf)  }
0x1a4: {  	s0 =	smul.f32 $6.250000000e-02, s10;
	_ =	sdelay $0x1  }
0x1a5: {  	v37 =	vmov s0  }
0x1a6: {  	v26 =	vsub.f32 v26, v37;
	_ =	sdelay $0x1  }
0x1a7: {  	v27 =	vmul.f32 v26, v26;
	_ =	sdelay $0x1  }
0x1a8: {  	(xrf2) =	vadd.scan.msk.f32 $0xffff, v27;
	_ =	sdelay $0x9  }
0x1a9: {  	v27, _, _ =	vpop (xrf2)  }
0x1aa: {  	(v2sf) =	vpush v27, $0xF;
	_ =	sdelay $0xe  }
0x1ab: {  	s11 =	spop (v2sf)  }
0x1ac: {  	s0 =	smul.f32 $6.250000000e-02, s11;
	_ =	sdelay $0x1  }
0x1ad: {  	s0 =	sadd.f32 $9.999999740e-06, s0;
	_ =	sdelay $0x1  }
0x1ae: {  	v38 =	vmov s0  }
0x1af: {  	v39 =	vshra.s32 v38, $0x1;
	v27 =	vmul.f32 $5.000000000e-01, v38  }
0x1b0: {  	v28 =	vsub.s32 $0x5F3759DF, v39  }
0x1b1: {  	v40 =	vmul.f32 v28, v27;
	_ =	sdelay $0x1  }
0x1b2: {  	v29 =	vmul.f32 v28, v40;
	_ =	sdelay $0x1  }
0x1b3: {  	v29 =	vsub.f32 $1.500000000e+00, v29;
	_ =	sdelay $0x1  }
0x1b4: {  	v28 =	vmul.f32 v28, v29;
	_ =	sdelay $0x1  }
0x1b5: {  	v29 =	vmul.f32 v28, v27;
	_ =	sdelay $0x1  }
0x1b6: {  	v29 =	vmul.f32 v29, v28;
	_ =	sdelay $0x1  }
0x1b7: {  	v29 =	vsub.f32 $1.500000000e+00, v29;
	_ =	sdelay $0x1  }
0x1b8: {  	v28 =	vmul.f32 v29, v28;
	_ =	sdelay $0x1  }
0x1b9: {  	v27 =	vmul.f32 v28, v27;
	_ =	sdelay $0x1  }
0x1ba: {  	v27 =	vmul.f32 v27, v28;
	_ =	sdelay $0x1  }
0x1bb: {  	v27 =	vsub.f32 $1.500000000e+00, v27;
	_ =	sdelay $0x1  }
0x1bc: {  	v27 =	vmul.f32 v27, v28;
	_ =	sdelay $0x1  }
0x1bd: {  	v26 =	vmul.f32 v27, v26;
	_ =	sdelay $0x1  }
0x1be: {  	v26 =	vmul.f32 v26, v24;
	_ =	sdelay $0x1  }
0x1bf: {  	v26 =	vadd.f32 v26, v25;
	_ =	sdelay $0x1  }
0x1c0: {  	v26 =	vmax.f32 v26, $0.0e+00  }
0x1c1: {  	[tilespmem:$0x123A] =	vst v26  }
0x1c2: {  	v26 =	vld.idx.msk [tilespmem:v11+s19+$0x0], $0xffff;
	_ =	sdelay $0x4  }
0x1c3: {  	v26 =	vadd.f32 v26, v23;
	_ =	sdelay $0x1  }
0x1c4: {  	(xrf2) =	vadd.scan.msk.f32 $0xffff, v26;
	_ =	sdelay $0x9  }
0x1c5: {  	v41, _, _ =	vpop (xrf2)  }
0x1c6: {  	(v2sf) =	vpush v41, $0xF;
	_ =	sdelay $0xe  }
0x1c7: {  	s16 =	spop (v2sf)  }
0x1c8: {  	s0 =	smul.f32 $6.250000000e-02, s16;
	_ =	sdelay $0x1  }
0x1c9: {  	v42 =	vmov s0  }
0x1ca: {  	v26 =	vsub.f32 v26, v42;
	_ =	sdelay $0x1  }
0x1cb: {  	v27 =	vmul.f32 v26, v26;
	_ =	sdelay $0x1  }
0x1cc: {  	(xrf2) =	vadd.scan.msk.f32 $0xffff, v27;
	_ =	sdelay $0x9  }
0x1cd: {  	v27, _, _ =	vpop (xrf2)  }
0x1ce: {  	(v2sf) =	vpush v27, $0xF;
	_ =	sdelay $0xe  }
0x1cf: {  	s17 =	spop (v2sf)  }
0x1d0: {  	s0 =	smul.f32 $6.250000000e-02, s17;
	_ =	sdelay $0x1  }
0x1d1: {  	s0 =	sadd.f32 $9.999999740e-06, s0;
	_ =	sdelay $0x1  }
0x1d2: {  	v43 =	vmov s0  }
0x1d3: {  	v44 =	vshra.s32 v43, $0x1;
	v27 =	vmul.f32 $5.000000000e-01, v43  }
0x1d4: {  	v28 =	vsub.s32 $0x5F3759DF, v44  }
0x1d5: {  	v45 =	vmul.f32 v28, v27;
	_ =	sdelay $0x1  }
0x1d6: {  	v29 =	vmul.f32 v28, v45;
	_ =	sdelay $0x1  }
0x1d7: {  	v29 =	vsub.f32 $1.500000000e+00, v29;
	_ =	sdelay $0x1  }
0x1d8: {  	v28 =	vmul.f32 v28, v29;
	_ =	sdelay $0x1  }
0x1d9: {  	v29 =	vmul.f32 v28, v27;
	_ =	sdelay $0x1  }
0x1da: {  	v29 =	vmul.f32 v29, v28;
	_ =	sdelay $0x1  }
0x1db: {  	v29 =	vsub.f32 $1.500000000e+00, v29;
	_ =	sdelay $0x1  }
0x1dc: {  	v28 =	vmul.f32 v29, v28;
	_ =	sdelay $0x1  }
0x1dd: {  	v27 =	vmul.f32 v28, v27;
	_ =	sdelay $0x1  }
0x1de: {  	v27 =	vmul.f32 v27, v28;
	_ =	sdelay $0x1  }
0x1df: {  	v27 =	vsub.f32 $1.500000000e+00, v27;
	_ =	sdelay $0x1  }
0x1e0: {  	v27 =	vmul.f32 v27, v28;
	_ =	sdelay $0x1  }
0x1e1: {  	v26 =	vmul.f32 v27, v26;
	_ =	sdelay $0x1  }
0x1e2: {  	v26 =	vmul.f32 v26, v24;
	_ =	sdelay $0x1  }
0x1e3: {  	v26 =	vadd.f32 v26, v25;
	_ =	sdelay $0x1  }
0x1e4: {  	v26 =	vmax.f32 v26, $0.0e+00  }
0x1e5: {  	[tilespmem:$0x124B] =	vst v26  }
0x1e6: {  	v26 =	vld.idx.msk [tilespmem:v12+s19+$0x0], $0xffff;
	_ =	sdelay $0x4  }
0x1e7: {  	v26 =	vadd.f32 v26, v23;
	_ =	sdelay $0x1  }
0x1e8: {  	(xrf2) =	vadd.scan.msk.f32 $0xffff, v26;
	_ =	sdelay $0x9  }
0x1e9: {  	v46, _, _ =	vpop (xrf2)  }
0x1ea: {  	(v2sf) =	vpush v46, $0xF;
	_ =	sdelay $0xe  }
0x1eb: {  	s18 =	spop (v2sf)  }
0x1ec: {  	s0 =	smul.f32 $6.250000000e-02, s18;
	_ =	sdelay $0x1  }
0x1ed: {  	v47 =	vmov s0  }
0x1ee: {  	v26 =	vsub.f32 v26, v47;
	_ =	sdelay $0x1  }
0x1ef: {  	v27 =	vmul.f32 v26, v26;
	_ =	sdelay $0x1  }
0x1f0: {  	(xrf2) =	vadd.scan.msk.f32 $0xffff, v27;
	_ =	sdelay $0x9  }
0x1f1: {  	v27, _, _ =	vpop (xrf2)  }
0x1f2: {  	(v2sf) =	vpush v27, $0xF;
	_ =	sdelay $0xe  }
0x1f3: {  	s20 =	spop (v2sf)  }
0x1f4: {  	s0 =	smul.f32 $6.250000000e-02, s20;
	_ =	sdelay $0x1  }
0x1f5: {  	s0 =	sadd.f32 $9.999999740e-06, s0;
	_ =	sdelay $0x1  }
0x1f6: {  	v48 =	vmov s0  }
0x1f7: {  	v49 =	vshra.s32 v48, $0x1;
	v27 =	vmul.f32 $5.000000000e-01, v48  }
0x1f8: {  	v28 =	vsub.s32 $0x5F3759DF, v49  }
0x1f9: {  	v50 =	vmul.f32 v28, v27;
	_ =	sdelay $0x1  }
0x1fa: {  	v29 =	vmul.f32 v28, v50;
	_ =	sdelay $0x1  }
0x1fb: {  	v29 =	vsub.f32 $1.500000000e+00, v29;
	_ =	sdelay $0x1  }
0x1fc: {  	v28 =	vmul.f32 v28, v29;
	_ =	sdelay $0x1  }
0x1fd: {  	v29 =	vmul.f32 v28, v27;
	_ =	sdelay $0x1  }
0x1fe: {  	v29 =	vmul.f32 v29, v28;
	_ =	sdelay $0x1  }
0x1ff: {  	v29 =	vsub.f32 $1.500000000e+00, v29;
	_ =	sdelay $0x1  }
0x200: {  	v28 =	vmul.f32 v29, v28;
	_ =	sdelay $0x1  }
0x201: {  	v27 =	vmul.f32 v28, v27;
	_ =	sdelay $0x1  }
0x202: {  	v27 =	vmul.f32 v27, v28;
	_ =	sdelay $0x1  }
0x203: {  	v27 =	vsub.f32 $1.500000000e+00, v27;
	_ =	sdelay $0x1  }
0x204: {  	v27 =	vmul.f32 v27, v28;
	_ =	sdelay $0x1  }
0x205: {  	v26 =	vmul.f32 v27, v26;
	_ =	sdelay $0x1  }
0x206: {  	v26 =	vmul.f32 v26, v24;
	_ =	sdelay $0x1  }
0x207: {  	v26 =	vadd.f32 v26, v25;
	_ =	sdelay $0x1  }
0x208: {  	v26 =	vmax.f32 v26, $0.0e+00  }
0x209: {  	[tilespmem:$0x125C] =	vst v26  }
0x20a: {  	v26 =	vld.idx.msk [tilespmem:v13+s19+$0x0], $0xffff;
	_ =	sdelay $0x4  }
0x20b: {  	v26 =	vadd.f32 v26, v23;
	_ =	sdelay $0x1  }
0x20c: {  	(xrf2) =	vadd.scan.msk.f32 $0xffff, v26;
	_ =	sdelay $0x9  }
0x20d: {  	v51, _, _ =	vpop (xrf2)  }
0x20e: {  	(v2sf) =	vpush v51, $0xF;
	_ =	sdelay $0xe  }
0x20f: {  	s21 =	spop (v2sf)  }
0x210: {  	s0 =	smul.f32 $6.250000000e-02, s21;
	_ =	sdelay $0x1  }
0x211: {  	v52 =	vmov s0  }
0x212: {  	v26 =	vsub.f32 v26, v52;
	_ =	sdelay $0x1  }
0x213: {  	v27 =	vmul.f32 v26, v26;
	_ =	sdelay $0x1  }
0x214: {  	(xrf2) =	vadd.scan.msk.f32 $0xffff, v27;
	_ =	sdelay $0x9  }
0x215: {  	v27, _, _ =	vpop (xrf2)  }
0x216: {  	(v2sf) =	vpush v27, $0xF;
	_ =	sdelay $0xe  }
0x217: {  	s22 =	spop (v2sf)  }
0x218: {  	s0 =	smul.f32 $6.250000000e-02, s22;
	_ =	sdelay $0x1  }
0x219: {  	s0 =	sadd.f32 $9.999999740e-06, s0;
	_ =	sdelay $0x1  }
0x21a: {  	v53 =	vmov s0  }
0x21b: {  	v54 =	vshra.s32 v53, $0x1;
	v27 =	vmul.f32 $5.000000000e-01, v53  }
0x21c: {  	v28 =	vsub.s32 $0x5F3759DF, v54  }
0x21d: {  	v55 =	vmul.f32 v28, v27;
	_ =	sdelay $0x1  }
0x21e: {  	v29 =	vmul.f32 v28, v55;
	_ =	sdelay $0x1  }
0x21f: {  	v29 =	vsub.f32 $1.500000000e+00, v29;
	_ =	sdelay $0x1  }
0x220: {  	v28 =	vmul.f32 v28, v29;
	_ =	sdelay $0x1  }
0x221: {  	v29 =	vmul.f32 v28, v27;
	_ =	sdelay $0x1  }
0x222: {  	v29 =	vmul.f32 v29, v28;
	_ =	sdelay $0x1  }
0x223: {  	v29 =	vsub.f32 $1.500000000e+00, v29;
	_ =	sdelay $0x1  }
0x224: {  	v28 =	vmul.f32 v29, v28;
	_ =	sdelay $0x1  }
0x225: {  	v27 =	vmul.f32 v28, v27;
	_ =	sdelay $0x1  }
0x226: {  	v27 =	vmul.f32 v27, v28;
	_ =	sdelay $0x1  }
0x227: {  	v27 =	vsub.f32 $1.500000000e+00, v27;
	_ =	sdelay $0x1  }
0x228: {  	v27 =	vmul.f32 v27, v28;
	_ =	sdelay $0x1  }
0x229: {  	v26 =	vmul.f32 v27, v26;
	_ =	sdelay $0x1  }
0x22a: {  	v26 =	vmul.f32 v26, v24;
	_ =	sdelay $0x1  }
0x22b: {  	v26 =	vadd.f32 v26, v25;
	_ =	sdelay $0x1  }
0x22c: {  	v26 =	vmax.f32 v26, $0.0e+00  }
0x22d: {  	[tilespmem:$0x126D] =	vst v26  }
0x22e: {  	v26 =	vld.idx.msk [tilespmem:v14+s19+$0x0], $0xffff;
	_ =	sdelay $0x4  }
0x22f: {  	v26 =	vadd.f32 v26, v23;
	_ =	sdelay $0x1  }
0x230: {  	(xrf2) =	vadd.scan.msk.f32 $0xffff, v26;
	_ =	sdelay $0x9  }
0x231: {  	v56, _, _ =	vpop (xrf2)  }
0x232: {  	(v2sf) =	vpush v56, $0xF;
	_ =	sdelay $0xe  }
0x233: {  	s31 =	spop (v2sf)  }
0x234: {  	s0 =	smul.f32 $6.250000000e-02, s31;
	_ =	sdelay $0x1  }
0x235: {  	v57 =	vmov s0  }
0x236: {  	v26 =	vsub.f32 v26, v57;
	_ =	sdelay $0x1  }
0x237: {  	v27 =	vmul.f32 v26, v26;
	_ =	sdelay $0x1  }
0x238: {  	(xrf2) =	vadd.scan.msk.f32 $0xffff, v27;
	_ =	sdelay $0x9  }
0x239: {  	v27, _, _ =	vpop (xrf2)  }
0x23a: {  	(v2sf) =	vpush v27, $0xF;
	_ =	sdelay $0xe  }
0x23b: {  	s1 =	spop (v2sf)  }
0x23c: {  	s0 =	smul.f32 $6.250000000e-02, s1;
	_ =	sdelay $0x1  }
0x23d: {  	s0 =	sadd.f32 $9.999999740e-06, s0;
	_ =	sdelay $0x1  }
0x23e: {  	v58 =	vmov s0  }
0x23f: {  	v59 =	vshra.s32 v58, $0x1;
	v27 =	vmul.f32 $5.000000000e-01, v58  }
0x240: {  	v28 =	vsub.s32 $0x5F3759DF, v59  }
0x241: {  	v60 =	vmul.f32 v28, v27;
	_ =	sdelay $0x1  }
0x242: {  	v29 =	vmul.f32 v28, v60;
	_ =	sdelay $0x1  }
0x243: {  	v29 =	vsub.f32 $1.500000000e+00, v29;
	_ =	sdelay $0x1  }
0x244: {  	v28 =	vmul.f32 v28, v29;
	_ =	sdelay $0x1  }
0x245: {  	v29 =	vmul.f32 v28, v27;
	_ =	sdelay $0x1  }
0x246: {  	v29 =	vmul.f32 v29, v28;
	_ =	sdelay $0x1  }
0x247: {  	v29 =	vsub.f32 $1.500000000e+00, v29;
	_ =	sdelay $0x1  }
0x248: {  	v28 =	vmul.f32 v29, v28;
	_ =	sdelay $0x1  }
0x249: {  	v27 =	vmul.f32 v28, v27;
	_ =	sdelay $0x1  }
0x24a: {  	v27 =	vmul.f32 v27, v28;
	_ =	sdelay $0x1  }
0x24b: {  	v27 =	vsub.f32 $1.500000000e+00, v27;
	_ =	sdelay $0x1  }
0x24c: {  	v27 =	vmul.f32 v27, v28;
	_ =	sdelay $0x1  }
0x24d: {  	v26 =	vmul.f32 v27, v26;
	_ =	sdelay $0x1  }
0x24e: {  	v26 =	vmul.f32 v26, v24;
	_ =	sdelay $0x1  }
0x24f: {  	v26 =	vadd.f32 v26, v25;
	_ =	sdelay $0x1  }
0x250: {  	v26 =	vmax.f32 v26, $0.0e+00  }
0x251: {  	[tilespmem:$0x127E] =	vst v26  }
0x252: {  	v26 =	vld.idx.msk [tilespmem:v15+s19+$0x0], $0xffff;
	_ =	sdelay $0x4  }
0x253: {  	v26 =	vadd.f32 v26, v23;
	_ =	sdelay $0x1  }
0x254: {  	(xrf2) =	vadd.scan.msk.f32 $0xffff, v26;
	_ =	sdelay $0x9  }
0x255: {  	v61, _, _ =	vpop (xrf2)  }
0x256: {  	(v2sf) =	vpush v61, $0xF;
	_ =	sdelay $0xe  }
0x257: {  	s2 =	spop (v2sf)  }
0x258: {  	s0 =	smul.f32 $6.250000000e-02, s2;
	_ =	sdelay $0x1  }
0x259: {  	v62 =	vmov s0  }
0x25a: {  	v26 =	vsub.f32 v26, v62;
	_ =	sdelay $0x1  }
0x25b: {  	v27 =	vmul.f32 v26, v26;
	_ =	sdelay $0x1  }
0x25c: {  	(xrf2) =	vadd.scan.msk.f32 $0xffff, v27;
	_ =	sdelay $0x9  }
0x25d: {  	v27, _, _ =	vpop (xrf2)  }
0x25e: {  	(v2sf) =	vpush v27, $0xF;
	_ =	sdelay $0xe  }
0x25f: {  	s3 =	spop (v2sf)  }
0x260: {  	s0 =	smul.f32 $6.250000000e-02, s3;
	_ =	sdelay $0x1  }
0x261: {  	s0 =	sadd.f32 $9.999999740e-06, s0;
	_ =	sdelay $0x1  }
0x262: {  	v63 =	vmov s0  }
0x263: {  	v32 =	vshra.s32 v63, $0x1;
	v27 =	vmul.f32 $5.000000000e-01, v63  }
0x264: {  	v28 =	vsub.s32 $0x5F3759DF, v32  }
0x265: {  	v33 =	vmul.f32 v28, v27;
	_ =	sdelay $0x1  }
0x266: {  	v29 =	vmul.f32 v28, v33;
	_ =	sdelay $0x1  }
0x267: {  	v29 =	vsub.f32 $1.500000000e+00, v29;
	_ =	sdelay $0x1  }
0x268: {  	v28 =	vmul.f32 v28, v29;
	_ =	sdelay $0x1  }
0x269: {  	v29 =	vmul.f32 v28, v27;
	_ =	sdelay $0x1  }
0x26a: {  	v29 =	vmul.f32 v29, v28;
	_ =	sdelay $0x1  }
0x26b: {  	v29 =	vsub.f32 $1.500000000e+00, v29;
	_ =	sdelay $0x1  }
0x26c: {  	v28 =	vmul.f32 v29, v28;
	_ =	sdelay $0x1  }
0x26d: {  	v27 =	vmul.f32 v28, v27;
	_ =	sdelay $0x1  }
0x26e: {  	v27 =	vmul.f32 v27, v28;
	_ =	sdelay $0x1  }
0x26f: {  	v27 =	vsub.f32 $1.500000000e+00, v27;
	_ =	sdelay $0x1  }
0x270: {  	v27 =	vmul.f32 v27, v28;
	_ =	sdelay $0x1  }
0x271: {  	v26 =	vmul.f32 v27, v26;
	_ =	sdelay $0x1  }
0x272: {  	v26 =	vmul.f32 v26, v24;
	_ =	sdelay $0x1  }
0x273: {  	v26 =	vadd.f32 v26, v25;
	_ =	sdelay $0x1  }
0x274: {  	v26 =	vmax.f32 v26, $0.0e+00  }
0x275: {  	[tilespmem:$0x128F] =	vst v26  }
0x276: {  	v26 =	vld.idx.msk [tilespmem:v16+s19+$0x0], $0xffff;
	_ =	sdelay $0x4  }
0x277: {  	v26 =	vadd.f32 v26, v23;
	_ =	sdelay $0x1  }
0x278: {  	(xrf2) =	vadd.scan.msk.f32 $0xffff, v26;
	_ =	sdelay $0x9  }
0x279: {  	v34, _, _ =	vpop (xrf2)  }
0x27a: {  	(v2sf) =	vpush v34, $0xF;
	_ =	sdelay $0xe  }
0x27b: {  	s4 =	spop (v2sf)  }
0x27c: {  	s0 =	smul.f32 $6.250000000e-02, s4;
	_ =	sdelay $0x1  }
0x27d: {  	v35 =	vmov s0  }
0x27e: {  	v26 =	vsub.f32 v26, v35;
	_ =	sdelay $0x1  }
0x27f: {  	v27 =	vmul.f32 v26, v26;
	_ =	sdelay $0x1  }
0x280: {  	(xrf2) =	vadd.scan.msk.f32 $0xffff, v27;
	_ =	sdelay $0x9  }
0x281: {  	v27, _, _ =	vpop (xrf2)  }
0x282: {  	(v2sf) =	vpush v27, $0xF;
	_ =	sdelay $0xe  }
0x283: {  	s5 =	spop (v2sf)  }
0x284: {  	s0 =	smul.f32 $6.250000000e-02, s5;
	_ =	sdelay $0x1  }
0x285: {  	s0 =	sadd.f32 $9.999999740e-06, s0;
	_ =	sdelay $0x1  }
0x286: {  	v36 =	vmov s0  }
0x287: {  	v37 =	vshra.s32 v36, $0x1;
	v27 =	vmul.f32 $5.000000000e-01, v36  }
0x288: {  	v28 =	vsub.s32 $0x5F3759DF, v37  }
0x289: {  	v38 =	vmul.f32 v28, v27;
	_ =	sdelay $0x1  }
0x28a: {  	v29 =	vmul.f32 v28, v38;
	_ =	sdelay $0x1  }
0x28b: {  	v29 =	vsub.f32 $1.500000000e+00, v29;
	_ =	sdelay $0x1  }
0x28c: {  	v28 =	vmul.f32 v28, v29;
	_ =	sdelay $0x1  }
0x28d: {  	v29 =	vmul.f32 v28, v27;
	_ =	sdelay $0x1  }
0x28e: {  	v29 =	vmul.f32 v29, v28;
	_ =	sdelay $0x1  }
0x28f: {  	v29 =	vsub.f32 $1.500000000e+00, v29;
	_ =	sdelay $0x1  }
0x290: {  	v28 =	vmul.f32 v29, v28;
	_ =	sdelay $0x1  }
0x291: {  	v27 =	vmul.f32 v28, v27;
	_ =	sdelay $0x1  }
0x292: {  	v27 =	vmul.f32 v27, v28;
	_ =	sdelay $0x1  }
0x293: {  	v27 =	vsub.f32 $1.500000000e+00, v27;
	_ =	sdelay $0x1  }
0x294: {  	v27 =	vmul.f32 v27, v28;
	_ =	sdelay $0x1  }
0x295: {  	v26 =	vmul.f32 v27, v26;
	_ =	sdelay $0x1  }
0x296: {  	v26 =	vmul.f32 v26, v24;
	_ =	sdelay $0x1  }
0x297: {  	v26 =	vadd.f32 v26, v25;
	_ =	sdelay $0x1  }
0x298: {  	v26 =	vmax.f32 v26, $0.0e+00  }
0x299: {  	[tilespmem:$0x12A0] =	vst v26  }
0x29a: {  	v26 =	vld.idx.msk [tilespmem:v17+s19+$0x0], $0xffff;
	_ =	sdelay $0x4  }
0x29b: {  	v26 =	vadd.f32 v26, v23;
	_ =	sdelay $0x1  }
0x29c: {  	(xrf2) =	vadd.scan.msk.f32 $0xffff, v26;
	_ =	sdelay $0x9  }
0x29d: {  	v39, _, _ =	vpop (xrf2)  }
0x29e: {  	(v2sf) =	vpush v39, $0xF;
	_ =	sdelay $0xe  }
0x29f: {  	s9 =	spop (v2sf)  }
0x2a0: {  	s0 =	smul.f32 $6.250000000e-02, s9;
	_ =	sdelay $0x1  }
0x2a1: {  	v40 =	vmov s0  }
0x2a2: {  	v26 =	vsub.f32 v26, v40;
	_ =	sdelay $0x1  }
0x2a3: {  	v27 =	vmul.f32 v26, v26;
	_ =	sdelay $0x1  }
0x2a4: {  	(xrf2) =	vadd.scan.msk.f32 $0xffff, v27;
	_ =	sdelay $0x9  }
0x2a5: {  	v27, _, _ =	vpop (xrf2)  }
0x2a6: {  	(v2sf) =	vpush v27, $0xF;
	_ =	sdelay $0xe  }
0x2a7: {  	s10 =	spop (v2sf)  }
0x2a8: {  	s0 =	smul.f32 $6.250000000e-02, s10;
	_ =	sdelay $0x1  }
0x2a9: {  	s0 =	sadd.f32 $9.999999740e-06, s0;
	_ =	sdelay $0x1  }
0x2aa: {  	v41 =	vmov s0  }
0x2ab: {  	v42 =	vshra.s32 v41, $0x1;
	v27 =	vmul.f32 $5.000000000e-01, v41  }
0x2ac: {  	v28 =	vsub.s32 $0x5F3759DF, v42  }
0x2ad: {  	v43 =	vmul.f32 v28, v27;
	_ =	sdelay $0x1  }
0x2ae: {  	v29 =	vmul.f32 v28, v43;
	_ =	sdelay $0x1  }
0x2af: {  	v29 =	vsub.f32 $1.500000000e+00, v29;
	_ =	sdelay $0x1  }
0x2b0: {  	v28 =	vmul.f32 v28, v29;
	_ =	sdelay $0x1  }
0x2b1: {  	v29 =	vmul.f32 v28, v27;
	_ =	sdelay $0x1  }
0x2b2: {  	v29 =	vmul.f32 v29, v28;
	_ =	sdelay $0x1  }
0x2b3: {  	v29 =	vsub.f32 $1.500000000e+00, v29;
	_ =	sdelay $0x1  }
0x2b4: {  	v28 =	vmul.f32 v29, v28;
	_ =	sdelay $0x1  }
0x2b5: {  	v27 =	vmul.f32 v28, v27;
	_ =	sdelay $0x1  }
0x2b6: {  	v27 =	vmul.f32 v27, v28;
	_ =	sdelay $0x1  }
0x2b7: {  	v27 =	vsub.f32 $1.500000000e+00, v27;
	_ =	sdelay $0x1  }
0x2b8: {  	v27 =	vmul.f32 v27, v28;
	_ =	sdelay $0x1  }
0x2b9: {  	v26 =	vmul.f32 v27, v26;
	_ =	sdelay $0x1  }
0x2ba: {  	v26 =	vmul.f32 v26, v24;
	_ =	sdelay $0x1  }
0x2bb: {  	v26 =	vadd.f32 v26, v25;
	_ =	sdelay $0x1  }
0x2bc: {  	v26 =	vmax.f32 v26, $0.0e+00  }
0x2bd: {  	[tilespmem:$0x12B1] =	vst v26  }
0x2be: {  	v26 =	vld.idx.msk [tilespmem:v18+s19+$0x0], $0xffff;
	_ =	sdelay $0x4  }
0x2bf: {  	v26 =	vadd.f32 v26, v23;
	_ =	sdelay $0x1  }
0x2c0: {  	(xrf2) =	vadd.scan.msk.f32 $0xffff, v26;
	_ =	sdelay $0x9  }
0x2c1: {  	v44, _, _ =	vpop (xrf2)  }
0x2c2: {  	(v2sf) =	vpush v44, $0xF;
	_ =	sdelay $0xe  }
0x2c3: {  	s11 =	spop (v2sf)  }
0x2c4: {  	s0 =	smul.f32 $6.250000000e-02, s11;
	_ =	sdelay $0x1  }
0x2c5: {  	v45 =	vmov s0  }
0x2c6: {  	v26 =	vsub.f32 v26, v45;
	_ =	sdelay $0x1  }
0x2c7: {  	v27 =	vmul.f32 v26, v26;
	_ =	sdelay $0x1  }
0x2c8: {  	(xrf2) =	vadd.scan.msk.f32 $0xffff, v27;
	_ =	sdelay $0x9  }
0x2c9: {  	v27, _, _ =	vpop (xrf2)  }
0x2ca: {  	(v2sf) =	vpush v27, $0xF;
	_ =	sdelay $0xe  }
0x2cb: {  	s16 =	spop (v2sf)  }
0x2cc: {  	s0 =	smul.f32 $6.250000000e-02, s16;
	_ =	sdelay $0x1  }
0x2cd: {  	s0 =	sadd.f32 $9.999999740e-06, s0;
	_ =	sdelay $0x1  }
0x2ce: {  	v46 =	vmov s0  }
0x2cf: {  	v47 =	vshra.s32 v46, $0x1;
	v27 =	vmul.f32 $5.000000000e-01, v46  }
0x2d0: {  	v28 =	vsub.s32 $0x5F3759DF, v47  }
0x2d1: {  	v48 =	vmul.f32 v28, v27;
	_ =	sdelay $0x1  }
0x2d2: {  	v29 =	vmul.f32 v28, v48;
	_ =	sdelay $0x1  }
0x2d3: {  	v29 =	vsub.f32 $1.500000000e+00, v29;
	_ =	sdelay $0x1  }
0x2d4: {  	v28 =	vmul.f32 v28, v29;
	_ =	sdelay $0x1  }
0x2d5: {  	v29 =	vmul.f32 v28, v27;
	_ =	sdelay $0x1  }
0x2d6: {  	v29 =	vmul.f32 v29, v28;
	_ =	sdelay $0x1  }
0x2d7: {  	v29 =	vsub.f32 $1.500000000e+00, v29;
	_ =	sdelay $0x1  }
0x2d8: {  	v28 =	vmul.f32 v29, v28;
	_ =	sdelay $0x1  }
0x2d9: {  	v27 =	vmul.f32 v28, v27;
	_ =	sdelay $0x1  }
0x2da: {  	v27 =	vmul.f32 v27, v28;
	_ =	sdelay $0x1  }
0x2db: {  	v27 =	vsub.f32 $1.500000000e+00, v27;
	_ =	sdelay $0x1  }
0x2dc: {  	v27 =	vmul.f32 v27, v28;
	_ =	sdelay $0x1  }
0x2dd: {  	v26 =	vmul.f32 v27, v26;
	_ =	sdelay $0x1  }
0x2de: {  	v26 =	vmul.f32 v26, v24;
	_ =	sdelay $0x1  }
0x2df: {  	v26 =	vadd.f32 v26, v25;
	_ =	sdelay $0x1  }
0x2e0: {  	v26 =	vmax.f32 v26, $0.0e+00  }
0x2e1: {  	[tilespmem:$0x12C2] =	vst v26  }
0x2e2: {  	v26 =	vld.idx.msk [tilespmem:v19+s19+$0x0], $0xffff;
	_ =	sdelay $0x4  }
0x2e3: {  	v26 =	vadd.f32 v26, v23;
	_ =	sdelay $0x1  }
0x2e4: {  	(xrf2) =	vadd.scan.msk.f32 $0xffff, v26;
	_ =	sdelay $0x9  }
0x2e5: {  	v49, _, _ =	vpop (xrf2)  }
0x2e6: {  	(v2sf) =	vpush v49, $0xF;
	_ =	sdelay $0xe  }
0x2e7: {  	s17 =	spop (v2sf)  }
0x2e8: {  	s0 =	smul.f32 $6.250000000e-02, s17;
	_ =	sdelay $0x1  }
0x2e9: {  	v50 =	vmov s0  }
0x2ea: {  	v26 =	vsub.f32 v26, v50;
	_ =	sdelay $0x1  }
0x2eb: {  	v27 =	vmul.f32 v26, v26;
	_ =	sdelay $0x1  }
0x2ec: {  	(xrf2) =	vadd.scan.msk.f32 $0xffff, v27;
	_ =	sdelay $0x9  }
0x2ed: {  	v27, _, _ =	vpop (xrf2)  }
0x2ee: {  	(v2sf) =	vpush v27, $0xF;
	_ =	sdelay $0xe  }
0x2ef: {  	s18 =	spop (v2sf)  }
0x2f0: {  	s0 =	smul.f32 $6.250000000e-02, s18;
	_ =	sdelay $0x1  }
0x2f1: {  	s0 =	sadd.f32 $9.999999740e-06, s0;
	_ =	sdelay $0x1  }
0x2f2: {  	v51 =	vmov s0  }
0x2f3: {  	v52 =	vshra.s32 v51, $0x1;
	v27 =	vmul.f32 $5.000000000e-01, v51  }
0x2f4: {  	v28 =	vsub.s32 $0x5F3759DF, v52  }
0x2f5: {  	v53 =	vmul.f32 v28, v27;
	_ =	sdelay $0x1  }
0x2f6: {  	v29 =	vmul.f32 v28, v53;
	_ =	sdelay $0x1  }
0x2f7: {  	v29 =	vsub.f32 $1.500000000e+00, v29;
	_ =	sdelay $0x1  }
0x2f8: {  	v28 =	vmul.f32 v28, v29;
	_ =	sdelay $0x1  }
0x2f9: {  	v29 =	vmul.f32 v28, v27;
	_ =	sdelay $0x1  }
0x2fa: {  	v29 =	vmul.f32 v29, v28;
	_ =	sdelay $0x1  }
0x2fb: {  	v29 =	vsub.f32 $1.500000000e+00, v29;
	_ =	sdelay $0x1  }
0x2fc: {  	v28 =	vmul.f32 v29, v28;
	_ =	sdelay $0x1  }
0x2fd: {  	v27 =	vmul.f32 v28, v27;
	_ =	sdelay $0x1  }
0x2fe: {  	v27 =	vmul.f32 v27, v28;
	_ =	sdelay $0x1  }
0x2ff: {  	v27 =	vsub.f32 $1.500000000e+00, v27;
	_ =	sdelay $0x1  }
0x300: {  	v27 =	vmul.f32 v27, v28;
	_ =	sdelay $0x1  }
0x301: {  	v26 =	vmul.f32 v27, v26;
	_ =	sdelay $0x1  }
0x302: {  	v26 =	vmul.f32 v26, v24;
	_ =	sdelay $0x1  }
0x303: {  	v26 =	vadd.f32 v26, v25;
	_ =	sdelay $0x1  }
0x304: {  	v26 =	vmax.f32 v26, $0.0e+00  }
0x305: {  	[tilespmem:$0x12D3] =	vst v26  }
0x306: {  	v26 =	vld.idx.msk [tilespmem:v20+s19+$0x0], $0xffff;
	_ =	sdelay $0x4  }
0x307: {  	v26 =	vadd.f32 v26, v23;
	_ =	sdelay $0x1  }
0x308: {  	(xrf2) =	vadd.scan.msk.f32 $0xffff, v26;
	_ =	sdelay $0x9  }
0x309: {  	v54, _, _ =	vpop (xrf2)  }
0x30a: {  	(v2sf) =	vpush v54, $0xF;
	_ =	sdelay $0xe  }
0x30b: {  	s20 =	spop (v2sf)  }
0x30c: {  	s0 =	smul.f32 $6.250000000e-02, s20;
	_ =	sdelay $0x1  }
0x30d: {  	v55 =	vmov s0  }
0x30e: {  	v26 =	vsub.f32 v26, v55;
	_ =	sdelay $0x1  }
0x30f: {  	v27 =	vmul.f32 v26, v26;
	_ =	sdelay $0x1  }
0x310: {  	(xrf2) =	vadd.scan.msk.f32 $0xffff, v27;
	_ =	sdelay $0x9  }
0x311: {  	v27, _, _ =	vpop (xrf2)  }
0x312: {  	(v2sf) =	vpush v27, $0xF;
	_ =	sdelay $0xe  }
0x313: {  	s21 =	spop (v2sf)  }
0x314: {  	s0 =	smul.f32 $6.250000000e-02, s21;
	_ =	sdelay $0x1  }
0x315: {  	s0 =	sadd.f32 $9.999999740e-06, s0;
	_ =	sdelay $0x1  }
0x316: {  	v56 =	vmov s0  }
0x317: {  	v57 =	vshra.s32 v56, $0x1;
	v27 =	vmul.f32 $5.000000000e-01, v56  }
0x318: {  	v28 =	vsub.s32 $0x5F3759DF, v57  }
0x319: {  	v58 =	vmul.f32 v28, v27;
	_ =	sdelay $0x1  }
0x31a: {  	v29 =	vmul.f32 v28, v58;
	_ =	sdelay $0x1  }
0x31b: {  	v29 =	vsub.f32 $1.500000000e+00, v29;
	_ =	sdelay $0x1  }
0x31c: {  	v28 =	vmul.f32 v28, v29;
	_ =	sdelay $0x1  }
0x31d: {  	v29 =	vmul.f32 v28, v27;
	_ =	sdelay $0x1  }
0x31e: {  	v29 =	vmul.f32 v29, v28;
	_ =	sdelay $0x1  }
0x31f: {  	v29 =	vsub.f32 $1.500000000e+00, v29;
	_ =	sdelay $0x1  }
0x320: {  	v28 =	vmul.f32 v29, v28;
	_ =	sdelay $0x1  }
0x321: {  	v27 =	vmul.f32 v28, v27;
	_ =	sdelay $0x1  }
0x322: {  	v27 =	vmul.f32 v27, v28;
	_ =	sdelay $0x1  }
0x323: {  	v27 =	vsub.f32 $1.500000000e+00, v27;
	_ =	sdelay $0x1  }
0x324: {  	v27 =	vmul.f32 v27, v28;
	_ =	sdelay $0x1  }
0x325: {  	v26 =	vmul.f32 v27, v26;
	_ =	sdelay $0x1  }
0x326: {  	v26 =	vmul.f32 v26, v24;
	_ =	sdelay $0x1  }
0x327: {  	v26 =	vadd.f32 v26, v25;
	_ =	sdelay $0x1  }
0x328: {  	v26 =	vmax.f32 v26, $0.0e+00  }
0x329: {  	[tilespmem:$0x12E4] =	vst v26  }
0x32a: {  	v26 =	vld.idx.msk [tilespmem:v21+s19+$0x0], $0xffff;
	_ =	sdelay $0x4  }
0x32b: {  	v23 =	vadd.f32 v26, v23;
	_ =	sdelay $0x1  }
0x32c: {  	(xrf2) =	vadd.scan.msk.f32 $0xffff, v23;
	_ =	sdelay $0x9  }
0x32d: {  	v59, _, _ =	vpop (xrf2)  }
0x32e: {  	(v2sf) =	vpush v59, $0xF;
	_ =	sdelay $0xe  }
0x32f: {  	s22 =	spop (v2sf)  }
0x330: {  	s0 =	smul.f32 $6.250000000e-02, s22;
	_ =	sdelay $0x1  }
0x331: {  	v60 =	vmov s0  }
0x332: {  	v23 =	vsub.f32 v23, v60;
	_ =	sdelay $0x1  }
0x333: {  	v26 =	vmul.f32 v23, v23;
	_ =	sdelay $0x1  }
0x334: {  	(xrf2) =	vadd.scan.msk.f32 $0xffff, v26;
	_ =	sdelay $0x9  }
0x335: {  	v26, _, _ =	vpop (xrf2)  }
0x336: {  	(v2sf) =	vpush v26, $0xF;
	_ =	sdelay $0xe  }
0x337: {  	s31 =	spop (v2sf)  }
0x338: {  	s0 =	smul.f32 $6.250000000e-02, s31;
	_ =	sdelay $0x1  }
0x339: {  	s0 =	sadd.f32 $9.999999740e-06, s0;
	_ =	sdelay $0x1  }
0x33a: {  	v61 =	vmov s0  }
0x33b: {  	v62 =	vshra.s32 v61, $0x1;
	v26 =	vmul.f32 $5.000000000e-01, v61  }
0x33c: {  	v27 =	vsub.s32 $0x5F3759DF, v62  }
0x33d: {  	v63 =	vmul.f32 v27, v26;
	_ =	sdelay $0x1  }
0x33e: {  	v28 =	vmul.f32 v27, v63;
	_ =	sdelay $0x1  }
0x33f: {  	v28 =	vsub.f32 $1.500000000e+00, v28;
	_ =	sdelay $0x1  }
0x340: {  	v27 =	vmul.f32 v27, v28;
	_ =	sdelay $0x1  }
0x341: {  	v28 =	vmul.f32 v27, v26;
	_ =	sdelay $0x1  }
0x342: {  	v28 =	vmul.f32 v28, v27;
	_ =	sdelay $0x1  }
0x343: {  	v28 =	vsub.f32 $1.500000000e+00, v28;
	_ =	sdelay $0x1  }
0x344: {  	v27 =	vmul.f32 v28, v27;
	_ =	sdelay $0x1  }
0x345: {  	v26 =	vmul.f32 v27, v26;
	_ =	sdelay $0x1  }
0x346: {  	v26 =	vmul.f32 v26, v27;
	_ =	sdelay $0x1  }
0x347: {  	v26 =	vsub.f32 $1.500000000e+00, v26;
	_ =	sdelay $0x1  }
0x348: {  	v26 =	vmul.f32 v26, v27;
	_ =	sdelay $0x1  }
0x349: {  	v23 =	vmul.f32 v26, v23;
	_ =	sdelay $0x1  }
0x34a: {  	v23 =	vmul.f32 v23, v24;
	_ =	sdelay $0x1  }
0x34b: {  	v23 =	vadd.f32 v23, v25;
	_ =	sdelay $0x1  }
0x34c: {  	v23 =	vmax.f32 v23, $0.0e+00  }
0x34d: {  	s30 =	simm.s32 $0x0;
	[tilespmem:$0x12F5] =	vst v23  }
.LBB2_2:
0x34e: {  	s0 =	sshll.u32 s30, $0x1  }
0x34f: {  	s31 =	sadd.s32 s8, s0  }
0x350: {  	v23 =	vmov s31  }
0x351: {  	p0 =	seq.s32 s30, $0x0;
	v23 =	vand.u32 $0xFFFFFFFE, v23  }
0x352: {  	s0 =	simm.s32 @!p0 $0x1;
	v23 =	vbroadcast v23, $0x0  }
0x353: {  	_ =	swait.ge @!p0 [sflag:s0], $0x4000  }
0x354: {  	[sflag:s0] =	ssyncset.done @!p0 $0x0  }
0x355: {  	s2 =	simm.s32 $0x0;
	[sflag:s0] =	ssyncadd.s32 @!p0 $0xFFFFC000  }
0x356: {  	s21 =	simm.s32 $0x400;
	v24 =	vld [tilespmem:s2+$0x0]  }
0x357: {  	v25 =	vld [tilespmem:s21+$0x0]  }
0x358: {  	v34 =	vld.idx.msk [tilespmem:v23+s2+$0x0], $0xffff  }
0x359: {  	s1 =	simm.s32 $0x800;
	v35 =	vld.idx.msk [tilespmem:v23+s21+$0x0], $0xffff  }
0x35a: {  	v26 =	vld [tilespmem:s1+$0x0]  }
0x35b: {  	v37 =	vld.idx.msk [tilespmem:v23+s1+$0x0], $0xffff;
	_ =	sdelay $0x2  }
0x35c: {  	v24 =	vsub.f32 v24, v34;
	v25 =	vsub.f32 v25, v35;
	_ =	sdelay $0x1  }
0x35d: {  	v26 =	vsub.f32 v26, v37;
	v24 =	vmul.f32 v24, v24;
	v25 =	vmul.f32 v25, v25;
	_ =	sdelay $0x1  }
0x35e: {  	v26 =	vmul.f32 v26, v26;
	v24 =	vadd.f32 v25, v24;
	_ =	sdelay $0x1  }
0x35f: {  	v24 =	vadd.f32 v26, v24;
	_ =	sdelay $0x1  }
0x360: {  	v24 =	vadd.f32 $9.999999930e-09, v24;
	_ =	sdelay $0x1  }
0x361: {  	v25 =	vshra.s32 v24, $0x1;
	v26 =	vmul.f32 $5.000000000e-01, v24  }
0x362: {  	v25 =	vsub.s32 $0x5F3759DF, v25  }
0x363: {  	v27 =	vmul.f32 v25, v26  }
0x364: {  	s22 =	simm.s32 $0x10  }
0x365: {  	s4 =	simm.s32 $0x410;
	v28 =	vld [tilespmem:s22+$0x0];
	v27 =	vmul.f32 v25, v27  }
0x366: {  	v29 =	vld [tilespmem:s4+$0x0]  }
0x367: {  	s5 =	simm.s32 $0x810;
	v27 =	vsub.f32 $1.500000000e+00, v27  }
0x368: {  	v30 =	vld [tilespmem:s5+$0x0]  }
0x369: {  	v25 =	vmul.f32 v25, v27  }
0x36a: {  	v27 =	vsub.f32 v28, v34  }
0x36b: {  	v28 =	vsub.f32 v29, v35;
	v29 =	vmul.f32 v25, v26  }
0x36c: {  	v27 =	vmul.f32 v27, v27  }
0x36d: {  	v30 =	vsub.f32 v30, v37;
	v28 =	vmul.f32 v28, v28;
	v29 =	vmul.f32 v29, v25;
	_ =	sdelay $0x1  }
0x36e: {  	v30 =	vmul.f32 v30, v30;
	v27 =	vadd.f32 v28, v27;
	v29 =	vsub.f32 $1.500000000e+00, v29;
	_ =	sdelay $0x1  }
0x36f: {  	v27 =	vadd.f32 v30, v27;
	v25 =	vmul.f32 v29, v25;
	_ =	sdelay $0x1  }
0x370: {  	v28 =	vadd.f32 $9.999999930e-09, v27;
	v26 =	vmul.f32 v25, v26;
	_ =	sdelay $0x1  }
0x371: {  	v27 =	vshra.s32 v28, $0x1;
	v29 =	vmul.f32 $5.000000000e-01, v28;
	v26 =	vmul.f32 v26, v25  }
0x372: {  	v27 =	vsub.s32 $0x5F3759DF, v27  }
0x373: {  	v30 =	vmul.f32 v27, v29;
	v26 =	vsub.f32 $1.500000000e+00, v26;
	_ =	sdelay $0x1  }
0x374: {  	s3 =	simm.s32 $0x420;
	v25 =	vmul.f32 v26, v25;
	v26 =	vmul.f32 v27, v30  }
0x375: {  	v31 =	vld [tilespmem:s3+$0x0];
	s1 =	simm.s32 $0x20  }
0x376: {  	v30 =	vld [tilespmem:s1+$0x0];
	v24 =	vmul.f32 v25, v24;
	v25 =	vsub.f32 $1.500000000e+00, v26  }
0x377: {  	s9 =	simm.s32 $0x820  }
0x378: {  	v26 =	vld [tilespmem:s9+$0x0];
	v24 =	vmul.f32 $5.249999760e-01, v24;
	v25 =	vmul.f32 v27, v25;
	_ =	sdelay $0x1  }
0x379: {  	s10 =	simm.s32 $0xC00;
	v24 =	vmin.f32 v24, $2.200000000e+01;
	v27 =	vmul.f32 v25, v29  }
0x37a: {  	v36 =	vld.idx.msk [tilespmem:v23+s10+$0x0], $0xffff;
	v23 =	vsub.f32 v30, v34;
	v30 =	vsub.f32 v31, v35;
	v31 =	vtrunc.f32 v24  }
0x37b: {  	v32 =	vld [tilespmem:s10+$0x0];
	v33 =	vcvt.f32.s32 v31;
	vm0 =	vgt.f32 v24, v31;
	v24 =	vmul.f32 v27, v25  }
0x37c: {  	v26 =	vsub.f32 v26, v37;
	v23 =	vmul.f32 v23, v23;
	v27 =	vsel vm0, $0x1, v22  }
0x37d: {  	v30 =	vmul.f32 v30, v30;
	v27 =	vadd.s32 v33, v27;
	v24 =	vsub.f32 $1.500000000e+00, v24  }
0x37e: {  	v26 =	vmul.f32 v26, v26;
	vm0 =	vlt.s32 v27, $0x14  }
0x37f: {  	v23 =	vadd.f32 v30, v23;
	v27 =	vnsel vm0, $0x14, v27;
	v24 =	vmul.f32 v24, v25  }
0x380: {  	v25 =	vmin.f32 v36, v32;
	v27 =	vmul.u32 $0x11, v27  }
0x381: {  	v23 =	vadd.f32 v26, v23;
	vm0 =	vgt.f32 v25, $0.0e+00;
	v26 =	vmul.f32 v24, v29  }
0x382: {  	v27 =	vnsel vm0, $0x165, v27  }
0x383: {  	v29 =	vadd.f32 $9.999999930e-09, v23;
	v23 =	vmul.f32 v26, v24;
	_ =	sdelay $0x1  }
0x384: {  	v26 =	vshra.s32 v29, $0x1;
	v30 =	vmul.f32 $5.000000000e-01, v29;
	v23 =	vsub.f32 $1.500000000e+00, v23  }
0x385: {  	v26 =	vsub.s32 $0x5F3759DF, v26  }
0x386: {  	s4 =	simm.s32 $0x430;
	v46 =	vmul.f32 v26, v30;
	v31 =	vld.idx.msk [tilespmem:v27+s23+$0x0], $0xffff;
	v23 =	vmul.f32 v23, v24  }
0x387: {  	s3 =	simm.s32 $0x30;
	v47 =	vld [tilespmem:s4+$0x0]  }
0x388: {  	v24 =	vld [tilespmem:s3+$0x0];
	v32 =	vmul.f32 v26, v46;
	v23 =	vmul.f32 v23, v28  }
0x389: {  	v28 =	vadd.s32 $0x1, v27  }
0x38a: {  	s11 =	simm.s32 $0x830;
	v32 =	vsub.f32 $1.500000000e+00, v32;
	v23 =	vmul.f32 $5.249999760e-01, v23  }
0x38b: {  	s16 =	sand.u32 $0x1C00, s2;
	v38 =	vld [tilespmem:s11+$0x0];
	s2 =	sand.u32 $0x70, s2;
	v31 =	vmul.f32 v25, v31  }
0x38c: {  	s5 =	simm.s32 $0xC10;
	s2 =	sor.u32 s2, s16;
	v26 =	vmul.f32 v26, v32;
	v23 =	vmin.f32 v23, $2.200000000e+01  }
0x38d: {  	v48 =	vld [tilespmem:s5+$0x0];
	v33 =	vsub.f32 v47, v35;
	v24 =	vsub.f32 v24, v34;
	[tilespmem:s2+$0x1308] =	vst v31;
	v31 =	vtrunc.f32 v23  }
0x38e: {  	v28 =	vld.idx.msk [tilespmem:v28+s23+$0x0], $0xffff;
	v39 =	vcvt.f32.s32 v31;
	vm0 =	vgt.f32 v23, v31;
	v23 =	vmul.f32 v26, v30  }
0x38f: {  	v33 =	vmul.f32 v33, v33;
	v24 =	vmul.f32 v24, v24;
	v49 =	vsel vm0, $0x1, v22  }
0x390: {  	v31 =	vsub.f32 v38, v37;
	v38 =	vadd.s32 v39, v49;
	v23 =	vmul.f32 v23, v26  }
0x391: {  	v50 =	vadd.s32 $0x2, v27;
	v24 =	vadd.f32 v33, v24;
	vm0 =	vlt.s32 v38, $0x14  }
0x392: {  	v31 =	vmul.f32 v31, v31;
	v38 =	vnsel vm0, $0x14, v38;
	v40 =	vsub.f32 $1.500000000e+00, v23  }
0x393: {  	v23 =	vmin.f32 v36, v48;
	v28 =	vmul.f32 v28, v25;
	v51 =	vmul.u32 $0x11, v38  }
0x394: {  	v31 =	vadd.f32 v31, v24;
	vm0 =	vgt.f32 v23, $0.0e+00;
	v26 =	vmul.f32 v40, v26  }
0x395: {  	[tilespmem:s2+$0x1388] =	vst v28;
	v24 =	vnsel vm0, $0x165, v51  }
0x396: {  	v31 =	vadd.f32 $9.999999930e-09, v31;
	v28 =	vld.idx.msk [tilespmem:v50+s23+$0x0], $0xffff;
	v30 =	vmul.f32 v26, v30;
	_ =	sdelay $0x1  }
0x397: {  	s4 =	simm.s32 $0x40;
	v52 =	vshra.s32 v31, $0x1;
	v53 =	vmul.f32 $5.000000000e-01, v31;
	v30 =	vmul.f32 v30, v26  }
0x398: {  	v43 =	vld [tilespmem:s4+$0x0];
	v55 =	vadd.s32 $0x3, v27;
	v32 =	vsub.s32 $0x5F3759DF, v52  }
0x399: {  	s20 =	simm.s32 $0x440;
	v41 =	vmul.f32 v32, v53;
	v56 =	vld.idx.msk [tilespmem:v24+s23+$0x0], $0xffff;
	v30 =	vsub.f32 $1.500000000e+00, v30  }
0x39a: {  	v57 =	vld [tilespmem:s20+$0x0];
	v28 =	vmul.f32 v28, v25  }
0x39b: {  	s18 =	simm.s32 $0x840;
	v26 =	vmul.f32 v30, v26;
	v30 =	vmul.f32 v32, v41  }
0x39c: {  	v42 =	vld [tilespmem:s18+$0x0];
	[tilespmem:s2+$0x1408] =	vst v28;
	v28 =	vadd.s32 $0x1, v24  }
0x39d: {  	s21 =	simm.s32 $0x80;
	v39 =	vld.idx.msk [tilespmem:v55+s23+$0x0], $0xffff;
	v26 =	vmul.f32 v26, v29;
	v29 =	vsub.f32 $1.500000000e+00, v30  }
0x39e: {  	s0 =	sand.u32 $0x70, s22;
	s5 =	sand.u32 $0x1C00, s21;
	v61 =	vsub.f32 v43, v34;
	v30 =	vmul.f32 v23, v56  }
0x39f: {  	s0 =	sor.u32 s0, s5;
	v41 =	vsub.f32 v57, v35;
	v58 =	vmul.f32 $5.249999760e-01, v26;
	v29 =	vmul.f32 v32, v29  }
0x3a0: {  	v45 =	vmul.f32 v61, v61;
	v60 =	vadd.s32 $0x4, v27;
	[tilespmem:s0+$0x1308] =	vst v30  }
0x3a1: {  	v41 =	vmul.f32 v41, v41;
	v30 =	vmin.f32 v58, $2.200000000e+01;
	v62 =	vmul.f32 v29, v53;
	v28 =	vld.idx.msk [tilespmem:v28+s23+$0x0], $0xffff  }
0x3a2: {  	s17 =	simm.s32 $0xC20;
	v59 =	vsub.f32 v42, v37;
	v63 =	vtrunc.f32 v30;
	v39 =	vmul.f32 v39, v25  }
0x3a3: {  	v54 =	vld [tilespmem:s17+$0x0];
	v44 =	vcvt.f32.s32 v63;
	vm0 =	vgt.f32 v30, v63;
	v30 =	vmul.f32 v62, v29  }
0x3a4: {  	v48 =	vadd.s32 $0x2, v24;
	v32 =	vmul.f32 v59, v59;
	v46 =	vsel vm0, $0x1, v22;
	[tilespmem:s2+$0x1488] =	vst v39  }
0x3a5: {  	v40 =	vadd.f32 v41, v45;
	v47 =	vadd.s32 v44, v46;
	v38 =	vld.idx.msk [tilespmem:v60+s23+$0x0], $0xffff;
	v30 =	vsub.f32 $1.500000000e+00, v30  }
0x3a6: {  	vm0 =	vlt.s32 v47, $0x14;
	v28 =	vmul.f32 v28, v23  }
0x3a7: {  	v32 =	vadd.f32 v32, v40;
	v39 =	vnsel vm0, $0x14, v47;
	v30 =	vmul.f32 v30, v29  }
0x3a8: {  	v49 =	vadd.s32 $0x5, v27;
	v26 =	vmin.f32 v36, v54;
	v29 =	vmul.u32 $0x11, v39;
	[tilespmem:s0+$0x1388] =	vst v28  }
0x3a9: {  	s9 =	simm.s32 $0x850;
	v32 =	vadd.f32 $9.999999930e-09, v32;
	vm0 =	vgt.f32 v26, $0.0e+00;
	v28 =	vmul.f32 v30, v53;
	v50 =	vld.idx.msk [tilespmem:v48+s23+$0x0], $0xffff  }
0x3aa: {  	v52 =	vld [tilespmem:s9+$0x0];
	v29 =	vnsel vm0, $0x165, v29;
	v38 =	vmul.f32 v38, v25  }
0x3ab: {  	s16 =	simm.s32 $0x50;
	v54 =	vmul.f32 $5.000000000e-01, v32;
	v53 =	vshra.s32 v32, $0x1;
	v28 =	vmul.f32 v28, v30  }
0x3ac: {  	v55 =	vadd.s32 $0x3, v24;
	v56 =	vld [tilespmem:s16+$0x0];
	[tilespmem:s2+$0x1508] =	vst v38;
	v38 =	vsub.s32 $0x5F3759DF, v53  }
0x3ad: {  	v39 =	vld.idx.msk [tilespmem:v49+s23+$0x0], $0xffff;
	v28 =	vsub.f32 $1.500000000e+00, v28;
	v45 =	vmul.f32 v38, v54  }
0x3ae: {  	v33 =	vmul.f32 v50, v23  }
0x3af: {  	s10 =	simm.s32 $0x450;
	v41 =	vsub.f32 v52, v37;
	v46 =	vld.idx.msk [tilespmem:v29+s23+$0x0], $0xffff;
	v28 =	vmul.f32 v28, v30;
	v45 =	vmul.f32 v38, v45  }
0x3b0: {  	v47 =	vld [tilespmem:s10+$0x0];
	v30 =	vadd.s32 $0x6, v27;
	[tilespmem:s0+$0x1408] =	vst v33  }
0x3b1: {  	v41 =	vmul.f32 v41, v41;
	v31 =	vmul.f32 v28, v31;
	v43 =	vld.idx.msk [tilespmem:v55+s23+$0x0], $0xffff;
	v45 =	vsub.f32 $1.500000000e+00, v45  }
0x3b2: {  	s22 =	simm.s32 $0xC30;
	v58 =	vsub.f32 v56, v34;
	v57 =	vadd.s32 $0x1, v29;
	v39 =	vmul.f32 v39, v25  }
0x3b3: {  	s11 =	simm.s32 $0x100;
	v51 =	vld [tilespmem:s22+$0x0];
	v31 =	vmul.f32 $5.249999760e-01, v31;
	v38 =	vmul.f32 v38, v45  }
0x3b4: {  	s5 =	sand.u32 $0x1C00, s11;
	s1 =	sand.u32 $0x70, s1;
	v61 =	vadd.s32 $0x4, v24;
	v60 =	vmul.f32 v58, v58;
	v59 =	vmul.f32 v26, v46;
	[tilespmem:s2+$0x1588] =	vst v39  }
0x3b5: {  	s1 =	sor.u32 s1, s5;
	v62 =	vsub.f32 v47, v35;
	v30 =	vld.idx.msk [tilespmem:v30+s23+$0x0], $0xffff;
	v31 =	vmin.f32 v31, $2.200000000e+01;
	v48 =	vmul.f32 v38, v54  }
0x3b6: {  	v50 =	vadd.s32 $0x7, v27;
	[tilespmem:s1+$0x1308] =	vst v59;
	v63 =	vtrunc.f32 v31;
	v43 =	vmul.f32 v43, v23  }
0x3b7: {  	v45 =	vmul.f32 v62, v62;
	v33 =	vld.idx.msk [tilespmem:v57+s23+$0x0], $0xffff;
	v49 =	vcvt.f32.s32 v63;
	vm0 =	vgt.f32 v31, v63  }
0x3b8: {  	v28 =	vmin.f32 v36, v51;
	v46 =	vmul.f32 v48, v38;
	v31 =	vsel vm0, $0x1, v22;
	[tilespmem:s0+$0x1488] =	vst v43  }
0x3b9: {  	v51 =	vadd.s32 $0x2, v29;
	v39 =	vadd.f32 v45, v60;
	v31 =	vadd.s32 v49, v31;
	v40 =	vld.idx.msk [tilespmem:v61+s23+$0x0], $0xffff  }
0x3ba: {  	v46 =	vsub.f32 $1.500000000e+00, v46;
	vm0 =	vlt.s32 v31, $0x14;
	v30 =	vmul.f32 v30, v25  }
0x3bb: {  	v52 =	vadd.s32 $0x5, v24;
	v39 =	vadd.f32 v41, v39;
	v31 =	vnsel vm0, $0x14, v31  }
0x3bc: {  	v38 =	vmul.f32 v46, v38;
	v33 =	vmul.f32 v33, v26;
	v31 =	vmul.u32 $0x11, v31;
	[tilespmem:s2+$0x1608] =	vst v30  }
0x3bd: {  	s18 =	simm.s32 $0x60;
	v39 =	vadd.f32 $9.999999930e-09, v39;
	vm0 =	vgt.f32 v28, $0.0e+00;
	v44 =	vld.idx.msk [tilespmem:v50+s23+$0x0], $0xffff  }
0x3be: {  	v55 =	vld [tilespmem:s18+$0x0];
	[tilespmem:s1+$0x1388] =	vst v33;
	v30 =	vnsel vm0, $0x165, v31;
	v31 =	vmul.f32 v38, v54;
	v40 =	vmul.f32 v40, v23  }
0x3bf: {  	s21 =	simm.s32 $0x460;
	v57 =	vshra.s32 v39, $0x1;
	v47 =	vmul.f32 $5.000000000e-01, v39;
	v33 =	vld.idx.msk [tilespmem:v51+s23+$0x0], $0xffff  }
0x3c0: {  	v60 =	vld [tilespmem:s21+$0x0];
	v46 =	vsub.s32 $0x5F3759DF, v57;
	v54 =	vadd.s32 $0x8, v27;
	v31 =	vmul.f32 v31, v38;
	[tilespmem:s0+$0x1508] =	vst v40  }
0x3c1: {  	s17 =	simm.s32 $0xC40;
	v49 =	vmul.f32 v46, v47;
	v45 =	vld.idx.msk [tilespmem:v52+s23+$0x0], $0xffff  }
0x3c2: {  	v56 =	vadd.s32 $0x3, v29;
	v53 =	vld [tilespmem:s17+$0x0];
	v44 =	vmul.f32 v44, v25;
	v31 =	vsub.f32 $1.500000000e+00, v31  }
0x3c3: {  	s20 =	simm.s32 $0x860;
	v43 =	vsub.f32 v55, v34;
	v59 =	vmul.f32 v46, v49;
	v48 =	vld.idx.msk [tilespmem:v30+s23+$0x0], $0xffff  }
0x3c4: {  	v58 =	vadd.s32 $0x6, v24;
	v50 =	vld [tilespmem:s20+$0x0];
	v33 =	vmul.f32 v33, v26;
	[tilespmem:s2+$0x1688] =	vst v44;
	v31 =	vmul.f32 v31, v38  }
0x3c5: {  	v43 =	vmul.f32 v43, v43;
	v49 =	vsub.f32 v60, v35;
	v44 =	vsub.f32 $1.500000000e+00, v59;
	v42 =	vld.idx.msk [tilespmem:v54+s23+$0x0], $0xffff  }
0x3c6: {  	v61 =	vadd.s32 $0x1, v30;
	[tilespmem:s1+$0x1408] =	vst v33;
	v32 =	vmul.f32 v31, v32;
	v45 =	vmul.f32 v45, v23  }
0x3c7: {  	s22 =	simm.s32 $0x180;
	v63 =	vadd.s32 $0x9, v27;
	v49 =	vmul.f32 v49, v49;
	v44 =	vmul.f32 v46, v44;
	v40 =	vld.idx.msk [tilespmem:v56+s23+$0x0], $0xffff  }
0x3c8: {  	s3 =	sand.u32 $0x70, s3;
	s5 =	sand.u32 $0x1C00, s22;
	v55 =	vadd.s32 $0x4, v29;
	v62 =	vmul.f32 v28, v48;
	v32 =	vmul.f32 $5.249999760e-01, v32;
	[tilespmem:s0+$0x1588] =	vst v45  }
0x3c9: {  	s3 =	sor.u32 s3, s5;
	v31 =	vmin.f32 v36, v53;
	v53 =	vadd.f32 v49, v43;
	v57 =	vmul.f32 v44, v47;
	v38 =	vld.idx.msk [tilespmem:v58+s23+$0x0], $0xffff  }
0x3ca: {  	v48 =	vsub.f32 v50, v37;
	[tilespmem:s3+$0x1308] =	vst v62;
	v32 =	vmin.f32 v32, $2.200000000e+01;
	v54 =	vmul.f32 v42, v25  }
0x3cb: {  	v58 =	vadd.s32 $0x7, v24;
	v59 =	vmul.f32 v57, v44;
	v33 =	vld.idx.msk [tilespmem:v61+s23+$0x0], $0xffff;
	v56 =	vtrunc.f32 v32  }
0x3cc: {  	v40 =	vmul.f32 v40, v26;
	v51 =	vcvt.f32.s32 v56;
	vm0 =	vgt.f32 v32, v56;
	[tilespmem:s2+$0x3308] =	vst v54  }
0x3cd: {  	s11 =	simm.s32 $0x70;
	v52 =	vmul.f32 v48, v48;
	v60 =	vsel vm0, $0x1, v22;
	v62 =	vld.idx.msk [tilespmem:v63+s23+$0x0], $0xffff;
	v63 =	vsub.f32 $1.500000000e+00, v59  }
0x3ce: {  	v61 =	vadd.s32 $0x2, v30;
	v59 =	vld [tilespmem:s11+$0x0];
	[tilespmem:s1+$0x1488] =	vst v40;
	v41 =	vadd.s32 v51, v60;
	v38 =	vmul.f32 v38, v23  }
0x3cf: {  	v54 =	vadd.s32 $0xA, v27;
	v42 =	vld.idx.msk [tilespmem:v55+s23+$0x0], $0xffff;
	vm0 =	vlt.s32 v41, $0x14;
	v43 =	vmul.f32 v63, v44  }
0x3d0: {  	v55 =	vadd.s32 $0x5, v29;
	v33 =	vmul.f32 v33, v28;
	v41 =	vnsel vm0, $0x14, v41;
	[tilespmem:s0+$0x1608] =	vst v38  }
0x3d1: {  	s10 =	simm.s32 $0x870;
	v38 =	vadd.f32 v52, v53;
	v41 =	vmul.u32 $0x11, v41;
	v32 =	vld.idx.msk [tilespmem:v58+s23+$0x0], $0xffff;
	v58 =	vmul.f32 v43, v47  }
0x3d2: {  	vm0 =	vgt.f32 v31, $0.0e+00;
	v47 =	vld [tilespmem:s10+$0x0];
	[tilespmem:s3+$0x1388] =	vst v33;
	v40 =	vmul.f32 v62, v25;
	v62 =	vadd.s32 $0x3, v30  }
0x3d3: {  	s9 =	simm.s32 $0xC50;
	v57 =	vld.idx.msk [tilespmem:v61+s23+$0x0], $0xffff;
	v33 =	vnsel vm0, $0x165, v41;
	v41 =	vadd.f32 $9.999999930e-09, v38;
	v60 =	vmul.f32 v58, v43  }
0x3d4: {  	v48 =	vld [tilespmem:s9+$0x0];
	v50 =	vsub.f32 v59, v34;
	v61 =	vadd.s32 $0x8, v24;
	v42 =	vmul.f32 v42, v26;
	[tilespmem:s2+$0x3388] =	vst v40  }
0x3d5: {  	s17 =	simm.s32 $0x470;
	v63 =	vld.idx.msk [tilespmem:v54+s23+$0x0], $0xffff;
	v56 =	vshra.s32 v41, $0x1;
	v51 =	vmul.f32 $5.000000000e-01, v41;
	v38 =	vsub.f32 $1.500000000e+00, v60  }
0x3d6: {  	v58 =	vld [tilespmem:s17+$0x0];
	v50 =	vmul.f32 v50, v50;
	[tilespmem:s1+$0x1508] =	vst v42;
	v52 =	vmul.f32 v32, v23;
	v44 =	vsub.s32 $0x5F3759DF, v56  }
0x3d7: {  	v59 =	vadd.s32 $0xB, v27;
	v45 =	vld.idx.msk [tilespmem:v55+s23+$0x0], $0xffff;
	v53 =	vmul.f32 v44, v51;
	v38 =	vmul.f32 v38, v43  }
0x3d8: {  	v60 =	vadd.s32 $0x6, v29;
	v47 =	vsub.f32 v47, v37;
	v49 =	vmul.f32 v57, v28;
	v57 =	vld.idx.msk [tilespmem:v33+s23+$0x0], $0xffff;
	[tilespmem:s0+$0x1688] =	vst v52  }
0x3d9: {  	v54 =	vadd.s32 $0xC, v27;
	v40 =	vld.idx.msk [tilespmem:v61+s23+$0x0], $0xffff;
	v53 =	vmul.f32 v44, v53;
	v38 =	vmul.f32 v38, v39  }
0x3da: {  	v32 =	vmin.f32 v36, v48;
	v47 =	vmul.f32 v47, v47;
	[tilespmem:s3+$0x1408] =	vst v49;
	v42 =	vmul.f32 v63, v25  }
0x3db: {  	v61 =	vadd.s32 $0x1, v33;
	v46 =	vld.idx.msk [tilespmem:v62+s23+$0x0], $0xffff;
	v53 =	vsub.f32 $1.500000000e+00, v53;
	v38 =	vmul.f32 $5.249999760e-01, v38  }
0x3dc: {  	s18 =	simm.s32 $0x200;
	s17 =	simm.s32 $0x880;
	v43 =	vsub.f32 v58, v35;
	v45 =	vmul.f32 v45, v26;
	[tilespmem:s2+$0x3408] =	vst v42;
	v42 =	vadd.s32 $0x9, v24  }
0x3dd: {  	s4 =	sand.u32 $0x70, s4;
	s5 =	sand.u32 $0x1C00, s18;
	v55 =	vld [tilespmem:s17+$0x0];
	v48 =	vmul.f32 v31, v57;
	v44 =	vmul.f32 v44, v53;
	v38 =	vmin.f32 v38, $2.200000000e+01  }
0x3de: {  	s4 =	sor.u32 s4, s5;
	v63 =	vadd.s32 $0x4, v30;
	v62 =	vld.idx.msk [tilespmem:v59+s23+$0x0], $0xffff;
	[tilespmem:s1+$0x1588] =	vst v45;
	v40 =	vmul.f32 v40, v23;
	v58 =	vtrunc.f32 v38  }
0x3df: {  	[tilespmem:s4+$0x1308] =	vst v48;
	v57 =	vld.idx.msk [tilespmem:v60+s23+$0x0], $0xffff;
	v59 =	vcvt.f32.s32 v58;
	vm0 =	vgt.f32 v38, v58;
	v60 =	vmul.f32 v44, v51  }
0x3e0: {  	v38 =	vmul.f32 v43, v43;
	v39 =	vld.idx.msk [tilespmem:v61+s23+$0x0], $0xffff;
	v46 =	vmul.f32 v46, v28;
	[tilespmem:s0+$0x3308] =	vst v40;
	v49 =	vsel vm0, $0x1, v22  }
0x3e1: {  	s20 =	simm.s32 $0xC60;
	v61 =	vadd.s32 $0x7, v29;
	v42 =	vld.idx.msk [tilespmem:v42+s23+$0x0], $0xffff;
	v49 =	vadd.s32 v59, v49;
	v40 =	vmul.f32 v60, v44  }
0x3e2: {  	v43 =	vld [tilespmem:s20+$0x0];
	v38 =	vadd.f32 v38, v50;
	v59 =	vadd.s32 $0x5, v30;
	[tilespmem:s3+$0x1488] =	vst v46;
	vm0 =	vlt.s32 v49, $0x14  }
0x3e3: {  	s18 =	simm.s32 $0x80;
	v45 =	vmul.f32 v62, v25;
	v62 =	vadd.s32 $0x2, v33;
	v52 =	vld.idx.msk [tilespmem:v63+s23+$0x0], $0xffff;
	v49 =	vnsel vm0, $0x14, v49  }
0x3e4: {  	v56 =	vld [tilespmem:s18+$0x0];
	v40 =	vsub.f32 $1.500000000e+00, v40;
	vm0 =	vgt.f32 v32, $0.0e+00;
	v48 =	vmul.f32 v57, v26  }
0x3e5: {  	[tilespmem:s2+$0x3488] =	vst v45;
	v63 =	vmul.u32 $0x11, v49;
	v57 =	vadd.s32 $0xA, v24;
	v39 =	vmul.f32 v39, v31  }
0x3e6: {  	v58 =	vld.idx.msk [tilespmem:v54+s23+$0x0], $0xffff;
	v44 =	vmul.f32 v40, v44;
	[tilespmem:s1+$0x1608] =	vst v48;
	v60 =	vmul.f32 v42, v23;
	v42 =	vadd.s32 $0x8, v29  }
0x3e7: {  	[tilespmem:s4+$0x1388] =	vst v39;
	v39 =	vnsel vm0, $0x165, v63;
	v45 =	vld.idx.msk [tilespmem:v61+s23+$0x0], $0xffff;
	v61 =	vadd.f32 v47, v38;
	v38 =	vmin.f32 v36, v43  }
0x3e8: {  	s22 =	simm.s32 $0x480;
	v63 =	vsub.f32 v55, v37;
	v51 =	vmul.f32 v44, v51;
	v43 =	vld.idx.msk [tilespmem:v62+s23+$0x0], $0xffff;
	v62 =	vmul.f32 v52, v28  }
0x3e9: {  	v53 =	vld [tilespmem:s22+$0x0];
	v55 =	vsub.f32 v56, v34;
	[tilespmem:s0+$0x3388] =	vst v60;
	v60 =	vadd.s32 $0xD, v27;
	v47 =	vadd.f32 $9.999999930e-09, v61  }
0x3ea: {  	v46 =	vld.idx.msk [tilespmem:v57+s23+$0x0], $0xffff;
	v61 =	vmul.f32 v51, v44;
	v51 =	vadd.s32 $0x3, v33;
	v48 =	vmul.f32 v63, v63;
	[tilespmem:s3+$0x1508] =	vst v62  }
0x3eb: {  	v49 =	vmul.f32 v58, v25;
	v50 =	vld.idx.msk [tilespmem:v59+s23+$0x0], $0xffff;
	v62 =	vshra.s32 v47, $0x1;
	v40 =	vmul.f32 $5.000000000e-01, v47  }
0x3ec: {  	v58 =	vsub.f32 $1.500000000e+00, v61;
	v57 =	vld.idx.msk [tilespmem:v39+s23+$0x0], $0xffff;
	v45 =	vmul.f32 v45, v26;
	v56 =	vsub.s32 $0x5F3759DF, v62  }
0x3ed: {  	[tilespmem:s2+$0x3508] =	vst v49;
	v43 =	vmul.f32 v43, v31;
	v49 =	vmul.f32 v56, v40  }
0x3ee: {  	v63 =	vsub.f32 v53, v35;
	v59 =	vadd.s32 $0xB, v24;
	v60 =	vld.idx.msk [tilespmem:v60+s23+$0x0], $0xffff;
	v44 =	vmul.f32 v58, v44;
	[tilespmem:s1+$0x1688] =	vst v45  }
0x3ef: {  	v52 =	vmul.f32 v55, v55;
	v45 =	vadd.s32 $0x6, v30;
	[tilespmem:s4+$0x1408] =	vst v43;
	v58 =	vld.idx.msk [tilespmem:v42+s23+$0x0], $0xffff;
	v42 =	vmul.f32 v56, v49  }
0x3f0: {  	s21 =	simm.s32 $0x280;
	v49 =	vadd.s32 $0x1, v39;
	v43 =	vmul.f32 v46, v23;
	v44 =	vmul.f32 v44, v41;
	v61 =	vld.idx.msk [tilespmem:v51+s23+$0x0], $0xffff  }
0x3f1: {  	s5 =	sand.u32 $0x1C00, s21;
	s10 =	simm.s32 $0xC70;
	v41 =	vadd.s32 $0xE, v27;
	v50 =	vmul.f32 v50, v28;
	v57 =	vmul.f32 v32, v57  }
0x3f2: {  	s9 =	sand.u32 $0x70, s16;
	v51 =	vld [tilespmem:s10+$0x0];
	[tilespmem:s0+$0x3408] =	vst v43;
	v62 =	vsub.f32 $1.500000000e+00, v42;
	v44 =	vmul.f32 $5.249999760e-01, v44;
	v43 =	vadd.s32 $0x9, v29  }
0x3f3: {  	s5 =	sor.u32 s9, s5;
	v54 =	vmul.f32 v63, v63;
	v46 =	vadd.s32 $0x4, v33;
	[tilespmem:s3+$0x1588] =	vst v50;
	v42 =	vld.idx.msk [tilespmem:v59+s23+$0x0], $0xffff;
	v63 =	vmul.f32 v60, v25  }
0x3f4: {  	s21 =	simm.s32 $0x380;
	[tilespmem:s5+$0x1308] =	vst v57;
	v45 =	vld.idx.msk [tilespmem:v45+s23+$0x0], $0xffff;
	v53 =	vmul.f32 v56, v62;
	v55 =	vmin.f32 v44, $2.200000000e+01;
	v44 =	vmul.f32 v58, v26  }
0x3f5: {  	s9 =	simm.s32 $0x300;
	s11 =	simm.s32 $0x480;
	s20 =	simm.s32 $0x400;
	vm0 =	vgt.f32 v38, $0.0e+00;
	v49 =	vld.idx.msk [tilespmem:v49+s23+$0x0], $0xffff;
	v56 =	vtrunc.f32 v55;
	[tilespmem:s2+$0x3588] =	vst v63;
	v50 =	vmul.f32 v61, v31  }
.LBB2_3:
0x3f6: {  	p1 =	sne.s32 s11, $0x1F80;
	v57 =	vcvt.f32.s32 v56;
	vm1 =	vgt.f32 v55, v56;
	[tilespmem:s1+$0x3308] =	vst v44;
	v44 =	vadd.s32 $0xC, v24;
	v41 =	vld.idx.msk [tilespmem:v41+s23+$0x0], $0xffff;
	v55 =	vmovc v47  }
0x3f7: {  	v47 =	vmul.f32 v53, v40;
	v56 =	vsel vm1, $0x1, v22;
	[tilespmem:s4+$0x1488] =	vst v50;
	v50 =	vadd.s32 $0x7, v30;
	v43 =	vld.idx.msk [tilespmem:v43+s23+$0x0], $0xffff  }
0x3f8: {  	s17 =	sadd.s32 $0x10, s17;
	v42 =	vmul.f32 v42, v23;
	v56 =	vadd.s32 v57, v56;
	v57 =	vadd.s32 $0x2, v39;
	v46 =	vld.idx.msk [tilespmem:v46+s23+$0x0], $0xffff  }
0x3f9: {  	s18 =	sadd.s32 $0x10, s18;
	v47 =	vmul.f32 v47, v53;
	v45 =	vmul.f32 v45, v28;
	v58 =	vld [tilespmem:s17+$0x0];
	vm1 =	vlt.s32 v56, $0x14  }
0x3fa: {  	v49 =	vmul.f32 v49, v32;
	v59 =	vld [tilespmem:s18+$0x0];
	v56 =	vnsel vm1, $0x14, v56;
	[tilespmem:s0+$0x3488] =	vst v42;
	v42 =	vadd.s32 $0xF, v27;
	v27 =	vmovc v24;
	v24 =	vmovc v29  }
0x3fb: {  	v47 =	vsub.f32 $1.500000000e+00, v47;
	v29 =	vmovc v30;
	v30 =	vmovc v33;
	v56 =	vmul.u32 $0x11, v56;
	[tilespmem:s3+$0x1608] =	vst v45;
	v45 =	vadd.s32 $0xA, v24;
	v44 =	vld.idx.msk [tilespmem:v44+s23+$0x0], $0xffff  }
0x3fc: {  	v52 =	vadd.f32 v54, v52;
	v41 =	vmul.f32 v41, v25;
	[tilespmem:s5+$0x1388] =	vst v49;
	v49 =	vadd.s32 $0x5, v30;
	v50 =	vld.idx.msk [tilespmem:v50+s23+$0x0], $0xffff  }
0x3fd: {  	s22 =	sadd.s32 $0x10, s22;
	v33 =	vmovc v39;
	v53 =	vmul.f32 v47, v53;
	v43 =	vmul.f32 v43, v26;
	v54 =	vld.idx.msk [tilespmem:v57+s23+$0x0], $0xffff;
	v39 =	vnsel vm0, $0x165, v56  }
0x3fe: {  	v47 =	vadd.f32 v48, v52;
	v57 =	vmin.f32 v36, v51;
	v46 =	vmul.f32 v46, v31;
	v56 =	vld [tilespmem:s22+$0x0];
	[tilespmem:s2+$0x3608] =	vst v41  }
0x3ff: {  	v41 =	vsub.f32 v58, v37;
	v40 =	vmul.f32 v53, v40;
	[tilespmem:s1+$0x3388] =	vst v43;
	v43 =	vadd.s32 $0xD, v27;
	v42 =	vld.idx.msk [tilespmem:v42+s23+$0x0], $0xffff  }
0x400: {  	v47 =	vadd.f32 $9.999999930e-09, v47;
	v51 =	vsub.f32 v59, v34;
	[tilespmem:s4+$0x1508] =	vst v46;
	v46 =	vadd.s32 $0x8, v29;
	v45 =	vld.idx.msk [tilespmem:v45+s23+$0x0], $0xffff  }
0x401: {  	v52 =	vadd.s32 $0x3, v33;
	v48 =	vmul.f32 v40, v53;
	v44 =	vmul.f32 v44, v23;
	v49 =	vld.idx.msk [tilespmem:v49+s23+$0x0], $0xffff  }
0x402: {  	v58 =	vshra.s32 v47, $0x1;
	v40 =	vmul.f32 $5.000000000e-01, v47;
	v50 =	vmul.f32 v50, v28;
	v59 =	vld.idx.msk [tilespmem:v39+s23+$0x0], $0xffff  }
0x403: {  	v58 =	vsub.s32 $0x5F3759DF, v58;
	v60 =	vsub.f32 $1.500000000e+00, v48;
	v54 =	vmul.f32 v54, v32;
	[tilespmem:s0+$0x3508] =	vst v44  }
0x404: {  	v48 =	vmul.f32 v41, v41;
	v41 =	vmul.f32 v58, v40;
	v44 =	vadd.s32 $0xB, v24;
	[tilespmem:s3+$0x1688] =	vst v50;
	v50 =	vld.idx.msk [tilespmem:v43+s23+$0x0], $0xffff  }
0x405: {  	v43 =	vmul.f32 v60, v53;
	v53 =	vadd.s32 $0x6, v30;
	v42 =	vmul.f32 v42, v25;
	[tilespmem:s5+$0x1408] =	vst v54;
	v60 =	vld.idx.msk [tilespmem:v46+s23+$0x0], $0xffff  }
0x406: {  	v61 =	vadd.s32 $0x1, v39;
	v25 =	vmovc v23;
	v46 =	vmul.f32 v58, v41;
	v41 =	vmul.f32 v45, v26;
	v62 =	vld.idx.msk [tilespmem:v52+s23+$0x0], $0xffff  }
0x407: {  	s16 =	sadd.s32 $0x10, s16;
	v45 =	vsub.f32 v56, v35;
	v43 =	vmul.f32 v43, v55;
	v49 =	vmul.f32 v49, v31;
	[tilespmem:s2+$0x3688] =	vst v42;
	s2 =	smov.u32 s0;
	s0 =	smov.u32 s1  }
.Ltmp0:
0x408: {  	v23 =	vmovc v26;
	v52 =	vmul.f32 v51, v51;
	s1 =	sand.u32 $0x1C00, s9;
	s9 =	sand.u32 $0x70, s16;
	v51 =	vmul.f32 v38, v59;
	[tilespmem:s0+$0x3408] =	vst v41;
	v41 =	vadd.s32 $0xE, v27;
	(pc) =	sbr.rel @p1 .LBB2_3-.Ltmp0, $4  }
0x409: {  	v26 =	vmovc v28;
	v28 =	vmovc v31;
	v55 =	vsub.f32 $1.500000000e+00, v46;
	v56 =	vmul.f32 $5.249999760e-01, v43;
	s9 =	sor.u32 s9, s1;
	v43 =	vadd.s32 $0x9, v29;
	s1 =	smov.u32 s3;
	s3 =	smov.u32 s4;
	[tilespmem:s4+$0x1588] =	vst v49;
	v42 =	vld.idx.msk [tilespmem:v44+s23+$0x0], $0xffff  }
0x40a: {  	v54 =	vmul.f32 v45, v45;
	v46 =	vadd.s32 $0x4, v33;
	v59 =	vmul.f32 v50, v25;
	s4 =	smov.u32 s5;
	s5 =	smov.u32 s9;
	[tilespmem:s9+$0x1308] =	vst v51;
	v45 =	vld.idx.msk [tilespmem:v53+s23+$0x0], $0xffff;
	s9 =	smov.u32 s21  }
0x40b: {  	s10 =	sadd.s32 $0x10, s10;
	v31 =	vmovc v32;
	v53 =	vmul.f32 v58, v55;
	v55 =	vmin.f32 v56, $2.200000000e+01;
	v44 =	vmul.f32 v60, v26;
	s21 =	smov.u32 s20;
	s20 =	smov.u32 s11;
	v49 =	vld.idx.msk [tilespmem:v61+s23+$0x0], $0xffff  }
0x40c: {  	vm0 =	vgt.f32 v57, $0.0e+00;
	v32 =	vmovc v38;
	v38 =	vmovc v57;
	s11 =	sadd.s32 $0x80, s11;
	v56 =	vtrunc.f32 v55;
	v50 =	vmul.f32 v62, v31;
	v51 =	vld [tilespmem:s10+$0x0];
	[tilespmem:s2+$0x3588] =	vst v59  }
0x40d: {  	v34 =	vadd.f32 v54, v52;
	_ =	sdelay $0x1  }
0x40e: {  	v34 =	vadd.f32 v48, v34;
	_ =	sdelay $0x1  }
0x40f: {  	v34 =	vadd.f32 $9.999999930e-09, v34;
	_ =	sdelay $0x1  }
0x410: {  	v35 =	vshra.s32 v34, $0x1;
	v37 =	vmul.f32 $5.000000000e-01, v34  }
0x411: {  	v35 =	vsub.s32 $0x5F3759DF, v35  }
0x412: {  	v61 =	vmul.f32 v35, v37;
	_ =	sdelay $0x1  }
0x413: {  	v48 =	vmul.f32 v35, v61;
	_ =	sdelay $0x1  }
0x414: {  	v48 =	vsub.f32 $1.500000000e+00, v48;
	_ =	sdelay $0x1  }
0x415: {  	v35 =	vmul.f32 v35, v48  }
0x416: {  	v62 =	vmul.f32 v53, v40  }
0x417: {  	v63 =	vmul.f32 v35, v37  }
0x418: {  	v48 =	vmul.f32 v62, v53  }
0x419: {  	v52 =	vmul.f32 v63, v35  }
0x41a: {  	v48 =	vsub.f32 $1.500000000e+00, v48  }
0x41b: {  	v52 =	vsub.f32 $1.500000000e+00, v52  }
0x41c: {  	v48 =	vmul.f32 v48, v53  }
0x41d: {  	v35 =	vmul.f32 v52, v35  }
0x41e: {  	v52 =	vmul.f32 v48, v40  }
0x41f: {  	v37 =	vmul.f32 v35, v37  }
0x420: {  	v40 =	vmul.f32 v52, v48  }
0x421: {  	v37 =	vmul.f32 v37, v35  }
0x422: {  	v40 =	vsub.f32 $1.500000000e+00, v40  }
0x423: {  	v37 =	vsub.f32 $1.500000000e+00, v37  }
0x424: {  	v40 =	vmul.f32 v40, v48  }
0x425: {  	v35 =	vmul.f32 v37, v35  }
0x426: {  	v53 =	vmul.f32 v40, v47  }
0x427: {  	v54 =	vcvt.f32.s32 v56;
	vm1 =	vgt.f32 v55, v56;
	v34 =	vmul.f32 v35, v34  }
0x428: {  	v57 =	vsel vm1, $0x1, v22;
	v37 =	vmul.f32 $5.249999760e-01, v53  }
0x429: {  	v35 =	vadd.s32 v54, v57;
	v34 =	vmul.f32 $5.249999760e-01, v34  }
0x42a: {  	vm1 =	vlt.s32 v35, $0x14;
	v37 =	vmin.f32 v37, $2.200000000e+01  }
0x42b: {  	v35 =	vnsel vm1, $0x14, v35;
	v58 =	vtrunc.f32 v37;
	v34 =	vmin.f32 v34, $2.200000000e+01  }
0x42c: {  	s10 =	sadd.s32 $0x10, s10;
	v59 =	vcvt.f32.s32 v58;
	vm1 =	vgt.f32 v37, v58;
	v60 =	vtrunc.f32 v34  }
0x42d: {  	v61 =	vld [tilespmem:s10+$0x0];
	v62 =	vsel vm1, $0x1, v22;
	v63 =	vcvt.f32.s32 v60;
	vm1 =	vgt.f32 v34, v60  }
0x42e: {  	v54 =	vmul.u32 $0x11, v35;
	v55 =	vadd.s32 v59, v62;
	v37 =	vsel vm1, $0x1, v22  }
0x42f: {  	vm1 =	vlt.s32 v55, $0x14;
	v56 =	vadd.s32 v63, v37  }
0x430: {  	v37 =	vnsel vm0, $0x165, v54;
	v35 =	vnsel vm1, $0x14, v55;
	vm0 =	vlt.s32 v56, $0x14  }
0x431: {  	v34 =	vmin.f32 v36, v51;
	v57 =	vmul.u32 $0x11, v35;
	v47 =	vnsel vm0, $0x14, v56  }
0x432: {  	v35 =	vmin.f32 v36, v61;
	vm0 =	vgt.f32 v34, $0.0e+00;
	v58 =	vmul.u32 $0x11, v47  }
0x433: {  	v40 =	vnsel vm0, $0x165, v57;
	vm0 =	vgt.f32 v35, $0.0e+00  }
0x434: {  	v36 =	vnsel vm0, $0x165, v58;
	_ =	sdelay $0x2  }
0x435: {  	v59 =	vld.idx.msk [tilespmem:v37+s23+$0x0], $0xffff  }
0x436: {  	v48 =	vld.idx.msk [tilespmem:v40+s23+$0x0], $0xffff  }
0x437: {  	v60 =	vld.idx.msk [tilespmem:v36+s23+$0x0], $0xffff  }
0x438: {  	v61 =	vadd.s32 $0x1, v37  }
0x439: {  	s22 =	sadd.s32 $0x10, s16;
	s9 =	sand.u32 $0x1C00, s9;
	v62 =	vadd.s32 $0x1, v40  }
0x43a: {  	s18 =	sand.u32 $0x1C00, s21;
	s11 =	sand.u32 $0x70, s22;
	s17 =	sadd.s32 $0x10, s22;
	v63 =	vadd.s32 $0x1, v36;
	v47 =	vmul.f32 v38, v59  }
0x43b: {  	s16 =	sor.u32 s11, s9;
	s21 =	sand.u32 $0x70, s17;
	s9 =	sadd.s32 $0x10, s17;
	v48 =	vmul.f32 v34, v48  }
0x43c: {  	s22 =	sand.u32 $0x1C00, s20;
	s17 =	sor.u32 s21, s18;
	s9 =	sand.u32 $0x70, s9;
	[tilespmem:s16+$0x1308] =	vst v47;
	v57 =	vmul.f32 v35, v60  }
0x43d: {  	s18 =	sor.u32 s9, s22;
	v58 =	vld.idx.msk [tilespmem:v61+s23+$0x0], $0xffff;
	[tilespmem:s17+$0x1308] =	vst v48  }
0x43e: {  	v48 =	vld.idx.msk [tilespmem:v62+s23+$0x0], $0xffff;
	[tilespmem:s18+$0x1308] =	vst v57  }
0x43f: {  	v59 =	vadd.s32 $0x2, v39;
	v60 =	vld.idx.msk [tilespmem:v63+s23+$0x0], $0xffff  }
0x440: {  	v61 =	vadd.s32 $0x2, v37  }
0x441: {  	v49 =	vmul.f32 v49, v32;
	v62 =	vadd.s32 $0x2, v40  }
0x442: {  	v51 =	vmul.f32 v58, v38;
	v63 =	vadd.s32 $0x2, v36  }
0x443: {  	[tilespmem:s5+$0x1388] =	vst v49;
	v48 =	vmul.f32 v48, v34  }
0x444: {  	v47 =	vld.idx.msk [tilespmem:v59+s23+$0x0], $0xffff;
	[tilespmem:s16+$0x1388] =	vst v51;
	v57 =	vmul.f32 v60, v35  }
0x445: {  	v51 =	vld.idx.msk [tilespmem:v61+s23+$0x0], $0xffff;
	[tilespmem:s17+$0x1388] =	vst v48  }
0x446: {  	v48 =	vld.idx.msk [tilespmem:v62+s23+$0x0], $0xffff;
	[tilespmem:s18+$0x1388] =	vst v57  }
0x447: {  	v58 =	vadd.s32 $0x3, v39;
	v59 =	vld.idx.msk [tilespmem:v63+s23+$0x0], $0xffff  }
0x448: {  	v60 =	vadd.s32 $0x3, v37  }
0x449: {  	v47 =	vmul.f32 v47, v32;
	v61 =	vadd.s32 $0x3, v40  }
0x44a: {  	v62 =	vadd.s32 $0x3, v36;
	v51 =	vmul.f32 v51, v38  }
0x44b: {  	[tilespmem:s5+$0x1408] =	vst v47;
	v63 =	vmul.f32 v48, v34  }
0x44c: {  	v56 =	vld.idx.msk [tilespmem:v58+s23+$0x0], $0xffff;
	[tilespmem:s16+$0x1408] =	vst v51;
	v57 =	vmul.f32 v59, v35  }
0x44d: {  	v51 =	vld.idx.msk [tilespmem:v60+s23+$0x0], $0xffff;
	[tilespmem:s17+$0x1408] =	vst v63  }
0x44e: {  	v47 =	vld.idx.msk [tilespmem:v61+s23+$0x0], $0xffff;
	[tilespmem:s18+$0x1408] =	vst v57  }
0x44f: {  	v58 =	vadd.s32 $0x4, v39;
	v59 =	vld.idx.msk [tilespmem:v62+s23+$0x0], $0xffff  }
0x450: {  	v60 =	vadd.s32 $0x4, v37  }
0x451: {  	v48 =	vmul.f32 v56, v32;
	v61 =	vadd.s32 $0x4, v40  }
0x452: {  	[tilespmem:s4+$0x1488] =	vst v50;
	v63 =	vadd.s32 $0x4, v36;
	v62 =	vmul.f32 v51, v38  }
0x453: {  	v46 =	vld.idx.msk [tilespmem:v46+s23+$0x0], $0xffff;
	[tilespmem:s5+$0x1488] =	vst v48;
	v47 =	vmul.f32 v47, v34  }
0x454: {  	v48 =	vld.idx.msk [tilespmem:v58+s23+$0x0], $0xffff;
	[tilespmem:s16+$0x1488] =	vst v62;
	v56 =	vmul.f32 v59, v35  }
0x455: {  	v50 =	vld.idx.msk [tilespmem:v60+s23+$0x0], $0xffff;
	[tilespmem:s17+$0x1488] =	vst v47  }
0x456: {  	v57 =	vadd.s32 $0x5, v33;
	v58 =	vld.idx.msk [tilespmem:v61+s23+$0x0], $0xffff;
	[tilespmem:s18+$0x1488] =	vst v56  }
0x457: {  	v59 =	vadd.s32 $0x5, v39;
	v51 =	vld.idx.msk [tilespmem:v63+s23+$0x0], $0xffff  }
0x458: {  	v46 =	vmul.f32 v46, v31;
	v60 =	vadd.s32 $0x5, v37  }
0x459: {  	v48 =	vmul.f32 v48, v32;
	v61 =	vadd.s32 $0x5, v40  }
0x45a: {  	[tilespmem:s4+$0x1508] =	vst v46;
	v62 =	vmul.f32 v50, v38;
	v63 =	vadd.s32 $0x5, v36  }
0x45b: {  	v47 =	vld.idx.msk [tilespmem:v57+s23+$0x0], $0xffff;
	[tilespmem:s5+$0x1508] =	vst v48;
	v56 =	vmul.f32 v58, v34  }
0x45c: {  	v49 =	vld.idx.msk [tilespmem:v59+s23+$0x0], $0xffff;
	[tilespmem:s16+$0x1508] =	vst v62;
	v57 =	vmul.f32 v51, v35  }
0x45d: {  	v58 =	vld.idx.msk [tilespmem:v60+s23+$0x0], $0xffff;
	[tilespmem:s17+$0x1508] =	vst v56  }
0x45e: {  	v59 =	vadd.s32 $0x6, v33;
	v60 =	vld.idx.msk [tilespmem:v61+s23+$0x0], $0xffff;
	[tilespmem:s18+$0x1508] =	vst v57  }
0x45f: {  	v61 =	vadd.s32 $0x6, v39;
	v50 =	vld.idx.msk [tilespmem:v63+s23+$0x0], $0xffff  }
0x460: {  	v47 =	vmul.f32 v47, v31;
	v62 =	vadd.s32 $0x6, v37  }
0x461: {  	v49 =	vmul.f32 v49, v32;
	v63 =	vadd.s32 $0x6, v40  }
0x462: {  	[tilespmem:s4+$0x1588] =	vst v47;
	v57 =	vmul.f32 v58, v38;
	v58 =	vadd.s32 $0x6, v36  }
0x463: {  	v48 =	vld.idx.msk [tilespmem:v59+s23+$0x0], $0xffff;
	[tilespmem:s5+$0x1588] =	vst v49;
	v59 =	vmul.f32 v60, v34  }
0x464: {  	[tilespmem:s16+$0x1588] =	vst v57;
	v46 =	vld.idx.msk [tilespmem:v61+s23+$0x0], $0xffff;
	v60 =	vmul.f32 v50, v35  }
0x465: {  	v61 =	vadd.s32 $0x7, v30;
	v62 =	vld.idx.msk [tilespmem:v62+s23+$0x0], $0xffff;
	[tilespmem:s17+$0x1588] =	vst v59  }
0x466: {  	v49 =	vadd.s32 $0x7, v33;
	v63 =	vld.idx.msk [tilespmem:v63+s23+$0x0], $0xffff;
	[tilespmem:s18+$0x1588] =	vst v60  }
0x467: {  	v45 =	vmul.f32 v45, v28;
	v57 =	vadd.s32 $0x7, v39;
	v51 =	vld.idx.msk [tilespmem:v58+s23+$0x0], $0xffff  }
0x468: {  	v48 =	vmul.f32 v48, v31;
	v58 =	vadd.s32 $0x7, v37  }
0x469: {  	[tilespmem:s3+$0x1608] =	vst v45;
	v60 =	vadd.s32 $0x7, v40;
	v59 =	vmul.f32 v46, v32  }
0x46a: {  	[tilespmem:s4+$0x1608] =	vst v48;
	v50 =	vld.idx.msk [tilespmem:v61+s23+$0x0], $0xffff;
	v61 =	vmul.f32 v62, v38;
	v62 =	vadd.s32 $0x7, v36  }
0x46b: {  	v49 =	vld.idx.msk [tilespmem:v49+s23+$0x0], $0xffff;
	[tilespmem:s5+$0x1608] =	vst v59;
	v63 =	vmul.f32 v63, v34  }
0x46c: {  	[tilespmem:s16+$0x1608] =	vst v61;
	v47 =	vld.idx.msk [tilespmem:v57+s23+$0x0], $0xffff;
	v56 =	vmul.f32 v51, v35  }
0x46d: {  	v57 =	vadd.s32 $0x8, v30;
	v58 =	vld.idx.msk [tilespmem:v58+s23+$0x0], $0xffff;
	[tilespmem:s17+$0x1608] =	vst v63  }
0x46e: {  	v59 =	vadd.s32 $0x8, v33;
	v46 =	vld.idx.msk [tilespmem:v60+s23+$0x0], $0xffff;
	[tilespmem:s18+$0x1608] =	vst v56  }
0x46f: {  	v61 =	vadd.s32 $0x8, v39;
	v60 =	vmul.f32 v50, v28;
	v52 =	vld.idx.msk [tilespmem:v62+s23+$0x0], $0xffff  }
0x470: {  	v49 =	vmul.f32 v49, v31;
	v62 =	vadd.s32 $0x8, v37  }
0x471: {  	v63 =	vadd.s32 $0x8, v40;
	[tilespmem:s3+$0x1688] =	vst v60;
	v47 =	vmul.f32 v47, v32  }
0x472: {  	[tilespmem:s4+$0x1688] =	vst v49;
	v51 =	vld.idx.msk [tilespmem:v57+s23+$0x0], $0xffff;
	v57 =	vadd.s32 $0x8, v36;
	v56 =	vmul.f32 v58, v38  }
0x473: {  	v45 =	vld.idx.msk [tilespmem:v59+s23+$0x0], $0xffff;
	[tilespmem:s5+$0x1688] =	vst v47;
	v46 =	vmul.f32 v46, v34  }
0x474: {  	v47 =	vld.idx.msk [tilespmem:v61+s23+$0x0], $0xffff;
	[tilespmem:s16+$0x1688] =	vst v56;
	v58 =	vmul.f32 v52, v35  }
0x475: {  	v59 =	vadd.s32 $0x9, v30;
	v60 =	vld.idx.msk [tilespmem:v62+s23+$0x0], $0xffff;
	[tilespmem:s17+$0x1688] =	vst v46  }
0x476: {  	v61 =	vadd.s32 $0x9, v33;
	v48 =	vld.idx.msk [tilespmem:v63+s23+$0x0], $0xffff;
	[tilespmem:s18+$0x1688] =	vst v58  }
0x477: {  	v62 =	vmul.f32 v51, v28;
	v63 =	vadd.s32 $0x9, v39;
	v53 =	vld.idx.msk [tilespmem:v57+s23+$0x0], $0xffff  }
0x478: {  	[tilespmem:s1+$0x3308] =	vst v44;
	v56 =	vmul.f32 v45, v31;
	v57 =	vadd.s32 $0x9, v37  }
0x479: {  	v43 =	vld.idx.msk [tilespmem:v43+s23+$0x0], $0xffff;
	v58 =	vadd.s32 $0x9, v40;
	[tilespmem:s3+$0x3308] =	vst v62;
	v47 =	vmul.f32 v47, v32  }
0x47a: {  	[tilespmem:s4+$0x3308] =	vst v56;
	v50 =	vld.idx.msk [tilespmem:v59+s23+$0x0], $0xffff;
	v59 =	vmul.f32 v60, v38;
	v60 =	vadd.s32 $0x9, v36  }
0x47b: {  	v46 =	vld.idx.msk [tilespmem:v61+s23+$0x0], $0xffff;
	[tilespmem:s5+$0x3308] =	vst v47;
	v61 =	vmul.f32 v48, v34  }
0x47c: {  	v62 =	vadd.s32 $0xA, v29;
	v51 =	vld.idx.msk [tilespmem:v63+s23+$0x0], $0xffff;
	[tilespmem:s16+$0x3308] =	vst v59;
	v63 =	vmul.f32 v53, v35  }
0x47d: {  	v42 =	vmul.f32 v42, v23;
	v56 =	vadd.s32 $0xA, v30;
	v45 =	vld.idx.msk [tilespmem:v57+s23+$0x0], $0xffff;
	[tilespmem:s17+$0x3308] =	vst v61  }
0x47e: {  	v43 =	vmul.f32 v43, v26;
	v47 =	vadd.s32 $0xA, v33;
	v49 =	vld.idx.msk [tilespmem:v58+s23+$0x0], $0xffff;
	[tilespmem:s18+$0x3308] =	vst v63  }
0x47f: {  	v44 =	vadd.s32 $0xA, v39;
	[tilespmem:s0+$0x3488] =	vst v42;
	v57 =	vmul.f32 v50, v28;
	v58 =	vld.idx.msk [tilespmem:v60+s23+$0x0], $0xffff  }
0x480: {  	v41 =	vld.idx.msk [tilespmem:v41+s23+$0x0], $0xffff;
	[tilespmem:s1+$0x3388] =	vst v43;
	v59 =	vmul.f32 v46, v31;
	v46 =	vadd.s32 $0xA, v37  }
0x481: {  	v48 =	vld.idx.msk [tilespmem:v62+s23+$0x0], $0xffff;
	[tilespmem:s3+$0x3388] =	vst v57;
	v60 =	vmul.f32 v51, v32;
	v51 =	vadd.s32 $0xA, v40  }
0x482: {  	[tilespmem:s4+$0x3388] =	vst v59;
	v63 =	vadd.s32 $0xA, v36;
	v61 =	vld.idx.msk [tilespmem:v56+s23+$0x0], $0xffff;
	v62 =	vmul.f32 v45, v38  }
0x483: {  	v47 =	vld.idx.msk [tilespmem:v47+s23+$0x0], $0xffff;
	v56 =	vadd.s32 $0xC, v24;
	[tilespmem:s5+$0x3388] =	vst v60;
	v57 =	vmul.f32 v49, v34  }
0x484: {  	v49 =	vadd.s32 $0xB, v29;
	v44 =	vld.idx.msk [tilespmem:v44+s23+$0x0], $0xffff;
	[tilespmem:s16+$0x3388] =	vst v62;
	v58 =	vmul.f32 v58, v35  }
0x485: {  	v41 =	vmul.f32 v41, v25;
	v59 =	vadd.s32 $0xB, v30;
	v46 =	vld.idx.msk [tilespmem:v46+s23+$0x0], $0xffff;
	[tilespmem:s17+$0x3388] =	vst v57  }
0x486: {  	v60 =	vmul.f32 v48, v26;
	v48 =	vadd.s32 $0xB, v33;
	v51 =	vld.idx.msk [tilespmem:v51+s23+$0x0], $0xffff;
	[tilespmem:s18+$0x3388] =	vst v58  }
0x487: {  	[tilespmem:s2+$0x3608] =	vst v41;
	v62 =	vadd.s32 $0xB, v39;
	v61 =	vmul.f32 v61, v28;
	v45 =	vld.idx.msk [tilespmem:v63+s23+$0x0], $0xffff  }
0x488: {  	[tilespmem:s1+$0x3408] =	vst v60;
	v57 =	vadd.s32 $0xB, v37;
	v63 =	vld.idx.msk [tilespmem:v56+s23+$0x0], $0xffff;
	v56 =	vmul.f32 v47, v31  }
0x489: {  	v49 =	vld.idx.msk [tilespmem:v49+s23+$0x0], $0xffff;
	[tilespmem:s3+$0x3408] =	vst v61;
	v58 =	vmul.f32 v44, v32;
	v44 =	vadd.s32 $0xB, v40  }
0x48a: {  	v60 =	vadd.s32 $0xB, v36;
	v50 =	vld.idx.msk [tilespmem:v59+s23+$0x0], $0xffff;
	[tilespmem:s4+$0x3408] =	vst v56;
	v59 =	vmul.f32 v46, v38  }
0x48b: {  	v27 =	vadd.s32 $0xF, v27;
	[tilespmem:s5+$0x3408] =	vst v58;
	v48 =	vld.idx.msk [tilespmem:v48+s23+$0x0], $0xffff;
	v61 =	vmul.f32 v51, v34  }
0x48c: {  	v51 =	vadd.s32 $0xC, v29;
	v43 =	vld.idx.msk [tilespmem:v62+s23+$0x0], $0xffff;
	[tilespmem:s16+$0x3408] =	vst v59;
	v62 =	vmul.f32 v45, v35  }
0x48d: {  	v56 =	vadd.s32 $0xC, v30;
	v63 =	vmul.f32 v63, v23;
	v47 =	vld.idx.msk [tilespmem:v57+s23+$0x0], $0xffff;
	[tilespmem:s17+$0x3408] =	vst v61  }
0x48e: {  	v58 =	vadd.s32 $0xC, v33;
	v57 =	vmul.f32 v49, v26;
	v44 =	vld.idx.msk [tilespmem:v44+s23+$0x0], $0xffff;
	[tilespmem:s18+$0x3408] =	vst v62  }
0x48f: {  	v45 =	vadd.s32 $0xC, v39;
	v59 =	vmul.f32 v50, v28;
	[tilespmem:s0+$0x3508] =	vst v63;
	v46 =	vld.idx.msk [tilespmem:v60+s23+$0x0], $0xffff  }
0x490: {  	v27 =	vld.idx.msk [tilespmem:v27+s23+$0x0], $0xffff;
	v61 =	vadd.s32 $0xC, v37;
	[tilespmem:s1+$0x3488] =	vst v57;
	v60 =	vmul.f32 v48, v31  }
0x491: {  	v50 =	vld.idx.msk [tilespmem:v51+s23+$0x0], $0xffff;
	[tilespmem:s3+$0x3488] =	vst v59;
	v62 =	vmul.f32 v43, v32;
	v43 =	vadd.s32 $0xC, v40  }
0x492: {  	v51 =	vld.idx.msk [tilespmem:v56+s23+$0x0], $0xffff;
	v56 =	vadd.s32 $0xC, v36;
	[tilespmem:s4+$0x3488] =	vst v60;
	v63 =	vmul.f32 v47, v38  }
0x493: {  	v57 =	vadd.s32 $0xD, v24;
	[tilespmem:s5+$0x3488] =	vst v62;
	v49 =	vld.idx.msk [tilespmem:v58+s23+$0x0], $0xffff;
	v58 =	vmul.f32 v44, v34  }
0x494: {  	v59 =	vadd.s32 $0xD, v29;
	v45 =	vld.idx.msk [tilespmem:v45+s23+$0x0], $0xffff;
	[tilespmem:s16+$0x3488] =	vst v63;
	v60 =	vmul.f32 v46, v35  }
0x495: {  	v25 =	vmul.f32 v27, v25;
	v27 =	vadd.s32 $0xD, v30;
	v61 =	vld.idx.msk [tilespmem:v61+s23+$0x0], $0xffff;
	[tilespmem:s17+$0x3488] =	vst v58  }
0x496: {  	v63 =	vadd.s32 $0xD, v33;
	v62 =	vmul.f32 v50, v26;
	v43 =	vld.idx.msk [tilespmem:v43+s23+$0x0], $0xffff;
	[tilespmem:s18+$0x3488] =	vst v60  }
0x497: {  	[tilespmem:s2+$0x3688] =	vst v25;
	v54 =	vadd.s32 $0xD, v39;
	v25 =	vmul.f32 v51, v28;
	v47 =	vld.idx.msk [tilespmem:v56+s23+$0x0], $0xffff  }
0x498: {  	v55 =	vld.idx.msk [tilespmem:v57+s23+$0x0], $0xffff;
	v57 =	vadd.s32 $0xD, v37;
	[tilespmem:s1+$0x3508] =	vst v62;
	v56 =	vmul.f32 v49, v31  }
0x499: {  	v58 =	vadd.s32 $0xD, v40;
	v44 =	vld.idx.msk [tilespmem:v59+s23+$0x0], $0xffff;
	[tilespmem:s3+$0x3508] =	vst v25;
	v25 =	vmul.f32 v45, v32  }
0x49a: {  	v60 =	vadd.s32 $0xD, v36;
	v27 =	vld.idx.msk [tilespmem:v27+s23+$0x0], $0xffff;
	[tilespmem:s4+$0x3508] =	vst v56;
	v59 =	vmul.f32 v61, v38  }
0x49b: {  	v61 =	vadd.s32 $0xE, v24;
	[tilespmem:s5+$0x3508] =	vst v25;
	v48 =	vld.idx.msk [tilespmem:v63+s23+$0x0], $0xffff;
	v25 =	vmul.f32 v43, v34  }
0x49c: {  	v62 =	vadd.s32 $0xE, v29;
	v41 =	vld.idx.msk [tilespmem:v54+s23+$0x0], $0xffff;
	[tilespmem:s16+$0x3508] =	vst v59;
	v63 =	vmul.f32 v47, v35  }
0x49d: {  	v53 =	vadd.s32 $0xE, v30;
	v52 =	vmul.f32 v55, v23;
	v49 =	vld.idx.msk [tilespmem:v57+s23+$0x0], $0xffff;
	[tilespmem:s17+$0x3508] =	vst v25  }
0x49e: {  	v54 =	vadd.s32 $0xE, v33;
	v25 =	vmul.f32 v44, v26;
	v45 =	vld.idx.msk [tilespmem:v58+s23+$0x0], $0xffff;
	[tilespmem:s18+$0x3508] =	vst v63  }
0x49f: {  	v55 =	vadd.s32 $0xE, v39;
	[tilespmem:s0+$0x3588] =	vst v52;
	v27 =	vmul.f32 v27, v28;
	v46 =	vld.idx.msk [tilespmem:v60+s23+$0x0], $0xffff  }
0x4a0: {  	v56 =	vadd.s32 $0xE, v37;
	v47 =	vld.idx.msk [tilespmem:v61+s23+$0x0], $0xffff;
	[tilespmem:s1+$0x3588] =	vst v25;
	v25 =	vmul.f32 v48, v31  }
0x4a1: {  	v57 =	vadd.s32 $0xE, v40;
	v43 =	vld.idx.msk [tilespmem:v62+s23+$0x0], $0xffff;
	[tilespmem:s3+$0x3588] =	vst v27;
	v27 =	vmul.f32 v41, v32  }
0x4a2: {  	v58 =	vadd.s32 $0xE, v36;
	v50 =	vld.idx.msk [tilespmem:v53+s23+$0x0], $0xffff;
	[tilespmem:s4+$0x3588] =	vst v25;
	v25 =	vmul.f32 v49, v38  }
0x4a3: {  	v24 =	vadd.s32 $0xF, v24;
	[tilespmem:s5+$0x3588] =	vst v27;
	v44 =	vld.idx.msk [tilespmem:v54+s23+$0x0], $0xffff;
	v27 =	vmul.f32 v45, v34  }
0x4a4: {  	v29 =	vadd.s32 $0xF, v29;
	v42 =	vld.idx.msk [tilespmem:v55+s23+$0x0], $0xffff;
	[tilespmem:s16+$0x3588] =	vst v25;
	v25 =	vmul.f32 v46, v35  }
0x4a5: {  	v30 =	vadd.s32 $0xF, v30;
	v59 =	vmul.f32 v47, v23;
	v60 =	vld.idx.msk [tilespmem:v56+s23+$0x0], $0xffff;
	[tilespmem:s17+$0x3588] =	vst v27  }
0x4a6: {  	v61 =	vadd.s32 $0xF, v33;
	v27 =	vmul.f32 v43, v26;
	v41 =	vld.idx.msk [tilespmem:v57+s23+$0x0], $0xffff;
	[tilespmem:s18+$0x3588] =	vst v25  }
0x4a7: {  	v62 =	vadd.s32 $0xF, v39;
	[tilespmem:s0+$0x3608] =	vst v59;
	v25 =	vmul.f32 v50, v28;
	v63 =	vld.idx.msk [tilespmem:v58+s23+$0x0], $0xffff  }
0x4a8: {  	v37 =	vadd.s32 $0xF, v37;
	v24 =	vld.idx.msk [tilespmem:v24+s23+$0x0], $0xffff;
	[tilespmem:s1+$0x3608] =	vst v27;
	v27 =	vmul.f32 v44, v31  }
0x4a9: {  	v40 =	vadd.s32 $0xF, v40;
	v29 =	vld.idx.msk [tilespmem:v29+s23+$0x0], $0xffff;
	[tilespmem:s3+$0x3608] =	vst v25;
	v25 =	vmul.f32 v42, v32  }
0x4aa: {  	v36 =	vadd.s32 $0xF, v36;
	v30 =	vld.idx.msk [tilespmem:v30+s23+$0x0], $0xffff;
	[tilespmem:s4+$0x3608] =	vst v27;
	v27 =	vmul.f32 v60, v38  }
0x4ab: {  	v33 =	vld.idx.msk [tilespmem:v61+s23+$0x0], $0xffff;
	[tilespmem:s5+$0x3608] =	vst v25;
	v25 =	vmul.f32 v41, v34  }
0x4ac: {  	v39 =	vld.idx.msk [tilespmem:v62+s23+$0x0], $0xffff;
	[tilespmem:s16+$0x3608] =	vst v27;
	v27 =	vmul.f32 v63, v35  }
0x4ad: {  	v23 =	vmul.f32 v24, v23;
	v24 =	vld.idx.msk [tilespmem:v37+s23+$0x0], $0xffff;
	[tilespmem:s17+$0x3608] =	vst v25  }
0x4ae: {  	v25 =	vmul.f32 v29, v26;
	v26 =	vld.idx.msk [tilespmem:v40+s23+$0x0], $0xffff;
	[tilespmem:s18+$0x3608] =	vst v27  }
0x4af: {  	[tilespmem:s0+$0x3688] =	vst v23;
	v23 =	vmul.f32 v30, v28;
	v27 =	vld.idx.msk [tilespmem:v36+s23+$0x0], $0xffff  }
0x4b0: {  	[tilespmem:s1+$0x3688] =	vst v25;
	v25 =	vmul.f32 v33, v31  }
0x4b1: {  	[tilespmem:s3+$0x3688] =	vst v23;
	v23 =	vmul.f32 v39, v32  }
0x4b2: {  	[tilespmem:s4+$0x3688] =	vst v25;
	v24 =	vmul.f32 v24, v38  }
0x4b3: {  	s10 =	sshll.u32 s31, $0xE;
	[tilespmem:s5+$0x3688] =	vst v23;
	v23 =	vmul.f32 v26, v34  }
0x4b4: {  	s0 =	sadd.s32 s13, s10;
	[tilespmem:s16+$0x3688] =	vst v24;
	v24 =	vmul.f32 v27, v35  }
0x4b5: {  	s0 =	sshrl.u32 s0, $0x3;
	[tilespmem:s17+$0x3688] =	vst v23  }
0x4b6: {  	s31 =	sor.u32 $0x1, s31;
	s0 =	sadd.s32 s7, s0;
	[tilespmem:s18+$0x3688] =	vst v24  }
0x4b7: {  	v23 =	vmov s31;
	[hbm4b:s0+s6] =	stream.linear.scatter [tilespmem:s24], [sflag:$0x1], $0x4000, $0x38;
	[tilespmem:$0x9308] =	vst v63  }
0x4b8: {  	s0 =	simm.s32 @!p0 $0x2  }
0x4b9: {  	_ =	swait.ge @!p0 [sflag:s0], $0x4000  }
0x4ba: {  	[sflag:s0] =	ssyncset.done @!p0 $0x0  }
0x4bb: {  	s11 =	simm.s32 $0x0;
	[sflag:s0] =	ssyncadd.s32 @!p0 $0xFFFFC000  }
0x4bc: {  	s16 =	simm.s32 $0x400;
	v34 =	vld.idx.msk [tilespmem:v23+s11+$0x0], $0xffff  }
0x4bd: {  	v35 =	vld.idx.msk [tilespmem:v23+s16+$0x0], $0xffff  }
0x4be: {  	v24 =	vld [tilespmem:s11+$0x0]  }
0x4bf: {  	s17 =	simm.s32 $0x800;
	v25 =	vld [tilespmem:s16+$0x0]  }
0x4c0: {  	v37 =	vld.idx.msk [tilespmem:v23+s17+$0x0], $0xffff  }
0x4c1: {  	v26 =	vld [tilespmem:s17+$0x0];
	_ =	sdelay $0x2  }
0x4c2: {  	v24 =	vsub.f32 v24, v34;
	v25 =	vsub.f32 v25, v35;
	_ =	sdelay $0x1  }
0x4c3: {  	v26 =	vsub.f32 v26, v37;
	v24 =	vmul.f32 v24, v24;
	v25 =	vmul.f32 v25, v25;
	_ =	sdelay $0x1  }
0x4c4: {  	v26 =	vmul.f32 v26, v26;
	v24 =	vadd.f32 v25, v24;
	_ =	sdelay $0x1  }
0x4c5: {  	v24 =	vadd.f32 v26, v24;
	_ =	sdelay $0x1  }
0x4c6: {  	v24 =	vadd.f32 $9.999999930e-09, v24;
	_ =	sdelay $0x1  }
0x4c7: {  	v25 =	vshra.s32 v24, $0x1;
	v26 =	vmul.f32 $5.000000000e-01, v24  }
0x4c8: {  	v25 =	vsub.s32 $0x5F3759DF, v25  }
0x4c9: {  	v27 =	vmul.f32 v25, v26  }
0x4ca: {  	s0 =	simm.s32 $0x10  }
0x4cb: {  	s18 =	simm.s32 $0x410;
	v28 =	vld [tilespmem:s0+$0x0];
	v27 =	vmul.f32 v25, v27  }
0x4cc: {  	v29 =	vld [tilespmem:s18+$0x0]  }
0x4cd: {  	s20 =	simm.s32 $0x810;
	v27 =	vsub.f32 $1.500000000e+00, v27  }
0x4ce: {  	v30 =	vld [tilespmem:s20+$0x0]  }
0x4cf: {  	v25 =	vmul.f32 v25, v27  }
0x4d0: {  	v27 =	vsub.f32 v28, v34  }
0x4d1: {  	v28 =	vsub.f32 v29, v35;
	v29 =	vmul.f32 v25, v26  }
0x4d2: {  	v27 =	vmul.f32 v27, v27  }
0x4d3: {  	v30 =	vsub.f32 v30, v37;
	v28 =	vmul.f32 v28, v28;
	v29 =	vmul.f32 v29, v25;
	_ =	sdelay $0x1  }
0x4d4: {  	v30 =	vmul.f32 v30, v30;
	v27 =	vadd.f32 v28, v27;
	v29 =	vsub.f32 $1.500000000e+00, v29;
	_ =	sdelay $0x1  }
0x4d5: {  	v27 =	vadd.f32 v30, v27;
	v25 =	vmul.f32 v29, v25;
	_ =	sdelay $0x1  }
0x4d6: {  	v28 =	vadd.f32 $9.999999930e-09, v27;
	v26 =	vmul.f32 v25, v26;
	_ =	sdelay $0x1  }
0x4d7: {  	v27 =	vshra.s32 v28, $0x1;
	v29 =	vmul.f32 $5.000000000e-01, v28;
	v26 =	vmul.f32 v26, v25  }
0x4d8: {  	v27 =	vsub.s32 $0x5F3759DF, v27  }
0x4d9: {  	v30 =	vmul.f32 v27, v29;
	v26 =	vsub.f32 $1.500000000e+00, v26;
	_ =	sdelay $0x1  }
0x4da: {  	s21 =	simm.s32 $0x420;
	v25 =	vmul.f32 v26, v25;
	v26 =	vmul.f32 v27, v30  }
0x4db: {  	s1 =	simm.s32 $0x20;
	v31 =	vld [tilespmem:s21+$0x0]  }
0x4dc: {  	v30 =	vld [tilespmem:s1+$0x0];
	v24 =	vmul.f32 v25, v24;
	v25 =	vsub.f32 $1.500000000e+00, v26  }
0x4dd: {  	s22 =	simm.s32 $0x820  }
0x4de: {  	v26 =	vld [tilespmem:s22+$0x0];
	v24 =	vmul.f32 $5.249999760e-01, v24;
	v25 =	vmul.f32 v27, v25;
	_ =	sdelay $0x1  }
0x4df: {  	s4 =	simm.s32 $0xC00;
	v24 =	vmin.f32 v24, $2.200000000e+01;
	v27 =	vmul.f32 v25, v29  }
0x4e0: {  	v36 =	vld.idx.msk [tilespmem:v23+s4+$0x0], $0xffff;
	v23 =	vsub.f32 v30, v34;
	v30 =	vsub.f32 v31, v35;
	v31 =	vtrunc.f32 v24  }
0x4e1: {  	v42 =	vld [tilespmem:s4+$0x0];
	v43 =	vcvt.f32.s32 v31;
	vm0 =	vgt.f32 v24, v31;
	v24 =	vmul.f32 v27, v25  }
0x4e2: {  	v26 =	vsub.f32 v26, v37;
	v23 =	vmul.f32 v23, v23;
	v27 =	vsel vm0, $0x1, v22  }
0x4e3: {  	v30 =	vmul.f32 v30, v30;
	v27 =	vadd.s32 v43, v27;
	v24 =	vsub.f32 $1.500000000e+00, v24  }
0x4e4: {  	v26 =	vmul.f32 v26, v26;
	vm0 =	vlt.s32 v27, $0x14  }
0x4e5: {  	v23 =	vadd.f32 v30, v23;
	v27 =	vnsel vm0, $0x14, v27;
	v24 =	vmul.f32 v24, v25  }
0x4e6: {  	v25 =	vmin.f32 v36, v42;
	v27 =	vmul.u32 $0x11, v27  }
0x4e7: {  	v23 =	vadd.f32 v26, v23;
	vm0 =	vgt.f32 v25, $0.0e+00;
	v26 =	vmul.f32 v24, v29  }
0x4e8: {  	v27 =	vnsel vm0, $0x165, v27  }
0x4e9: {  	v29 =	vadd.f32 $9.999999930e-09, v23;
	v23 =	vmul.f32 v26, v24;
	_ =	sdelay $0x1  }
0x4ea: {  	v26 =	vshra.s32 v29, $0x1;
	v30 =	vmul.f32 $5.000000000e-01, v29;
	v23 =	vsub.f32 $1.500000000e+00, v23  }
0x4eb: {  	v26 =	vsub.s32 $0x5F3759DF, v26  }
0x4ec: {  	s5 =	simm.s32 $0x430;
	v44 =	vmul.f32 v26, v30;
	v31 =	vld.idx.msk [tilespmem:v27+s23+$0x0], $0xffff;
	v23 =	vmul.f32 v23, v24  }
0x4ed: {  	s3 =	simm.s32 $0x30;
	v45 =	vld [tilespmem:s5+$0x0]  }
0x4ee: {  	v24 =	vld [tilespmem:s3+$0x0];
	v32 =	vmul.f32 v26, v44;
	v23 =	vmul.f32 v23, v28  }
0x4ef: {  	v28 =	vadd.s32 $0x1, v27  }
0x4f0: {  	s9 =	simm.s32 $0x830;
	v32 =	vsub.f32 $1.500000000e+00, v32;
	v23 =	vmul.f32 $5.249999760e-01, v23  }
0x4f1: {  	s2 =	sand.u32 $0x70, s11;
	s10 =	sand.u32 $0x1C00, s11;
	v46 =	vld [tilespmem:s9+$0x0];
	v31 =	vmul.f32 v25, v31  }
0x4f2: {  	s2 =	sor.u32 s2, s10;
	s11 =	simm.s32 $0xC10;
	v26 =	vmul.f32 v26, v32;
	v23 =	vmin.f32 v23, $2.200000000e+01  }
0x4f3: {  	v47 =	vld [tilespmem:s11+$0x0];
	v33 =	vsub.f32 v45, v35;
	v24 =	vsub.f32 v24, v34;
	[tilespmem:s2+$0x5308] =	vst v31;
	v31 =	vtrunc.f32 v23  }
0x4f4: {  	v28 =	vld.idx.msk [tilespmem:v28+s23+$0x0], $0xffff;
	v48 =	vcvt.f32.s32 v31;
	vm0 =	vgt.f32 v23, v31;
	v23 =	vmul.f32 v26, v30  }
0x4f5: {  	v33 =	vmul.f32 v33, v33;
	v24 =	vmul.f32 v24, v24;
	v49 =	vsel vm0, $0x1, v22  }
0x4f6: {  	v31 =	vsub.f32 v46, v37;
	v38 =	vadd.s32 v48, v49;
	v23 =	vmul.f32 v23, v26  }
0x4f7: {  	v50 =	vadd.s32 $0x2, v27;
	v24 =	vadd.f32 v33, v24;
	vm0 =	vlt.s32 v38, $0x14  }
0x4f8: {  	v31 =	vmul.f32 v31, v31;
	v38 =	vnsel vm0, $0x14, v38;
	v51 =	vsub.f32 $1.500000000e+00, v23  }
0x4f9: {  	v23 =	vmin.f32 v36, v47;
	v28 =	vmul.f32 v28, v25;
	v52 =	vmul.u32 $0x11, v38  }
0x4fa: {  	v31 =	vadd.f32 v31, v24;
	vm0 =	vgt.f32 v23, $0.0e+00;
	v26 =	vmul.f32 v51, v26  }
0x4fb: {  	[tilespmem:s2+$0x5388] =	vst v28;
	v24 =	vnsel vm0, $0x165, v52  }
0x4fc: {  	v31 =	vadd.f32 $9.999999930e-09, v31;
	v28 =	vld.idx.msk [tilespmem:v50+s23+$0x0], $0xffff;
	v30 =	vmul.f32 v26, v30;
	_ =	sdelay $0x1  }
0x4fd: {  	v53 =	vshra.s32 v31, $0x1;
	v33 =	vmul.f32 $5.000000000e-01, v31;
	v30 =	vmul.f32 v30, v26  }
0x4fe: {  	v55 =	vadd.s32 $0x3, v27;
	v32 =	vsub.s32 $0x5F3759DF, v53  }
0x4ff: {  	s18 =	simm.s32 $0x440;
	v57 =	vmul.f32 v32, v33;
	v56 =	vld.idx.msk [tilespmem:v24+s23+$0x0], $0xffff;
	v30 =	vsub.f32 $1.500000000e+00, v30  }
0x500: {  	s17 =	simm.s32 $0x840;
	v60 =	vld [tilespmem:s18+$0x0];
	v28 =	vmul.f32 v28, v25  }
0x501: {  	s4 =	simm.s32 $0x40;
	v58 =	vld [tilespmem:s17+$0x0];
	v26 =	vmul.f32 v30, v26;
	v30 =	vmul.f32 v32, v57  }
0x502: {  	v59 =	vld [tilespmem:s4+$0x0];
	[tilespmem:s2+$0x5408] =	vst v28  }
0x503: {  	v28 =	vadd.s32 $0x1, v24;
	v39 =	vld.idx.msk [tilespmem:v55+s23+$0x0], $0xffff;
	v26 =	vmul.f32 v26, v29;
	v29 =	vsub.f32 $1.500000000e+00, v30  }
0x504: {  	s20 =	simm.s32 $0x80;
	v30 =	vmul.f32 v23, v56  }
0x505: {  	s16 =	simm.s32 $0xC20;
	s0 =	sand.u32 $0x70, s0;
	s5 =	sand.u32 $0x1C00, s20;
	v41 =	vsub.f32 v60, v35;
	v61 =	vmul.f32 $5.249999760e-01, v26;
	v29 =	vmul.f32 v32, v29  }
0x506: {  	v54 =	vld [tilespmem:s16+$0x0];
	s0 =	sor.u32 s0, s5;
	v62 =	vsub.f32 v58, v37;
	v63 =	vadd.s32 $0x4, v27  }
0x507: {  	v41 =	vmul.f32 v41, v41;
	[tilespmem:s0+$0x5308] =	vst v30;
	v30 =	vmin.f32 v61, $2.200000000e+01;
	v49 =	vmul.f32 v29, v33  }
0x508: {  	v48 =	vsub.f32 v59, v34;
	v28 =	vld.idx.msk [tilespmem:v28+s23+$0x0], $0xffff;
	v50 =	vtrunc.f32 v30;
	v39 =	vmul.f32 v39, v25  }
0x509: {  	v51 =	vcvt.f32.s32 v50;
	vm0 =	vgt.f32 v30, v50;
	v30 =	vmul.f32 v49, v29  }
0x50a: {  	v52 =	vmul.f32 v48, v48;
	v55 =	vadd.s32 $0x2, v24;
	v53 =	vsel vm0, $0x1, v22;
	[tilespmem:s2+$0x5488] =	vst v39  }
0x50b: {  	v26 =	vmin.f32 v36, v54;
	v54 =	vadd.s32 v51, v53;
	v38 =	vld.idx.msk [tilespmem:v63+s23+$0x0], $0xffff;
	v30 =	vsub.f32 $1.500000000e+00, v30  }
0x50c: {  	v40 =	vadd.f32 v41, v52;
	v32 =	vmul.f32 v62, v62;
	vm0 =	vlt.s32 v54, $0x14  }
0x50d: {  	v28 =	vmul.f32 v28, v23;
	v39 =	vnsel vm0, $0x14, v54;
	v30 =	vmul.f32 v30, v29  }
0x50e: {  	v56 =	vadd.s32 $0x5, v27;
	v32 =	vadd.f32 v32, v40;
	v29 =	vmul.u32 $0x11, v39  }
0x50f: {  	vm0 =	vgt.f32 v26, $0.0e+00;
	[tilespmem:s0+$0x5388] =	vst v28;
	v28 =	vmul.f32 v30, v33  }
0x510: {  	s22 =	simm.s32 $0x850;
	v32 =	vadd.f32 $9.999999930e-09, v32;
	v57 =	vld.idx.msk [tilespmem:v55+s23+$0x0], $0xffff;
	v29 =	vnsel vm0, $0x165, v29;
	v38 =	vmul.f32 v38, v25  }
0x511: {  	s16 =	simm.s32 $0x50;
	v59 =	vld [tilespmem:s22+$0x0];
	v28 =	vmul.f32 v28, v30  }
0x512: {  	v62 =	vld [tilespmem:s16+$0x0];
	v60 =	vshra.s32 v32, $0x1;
	v42 =	vmul.f32 $5.000000000e-01, v32;
	[tilespmem:s2+$0x5508] =	vst v38  }
0x513: {  	s9 =	simm.s32 $0x450;
	v61 =	vadd.s32 $0x3, v24;
	v38 =	vsub.s32 $0x5F3759DF, v60;
	v39 =	vld.idx.msk [tilespmem:v56+s23+$0x0], $0xffff;
	v28 =	vsub.f32 $1.500000000e+00, v28  }
0x514: {  	v49 =	vld [tilespmem:s9+$0x0];
	v63 =	vmul.f32 v38, v42  }
0x515: {  	v33 =	vmul.f32 v57, v23;
	v48 =	vld.idx.msk [tilespmem:v29+s23+$0x0], $0xffff;
	v28 =	vmul.f32 v28, v30  }
0x516: {  	s21 =	simm.s32 $0xC30;
	v30 =	vadd.s32 $0x6, v27;
	v45 =	vmul.f32 v38, v63  }
0x517: {  	v58 =	vld [tilespmem:s21+$0x0];
	v41 =	vsub.f32 v59, v37;
	v51 =	vsub.f32 v62, v34;
	[tilespmem:s0+$0x5408] =	vst v33;
	v31 =	vmul.f32 v28, v31  }
0x518: {  	v50 =	vadd.s32 $0x1, v29;
	v43 =	vld.idx.msk [tilespmem:v61+s23+$0x0], $0xffff;
	v45 =	vsub.f32 $1.500000000e+00, v45;
	v39 =	vmul.f32 v39, v25  }
0x519: {  	s10 =	simm.s32 $0x100;
	v53 =	vmul.f32 v51, v51;
	v55 =	vsub.f32 v49, v35;
	v31 =	vmul.f32 $5.249999760e-01, v31  }
0x51a: {  	s5 =	sand.u32 $0x1C00, s10;
	s1 =	sand.u32 $0x70, s1;
	v59 =	vadd.s32 $0x7, v27;
	v38 =	vmul.f32 v38, v45;
	v52 =	vmul.f32 v26, v48;
	[tilespmem:s2+$0x5588] =	vst v39  }
0x51b: {  	s1 =	sor.u32 s1, s5;
	v54 =	vadd.s32 $0x4, v24;
	v45 =	vmul.f32 v55, v55;
	v30 =	vld.idx.msk [tilespmem:v30+s23+$0x0], $0xffff;
	v31 =	vmin.f32 v31, $2.200000000e+01  }
0x51c: {  	v28 =	vmin.f32 v36, v58;
	v57 =	vmul.f32 v38, v42;
	[tilespmem:s1+$0x5308] =	vst v52;
	v56 =	vtrunc.f32 v31  }
0x51d: {  	v43 =	vmul.f32 v43, v23;
	v33 =	vld.idx.msk [tilespmem:v50+s23+$0x0], $0xffff;
	v58 =	vcvt.f32.s32 v56;
	vm0 =	vgt.f32 v31, v56  }
0x51e: {  	v41 =	vmul.f32 v41, v41;
	v46 =	vmul.f32 v57, v38;
	v31 =	vsel vm0, $0x1, v22  }
0x51f: {  	v60 =	vadd.s32 $0x2, v29;
	v39 =	vadd.f32 v45, v53;
	[tilespmem:s0+$0x5488] =	vst v43;
	v31 =	vadd.s32 v58, v31  }
0x520: {  	v40 =	vld.idx.msk [tilespmem:v54+s23+$0x0], $0xffff;
	v46 =	vsub.f32 $1.500000000e+00, v46;
	vm0 =	vlt.s32 v31, $0x14;
	v30 =	vmul.f32 v30, v25  }
0x521: {  	s11 =	simm.s32 $0xC40;
	v39 =	vadd.f32 v41, v39;
	v31 =	vnsel vm0, $0x14, v31  }
0x522: {  	v62 =	vld [tilespmem:s11+$0x0];
	v38 =	vmul.f32 v46, v38;
	v33 =	vmul.f32 v33, v26;
	v31 =	vmul.u32 $0x11, v31;
	[tilespmem:s2+$0x5608] =	vst v30  }
0x523: {  	s17 =	simm.s32 $0x60;
	v61 =	vadd.s32 $0x5, v24;
	v39 =	vadd.f32 $9.999999930e-09, v39;
	vm0 =	vgt.f32 v28, $0.0e+00;
	v44 =	vld.idx.msk [tilespmem:v59+s23+$0x0], $0xffff  }
0x524: {  	v52 =	vld [tilespmem:s17+$0x0];
	[tilespmem:s1+$0x5388] =	vst v33;
	v30 =	vnsel vm0, $0x165, v31;
	v31 =	vmul.f32 v38, v42  }
0x525: {  	s18 =	simm.s32 $0x860;
	v54 =	vshra.s32 v39, $0x1;
	v47 =	vmul.f32 $5.000000000e-01, v39;
	v40 =	vmul.f32 v40, v23;
	v33 =	vld.idx.msk [tilespmem:v60+s23+$0x0], $0xffff  }
0x526: {  	s20 =	simm.s32 $0x460;
	v63 =	vadd.s32 $0x8, v27;
	v57 =	vld [tilespmem:s18+$0x0];
	v46 =	vsub.s32 $0x5F3759DF, v54;
	v31 =	vmul.f32 v31, v38  }
0x527: {  	v56 =	vmul.f32 v46, v47;
	v60 =	vld [tilespmem:s20+$0x0];
	[tilespmem:s0+$0x5508] =	vst v40  }
0x528: {  	v53 =	vadd.s32 $0x3, v29;
	v45 =	vld.idx.msk [tilespmem:v61+s23+$0x0], $0xffff;
	v44 =	vmul.f32 v44, v25;
	v31 =	vsub.f32 $1.500000000e+00, v31  }
0x529: {  	v59 =	vmul.f32 v46, v56;
	v55 =	vld.idx.msk [tilespmem:v30+s23+$0x0], $0xffff  }
0x52a: {  	v43 =	vsub.f32 v52, v34;
	v33 =	vmul.f32 v33, v26;
	[tilespmem:s2+$0x5688] =	vst v44;
	v31 =	vmul.f32 v31, v38  }
0x52b: {  	v58 =	vadd.s32 $0x6, v24;
	v48 =	vsub.f32 v57, v37;
	v44 =	vsub.f32 $1.500000000e+00, v59;
	v42 =	vld.idx.msk [tilespmem:v63+s23+$0x0], $0xffff  }
0x52c: {  	v43 =	vmul.f32 v43, v43;
	v61 =	vadd.s32 $0x1, v30;
	[tilespmem:s1+$0x5408] =	vst v33;
	v32 =	vmul.f32 v31, v32  }
0x52d: {  	s21 =	simm.s32 $0x180;
	v49 =	vsub.f32 v60, v35;
	v45 =	vmul.f32 v45, v23;
	v44 =	vmul.f32 v46, v44;
	v40 =	vld.idx.msk [tilespmem:v53+s23+$0x0], $0xffff  }
0x52e: {  	s5 =	sand.u32 $0x1C00, s21;
	s3 =	sand.u32 $0x70, s3;
	v31 =	vmin.f32 v36, v62;
	v62 =	vmul.f32 v28, v55;
	v32 =	vmul.f32 $5.249999760e-01, v32  }
0x52f: {  	s3 =	sor.u32 s3, s5;
	v63 =	vadd.s32 $0x9, v27;
	v49 =	vmul.f32 v49, v49;
	[tilespmem:s0+$0x5588] =	vst v45;
	v57 =	vmul.f32 v44, v47  }
0x530: {  	v55 =	vadd.s32 $0x4, v29;
	v38 =	vld.idx.msk [tilespmem:v58+s23+$0x0], $0xffff;
	[tilespmem:s3+$0x5308] =	vst v62;
	v32 =	vmin.f32 v32, $2.200000000e+01;
	v54 =	vmul.f32 v42, v25  }
0x531: {  	v60 =	vmul.f32 v57, v44;
	v33 =	vld.idx.msk [tilespmem:v61+s23+$0x0], $0xffff;
	v56 =	vtrunc.f32 v32  }
0x532: {  	v40 =	vmul.f32 v40, v26;
	v58 =	vcvt.f32.s32 v56;
	vm0 =	vgt.f32 v32, v56  }
0x533: {  	v59 =	vadd.s32 $0x7, v24;
	[tilespmem:s2+$0x7308] =	vst v54;
	v52 =	vsub.f32 $1.500000000e+00, v60;
	v61 =	vsel vm0, $0x1, v22  }
0x534: {  	v62 =	vadd.s32 $0x2, v30;
	v54 =	vadd.f32 v49, v43;
	v63 =	vld.idx.msk [tilespmem:v63+s23+$0x0], $0xffff;
	[tilespmem:s1+$0x5488] =	vst v40;
	v41 =	vadd.s32 v58, v61  }
0x535: {  	v38 =	vmul.f32 v38, v23;
	v43 =	vmul.f32 v52, v44;
	v42 =	vld.idx.msk [tilespmem:v55+s23+$0x0], $0xffff;
	vm0 =	vlt.s32 v41, $0x14  }
0x536: {  	s9 =	simm.s32 $0x870;
	v53 =	vmul.f32 v48, v48;
	v33 =	vmul.f32 v33, v28;
	v41 =	vnsel vm0, $0x14, v41  }
0x537: {  	v55 =	vadd.s32 $0xA, v27;
	[tilespmem:s0+$0x5608] =	vst v38;
	v58 =	vmul.f32 v43, v47;
	v47 =	vld [tilespmem:s9+$0x0];
	v41 =	vmul.u32 $0x11, v41  }
0x538: {  	v56 =	vadd.s32 $0x5, v29;
	vm0 =	vgt.f32 v31, $0.0e+00;
	v38 =	vadd.f32 v53, v54;
	v32 =	vld.idx.msk [tilespmem:v59+s23+$0x0], $0xffff;
	[tilespmem:s3+$0x5388] =	vst v33  }
0x539: {  	s10 =	simm.s32 $0x70;
	v40 =	vmul.f32 v63, v25;
	v60 =	vmul.f32 v58, v43;
	v57 =	vld.idx.msk [tilespmem:v62+s23+$0x0], $0xffff;
	v33 =	vnsel vm0, $0x165, v41  }
0x53a: {  	s22 =	simm.s32 $0xC50;
	v59 =	vld [tilespmem:s10+$0x0];
	v41 =	vadd.f32 $9.999999930e-09, v38;
	v42 =	vmul.f32 v42, v26  }
0x53b: {  	v46 =	vadd.s32 $0x3, v30;
	v48 =	vld [tilespmem:s22+$0x0];
	v61 =	vadd.s32 $0x8, v24;
	[tilespmem:s2+$0x7388] =	vst v40;
	v38 =	vsub.f32 $1.500000000e+00, v60  }
0x53c: {  	v60 =	vadd.s32 $0x6, v29;
	v62 =	vshra.s32 v41, $0x1;
	v51 =	vmul.f32 $5.000000000e-01, v41;
	[tilespmem:s1+$0x5508] =	vst v42;
	v42 =	vld.idx.msk [tilespmem:v55+s23+$0x0], $0xffff  }
0x53d: {  	v63 =	vmul.f32 v32, v23;
	v44 =	vsub.s32 $0x5F3759DF, v62;
	v38 =	vmul.f32 v38, v43;
	v45 =	vld.idx.msk [tilespmem:v56+s23+$0x0], $0xffff  }
0x53e: {  	s11 =	simm.s32 $0x470;
	v47 =	vsub.f32 v47, v37;
	v49 =	vmul.f32 v57, v28;
	v56 =	vld.idx.msk [tilespmem:v33+s23+$0x0], $0xffff;
	v57 =	vmul.f32 v44, v51  }
0x53f: {  	v58 =	vld [tilespmem:s11+$0x0];
	v50 =	vsub.f32 v59, v34;
	v59 =	vadd.s32 $0xB, v27;
	[tilespmem:s0+$0x5688] =	vst v63;
	v38 =	vmul.f32 v38, v39  }
0x540: {  	v32 =	vmin.f32 v36, v48;
	v47 =	vmul.f32 v47, v47;
	v40 =	vld.idx.msk [tilespmem:v61+s23+$0x0], $0xffff;
	v53 =	vmul.f32 v44, v57  }
0x541: {  	s17 =	simm.s32 $0x200;
	v61 =	vadd.s32 $0x1, v33;
	[tilespmem:s3+$0x5408] =	vst v49;
	v38 =	vmul.f32 $5.249999760e-01, v38;
	v42 =	vmul.f32 v42, v25  }
0x542: {  	s5 =	sand.u32 $0x1C00, s17;
	s17 =	simm.s32 $0x880;
	v50 =	vmul.f32 v50, v50;
	v46 =	vld.idx.msk [tilespmem:v46+s23+$0x0], $0xffff;
	v45 =	vmul.f32 v45, v26;
	v53 =	vsub.f32 $1.500000000e+00, v53  }
0x543: {  	s4 =	sand.u32 $0x70, s4;
	v55 =	vld [tilespmem:s17+$0x0];
	v38 =	vmin.f32 v38, $2.200000000e+01;
	v48 =	vmul.f32 v31, v56;
	[tilespmem:s2+$0x7408] =	vst v42;
	v42 =	vadd.s32 $0x9, v24  }
0x544: {  	s4 =	sor.u32 s4, s5;
	v43 =	vsub.f32 v58, v35;
	v57 =	vtrunc.f32 v38;
	[tilespmem:s1+$0x5588] =	vst v45;
	v45 =	vld.idx.msk [tilespmem:v59+s23+$0x0], $0xffff;
	v44 =	vmul.f32 v44, v53  }
0x545: {  	v62 =	vadd.s32 $0x4, v30;
	v40 =	vmul.f32 v40, v23;
	v58 =	vcvt.f32.s32 v57;
	[tilespmem:s4+$0x5308] =	vst v48;
	v63 =	vld.idx.msk [tilespmem:v60+s23+$0x0], $0xffff  }
0x546: {  	s18 =	simm.s32 $0xC60;
	vm0 =	vgt.f32 v38, v57;
	v38 =	vmul.f32 v43, v43;
	v57 =	vadd.s32 $0xA, v24;
	v39 =	vld.idx.msk [tilespmem:v61+s23+$0x0], $0xffff  }
0x547: {  	v43 =	vld [tilespmem:s18+$0x0];
	v49 =	vsel vm0, $0x1, v22;
	v46 =	vmul.f32 v46, v28;
	[tilespmem:s0+$0x7308] =	vst v40;
	v59 =	vmul.f32 v44, v51  }
0x548: {  	s18 =	simm.s32 $0x80;
	v60 =	vadd.s32 $0xC, v27;
	v61 =	vadd.s32 $0x7, v29;
	v49 =	vadd.s32 v58, v49;
	v42 =	vld.idx.msk [tilespmem:v42+s23+$0x0], $0xffff  }
0x549: {  	v56 =	vld [tilespmem:s18+$0x0];
	vm0 =	vlt.s32 v49, $0x14;
	[tilespmem:s3+$0x5488] =	vst v46;
	v40 =	vmul.f32 v59, v44;
	v45 =	vmul.f32 v45, v25  }
0x54a: {  	v49 =	vnsel vm0, $0x14, v49;
	v52 =	vld.idx.msk [tilespmem:v62+s23+$0x0], $0xffff;
	v62 =	vadd.s32 $0x2, v33;
	v48 =	vmul.f32 v63, v26  }
0x54b: {  	v40 =	vsub.f32 $1.500000000e+00, v40;
	v63 =	vmul.u32 $0x11, v49;
	v39 =	vmul.f32 v39, v31;
	[tilespmem:s2+$0x7488] =	vst v45  }
0x54c: {  	v38 =	vadd.f32 v38, v50;
	vm0 =	vgt.f32 v32, $0.0e+00;
	v59 =	vadd.s32 $0x5, v30;
	[tilespmem:s1+$0x5608] =	vst v48  }
0x54d: {  	v58 =	vld.idx.msk [tilespmem:v60+s23+$0x0], $0xffff;
	v44 =	vmul.f32 v40, v44;
	[tilespmem:s4+$0x5388] =	vst v39;
	v39 =	vnsel vm0, $0x165, v63;
	v60 =	vmul.f32 v42, v23  }
0x54e: {  	v45 =	vld.idx.msk [tilespmem:v61+s23+$0x0], $0xffff;
	v61 =	vadd.f32 v47, v38;
	v38 =	vmin.f32 v36, v43;
	v63 =	vsub.f32 v55, v37  }
0x54f: {  	s22 =	simm.s32 $0x480;
	v55 =	vsub.f32 v56, v34;
	v43 =	vld.idx.msk [tilespmem:v62+s23+$0x0], $0xffff;
	v62 =	vmul.f32 v52, v28;
	v51 =	vmul.f32 v44, v51  }
0x550: {  	v53 =	vld [tilespmem:s22+$0x0];
	v42 =	vadd.s32 $0x8, v29;
	[tilespmem:s0+$0x7388] =	vst v60;
	v60 =	vadd.s32 $0xD, v27;
	v47 =	vadd.f32 $9.999999930e-09, v61  }
0x551: {  	v48 =	vmul.f32 v63, v63;
	[tilespmem:s3+$0x5508] =	vst v62;
	v46 =	vld.idx.msk [tilespmem:v57+s23+$0x0], $0xffff;
	v61 =	vmul.f32 v51, v44;
	v51 =	vadd.s32 $0x3, v33  }
0x552: {  	v50 =	vld.idx.msk [tilespmem:v59+s23+$0x0], $0xffff;
	v49 =	vmul.f32 v58, v25;
	v62 =	vshra.s32 v47, $0x1;
	v40 =	vmul.f32 $5.000000000e-01, v47  }
0x553: {  	v57 =	vld.idx.msk [tilespmem:v39+s23+$0x0], $0xffff;
	v45 =	vmul.f32 v45, v26;
	v56 =	vsub.s32 $0x5F3759DF, v62;
	v58 =	vsub.f32 $1.500000000e+00, v61  }
0x554: {  	v43 =	vmul.f32 v43, v31;
	[tilespmem:s2+$0x7508] =	vst v49;
	v49 =	vmul.f32 v56, v40  }
0x555: {  	v63 =	vsub.f32 v53, v35;
	v59 =	vadd.s32 $0xB, v24;
	[tilespmem:s1+$0x5688] =	vst v45;
	v60 =	vld.idx.msk [tilespmem:v60+s23+$0x0], $0xffff;
	v44 =	vmul.f32 v58, v44  }
0x556: {  	v52 =	vmul.f32 v55, v55;
	v45 =	vadd.s32 $0x6, v30;
	[tilespmem:s4+$0x5408] =	vst v43;
	v58 =	vld.idx.msk [tilespmem:v42+s23+$0x0], $0xffff;
	v42 =	vmul.f32 v56, v49  }
0x557: {  	v49 =	vadd.s32 $0x1, v39;
	v43 =	vmul.f32 v46, v23;
	v61 =	vld.idx.msk [tilespmem:v51+s23+$0x0], $0xffff;
	v44 =	vmul.f32 v44, v41  }
0x558: {  	s21 =	sand.u32 $0x70, s16;
	s20 =	simm.s32 $0x280;
	s10 =	simm.s32 $0xC70;
	v50 =	vmul.f32 v50, v28;
	v41 =	vadd.s32 $0xE, v27;
	v57 =	vmul.f32 v32, v57  }
0x559: {  	s5 =	sand.u32 $0x1C00, s20;
	v51 =	vld [tilespmem:s10+$0x0];
	[tilespmem:s0+$0x7408] =	vst v43;
	v62 =	vsub.f32 $1.500000000e+00, v42;
	v43 =	vadd.s32 $0x9, v29;
	v44 =	vmul.f32 $5.249999760e-01, v44  }
0x55a: {  	s5 =	sor.u32 s21, s5;
	v54 =	vmul.f32 v63, v63;
	v46 =	vadd.s32 $0x4, v33;
	[tilespmem:s3+$0x5588] =	vst v50;
	v42 =	vld.idx.msk [tilespmem:v59+s23+$0x0], $0xffff;
	v63 =	vmul.f32 v60, v25  }
0x55b: {  	s20 =	simm.s32 $0x400;
	[tilespmem:s5+$0x5308] =	vst v57;
	v45 =	vld.idx.msk [tilespmem:v45+s23+$0x0], $0xffff;
	v53 =	vmul.f32 v56, v62;
	v55 =	vmin.f32 v44, $2.200000000e+01;
	v44 =	vmul.f32 v58, v26  }
0x55c: {  	s21 =	simm.s32 $0x380;
	s9 =	simm.s32 $0x300;
	s11 =	simm.s32 $0x480;
	vm0 =	vgt.f32 v38, $0.0e+00;
	v49 =	vld.idx.msk [tilespmem:v49+s23+$0x0], $0xffff;
	v56 =	vtrunc.f32 v55;
	v50 =	vmul.f32 v61, v31;
	[tilespmem:s2+$0x7588] =	vst v63  }
.LBB2_5:
0x55d: {  	p0 =	sne.s32 s11, $0x1F80;
	v57 =	vcvt.f32.s32 v56;
	vm1 =	vgt.f32 v55, v56;
	[tilespmem:s1+$0x7308] =	vst v44;
	v44 =	vadd.s32 $0xC, v24;
	v41 =	vld.idx.msk [tilespmem:v41+s23+$0x0], $0xffff;
	v55 =	vmovc v47  }
0x55e: {  	v47 =	vmul.f32 v53, v40;
	v56 =	vsel vm1, $0x1, v22;
	[tilespmem:s4+$0x5488] =	vst v50;
	v50 =	vadd.s32 $0x7, v30;
	v43 =	vld.idx.msk [tilespmem:v43+s23+$0x0], $0xffff  }
0x55f: {  	s17 =	sadd.s32 $0x10, s17;
	v42 =	vmul.f32 v42, v23;
	v56 =	vadd.s32 v57, v56;
	v57 =	vadd.s32 $0x2, v39;
	v46 =	vld.idx.msk [tilespmem:v46+s23+$0x0], $0xffff  }
0x560: {  	s18 =	sadd.s32 $0x10, s18;
	v47 =	vmul.f32 v47, v53;
	v45 =	vmul.f32 v45, v28;
	v58 =	vld [tilespmem:s17+$0x0];
	vm1 =	vlt.s32 v56, $0x14  }
0x561: {  	v49 =	vmul.f32 v49, v32;
	v59 =	vld [tilespmem:s18+$0x0];
	v56 =	vnsel vm1, $0x14, v56;
	[tilespmem:s0+$0x7488] =	vst v42;
	v42 =	vadd.s32 $0xF, v27;
	v27 =	vmovc v24;
	v24 =	vmovc v29  }
0x562: {  	v47 =	vsub.f32 $1.500000000e+00, v47;
	v29 =	vmovc v30;
	v30 =	vmovc v33;
	v56 =	vmul.u32 $0x11, v56;
	[tilespmem:s3+$0x5608] =	vst v45;
	v45 =	vadd.s32 $0xA, v24;
	v44 =	vld.idx.msk [tilespmem:v44+s23+$0x0], $0xffff  }
0x563: {  	v52 =	vadd.f32 v54, v52;
	v41 =	vmul.f32 v41, v25;
	[tilespmem:s5+$0x5388] =	vst v49;
	v49 =	vadd.s32 $0x5, v30;
	v50 =	vld.idx.msk [tilespmem:v50+s23+$0x0], $0xffff  }
0x564: {  	s22 =	sadd.s32 $0x10, s22;
	v33 =	vmovc v39;
	v53 =	vmul.f32 v47, v53;
	v43 =	vmul.f32 v43, v26;
	v54 =	vld.idx.msk [tilespmem:v57+s23+$0x0], $0xffff;
	v39 =	vnsel vm0, $0x165, v56  }
0x565: {  	v47 =	vadd.f32 v48, v52;
	v57 =	vmin.f32 v36, v51;
	v46 =	vmul.f32 v46, v31;
	v56 =	vld [tilespmem:s22+$0x0];
	[tilespmem:s2+$0x7608] =	vst v41  }
0x566: {  	v41 =	vsub.f32 v58, v37;
	v40 =	vmul.f32 v53, v40;
	[tilespmem:s1+$0x7388] =	vst v43;
	v43 =	vadd.s32 $0xD, v27;
	v42 =	vld.idx.msk [tilespmem:v42+s23+$0x0], $0xffff  }
0x567: {  	v47 =	vadd.f32 $9.999999930e-09, v47;
	v51 =	vsub.f32 v59, v34;
	[tilespmem:s4+$0x5508] =	vst v46;
	v46 =	vadd.s32 $0x8, v29;
	v45 =	vld.idx.msk [tilespmem:v45+s23+$0x0], $0xffff  }
0x568: {  	v52 =	vadd.s32 $0x3, v33;
	v48 =	vmul.f32 v40, v53;
	v44 =	vmul.f32 v44, v23;
	v49 =	vld.idx.msk [tilespmem:v49+s23+$0x0], $0xffff  }
0x569: {  	v58 =	vshra.s32 v47, $0x1;
	v40 =	vmul.f32 $5.000000000e-01, v47;
	v50 =	vmul.f32 v50, v28;
	v59 =	vld.idx.msk [tilespmem:v39+s23+$0x0], $0xffff  }
0x56a: {  	v58 =	vsub.s32 $0x5F3759DF, v58;
	v60 =	vsub.f32 $1.500000000e+00, v48;
	v54 =	vmul.f32 v54, v32;
	[tilespmem:s0+$0x7508] =	vst v44  }
0x56b: {  	v48 =	vmul.f32 v41, v41;
	v41 =	vmul.f32 v58, v40;
	v44 =	vadd.s32 $0xB, v24;
	[tilespmem:s3+$0x5688] =	vst v50;
	v50 =	vld.idx.msk [tilespmem:v43+s23+$0x0], $0xffff  }
0x56c: {  	v43 =	vmul.f32 v60, v53;
	v53 =	vadd.s32 $0x6, v30;
	v42 =	vmul.f32 v42, v25;
	[tilespmem:s5+$0x5408] =	vst v54;
	v60 =	vld.idx.msk [tilespmem:v46+s23+$0x0], $0xffff  }
0x56d: {  	v61 =	vadd.s32 $0x1, v39;
	v25 =	vmovc v23;
	v46 =	vmul.f32 v58, v41;
	v41 =	vmul.f32 v45, v26;
	v62 =	vld.idx.msk [tilespmem:v52+s23+$0x0], $0xffff  }
0x56e: {  	s16 =	sadd.s32 $0x10, s16;
	v45 =	vsub.f32 v56, v35;
	v43 =	vmul.f32 v43, v55;
	v49 =	vmul.f32 v49, v31;
	[tilespmem:s2+$0x7688] =	vst v42;
	s2 =	smov.u32 s0;
	s0 =	smov.u32 s1  }
.Ltmp1:
0x56f: {  	v23 =	vmovc v26;
	v52 =	vmul.f32 v51, v51;
	s1 =	sand.u32 $0x1C00, s9;
	s9 =	sand.u32 $0x70, s16;
	v51 =	vmul.f32 v38, v59;
	[tilespmem:s0+$0x7408] =	vst v41;
	v41 =	vadd.s32 $0xE, v27;
	(pc) =	sbr.rel @p0 .LBB2_5-.Ltmp1, $4  }
0x570: {  	v26 =	vmovc v28;
	v28 =	vmovc v31;
	v55 =	vsub.f32 $1.500000000e+00, v46;
	v56 =	vmul.f32 $5.249999760e-01, v43;
	s9 =	sor.u32 s9, s1;
	v43 =	vadd.s32 $0x9, v29;
	s1 =	smov.u32 s3;
	s3 =	smov.u32 s4;
	[tilespmem:s4+$0x5588] =	vst v49;
	v42 =	vld.idx.msk [tilespmem:v44+s23+$0x0], $0xffff  }
0x571: {  	v54 =	vmul.f32 v45, v45;
	v46 =	vadd.s32 $0x4, v33;
	v59 =	vmul.f32 v50, v25;
	s4 =	smov.u32 s5;
	s5 =	smov.u32 s9;
	[tilespmem:s9+$0x5308] =	vst v51;
	v45 =	vld.idx.msk [tilespmem:v53+s23+$0x0], $0xffff;
	s9 =	smov.u32 s21  }
0x572: {  	s10 =	sadd.s32 $0x10, s10;
	v31 =	vmovc v32;
	v53 =	vmul.f32 v58, v55;
	v55 =	vmin.f32 v56, $2.200000000e+01;
	v44 =	vmul.f32 v60, v26;
	s21 =	smov.u32 s20;
	s20 =	smov.u32 s11;
	v49 =	vld.idx.msk [tilespmem:v61+s23+$0x0], $0xffff  }
0x573: {  	vm0 =	vgt.f32 v57, $0.0e+00;
	v32 =	vmovc v38;
	v38 =	vmovc v57;
	s11 =	sadd.s32 $0x80, s11;
	v56 =	vtrunc.f32 v55;
	v50 =	vmul.f32 v62, v31;
	v51 =	vld [tilespmem:s10+$0x0];
	[tilespmem:s2+$0x7588] =	vst v59  }
0x574: {  	v34 =	vadd.f32 v54, v52;
	_ =	sdelay $0x1  }
0x575: {  	v34 =	vadd.f32 v48, v34;
	_ =	sdelay $0x1  }
0x576: {  	v34 =	vadd.f32 $9.999999930e-09, v34;
	_ =	sdelay $0x1  }
0x577: {  	v35 =	vshra.s32 v34, $0x1;
	v37 =	vmul.f32 $5.000000000e-01, v34  }
0x578: {  	v35 =	vsub.s32 $0x5F3759DF, v35  }
0x579: {  	v61 =	vmul.f32 v35, v37;
	_ =	sdelay $0x1  }
0x57a: {  	v48 =	vmul.f32 v35, v61;
	_ =	sdelay $0x1  }
0x57b: {  	v48 =	vsub.f32 $1.500000000e+00, v48;
	_ =	sdelay $0x1  }
0x57c: {  	v35 =	vmul.f32 v35, v48  }
0x57d: {  	v62 =	vmul.f32 v53, v40  }
0x57e: {  	v63 =	vmul.f32 v35, v37  }
0x57f: {  	v48 =	vmul.f32 v62, v53  }
0x580: {  	v52 =	vmul.f32 v63, v35  }
0x581: {  	v48 =	vsub.f32 $1.500000000e+00, v48  }
0x582: {  	v52 =	vsub.f32 $1.500000000e+00, v52  }
0x583: {  	v48 =	vmul.f32 v48, v53  }
0x584: {  	v35 =	vmul.f32 v52, v35  }
0x585: {  	v52 =	vmul.f32 v48, v40  }
0x586: {  	v37 =	vmul.f32 v35, v37  }
0x587: {  	v40 =	vmul.f32 v52, v48  }
0x588: {  	v37 =	vmul.f32 v37, v35  }
0x589: {  	v40 =	vsub.f32 $1.500000000e+00, v40  }
0x58a: {  	v37 =	vsub.f32 $1.500000000e+00, v37  }
0x58b: {  	v40 =	vmul.f32 v40, v48  }
0x58c: {  	v35 =	vmul.f32 v37, v35  }
0x58d: {  	v53 =	vmul.f32 v40, v47  }
0x58e: {  	v34 =	vmul.f32 v35, v34  }
0x58f: {  	v54 =	vcvt.f32.s32 v56;
	vm1 =	vgt.f32 v55, v56;
	v37 =	vmul.f32 $5.249999760e-01, v53  }
0x590: {  	v57 =	vsel vm1, $0x1, v22;
	v34 =	vmul.f32 $5.249999760e-01, v34  }
0x591: {  	v35 =	vadd.s32 v54, v57;
	v37 =	vmin.f32 v37, $2.200000000e+01  }
0x592: {  	vm9 =	vlt.s32 v35, $0x14;
	v58 =	vtrunc.f32 v37;
	v34 =	vmin.f32 v34, $2.200000000e+01  }
0x593: {  	s10 =	sadd.s32 $0x10, s10;
	v59 =	vcvt.f32.s32 v58;
	vm10 =	vgt.f32 v37, v58;
	v60 =	vtrunc.f32 v34  }
0x594: {  	v61 =	vld [tilespmem:s10+$0x0];
	v62 =	vsel vm10, $0x1, v22;
	v63 =	vcvt.f32.s32 v60;
	vm11 =	vgt.f32 v34, v60  }
0x595: {  	v35 =	vnsel vm9, $0x14, v35;
	v56 =	vadd.s32 v59, v62;
	v37 =	vsel vm11, $0x1, v22  }
0x596: {  	v55 =	vmul.u32 $0x11, v35;
	vm12 =	vlt.s32 v56, $0x14;
	v57 =	vadd.s32 v63, v37  }
0x597: {  	v34 =	vmin.f32 v36, v51;
	v35 =	vnsel vm12, $0x14, v56;
	vm13 =	vlt.s32 v57, $0x14  }
0x598: {  	vm14 =	vgt.f32 v34, $0.0e+00;
	v58 =	vmul.u32 $0x11, v35;
	v47 =	vnsel vm13, $0x14, v57  }
0x599: {  	v37 =	vnsel vm0, $0x165, v55;
	v35 =	vmin.f32 v36, v61;
	v59 =	vmul.u32 $0x11, v47  }
0x59a: {  	vm15 =	vgt.f32 v35, $0.0e+00;
	v40 =	vnsel vm14, $0x165, v58  }
0x59b: {  	v36 =	vnsel vm15, $0x165, v59;
	_ =	sdelay $0x2  }
0x59c: {  	v60 =	vld.idx.msk [tilespmem:v37+s23+$0x0], $0xffff  }
0x59d: {  	v48 =	vld.idx.msk [tilespmem:v40+s23+$0x0], $0xffff  }
0x59e: {  	v61 =	vld.idx.msk [tilespmem:v36+s23+$0x0], $0xffff  }
0x59f: {  	v62 =	vadd.s32 $0x1, v37  }
0x5a0: {  	s22 =	sadd.s32 $0x10, s16;
	s9 =	sand.u32 $0x1C00, s9;
	v63 =	vadd.s32 $0x1, v40  }
0x5a1: {  	s18 =	sand.u32 $0x1C00, s21;
	s11 =	sand.u32 $0x70, s22;
	s17 =	sadd.s32 $0x10, s22;
	v57 =	vadd.s32 $0x1, v36;
	v47 =	vmul.f32 v38, v60  }
0x5a2: {  	s16 =	sor.u32 s11, s9;
	s21 =	sand.u32 $0x70, s17;
	s9 =	sadd.s32 $0x10, s17;
	v48 =	vmul.f32 v34, v48  }
0x5a3: {  	s22 =	sand.u32 $0x1C00, s20;
	s17 =	sor.u32 s21, s18;
	s9 =	sand.u32 $0x70, s9;
	[tilespmem:s16+$0x5308] =	vst v47;
	v58 =	vmul.f32 v35, v61  }
0x5a4: {  	s18 =	sor.u32 s9, s22;
	v59 =	vld.idx.msk [tilespmem:v62+s23+$0x0], $0xffff;
	[tilespmem:s17+$0x5308] =	vst v48  }
0x5a5: {  	v48 =	vld.idx.msk [tilespmem:v63+s23+$0x0], $0xffff;
	[tilespmem:s18+$0x5308] =	vst v58  }
0x5a6: {  	v60 =	vadd.s32 $0x2, v39;
	v61 =	vld.idx.msk [tilespmem:v57+s23+$0x0], $0xffff  }
0x5a7: {  	v62 =	vadd.s32 $0x2, v37  }
0x5a8: {  	v49 =	vmul.f32 v49, v32;
	v63 =	vadd.s32 $0x2, v40  }
0x5a9: {  	v51 =	vmul.f32 v59, v38;
	v57 =	vadd.s32 $0x2, v36  }
0x5aa: {  	[tilespmem:s5+$0x5388] =	vst v49;
	v48 =	vmul.f32 v48, v34  }
0x5ab: {  	v47 =	vld.idx.msk [tilespmem:v60+s23+$0x0], $0xffff;
	[tilespmem:s16+$0x5388] =	vst v51;
	v58 =	vmul.f32 v61, v35  }
0x5ac: {  	v51 =	vld.idx.msk [tilespmem:v62+s23+$0x0], $0xffff;
	[tilespmem:s17+$0x5388] =	vst v48  }
0x5ad: {  	v48 =	vld.idx.msk [tilespmem:v63+s23+$0x0], $0xffff;
	[tilespmem:s18+$0x5388] =	vst v58  }
0x5ae: {  	v59 =	vadd.s32 $0x3, v39;
	v60 =	vld.idx.msk [tilespmem:v57+s23+$0x0], $0xffff  }
0x5af: {  	v61 =	vadd.s32 $0x3, v37  }
0x5b0: {  	v47 =	vmul.f32 v47, v32;
	v62 =	vadd.s32 $0x3, v40  }
0x5b1: {  	v63 =	vadd.s32 $0x3, v36;
	v51 =	vmul.f32 v51, v38  }
0x5b2: {  	[tilespmem:s5+$0x5408] =	vst v47;
	v57 =	vmul.f32 v48, v34  }
0x5b3: {  	v58 =	vld.idx.msk [tilespmem:v59+s23+$0x0], $0xffff;
	[tilespmem:s16+$0x5408] =	vst v51;
	v59 =	vmul.f32 v60, v35  }
0x5b4: {  	v51 =	vld.idx.msk [tilespmem:v61+s23+$0x0], $0xffff;
	[tilespmem:s17+$0x5408] =	vst v57  }
0x5b5: {  	v47 =	vld.idx.msk [tilespmem:v62+s23+$0x0], $0xffff;
	[tilespmem:s18+$0x5408] =	vst v59  }
0x5b6: {  	v60 =	vadd.s32 $0x4, v39;
	v61 =	vld.idx.msk [tilespmem:v63+s23+$0x0], $0xffff  }
0x5b7: {  	v62 =	vadd.s32 $0x4, v37  }
0x5b8: {  	v48 =	vmul.f32 v58, v32;
	v63 =	vadd.s32 $0x4, v40  }
0x5b9: {  	[tilespmem:s4+$0x5488] =	vst v50;
	v57 =	vadd.s32 $0x4, v36;
	v56 =	vmul.f32 v51, v38  }
0x5ba: {  	v46 =	vld.idx.msk [tilespmem:v46+s23+$0x0], $0xffff;
	[tilespmem:s5+$0x5488] =	vst v48;
	v47 =	vmul.f32 v47, v34  }
0x5bb: {  	v48 =	vld.idx.msk [tilespmem:v60+s23+$0x0], $0xffff;
	[tilespmem:s16+$0x5488] =	vst v56;
	v58 =	vmul.f32 v61, v35  }
0x5bc: {  	v50 =	vld.idx.msk [tilespmem:v62+s23+$0x0], $0xffff;
	[tilespmem:s17+$0x5488] =	vst v47  }
0x5bd: {  	v59 =	vadd.s32 $0x5, v33;
	v60 =	vld.idx.msk [tilespmem:v63+s23+$0x0], $0xffff;
	[tilespmem:s18+$0x5488] =	vst v58  }
0x5be: {  	v61 =	vadd.s32 $0x5, v39;
	v51 =	vld.idx.msk [tilespmem:v57+s23+$0x0], $0xffff  }
0x5bf: {  	v46 =	vmul.f32 v46, v31;
	v62 =	vadd.s32 $0x5, v37  }
0x5c0: {  	v63 =	vadd.s32 $0x5, v40;
	v48 =	vmul.f32 v48, v32  }
0x5c1: {  	[tilespmem:s4+$0x5508] =	vst v46;
	v56 =	vadd.s32 $0x5, v36;
	v55 =	vmul.f32 v50, v38  }
0x5c2: {  	v47 =	vld.idx.msk [tilespmem:v59+s23+$0x0], $0xffff;
	[tilespmem:s5+$0x5508] =	vst v48;
	v57 =	vmul.f32 v60, v34  }
0x5c3: {  	v49 =	vld.idx.msk [tilespmem:v61+s23+$0x0], $0xffff;
	[tilespmem:s16+$0x5508] =	vst v55;
	v58 =	vmul.f32 v51, v35  }
0x5c4: {  	v59 =	vld.idx.msk [tilespmem:v62+s23+$0x0], $0xffff;
	[tilespmem:s17+$0x5508] =	vst v57  }
0x5c5: {  	v60 =	vadd.s32 $0x6, v33;
	v61 =	vld.idx.msk [tilespmem:v63+s23+$0x0], $0xffff;
	[tilespmem:s18+$0x5508] =	vst v58  }
0x5c6: {  	v62 =	vadd.s32 $0x6, v39;
	v50 =	vld.idx.msk [tilespmem:v56+s23+$0x0], $0xffff  }
0x5c7: {  	v47 =	vmul.f32 v47, v31;
	v63 =	vadd.s32 $0x6, v37  }
0x5c8: {  	v57 =	vadd.s32 $0x6, v40;
	v49 =	vmul.f32 v49, v32  }
0x5c9: {  	[tilespmem:s4+$0x5588] =	vst v47;
	v58 =	vmul.f32 v59, v38;
	v59 =	vadd.s32 $0x6, v36  }
0x5ca: {  	v48 =	vld.idx.msk [tilespmem:v60+s23+$0x0], $0xffff;
	[tilespmem:s5+$0x5588] =	vst v49;
	v60 =	vmul.f32 v61, v34  }
0x5cb: {  	v46 =	vld.idx.msk [tilespmem:v62+s23+$0x0], $0xffff;
	[tilespmem:s16+$0x5588] =	vst v58;
	v61 =	vmul.f32 v50, v35  }
0x5cc: {  	v62 =	vadd.s32 $0x7, v30;
	v63 =	vld.idx.msk [tilespmem:v63+s23+$0x0], $0xffff;
	[tilespmem:s17+$0x5588] =	vst v60  }
0x5cd: {  	v49 =	vadd.s32 $0x7, v33;
	v57 =	vld.idx.msk [tilespmem:v57+s23+$0x0], $0xffff;
	[tilespmem:s18+$0x5588] =	vst v61  }
0x5ce: {  	v45 =	vmul.f32 v45, v28;
	v58 =	vadd.s32 $0x7, v39;
	v51 =	vld.idx.msk [tilespmem:v59+s23+$0x0], $0xffff  }
0x5cf: {  	v48 =	vmul.f32 v48, v31;
	v59 =	vadd.s32 $0x7, v37  }
0x5d0: {  	[tilespmem:s3+$0x5608] =	vst v45;
	v60 =	vmul.f32 v46, v32;
	v61 =	vadd.s32 $0x7, v40  }
0x5d1: {  	v50 =	vld.idx.msk [tilespmem:v62+s23+$0x0], $0xffff;
	[tilespmem:s4+$0x5608] =	vst v48;
	v62 =	vmul.f32 v63, v38;
	v63 =	vadd.s32 $0x7, v36  }
0x5d2: {  	v49 =	vld.idx.msk [tilespmem:v49+s23+$0x0], $0xffff;
	[tilespmem:s5+$0x5608] =	vst v60;
	v56 =	vmul.f32 v57, v34  }
0x5d3: {  	v47 =	vld.idx.msk [tilespmem:v58+s23+$0x0], $0xffff;
	[tilespmem:s16+$0x5608] =	vst v62;
	v57 =	vmul.f32 v51, v35  }
0x5d4: {  	v58 =	vadd.s32 $0x8, v30;
	v59 =	vld.idx.msk [tilespmem:v59+s23+$0x0], $0xffff;
	[tilespmem:s17+$0x5608] =	vst v56  }
0x5d5: {  	v60 =	vadd.s32 $0x8, v33;
	v46 =	vld.idx.msk [tilespmem:v61+s23+$0x0], $0xffff;
	[tilespmem:s18+$0x5608] =	vst v57  }
0x5d6: {  	v62 =	vadd.s32 $0x8, v39;
	v61 =	vmul.f32 v50, v28;
	v52 =	vld.idx.msk [tilespmem:v63+s23+$0x0], $0xffff  }
0x5d7: {  	v49 =	vmul.f32 v49, v31;
	v63 =	vadd.s32 $0x8, v37  }
0x5d8: {  	v56 =	vadd.s32 $0x8, v40;
	v47 =	vmul.f32 v47, v32;
	[tilespmem:s3+$0x5688] =	vst v61  }
0x5d9: {  	[tilespmem:s4+$0x5688] =	vst v49;
	v51 =	vld.idx.msk [tilespmem:v58+s23+$0x0], $0xffff;
	v58 =	vadd.s32 $0x8, v36;
	v57 =	vmul.f32 v59, v38  }
0x5da: {  	v45 =	vld.idx.msk [tilespmem:v60+s23+$0x0], $0xffff;
	[tilespmem:s5+$0x5688] =	vst v47;
	v46 =	vmul.f32 v46, v34  }
0x5db: {  	v47 =	vld.idx.msk [tilespmem:v62+s23+$0x0], $0xffff;
	[tilespmem:s16+$0x5688] =	vst v57;
	v59 =	vmul.f32 v52, v35  }
0x5dc: {  	v60 =	vadd.s32 $0x9, v30;
	v61 =	vld.idx.msk [tilespmem:v63+s23+$0x0], $0xffff;
	[tilespmem:s17+$0x5688] =	vst v46  }
0x5dd: {  	v62 =	vadd.s32 $0x9, v33;
	v48 =	vld.idx.msk [tilespmem:v56+s23+$0x0], $0xffff;
	[tilespmem:s18+$0x5688] =	vst v59  }
0x5de: {  	v63 =	vmul.f32 v51, v28;
	v56 =	vadd.s32 $0x9, v39;
	v53 =	vld.idx.msk [tilespmem:v58+s23+$0x0], $0xffff  }
0x5df: {  	[tilespmem:s1+$0x7308] =	vst v44;
	v57 =	vmul.f32 v45, v31;
	v58 =	vadd.s32 $0x9, v37  }
0x5e0: {  	v43 =	vld.idx.msk [tilespmem:v43+s23+$0x0], $0xffff;
	v47 =	vmul.f32 v47, v32;
	v59 =	vadd.s32 $0x9, v40;
	[tilespmem:s3+$0x7308] =	vst v63  }
0x5e1: {  	[tilespmem:s4+$0x7308] =	vst v57;
	v50 =	vld.idx.msk [tilespmem:v60+s23+$0x0], $0xffff;
	v60 =	vmul.f32 v61, v38;
	v61 =	vadd.s32 $0x9, v36  }
0x5e2: {  	v46 =	vld.idx.msk [tilespmem:v62+s23+$0x0], $0xffff;
	[tilespmem:s5+$0x7308] =	vst v47;
	v62 =	vmul.f32 v48, v34  }
0x5e3: {  	v63 =	vadd.s32 $0xA, v29;
	v51 =	vld.idx.msk [tilespmem:v56+s23+$0x0], $0xffff;
	[tilespmem:s16+$0x7308] =	vst v60;
	v56 =	vmul.f32 v53, v35  }
0x5e4: {  	v42 =	vmul.f32 v42, v23;
	v57 =	vadd.s32 $0xA, v30;
	v45 =	vld.idx.msk [tilespmem:v58+s23+$0x0], $0xffff;
	[tilespmem:s17+$0x7308] =	vst v62  }
0x5e5: {  	v43 =	vmul.f32 v43, v26;
	v58 =	vadd.s32 $0xA, v33;
	v49 =	vld.idx.msk [tilespmem:v59+s23+$0x0], $0xffff;
	[tilespmem:s18+$0x7308] =	vst v56  }
0x5e6: {  	v44 =	vadd.s32 $0xA, v39;
	[tilespmem:s0+$0x7488] =	vst v42;
	v59 =	vmul.f32 v50, v28;
	v50 =	vld.idx.msk [tilespmem:v61+s23+$0x0], $0xffff  }
0x5e7: {  	v41 =	vld.idx.msk [tilespmem:v41+s23+$0x0], $0xffff;
	[tilespmem:s1+$0x7388] =	vst v43;
	v60 =	vmul.f32 v46, v31;
	v61 =	vadd.s32 $0xA, v37  }
0x5e8: {  	v48 =	vld.idx.msk [tilespmem:v63+s23+$0x0], $0xffff;
	[tilespmem:s3+$0x7388] =	vst v59;
	v62 =	vmul.f32 v51, v32;
	v51 =	vadd.s32 $0xA, v40  }
0x5e9: {  	[tilespmem:s4+$0x7388] =	vst v60;
	v63 =	vld.idx.msk [tilespmem:v57+s23+$0x0], $0xffff;
	v56 =	vmul.f32 v45, v38;
	v45 =	vadd.s32 $0xA, v36  }
0x5ea: {  	v57 =	vadd.s32 $0xC, v24;
	v47 =	vld.idx.msk [tilespmem:v58+s23+$0x0], $0xffff;
	[tilespmem:s5+$0x7388] =	vst v62;
	v58 =	vmul.f32 v49, v34  }
0x5eb: {  	v59 =	vadd.s32 $0xB, v29;
	v44 =	vld.idx.msk [tilespmem:v44+s23+$0x0], $0xffff;
	[tilespmem:s16+$0x7388] =	vst v56;
	v60 =	vmul.f32 v50, v35  }
0x5ec: {  	v41 =	vmul.f32 v41, v25;
	v50 =	vadd.s32 $0xB, v30;
	v46 =	vld.idx.msk [tilespmem:v61+s23+$0x0], $0xffff;
	[tilespmem:s17+$0x7388] =	vst v58  }
0x5ed: {  	v62 =	vadd.s32 $0xB, v33;
	v61 =	vmul.f32 v48, v26;
	v51 =	vld.idx.msk [tilespmem:v51+s23+$0x0], $0xffff;
	[tilespmem:s18+$0x7388] =	vst v60  }
0x5ee: {  	[tilespmem:s2+$0x7608] =	vst v41;
	v56 =	vadd.s32 $0xB, v39;
	v63 =	vmul.f32 v63, v28;
	v45 =	vld.idx.msk [tilespmem:v45+s23+$0x0], $0xffff  }
0x5ef: {  	v57 =	vld.idx.msk [tilespmem:v57+s23+$0x0], $0xffff;
	[tilespmem:s1+$0x7408] =	vst v61;
	v58 =	vmul.f32 v47, v31;
	v47 =	vadd.s32 $0xB, v37  }
0x5f0: {  	v60 =	vadd.s32 $0xB, v40;
	v49 =	vld.idx.msk [tilespmem:v59+s23+$0x0], $0xffff;
	[tilespmem:s3+$0x7408] =	vst v63;
	v59 =	vmul.f32 v44, v32  }
0x5f1: {  	[tilespmem:s4+$0x7408] =	vst v58;
	v50 =	vld.idx.msk [tilespmem:v50+s23+$0x0], $0xffff;
	v61 =	vmul.f32 v46, v38;
	v46 =	vadd.s32 $0xB, v36  }
0x5f2: {  	v27 =	vadd.s32 $0xF, v27;
	v48 =	vld.idx.msk [tilespmem:v62+s23+$0x0], $0xffff;
	[tilespmem:s5+$0x7408] =	vst v59;
	v62 =	vmul.f32 v51, v34  }
0x5f3: {  	v63 =	vadd.s32 $0xC, v29;
	v43 =	vld.idx.msk [tilespmem:v56+s23+$0x0], $0xffff;
	[tilespmem:s16+$0x7408] =	vst v61;
	v56 =	vmul.f32 v45, v35  }
0x5f4: {  	v58 =	vadd.s32 $0xC, v30;
	v57 =	vmul.f32 v57, v23;
	v47 =	vld.idx.msk [tilespmem:v47+s23+$0x0], $0xffff;
	[tilespmem:s17+$0x7408] =	vst v62  }
0x5f5: {  	v59 =	vmul.f32 v49, v26;
	v49 =	vadd.s32 $0xC, v33;
	v44 =	vld.idx.msk [tilespmem:v60+s23+$0x0], $0xffff;
	[tilespmem:s18+$0x7408] =	vst v56  }
0x5f6: {  	v61 =	vadd.s32 $0xC, v39;
	[tilespmem:s0+$0x7508] =	vst v57;
	v60 =	vmul.f32 v50, v28;
	v46 =	vld.idx.msk [tilespmem:v46+s23+$0x0], $0xffff  }
0x5f7: {  	v27 =	vld.idx.msk [tilespmem:v27+s23+$0x0], $0xffff;
	[tilespmem:s1+$0x7488] =	vst v59;
	v62 =	vmul.f32 v48, v31;
	v48 =	vadd.s32 $0xC, v37  }
0x5f8: {  	v50 =	vld.idx.msk [tilespmem:v63+s23+$0x0], $0xffff;
	v63 =	vmul.f32 v43, v32;
	v43 =	vadd.s32 $0xC, v40;
	[tilespmem:s3+$0x7488] =	vst v60  }
0x5f9: {  	[tilespmem:s4+$0x7488] =	vst v62;
	v56 =	vld.idx.msk [tilespmem:v58+s23+$0x0], $0xffff;
	v57 =	vmul.f32 v47, v38;
	v58 =	vadd.s32 $0xC, v36  }
0x5fa: {  	v59 =	vadd.s32 $0xD, v24;
	v49 =	vld.idx.msk [tilespmem:v49+s23+$0x0], $0xffff;
	[tilespmem:s5+$0x7488] =	vst v63;
	v60 =	vmul.f32 v44, v34  }
0x5fb: {  	v44 =	vadd.s32 $0xD, v29;
	v45 =	vld.idx.msk [tilespmem:v61+s23+$0x0], $0xffff;
	[tilespmem:s16+$0x7488] =	vst v57;
	v61 =	vmul.f32 v46, v35  }
0x5fc: {  	v62 =	vmul.f32 v27, v25;
	v63 =	vadd.s32 $0xD, v30;
	v53 =	vld.idx.msk [tilespmem:v48+s23+$0x0], $0xffff;
	[tilespmem:s17+$0x7488] =	vst v60  }
0x5fd: {  	v55 =	vadd.s32 $0xD, v33;
	v54 =	vmul.f32 v50, v26;
	v43 =	vld.idx.msk [tilespmem:v43+s23+$0x0], $0xffff;
	[tilespmem:s18+$0x7488] =	vst v61  }
0x5fe: {  	[tilespmem:s2+$0x7688] =	vst v62;
	v57 =	vadd.s32 $0xD, v39;
	v56 =	vmul.f32 v56, v28;
	v47 =	vld.idx.msk [tilespmem:v58+s23+$0x0], $0xffff  }
0x5ff: {  	v60 =	vadd.s32 $0xD, v37;
	[tilespmem:s1+$0x7508] =	vst v54;
	v58 =	vld.idx.msk [tilespmem:v59+s23+$0x0], $0xffff;
	v59 =	vmul.f32 v49, v31  }
0x600: {  	v44 =	vld.idx.msk [tilespmem:v44+s23+$0x0], $0xffff;
	v61 =	vmul.f32 v45, v32;
	v45 =	vadd.s32 $0xD, v40;
	[tilespmem:s3+$0x7508] =	vst v56  }
0x601: {  	v27 =	vld.idx.msk [tilespmem:v63+s23+$0x0], $0xffff;
	[tilespmem:s4+$0x7508] =	vst v59;
	v62 =	vmul.f32 v53, v38;
	v63 =	vadd.s32 $0xD, v36  }
0x602: {  	v54 =	vadd.s32 $0xE, v24;
	[tilespmem:s5+$0x7508] =	vst v61;
	v48 =	vld.idx.msk [tilespmem:v55+s23+$0x0], $0xffff;
	v55 =	vmul.f32 v43, v34  }
0x603: {  	v56 =	vadd.s32 $0xE, v29;
	v41 =	vld.idx.msk [tilespmem:v57+s23+$0x0], $0xffff;
	[tilespmem:s16+$0x7508] =	vst v62;
	v57 =	vmul.f32 v47, v35  }
0x604: {  	v59 =	vadd.s32 $0xE, v30;
	v58 =	vmul.f32 v58, v23;
	v49 =	vld.idx.msk [tilespmem:v60+s23+$0x0], $0xffff;
	[tilespmem:s17+$0x7508] =	vst v55  }
0x605: {  	v61 =	vadd.s32 $0xE, v33;
	v60 =	vmul.f32 v44, v26;
	v45 =	vld.idx.msk [tilespmem:v45+s23+$0x0], $0xffff;
	[tilespmem:s18+$0x7508] =	vst v57  }
0x606: {  	v62 =	vadd.s32 $0xE, v39;
	[tilespmem:s0+$0x7588] =	vst v58;
	v27 =	vmul.f32 v27, v28;
	v46 =	vld.idx.msk [tilespmem:v63+s23+$0x0], $0xffff  }
0x607: {  	v52 =	vadd.s32 $0xE, v37;
	[tilespmem:s1+$0x7588] =	vst v60;
	v47 =	vld.idx.msk [tilespmem:v54+s23+$0x0], $0xffff;
	v63 =	vmul.f32 v48, v31  }
0x608: {  	v43 =	vld.idx.msk [tilespmem:v56+s23+$0x0], $0xffff;
	v53 =	vmul.f32 v41, v32;
	v54 =	vadd.s32 $0xE, v40;
	[tilespmem:s3+$0x7588] =	vst v27  }
0x609: {  	v56 =	vadd.s32 $0xE, v36;
	v50 =	vld.idx.msk [tilespmem:v59+s23+$0x0], $0xffff;
	[tilespmem:s4+$0x7588] =	vst v63;
	v55 =	vmul.f32 v49, v38  }
0x60a: {  	v57 =	vadd.s32 $0xF, v24;
	[tilespmem:s5+$0x7588] =	vst v53;
	v44 =	vld.idx.msk [tilespmem:v61+s23+$0x0], $0xffff;
	v58 =	vmul.f32 v45, v34  }
0x60b: {  	v59 =	vadd.s32 $0xF, v29;
	v42 =	vld.idx.msk [tilespmem:v62+s23+$0x0], $0xffff;
	[tilespmem:s16+$0x7588] =	vst v55;
	v60 =	vmul.f32 v46, v35  }
0x60c: {  	v62 =	vadd.s32 $0xF, v30;
	v61 =	vmul.f32 v47, v23;
	v63 =	vld.idx.msk [tilespmem:v52+s23+$0x0], $0xffff;
	[tilespmem:s17+$0x7588] =	vst v58  }
0x60d: {  	v48 =	vadd.s32 $0xF, v33;
	v47 =	vmul.f32 v43, v26;
	v41 =	vld.idx.msk [tilespmem:v54+s23+$0x0], $0xffff;
	[tilespmem:s18+$0x7588] =	vst v60  }
0x60e: {  	v52 =	vadd.s32 $0xF, v39;
	[tilespmem:s0+$0x7608] =	vst v61;
	v51 =	vmul.f32 v50, v28;
	v53 =	vld.idx.msk [tilespmem:v56+s23+$0x0], $0xffff  }
0x60f: {  	v37 =	vadd.s32 $0xF, v37;
	[tilespmem:s1+$0x7608] =	vst v47;
	v24 =	vld.idx.msk [tilespmem:v57+s23+$0x0], $0xffff;
	v54 =	vmul.f32 v44, v31  }
0x610: {  	v40 =	vadd.s32 $0xF, v40;
	v29 =	vld.idx.msk [tilespmem:v59+s23+$0x0], $0xffff;
	v55 =	vmul.f32 v42, v32;
	[tilespmem:s3+$0x7608] =	vst v51  }
0x611: {  	v36 =	vadd.s32 $0xF, v36;
	v30 =	vld.idx.msk [tilespmem:v62+s23+$0x0], $0xffff;
	[tilespmem:s4+$0x7608] =	vst v54;
	v56 =	vmul.f32 v63, v38  }
0x612: {  	[tilespmem:s5+$0x7608] =	vst v55;
	v33 =	vld.idx.msk [tilespmem:v48+s23+$0x0], $0xffff;
	v57 =	vmul.f32 v41, v34  }
0x613: {  	v39 =	vld.idx.msk [tilespmem:v52+s23+$0x0], $0xffff;
	[tilespmem:s16+$0x7608] =	vst v56;
	v58 =	vmul.f32 v53, v35  }
0x614: {  	v23 =	vmul.f32 v24, v23;
	v59 =	vld.idx.msk [tilespmem:v37+s23+$0x0], $0xffff;
	[tilespmem:s17+$0x7608] =	vst v57  }
0x615: {  	v60 =	vmul.f32 v29, v26;
	v61 =	vld.idx.msk [tilespmem:v40+s23+$0x0], $0xffff;
	[tilespmem:s18+$0x7608] =	vst v58  }
0x616: {  	[tilespmem:s0+$0x7688] =	vst v23;
	v23 =	vmul.f32 v30, v28;
	v27 =	vld.idx.msk [tilespmem:v36+s23+$0x0], $0xffff  }
0x617: {  	[tilespmem:s1+$0x7688] =	vst v60;
	v62 =	vmul.f32 v33, v31  }
0x618: {  	s30 =	sadd.s32 $0x1, s30;
	[tilespmem:s3+$0x7688] =	vst v23;
	v23 =	vmul.f32 v39, v32  }
0x619: {  	p0 =	sne.s32 s30, $0x20;
	[tilespmem:s4+$0x7688] =	vst v62;
	v24 =	vmul.f32 v59, v38  }
.Ltmp2:
0x61a: {  	s31 =	sshll.u32 s31, $0xE;
	[tilespmem:s5+$0x7688] =	vst v23;
	v23 =	vmul.f32 v61, v34;
	(pc) =	sbr.rel @p0 .LBB2_2-.Ltmp2, $4  }
0x61b: {  	s0 =	sadd.s32 s13, s31;
	[tilespmem:s16+$0x7688] =	vst v24;
	v63 =	vmul.f32 v27, v35  }
0x61c: {  	s0 =	sshrl.u32 s0, $0x3;
	[tilespmem:s17+$0x7688] =	vst v23  }
0x61d: {  	s0 =	sadd.s32 s7, s0;
	[tilespmem:s18+$0x7688] =	vst v63  }
0x61e: {  	[hbm4b:s0+s6] =	stream.linear.scatter [tilespmem:s25], [sflag:$0x2], $0x4000, $0x38;
	[tilespmem:$0x9308] =	vst v63  }
0x61f: {  	s29 =	sadd.s32 $0x1, s29  }
0x620: {  	_ =	swait.ge [sflag:s26], $0x4000;
	p0 =	sne.s32 s29, s14  }
.Ltmp3:
0x621: {  	[sflag:s26] =	ssyncset.done $0x0;
	(pc) =	sbr.rel @p0 .LBB2_1-.Ltmp3, $4  }
0x622: {  	[sflag:s26] =	ssyncadd.s32 $0xFFFFC000  }
0x623: {  	_ =	swait.ge [sflag:s28], $0x4000  }
0x624: {  	[sflag:s28] =	ssyncset.done $0x0  }
0x625: {  	[sflag:s28] =	ssyncadd.s32 $0xFFFFC000  }
0x626: {  	_ =	sfence.sel $0x180000  }
0x627: {  	[bflag:$0x0] =	sbarrier.arrive $0xFFFF  }
0x628: {  	_ =	strace $0x90000047  }
0x629: {  	s0 =	stileid.u32;
	[bflag:$0x2] =	sbarrier.arrive $0xFFFF  }
0x62a: {  	p0 =	sne.s32 s0, $0x0;
	s0 =	rddreg [dreg:$0x6]  }
0x62b: {  	s0 =	sadd.s32 @!p0 $0x100000, s0  }
0x62c: {  	[sflag:s0] =	ssyncadd.tile.s32 @!p0 $0x1;
	_ =	shalt  }
.Lfunc_end2:
_tile_overlayer_lowered:
.L_overlay_start_2:
0x62d: {  	(tag) =	ssettag $0x2  }
0x62e: {  	s0 =	rddreg [dreg:$0x0];
	s2 =	stileid.u32  }
0x62f: {  	s1 =	rddreg [dreg:$0x1];
	p0 =	sne.s32 s2, $0x0  }
0x630: {  	s3 =	rddreg [dreg:$0x2];
	[bflag:$0x3] =	sbarrier.arrive $0xFFFF;
	s2 =	simm.s32 @!p0 $0x1C03  }
0x631: {  	[timem:s3], [sflag:s2] =	dma.local @!p0 [hbm:s0], s1  }
0x632: {  	s0 =	simm.s32 @!p0 $0x3  }
0x633: {  	_ =	swait.ge @!p0 [sflag:s0], s1  }
0x634: {  	s1 =	ssub.s32 @!p0 $0x0, s1;
	[sflag:s0] =	ssyncset.done @!p0 $0x0  }
0x635: {  	[sflag:s0] =	ssyncadd.s32 @!p0 s1  }
0x636: {  	[bflag:$0x3] =	sbarrier.arrive $0xFFFF  }
0x637: {  	_ =	shalt  }

</sc_bundles>
